<compile_context>
chip_gen: v7x
topology: tpu7x:2x2x1
jax: 0.10.2.dev20260603
libtpu: 0.0.44.dev20260713+nightly
codegen_flags: <defaults>
</compile_context>

<pallas_src>
import functools

import jax
import jax.numpy as jnp
from jax import lax
from jax.experimental import pallas as pl
from jax.experimental.pallas import tpu as pltpu
from jax.experimental.pallas import tpu_sc as plsc

N = 16 * 1 * 512 * 512
NC, NS, L = 2, 16, 16
NW = NC * NS
ROWS, COLS = 8192, 512
SC_ROWS = 1024
TC_ROWS = ROWS - SC_ROWS
ROWS_W = ROWS // NW
FROWS_W = SC_ROWS // NW
CR = 32
NCHUNK = ROWS_W // CR
FNCHUNK = FROWS_W // CR
GRP = 4
RENORMS = FROWS_W * (COLS // (GRP * L))
EBIAS = RENORMS * 127
NB = 1024
BB = NB // NS
LMAX = 16.2
SCALE = NB / LMAX
LN2 = 0.6931471805599453
EPS = 1e-7
SQRT2 = 1.4142135
MANT = 0x007FFFFF
ONEB = 0x3F800000
_LOGC = (6.43456457838365e-08, 1.0000040910390389, -0.5000199361111282,
         0.33299593064817884, -0.24886355774399765, 0.20655376876344744,
         -0.18852653680148798, 0.11589704819807638)

_mesh = plsc.VectorSubcoreMesh(
    core_axis_name="c", subcore_axis_name="s", num_cores=NC, num_subcores=NS)
_cparams = pltpu.CompilerParams(needs_layout_passes=False)
_cparams_tc = pltpu.CompilerParams(needs_layout_passes=False,
                                   use_tc_tiling_on_sc=True)


def _ln_mant(m, e_f):
    one = jnp.float32(1.0)
    big = m > jnp.float32(SQRT2)
    m = jnp.where(big, m * jnp.float32(0.5), m)
    e_f = e_f + jnp.where(big, one, jnp.float32(0.0))
    s = m - one
    pp = jnp.float32(_LOGC[7])
    for c in _LOGC[6::-1]:
        pp = pp * s + jnp.float32(c)
    return e_f * jnp.float32(LN2) + pp


def _loss16(p, t):
    one = jnp.float32(1.0)
    pc = jnp.minimum(jnp.maximum(p, jnp.float32(EPS)), one - jnp.float32(EPS))
    pos = t > jnp.float32(0.5)
    q = jnp.where(pos, pc, one - pc)
    bits = lax.bitcast_convert_type(q, jnp.int32)
    e = (bits >> 23) - 127
    m = lax.bitcast_convert_type((bits & MANT) | ONEB, jnp.float32)
    lnq = _ln_mant(m, e.astype(jnp.float32))
    return -lnq, pos



@functools.partial(
    pl.kernel,
    out_type=jax.ShapeDtypeStruct((NC * 128,), jnp.float32),
    mesh=_mesh,
    compiler_params=_cparams_tc,
    scratch_types=[
        pltpu.VMEM((CR, COLS), jnp.float32),
        pltpu.VMEM((CR, COLS), jnp.float32),
        pltpu.VMEM((CR, COLS), jnp.float32),
        pltpu.VMEM((CR, COLS), jnp.float32),
        pltpu.VMEM((2048,), jnp.float32),
        pltpu.VMEM((128,), jnp.float32),
        pltpu.VMEM_SHARED((NS * 128,), jnp.float32),
        pltpu.SemaphoreType.DMA,
        pltpu.SemaphoreType.DMA,
        pltpu.SemaphoreType.DMA,
        pltpu.SemaphoreType.DMA,
    ],
)
def _k1f(pred, tgt, outst,
         pbufA, tbufA, pbufB, tbufB, stage, statv, sh_stats,
         semPA, semTA, semPB, semTB):
    cid = lax.axis_index("c")
    sid = lax.axis_index("s")
    base = (cid * NS + sid) * FROWS_W
    z16 = jnp.zeros((L,), jnp.float32)
    one16 = jnp.full((L,), 1.0, jnp.float32)
    one = jnp.float32(1.0)

    def process(pref, tref, carry):
        def body(i, c):
            posc, mn, en, mp, ep = c
            r = i >> 3
            o = pl.multiple_of((i & 7) * (GRP * L), GRP * L)
            if True:
                qns, qps, ts = [], [], []
                for v in range(GRP):
                    p = pref[r, pl.ds(o + v * L, L)]
                    t = tref[r, pl.ds(o + v * L, L)]
                    pos = t > jnp.float32(0.5)
                    qps.append(jnp.maximum(jnp.where(pos, p, one16),
                                           jnp.float32(EPS)))
                    qns.append(jnp.maximum(jnp.where(pos, one16, one - p),
                                           jnp.float32(EPS)))
                    ts.append(t)
                posc = posc + ((ts[0] + ts[1]) + (ts[2] + ts[3]))
                pqn = (qns[0] * qns[1]) * (qns[2] * qns[3])
                pqp = (qps[0] * qps[1]) * (qps[2] * qps[3])
                mn = mn * pqn
                mp = mp * pqp
                bn = lax.bitcast_convert_type(mn, jnp.int32)
                en = en + (bn >> 23)
                mn = lax.bitcast_convert_type((bn & MANT) | ONEB, jnp.float32)
                bp = lax.bitcast_convert_type(mp, jnp.int32)
                ep = ep + (bp >> 23)
                mp = lax.bitcast_convert_type((bp & MANT) | ONEB, jnp.float32)
            return posc, mn, en, mp, ep
        return plsc.parallel_loop(0, CR * COLS // (GRP * L), unroll=2,
                                  carry=carry)(body)

    bufs = [(pbufA, tbufA, semPA, semTA), (pbufB, tbufB, semPB, semTB)]

    def issue(ci, slot):
        pb, tb, sp, st = bufs[slot]
        row = base + ci * CR
        pltpu.async_copy(pred.at[pl.ds(row, CR), :], pb, sp)
        pltpu.async_copy(tgt.at[pl.ds(row, CR), :], tb, st)

    def drain(slot):
        pb, tb, sp, st = bufs[slot]
        pltpu.make_async_copy(pred.at[pl.ds(0, CR), :], pb, sp).wait()
        pltpu.make_async_copy(tgt.at[pl.ds(0, CR), :], tb, st).wait()

    issue(0, 0)
    issue(1, 1)
    zi = jnp.zeros((L,), jnp.int32)
    carry = (z16, one16, zi, one16, zi)

    def pair_body(j, c):
        drain(0)
        c = process(pbufA, tbufA, c)
        issue(jnp.minimum(2 * j + 2, FNCHUNK - 1), 0)
        drain(1)
        c = process(pbufB, tbufB, c)
        issue(jnp.minimum(2 * j + 3, FNCHUNK - 1), 1)
        return c

    carry = lax.fori_loop(0, FNCHUNK // 2, pair_body, carry)
    drain(0)
    drain(1)
    posc, mn, en, mp, ep = carry

    negs = -_ln_mant(mn, (en - EBIAS).astype(jnp.float32))
    poss = -_ln_mant(mp, (ep - EBIAS).astype(jnp.float32))
    alls = poss + negs

    statv[pl.ds(0, L)] = posc
    statv[pl.ds(16, L)] = poss
    statv[pl.ds(32, L)] = alls
    for v in range(3, 8):
        statv[pl.ds(v * 16, L)] = z16
    pltpu.sync_copy(statv, sh_stats.at[pl.ds(sid * 128, 128)])
    plsc.subcore_barrier()

    @pl.when(sid == 0)
    def _():
        pltpu.sync_copy(sh_stats, stage.at[pl.ds(0, NS * 128)])
        for v in range(3):
            acc = z16
            for r in range(NS):
                acc = acc + stage[pl.ds(r * 128 + v * 16, L)]
            statv[pl.ds(v * 16, L)] = acc
        pltpu.sync_copy(statv, outst.at[pl.ds(cid * 128, 128)])



@functools.partial(
    pl.kernel,
    out_type=(
        jax.ShapeDtypeStruct((NC * NB,), jnp.float32),
        jax.ShapeDtypeStruct((NC * NB,), jnp.float32),
        jax.ShapeDtypeStruct((NC * 128,), jnp.float32),
    ),
    mesh=_mesh,
    compiler_params=_cparams_tc,
    scratch_types=[
        pltpu.VMEM((CR, COLS), jnp.float32),
        pltpu.VMEM((CR, COLS), jnp.float32),
        pltpu.VMEM((CR, COLS), jnp.float32),
        pltpu.VMEM((CR, COLS), jnp.float32),
        pltpu.VMEM((NB,), jnp.float32),
        pltpu.VMEM((NB,), jnp.float32),
        pltpu.VMEM((BB,), jnp.float32),
        pltpu.VMEM((BB,), jnp.float32),
        pltpu.VMEM((2048,), jnp.float32),
        pltpu.VMEM((128,), jnp.float32),
        pltpu.VMEM_SHARED((NS * NB,), jnp.float32),
        pltpu.VMEM_SHARED((NS * NB,), jnp.float32),
        pltpu.VMEM_SHARED((NB,), jnp.float32),
        pltpu.VMEM_SHARED((NB,), jnp.float32),
        pltpu.VMEM_SHARED((NS * 128,), jnp.float32),
        pltpu.SemaphoreType.DMA,
        pltpu.SemaphoreType.DMA,
        pltpu.SemaphoreType.DMA,
        pltpu.SemaphoreType.DMA,
    ],
)
def _k1(pred, tgt, outc, outs, outst,
        pbufA, tbufA, pbufB, tbufB, histc_v, hists_v, accc, accs, stage, statv,
        sh_histc, sh_hists, sh_redc, sh_reds, sh_stats,
        semPA, semTA, semPB, semTB):
    cid = lax.axis_index("c")
    sid = lax.axis_index("s")
    base = (cid * NS + sid) * ROWS_W
    z16 = jnp.zeros((L,), jnp.float32)
    ones16 = jnp.full((L,), 1.0, jnp.float32)

    def _zi(i, _):
        o = pl.multiple_of(i * L, L)
        histc_v[pl.ds(o, L)] = z16
        hists_v[pl.ds(o, L)] = z16
        return 0
    lax.fori_loop(0, NB // L, _zi, 0)

    def process(pref, tref, carry):
        def body(j, c):
            posc, poss, alls = c
            r = j >> 5
            o = pl.multiple_of((j & 31) * L, L)
            if True:
                p = pref[r, pl.ds(o, L)]
                t = tref[r, pl.ds(o, L)]
                loss, pos = _loss16(p, t)
                alls = alls + loss
                posc = posc + t
                poss = poss + jnp.where(pos, loss, jnp.float32(0.0))
                binv = jnp.minimum(
                    (loss * jnp.float32(SCALE)).astype(jnp.int32), NB - 1)
                negm = jnp.logical_not(pos)
                plsc.addupdate_scatter(histc_v, [binv], ones16, mask=negm)
                plsc.addupdate_scatter(hists_v, [binv], loss, mask=negm)
            return posc, poss, alls
        return plsc.parallel_loop(0, CR * COLS // L, unroll=4,
                                  carry=carry)(body)

    bufs = [(pbufA, tbufA, semPA, semTA), (pbufB, tbufB, semPB, semTB)]

    def issue(ci, slot):
        pb, tb, sp, st = bufs[slot]
        row = base + ci * CR
        pltpu.async_copy(pred.at[pl.ds(row, CR), :], pb, sp)
        pltpu.async_copy(tgt.at[pl.ds(row, CR), :], tb, st)

    def drain(slot):
        pb, tb, sp, st = bufs[slot]
        pltpu.make_async_copy(pred.at[pl.ds(0, CR), :], pb, sp).wait()
        pltpu.make_async_copy(tgt.at[pl.ds(0, CR), :], tb, st).wait()

    issue(0, 0)
    issue(1, 1)
    carry = (z16, z16, z16)

    def pair_body(j, c):
        drain(0)
        c = process(pbufA, tbufA, c)
        issue(jnp.minimum(2 * j + 2, NCHUNK - 1), 0)
        drain(1)
        c = process(pbufB, tbufB, c)
        issue(jnp.minimum(2 * j + 3, NCHUNK - 1), 1)
        return c

    carry = lax.fori_loop(0, NCHUNK // 2, pair_body, carry)
    drain(0)
    drain(1)
    posc, poss, alls = carry

    statv[pl.ds(0, L)] = posc
    statv[pl.ds(16, L)] = poss
    statv[pl.ds(32, L)] = alls
    for v in range(3, 8):
        statv[pl.ds(v * 16, L)] = z16
    pltpu.sync_copy(statv, sh_stats.at[pl.ds(sid * 128, 128)])
    pltpu.sync_copy(histc_v, sh_histc.at[pl.ds(sid * NB, NB)])
    pltpu.sync_copy(hists_v, sh_hists.at[pl.ds(sid * NB, NB)])
    plsc.subcore_barrier()

    for r in range(NS):
        pltpu.sync_copy(sh_histc.at[pl.ds(r * NB + sid * BB, BB)],
                        histc_v.at[pl.ds(r * BB, BB)])
        pltpu.sync_copy(sh_hists.at[pl.ds(r * NB + sid * BB, BB)],
                        hists_v.at[pl.ds(r * BB, BB)])

    def _red(v, _):
        o = pl.multiple_of(v * L, L)
        cacc = z16
        sacc = z16
        for r in range(NS):
            cacc = cacc + histc_v[pl.ds(r * BB + o, L)]
            sacc = sacc + hists_v[pl.ds(r * BB + o, L)]
        accc[pl.ds(o, L)] = cacc
        accs[pl.ds(o, L)] = sacc
        return 0
    lax.fori_loop(0, BB // L, _red, 0)
    pltpu.sync_copy(accc, sh_redc.at[pl.ds(sid * BB, BB)])
    pltpu.sync_copy(accs, sh_reds.at[pl.ds(sid * BB, BB)])
    plsc.subcore_barrier()

    @pl.when(sid == 0)
    def _():
        pltpu.sync_copy(sh_redc, outc.at[pl.ds(cid * NB, NB)])
        pltpu.sync_copy(sh_reds, outs.at[pl.ds(cid * NB, NB)])
        pltpu.sync_copy(sh_stats, stage.at[pl.ds(0, NS * 128)])
        for v in range(3):
            acc = z16
            for r in range(NS):
                acc = acc + stage[pl.ds(r * 128 + v * 16, L)]
            statv[pl.ds(v * 16, L)] = acc
        pltpu.sync_copy(statv, outst.at[pl.ds(cid * 128, 128)])


@functools.partial(
    pl.kernel,
    out_type=jax.ShapeDtypeStruct((L,), jnp.float32),
    mesh=_mesh,
    compiler_params=_cparams,
    scratch_types=[
        pltpu.VMEM((NB,), jnp.float32),
        pltpu.VMEM((NB,), jnp.float32),
        pltpu.VMEM((NB,), jnp.float32),
        pltpu.VMEM((NB,), jnp.float32),
        pltpu.VMEM((256,), jnp.float32),
        pltpu.VMEM((L,), jnp.float32),
    ],
)
def _k2(histc, hists, stats, out, c0, c1, s0, s1, st_v, outbuf):
    cid = lax.axis_index("c")
    sid = lax.axis_index("s")

    @pl.when(jnp.logical_and(cid == 0, sid == 0))
    def _():
        pltpu.sync_copy(histc.at[pl.ds(0, NB)], c0)
        pltpu.sync_copy(histc.at[pl.ds(NB, NB)], c1)
        pltpu.sync_copy(hists.at[pl.ds(0, NB)], s0)
        pltpu.sync_copy(hists.at[pl.ds(NB, NB)], s1)
        pltpu.sync_copy(stats, st_v)

        pos_cnt = jnp.sum(st_v[pl.ds(0, L)] + st_v[pl.ds(128, L)])
        pos_sum = jnp.sum(st_v[pl.ds(16, L)] + st_v[pl.ds(144, L)])
        all_sum = jnp.sum(st_v[pl.ds(32, L)] + st_v[pl.ds(160, L)])
        neg_cnt = jnp.float32(N) - pos_cnt
        neg_sum = all_sum - pos_sum
        k = jnp.minimum(neg_cnt, jnp.float32(3.0) * pos_cnt)

        def sel_body(jj, carry):
            above, sel = carry
            o = (NB // L - 1 - jj) * L
            cv = c0[pl.ds(o, L)] + c1[pl.ds(o, L)]
            sv = s0[pl.ds(o, L)] + s1[pl.ds(o, L)]
            pc = plsc.cumsum(cv)
            tot = jnp.sum(cv)
            above_i = above + (tot - pc)
            take = jnp.minimum(jnp.maximum(k - above_i, jnp.float32(0.0)), cv)
            avg = sv / jnp.maximum(cv, jnp.float32(1.0))
            sel = sel + jnp.sum(take * avg)
            return above + tot, sel

        _, sel = lax.fori_loop(0, NB // L, sel_body,
                               (jnp.float32(0.0), jnp.float32(0.0)))
        neg_loss = jnp.where(k >= neg_cnt, neg_sum, sel)
        total = pos_cnt + k
        ones_v = jnp.full((L,), 1.0, jnp.float32)
        num_v = ones_v * (pos_sum + neg_loss)
        den_v = ones_v * jnp.maximum(total, jnp.float32(1.0))
        res_v = num_v / den_v
        outbuf[...] = jnp.where(ones_v * total > jnp.float32(0.0), res_v,
                                jnp.zeros((L,), jnp.float32))
        pltpu.sync_copy(outbuf, out)


_TCG = 8
_TBR = TC_ROWS // _TCG


def _tc_body(x_ref, t_ref, oc_ref, op_ref, oa_ref):
    i = pl.program_id(0)

    @pl.when(i == 0)
    def _():
        oc_ref[...] = jnp.zeros_like(oc_ref)
        op_ref[...] = jnp.zeros_like(op_ref)
        oa_ref[...] = jnp.zeros_like(oa_ref)

    p = x_ref[...]
    t = t_ref[...]
    pc = jnp.clip(p, jnp.float32(EPS), jnp.float32(1.0) - jnp.float32(EPS))
    pos = t > jnp.float32(0.5)
    q = jnp.where(pos, pc, jnp.float32(1.0) - pc)
    loss = -jnp.log(q)
    oc_ref[...] += jnp.sum(jnp.sum(t, axis=0)).reshape(1, 1)
    op_ref[...] += jnp.sum(jnp.sum(jnp.where(pos, loss, jnp.float32(0.0)),
                                   axis=0)).reshape(1, 1)
    oa_ref[...] += jnp.sum(jnp.sum(loss, axis=0)).reshape(1, 1)


_s11 = jax.ShapeDtypeStruct((1, 1), jnp.float32)
_tcsum = pl.pallas_call(
    _tc_body,
    grid=(_TCG,),
    in_specs=[
        pl.BlockSpec((_TBR, COLS), lambda i: (SC_ROWS // _TBR + i, 0)),
        pl.BlockSpec((_TBR, COLS), lambda i: (SC_ROWS // _TBR + i, 0)),
    ],
    out_specs=(
        pl.BlockSpec((1, 1), lambda i: (0, 0)),
        pl.BlockSpec((1, 1), lambda i: (0, 0)),
        pl.BlockSpec((1, 1), lambda i: (0, 0)),
    ),
    out_shape=(_s11, _s11, _s11),
)


def kernel(pred, target):
    p = pred.reshape(ROWS, COLS)
    t = target.reshape(ROWS, COLS)
    stats = _k1f(p, t).reshape(NC, 128)
    tc_cnt, tc_pos, tc_all = _tcsum(p, t)
    pos_cnt = jnp.sum(stats[:, 0:16]) + tc_cnt[0, 0]
    pos_sum = jnp.sum(stats[:, 16:32]) + tc_pos[0, 0]
    all_sum = jnp.sum(stats[:, 32:48]) + tc_all[0, 0]
    neg_cnt = jnp.float32(N) - pos_cnt
    neg_sum = all_sum - pos_sum
    k = jnp.minimum(neg_cnt, jnp.floor(jnp.float32(3.0) * pos_cnt))
    res = (pos_sum + neg_sum) / jnp.float32(N)
    need_sel = k < neg_cnt

    def _slow():
        hc, hs, st = _k1(p, t)
        return _k2(hc, hs, st)[0]

    return lax.cond(need_sel, _slow, lambda: res)

# --- scband reference (transcript-rebuilt; emitter-appended) ---
"""Pipeline reference for scband-balanced-bceloss-17162689314985 (READ-ONLY COPY).

The authoritative reference and input builder live on the scoring server;
editing this copy changes nothing except your own understanding.
"""

import jax, jax.numpy as jnp
import numpy as np


def setup_inputs(seed: int = 0) -> dict:
    key = jax.random.key(seed)
    k1, k2 = jax.random.split(key)
    pred = jax.random.uniform(k1, (16, 1, 512, 512), dtype=jnp.float32)
    target = jax.random.randint(k2, (16, 1, 512, 512), 0, 2).astype(jnp.float32)
    return {"pred": pred, "target": target}


def reference(pred, target):
    negative_ratio = 3.0
    pos_mask = target > 0.5
    neg_mask = jnp.logical_not(pos_mask)
    positive_count = jnp.sum(pos_mask)
    neg_total = jnp.sum(neg_mask)
    neg_cap = jnp.floor(positive_count.astype(jnp.float32) * negative_ratio).astype(neg_total.dtype)
    negative_count = jnp.minimum(neg_total, neg_cap)

    p = jnp.clip(pred.astype(jnp.float32), 1e-07, 1.0 - 1e-07)
    t = target.astype(jnp.float32)
    # elementwise binary cross entropy, reduction='none'
    loss = -(t * jnp.log(p) + (1.0 - t) * jnp.log1p(-p))

    positive_loss = jnp.sum(loss * pos_mask.astype(jnp.float32))
    negative_loss_flat = (loss * neg_mask.astype(jnp.float32)).reshape(-1)

    n = negative_loss_flat.shape[0]
    hard_neg, _ = jax.lax.top_k(negative_loss_flat, n)
    rank = jnp.arange(n)
    negative_loss = jnp.sum(jnp.where(rank < negative_count, hard_neg, jnp.zeros((), dtype=jnp.float32)))

    total_count = positive_count + negative_count
    safe_total = jnp.maximum(total_count, 1).astype(jnp.float32)
    result = (positive_loss + negative_loss) / safe_total
    return jnp.where(total_count > 0, result, jnp.zeros((), dtype=jnp.float32))

if __name__ == "__main__":
    import jax
    _d = setup_inputs()
    print(jax.jit(kernel)(*tuple(_d.values())))

</pallas_src>

<mosaic_0001>
#map = affine_map<(d0, d1) -> (0)>
module attributes {stable_mosaic.version = 14 : i64} {
  func.func @_k2(%arg0: i32, %arg1: i32, %arg2: memref<2048xf32, #tpu.memory_space<hbm>>, %arg3: memref<2048xf32, #tpu.memory_space<hbm>>, %arg4: memref<256xf32, #tpu.memory_space<hbm>>, %arg5: memref<16xf32, #tpu.memory_space<hbm>>, %arg6: memref<1024xf32, #tpu.memory_space<vmem>>, %arg7: memref<1024xf32, #tpu.memory_space<vmem>>, %arg8: memref<1024xf32, #tpu.memory_space<vmem>>, %arg9: memref<1024xf32, #tpu.memory_space<vmem>>, %arg10: memref<256xf32, #tpu.memory_space<vmem>>, %arg11: memref<16xf32, #tpu.memory_space<vmem>>) attributes {dimension_semantics = [#tpu.dimension_semantics<core_parallel>, #tpu.dimension_semantics<subcore_parallel>], iteration_bounds = array<i64: 2, 16>, scalar_prefetch = 0 : i64, scratch_operands = 6 : i64, tpu.core_type = #tpu.core_type<sc_vector_subcore>, window_params = [{transform_indices = #map}, {transform_indices = #map}, {transform_indices = #map}, {transform_indices = #map}]} {
    %eq3A = arith.constant 0 : i32
    %eq3A_0 = arith.cmpi eq, %arg0, %eq3A : i32
    %eq3A_1 = arith.constant 0 : i32
    %eq3A_2 = arith.cmpi eq, %arg1, %eq3A_1 : i32
    %and3A = arith.andi %eq3A_0, %eq3A_2 : i1
    %convert_element_type3A = arith.extui %and3A : i1 to i32
    %cond3A = arith.constant 0 : i32
    %cond3A_3 = arith.cmpi ne, %convert_element_type3A, %cond3A : i32
    scf.if %cond3A_3 {
      "tpu.region"() ({
        %run_scoped3A = tpu.sem_alloc : memref<!tpu.dma_semaphore, #tpu.memory_space<semaphore_mem>>
        %dma_start3A = arith.constant 0 : i32
        %dma_start3A_54 = tpu.memref_slice %arg2[%dma_start3A] : memref<2048xf32, #tpu.memory_space<hbm>> -> memref<1024xf32, #tpu.memory_space<hbm>>
        %dma_start3A_55 = arith.constant 0 : i32
        %dma_start3A_56 = tpu.memref_slice %arg2[%dma_start3A_55] : memref<2048xf32, #tpu.memory_space<hbm>> -> memref<1024xf32, #tpu.memory_space<hbm>>
        tpu.enqueue_dma source(%dma_start3A_56 : memref<1024xf32, #tpu.memory_space<hbm>>) target(%arg6 : memref<1024xf32, #tpu.memory_space<vmem>>) target_semaphore(%run_scoped3A : memref<!tpu.dma_semaphore, #tpu.memory_space<semaphore_mem>>)
        %dma_wait3A = arith.constant 0 : i32
        %dma_wait3A_57 = tpu.memref_slice %arg2[%dma_wait3A] : memref<2048xf32, #tpu.memory_space<hbm>> -> memref<1024xf32, #tpu.memory_space<hbm>>
        %dma_wait3A_58 = arith.constant 0 : i32
        %dma_wait3A_59 = tpu.memref_slice %arg2[%dma_wait3A_58] : memref<2048xf32, #tpu.memory_space<hbm>> -> memref<1024xf32, #tpu.memory_space<hbm>>
        tpu.wait_dma2 semaphore(%run_scoped3A : memref<!tpu.dma_semaphore, #tpu.memory_space<semaphore_mem>>) src(%dma_wait3A_59 : memref<1024xf32, #tpu.memory_space<hbm>>) dst(%arg6 : memref<1024xf32, #tpu.memory_space<vmem>>)
        tpu.yield
      }) : () -> ()
      "tpu.region"() ({
        %run_scoped3A = tpu.sem_alloc : memref<!tpu.dma_semaphore, #tpu.memory_space<semaphore_mem>>
        %dma_start3A = arith.constant 1024 : i32
        %dma_start3A_54 = tpu.memref_slice %arg2[%dma_start3A] : memref<2048xf32, #tpu.memory_space<hbm>> -> memref<1024xf32, #tpu.memory_space<hbm>>
        %dma_start3A_55 = arith.constant 1024 : i32
        %dma_start3A_56 = tpu.memref_slice %arg2[%dma_start3A_55] : memref<2048xf32, #tpu.memory_space<hbm>> -> memref<1024xf32, #tpu.memory_space<hbm>>
        tpu.enqueue_dma source(%dma_start3A_56 : memref<1024xf32, #tpu.memory_space<hbm>>) target(%arg7 : memref<1024xf32, #tpu.memory_space<vmem>>) target_semaphore(%run_scoped3A : memref<!tpu.dma_semaphore, #tpu.memory_space<semaphore_mem>>)
        %dma_wait3A = arith.constant 1024 : i32
        %dma_wait3A_57 = tpu.memref_slice %arg2[%dma_wait3A] : memref<2048xf32, #tpu.memory_space<hbm>> -> memref<1024xf32, #tpu.memory_space<hbm>>
        %dma_wait3A_58 = arith.constant 1024 : i32
        %dma_wait3A_59 = tpu.memref_slice %arg2[%dma_wait3A_58] : memref<2048xf32, #tpu.memory_space<hbm>> -> memref<1024xf32, #tpu.memory_space<hbm>>
        tpu.wait_dma2 semaphore(%run_scoped3A : memref<!tpu.dma_semaphore, #tpu.memory_space<semaphore_mem>>) src(%dma_wait3A_59 : memref<1024xf32, #tpu.memory_space<hbm>>) dst(%arg7 : memref<1024xf32, #tpu.memory_space<vmem>>)
        tpu.yield
      }) : () -> ()
      "tpu.region"() ({
        %run_scoped3A = tpu.sem_alloc : memref<!tpu.dma_semaphore, #tpu.memory_space<semaphore_mem>>
        %dma_start3A = arith.constant 0 : i32
        %dma_start3A_54 = tpu.memref_slice %arg3[%dma_start3A] : memref<2048xf32, #tpu.memory_space<hbm>> -> memref<1024xf32, #tpu.memory_space<hbm>>
        %dma_start3A_55 = arith.constant 0 : i32
        %dma_start3A_56 = tpu.memref_slice %arg3[%dma_start3A_55] : memref<2048xf32, #tpu.memory_space<hbm>> -> memref<1024xf32, #tpu.memory_space<hbm>>
        tpu.enqueue_dma source(%dma_start3A_56 : memref<1024xf32, #tpu.memory_space<hbm>>) target(%arg8 : memref<1024xf32, #tpu.memory_space<vmem>>) target_semaphore(%run_scoped3A : memref<!tpu.dma_semaphore, #tpu.memory_space<semaphore_mem>>)
        %dma_wait3A = arith.constant 0 : i32
        %dma_wait3A_57 = tpu.memref_slice %arg3[%dma_wait3A] : memref<2048xf32, #tpu.memory_space<hbm>> -> memref<1024xf32, #tpu.memory_space<hbm>>
        %dma_wait3A_58 = arith.constant 0 : i32
        %dma_wait3A_59 = tpu.memref_slice %arg3[%dma_wait3A_58] : memref<2048xf32, #tpu.memory_space<hbm>> -> memref<1024xf32, #tpu.memory_space<hbm>>
        tpu.wait_dma2 semaphore(%run_scoped3A : memref<!tpu.dma_semaphore, #tpu.memory_space<semaphore_mem>>) src(%dma_wait3A_59 : memref<1024xf32, #tpu.memory_space<hbm>>) dst(%arg8 : memref<1024xf32, #tpu.memory_space<vmem>>)
        tpu.yield
      }) : () -> ()
      "tpu.region"() ({
        %run_scoped3A = tpu.sem_alloc : memref<!tpu.dma_semaphore, #tpu.memory_space<semaphore_mem>>
        %dma_start3A = arith.constant 1024 : i32
        %dma_start3A_54 = tpu.memref_slice %arg3[%dma_start3A] : memref<2048xf32, #tpu.memory_space<hbm>> -> memref<1024xf32, #tpu.memory_space<hbm>>
        %dma_start3A_55 = arith.constant 1024 : i32
        %dma_start3A_56 = tpu.memref_slice %arg3[%dma_start3A_55] : memref<2048xf32, #tpu.memory_space<hbm>> -> memref<1024xf32, #tpu.memory_space<hbm>>
        tpu.enqueue_dma source(%dma_start3A_56 : memref<1024xf32, #tpu.memory_space<hbm>>) target(%arg9 : memref<1024xf32, #tpu.memory_space<vmem>>) target_semaphore(%run_scoped3A : memref<!tpu.dma_semaphore, #tpu.memory_space<semaphore_mem>>)
        %dma_wait3A = arith.constant 1024 : i32
        %dma_wait3A_57 = tpu.memref_slice %arg3[%dma_wait3A] : memref<2048xf32, #tpu.memory_space<hbm>> -> memref<1024xf32, #tpu.memory_space<hbm>>
        %dma_wait3A_58 = arith.constant 1024 : i32
        %dma_wait3A_59 = tpu.memref_slice %arg3[%dma_wait3A_58] : memref<2048xf32, #tpu.memory_space<hbm>> -> memref<1024xf32, #tpu.memory_space<hbm>>
        tpu.wait_dma2 semaphore(%run_scoped3A : memref<!tpu.dma_semaphore, #tpu.memory_space<semaphore_mem>>) src(%dma_wait3A_59 : memref<1024xf32, #tpu.memory_space<hbm>>) dst(%arg9 : memref<1024xf32, #tpu.memory_space<vmem>>)
        tpu.yield
      }) : () -> ()
      "tpu.region"() ({
        %run_scoped3A = tpu.sem_alloc : memref<!tpu.dma_semaphore, #tpu.memory_space<semaphore_mem>>
        tpu.enqueue_dma source(%arg4 : memref<256xf32, #tpu.memory_space<hbm>>) target(%arg10 : memref<256xf32, #tpu.memory_space<vmem>>) target_semaphore(%run_scoped3A : memref<!tpu.dma_semaphore, #tpu.memory_space<semaphore_mem>>)
        tpu.wait_dma2 semaphore(%run_scoped3A : memref<!tpu.dma_semaphore, #tpu.memory_space<semaphore_mem>>) src(%arg4 : memref<256xf32, #tpu.memory_space<hbm>>) dst(%arg10 : memref<256xf32, #tpu.memory_space<vmem>>)
        tpu.yield
      }) : () -> ()
      %get3A = arith.constant 0 : index
      %get3A_4 = tpu.vector_load %arg10[%get3A] {strides = array<i32>} : memref<256xf32, #tpu.memory_space<vmem>>, vector<16xf32>,
      %get3A_5 = arith.constant 128 : index
      %get3A_6 = tpu.vector_load %arg10[%get3A_5] {strides = array<i32>} : memref<256xf32, #tpu.memory_space<vmem>>, vector<16xf32>,
      %add3A = arith.addf %get3A_4, %get3A_6 : vector<16xf32>
      %reduce_sum3A = arith.constant true
      %reduce_sum3A_7 = vector.broadcast %reduce_sum3A : i1 to vector<16xi1>
      %reduce_sum3A_8 = tpu.scan <sum>, %add3A masked %reduce_sum3A_7 : vector<16xf32>, vector<16xi1> -> vector<16xf32>
      %reduce_sum3A_9 = vector.extract %reduce_sum3A_8[15] : f32 from vector<16xf32>
      %get3A_10 = arith.constant 16 : index
      %get3A_11 = tpu.vector_load %arg10[%get3A_10] {strides = array<i32>} : memref<256xf32, #tpu.memory_space<vmem>>, vector<16xf32>,
      %get3A_12 = arith.constant 144 : index
      %get3A_13 = tpu.vector_load %arg10[%get3A_12] {strides = array<i32>} : memref<256xf32, #tpu.memory_space<vmem>>, vector<16xf32>,
      %add3A_14 = arith.addf %get3A_11, %get3A_13 : vector<16xf32>
      %reduce_sum3A_15 = arith.constant true
      %reduce_sum3A_16 = vector.broadcast %reduce_sum3A_15 : i1 to vector<16xi1>
      %reduce_sum3A_17 = tpu.scan <sum>, %add3A_14 masked %reduce_sum3A_16 : vector<16xf32>, vector<16xi1> -> vector<16xf32>
      %reduce_sum3A_18 = vector.extract %reduce_sum3A_17[15] : f32 from vector<16xf32>
      %get3A_19 = arith.constant 32 : index
      %get3A_20 = tpu.vector_load %arg10[%get3A_19] {strides = array<i32>} : memref<256xf32, #tpu.memory_space<vmem>>, vector<16xf32>,
      %get3A_21 = arith.constant 160 : index
      %get3A_22 = tpu.vector_load %arg10[%get3A_21] {strides = array<i32>} : memref<256xf32, #tpu.memory_space<vmem>>, vector<16xf32>,
      %add3A_23 = arith.addf %get3A_20, %get3A_22 : vector<16xf32>
      %reduce_sum3A_24 = arith.constant true
      %reduce_sum3A_25 = vector.broadcast %reduce_sum3A_24 : i1 to vector<16xi1>
      %reduce_sum3A_26 = tpu.scan <sum>, %add3A_23 masked %reduce_sum3A_25 : vector<16xf32>, vector<16xi1> -> vector<16xf32>
      %reduce_sum3A_27 = vector.extract %reduce_sum3A_26[15] : f32 from vector<16xf32>
      %sub3A = arith.constant 0x4A800000 : f32
      %sub3A_28 = arith.subf %sub3A, %reduce_sum3A_9 : f32
      %sub3A_29 = arith.subf %reduce_sum3A_27, %reduce_sum3A_18 : f32
      %mul3A = arith.constant 3.000000e+00 : f32
      %mul3A_30 = arith.mulf %mul3A, %reduce_sum3A_9 : f32
      %min3A = arith.minimumf %sub3A_28, %mul3A_30 : f32
      %scan3A = arith.constant 0.000000e+00 : f32
      %scan3A_31 = arith.constant 0.000000e+00 : f32
      %scan3A_32 = arith.constant 0 : i32
      %scan3A_33 = arith.constant 64 : i32
      %scan3A_34 = arith.addi %scan3A_32, %scan3A_33 : i32
      %scan3A_35 = arith.constant 1 : i32
      %scan3A_36:2 = scf.for %scan3A_54 = %scan3A_32 to %scan3A_34 step %scan3A_35 iter_args(%scan3A_55 = %scan3A, %scan3A_56 = %scan3A_31) -> (f32, f32)  : i32 {
        %sub3A_57 = arith.constant 63 : i32
        %sub3A_58 = arith.subi %sub3A_57, %scan3A_54 : i32
        %mul3A_59 = arith.constant 16 : i32
        %mul3A_60 = arith.muli %sub3A_58, %mul3A_59 : i32
        %get3A_61 = arith.index_cast %mul3A_60 : i32 to index
        %get3A_62 = tpu.vector_load %arg6[%get3A_61] {strides = array<i32>} : memref<1024xf32, #tpu.memory_space<vmem>>, vector<16xf32>,
        %get3A_63 = arith.index_cast %mul3A_60 : i32 to index
        %get3A_64 = tpu.vector_load %arg7[%get3A_63] {strides = array<i32>} : memref<1024xf32, #tpu.memory_space<vmem>>, vector<16xf32>,
        %add3A_65 = arith.addf %get3A_62, %get3A_64 : vector<16xf32>
        %get3A_66 = arith.index_cast %mul3A_60 : i32 to index
        %get3A_67 = tpu.vector_load %arg8[%get3A_66] {strides = array<i32>} : memref<1024xf32, #tpu.memory_space<vmem>>, vector<16xf32>,
        %get3A_68 = arith.index_cast %mul3A_60 : i32 to index
        %get3A_69 = tpu.vector_load %arg9[%get3A_68] {strides = array<i32>} : memref<1024xf32, #tpu.memory_space<vmem>>, vector<16xf32>,
        %add3A_70 = arith.addf %get3A_67, %get3A_69 : vector<16xf32>
        %broadcast_in_dim3A_71 = arith.constant true
        %broadcast_in_dim3A_72 = vector.broadcast %broadcast_in_dim3A_71 : i1 to vector<16xi1>
        %masked_cumsum3A = tpu.scan <sum>, %add3A_65 masked %broadcast_in_dim3A_72 : vector<16xf32>, vector<16xi1> -> vector<16xf32>
        %reduce_sum3A_73 = arith.constant true
        %reduce_sum3A_74 = vector.broadcast %reduce_sum3A_73 : i1 to vector<16xi1>
        %reduce_sum3A_75 = tpu.scan <sum>, %add3A_65 masked %reduce_sum3A_74 : vector<16xf32>, vector<16xi1> -> vector<16xf32>
        %reduce_sum3A_76 = vector.extract %reduce_sum3A_75[15] : f32 from vector<16xf32>
        %sub3A_77 = vector.broadcast %reduce_sum3A_76 : f32 to vector<16xf32>
        %sub3A_78 = arith.subf %sub3A_77, %masked_cumsum3A : vector<16xf32>
        %add3A_79 = vector.broadcast %scan3A_55 : f32 to vector<16xf32>
        %add3A_80 = arith.addf %add3A_79, %sub3A_78 : vector<16xf32>
        %sub3A_81 = vector.broadcast %min3A : f32 to vector<16xf32>
        %sub3A_82 = arith.subf %sub3A_81, %add3A_80 : vector<16xf32>
        %max3A_83 = arith.constant 0.000000e+00 : f32
        %max3A_84 = vector.broadcast %max3A_83 : f32 to vector<16xf32>
        %max3A_85 = arith.maximumf %sub3A_82, %max3A_84 : vector<16xf32>
        %min3A_86 = arith.minimumf %max3A_85, %add3A_65 : vector<16xf32>
        %max3A_87 = arith.constant 1.000000e+00 : f32
        %max3A_88 = vector.broadcast %max3A_87 : f32 to vector<16xf32>
        %max3A_89 = arith.maximumf %add3A_65, %max3A_88 : vector<16xf32>
        %div3A_90 = arith.divf %add3A_70, %max3A_89 : vector<16xf32>
        %mul3A_91 = arith.mulf %min3A_86, %div3A_90 : vector<16xf32>
        %reduce_sum3A_92 = arith.constant true
        %reduce_sum3A_93 = vector.broadcast %reduce_sum3A_92 : i1 to vector<16xi1>
        %reduce_sum3A_94 = tpu.scan <sum>, %mul3A_91 masked %reduce_sum3A_93 : vector<16xf32>, vector<16xi1> -> vector<16xf32>
        %reduce_sum3A_95 = vector.extract %reduce_sum3A_94[15] : f32 from vector<16xf32>
        %add3A_96 = arith.addf %scan3A_56, %reduce_sum3A_95 : f32
        %add3A_97 = arith.addf %scan3A_55, %reduce_sum3A_76 : f32
        scf.yield %add3A_97, %add3A_96 : f32, f32
      }
      %scan3A_37 = arith.constant 64 : i32
      %ge3A = arith.cmpf oge, %min3A, %sub3A_28 : f32
      %select_n3A = arith.select %ge3A, %sub3A_29, %scan3A_36#1 : f32
      %add3A_38 = arith.addf %reduce_sum3A_9, %min3A : f32
      %broadcast_in_dim3A = arith.constant 1.000000e+00 : f32
      %broadcast_in_dim3A_39 = vector.broadcast %broadcast_in_dim3A : f32 to vector<16xf32>
      %add3A_40 = arith.addf %reduce_sum3A_18, %select_n3A : f32
      %mul3A_41 = vector.broadcast %add3A_40 : f32 to vector<16xf32>
      %mul3A_42 = arith.mulf %broadcast_in_dim3A_39, %mul3A_41 : vector<16xf32>
      %max3A = arith.constant 1.000000e+00 : f32
      %max3A_43 = arith.maximumf %add3A_38, %max3A : f32
      %mul3A_44 = vector.broadcast %max3A_43 : f32 to vector<16xf32>
      %mul3A_45 = arith.mulf %broadcast_in_dim3A_39, %mul3A_44 : vector<16xf32>
      %div3A = arith.divf %mul3A_42, %mul3A_45 : vector<16xf32>
      %mul3A_46 = vector.broadcast %add3A_38 : f32 to vector<16xf32>
      %mul3A_47 = arith.mulf %broadcast_in_dim3A_39, %mul3A_46 : vector<16xf32>
      %gt3A = arith.constant 0.000000e+00 : f32
      %gt3A_48 = vector.broadcast %gt3A : f32 to vector<16xf32>
      %gt3A_49 = arith.cmpf ogt, %mul3A_47, %gt3A_48 : vector<16xf32>
      %broadcast_in_dim3A_50 = arith.constant 0.000000e+00 : f32
      %broadcast_in_dim3A_51 = vector.broadcast %broadcast_in_dim3A_50 : f32 to vector<16xf32>
      %select_n3A_52 = arith.select %gt3A_49, %div3A, %broadcast_in_dim3A_51 : vector<16xi1>, vector<16xf32>
      %swap3A = arith.constant 0 : index
      %swap3A_53 = tpu.vector_load %arg11[%swap3A] {strides = array<i32>} : memref<16xf32, #tpu.memory_space<vmem>>, vector<16xf32>,
      tpu.vector_store %arg11[%swap3A], %select_n3A_52 {strides = array<i32>} : memref<16xf32, #tpu.memory_space<vmem>>, vector<16xf32>,
      "tpu.region"() ({
        %run_scoped3A = tpu.sem_alloc : memref<!tpu.dma_semaphore, #tpu.memory_space<semaphore_mem>>
        tpu.enqueue_dma source(%arg11 : memref<16xf32, #tpu.memory_space<vmem>>) target(%arg5 : memref<16xf32, #tpu.memory_space<hbm>>) target_semaphore(%run_scoped3A : memref<!tpu.dma_semaphore, #tpu.memory_space<semaphore_mem>>)
        tpu.wait_dma2 semaphore(%run_scoped3A : memref<!tpu.dma_semaphore, #tpu.memory_space<semaphore_mem>>) src(%arg11 : memref<16xf32, #tpu.memory_space<vmem>>) dst(%arg5 : memref<16xf32, #tpu.memory_space<hbm>>)
        tpu.yield
      }) : () -> ()
    } else {
    }
    return
  }
}

#map = affine_map<(d0, d1) -> (0, 0)>
#map1 = affine_map<(d0, d1) -> (0)>
module attributes {stable_mosaic.version = 14 : i64} {
  func.func @_k1f(%arg0: i32, %arg1: i32, %arg2: memref<8192x512xf32, #tpu.memory_space<hbm>>, %arg3: memref<8192x512xf32, #tpu.memory_space<hbm>>, %arg4: memref<256xf32, #tpu.memory_space<hbm>>, %arg5: memref<32x512xf32, #tpu.memory_space<vmem>>, %arg6: memref<32x512xf32, #tpu.memory_space<vmem>>, %arg7: memref<32x512xf32, #tpu.memory_space<vmem>>, %arg8: memref<32x512xf32, #tpu.memory_space<vmem>>, %arg9: memref<2048xf32, #tpu.memory_space<vmem>>, %arg10: memref<128xf32, #tpu.memory_space<vmem>>, %arg11: memref<2048xf32, #tpu.memory_space<vmem_shared>>, %arg12: memref<!tpu.dma_semaphore, #tpu.memory_space<semaphore_mem>>, %arg13: memref<!tpu.dma_semaphore, #tpu.memory_space<semaphore_mem>>, %arg14: memref<!tpu.dma_semaphore, #tpu.memory_space<semaphore_mem>>, %arg15: memref<!tpu.dma_semaphore, #tpu.memory_space<semaphore_mem>>) attributes {dimension_semantics = [#tpu.dimension_semantics<core_parallel>, #tpu.dimension_semantics<subcore_parallel>], iteration_bounds = array<i64: 2, 16>, scalar_prefetch = 0 : i64, scratch_operands = 11 : i64, tpu.core_type = #tpu.core_type<sc_vector_subcore>, window_params = [{transform_indices = #map}, {transform_indices = #map}, {transform_indices = #map1}]} {
    %mul3A = arith.constant 16 : i32
    %mul3A_0 = arith.muli %arg0, %mul3A : i32
    %add3A = arith.addi %mul3A_0, %arg1 : i32
    %mul3A_1 = arith.constant 32 : i32
    %mul3A_2 = arith.muli %add3A, %mul3A_1 : i32
    %broadcast_in_dim3A = arith.constant 0.000000e+00 : f32
    %broadcast_in_dim3A_3 = vector.broadcast %broadcast_in_dim3A : f32 to vector<16xf32>
    %broadcast_in_dim3A_4 = arith.constant 1.000000e+00 : f32
    %broadcast_in_dim3A_5 = vector.broadcast %broadcast_in_dim3A_4 : f32 to vector<16xf32>
    %add3A_6 = arith.constant 0 : i32
    %add3A_7 = arith.addi %mul3A_2, %add3A_6 : i32
    %dma_start3A = arith.constant 0 : i32
    %dma_start3A_8 = tpu.memref_slice %arg2[%add3A_7, %dma_start3A] : memref<8192x512xf32, #tpu.memory_space<hbm>> -> memref<32x512xf32, #tpu.memory_space<hbm>>
    %dma_start3A_9 = arith.constant 0 : i32
    %dma_start3A_10 = tpu.memref_slice %arg2[%add3A_7, %dma_start3A_9] : memref<8192x512xf32, #tpu.memory_space<hbm>> -> memref<32x512xf32, #tpu.memory_space<hbm>>
    tpu.enqueue_dma source(%dma_start3A_10 : memref<32x512xf32, #tpu.memory_space<hbm>>) target(%arg5 : memref<32x512xf32, #tpu.memory_space<vmem>>) target_semaphore(%arg12 : memref<!tpu.dma_semaphore, #tpu.memory_space<semaphore_mem>>)
    %dma_start3A_11 = arith.constant 0 : i32
    %dma_start3A_12 = tpu.memref_slice %arg3[%add3A_7, %dma_start3A_11] : memref<8192x512xf32, #tpu.memory_space<hbm>> -> memref<32x512xf32, #tpu.memory_space<hbm>>
    %dma_start3A_13 = arith.constant 0 : i32
    %dma_start3A_14 = tpu.memref_slice %arg3[%add3A_7, %dma_start3A_13] : memref<8192x512xf32, #tpu.memory_space<hbm>> -> memref<32x512xf32, #tpu.memory_space<hbm>>
    tpu.enqueue_dma source(%dma_start3A_14 : memref<32x512xf32, #tpu.memory_space<hbm>>) target(%arg6 : memref<32x512xf32, #tpu.memory_space<vmem>>) target_semaphore(%arg13 : memref<!tpu.dma_semaphore, #tpu.memory_space<semaphore_mem>>)
    %add3A_15 = arith.constant 32 : i32
    %add3A_16 = arith.addi %mul3A_2, %add3A_15 : i32
    %dma_start3A_17 = arith.constant 0 : i32
    %dma_start3A_18 = tpu.memref_slice %arg2[%add3A_16, %dma_start3A_17] : memref<8192x512xf32, #tpu.memory_space<hbm>> -> memref<32x512xf32, #tpu.memory_space<hbm>>
    %dma_start3A_19 = arith.constant 0 : i32
    %dma_start3A_20 = tpu.memref_slice %arg2[%add3A_16, %dma_start3A_19] : memref<8192x512xf32, #tpu.memory_space<hbm>> -> memref<32x512xf32, #tpu.memory_space<hbm>>
    tpu.enqueue_dma source(%dma_start3A_20 : memref<32x512xf32, #tpu.memory_space<hbm>>) target(%arg7 : memref<32x512xf32, #tpu.memory_space<vmem>>) target_semaphore(%arg14 : memref<!tpu.dma_semaphore, #tpu.memory_space<semaphore_mem>>)
    %dma_start3A_21 = arith.constant 0 : i32
    %dma_start3A_22 = tpu.memref_slice %arg3[%add3A_16, %dma_start3A_21] : memref<8192x512xf32, #tpu.memory_space<hbm>> -> memref<32x512xf32, #tpu.memory_space<hbm>>
    %dma_start3A_23 = arith.constant 0 : i32
    %dma_start3A_24 = tpu.memref_slice %arg3[%add3A_16, %dma_start3A_23] : memref<8192x512xf32, #tpu.memory_space<hbm>> -> memref<32x512xf32, #tpu.memory_space<hbm>>
    tpu.enqueue_dma source(%dma_start3A_24 : memref<32x512xf32, #tpu.memory_space<hbm>>) target(%arg8 : memref<32x512xf32, #tpu.memory_space<vmem>>) target_semaphore(%arg15 : memref<!tpu.dma_semaphore, #tpu.memory_space<semaphore_mem>>)
    %broadcast_in_dim3A_25 = arith.constant 0 : i32
    %broadcast_in_dim3A_26 = vector.broadcast %broadcast_in_dim3A_25 : i32 to vector<16xi32>
    %scan3A = arith.constant 1.000000e+00 : f32
    %scan3A_27 = arith.constant 0 : i32
    %scan3A_28 = arith.constant 0 : i32
    %scan3A_29 = arith.addi %scan3A_27, %scan3A_28 : i32
    %scan3A_30 = arith.constant 0 : i32
    %dma_wait3A = arith.constant 0 : i32
    %dma_wait3A_31 = arith.constant 0 : i32
    %dma_wait3A_32 = tpu.memref_slice %arg2[%dma_wait3A, %dma_wait3A_31] : memref<8192x512xf32, #tpu.memory_space<hbm>> -> memref<32x512xf32, #tpu.memory_space<hbm>>
    %dma_wait3A_33 = arith.constant 0 : i32
    %dma_wait3A_34 = arith.constant 0 : i32
    %dma_wait3A_35 = tpu.memref_slice %arg2[%dma_wait3A_33, %dma_wait3A_34] : memref<8192x512xf32, #tpu.memory_space<hbm>> -> memref<32x512xf32, #tpu.memory_space<hbm>>
    tpu.wait_dma2 semaphore(%arg12 : memref<!tpu.dma_semaphore, #tpu.memory_space<semaphore_mem>>) src(%dma_wait3A_35 : memref<32x512xf32, #tpu.memory_space<hbm>>) dst(%arg5 : memref<32x512xf32, #tpu.memory_space<vmem>>)
    %dma_wait3A_36 = arith.constant 0 : i32
    %dma_wait3A_37 = arith.constant 0 : i32
    %dma_wait3A_38 = tpu.memref_slice %arg3[%dma_wait3A_36, %dma_wait3A_37] : memref<8192x512xf32, #tpu.memory_space<hbm>> -> memref<32x512xf32, #tpu.memory_space<hbm>>
    %dma_wait3A_39 = arith.constant 0 : i32
    %dma_wait3A_40 = arith.constant 0 : i32
    %dma_wait3A_41 = tpu.memref_slice %arg3[%dma_wait3A_39, %dma_wait3A_40] : memref<8192x512xf32, #tpu.memory_space<hbm>> -> memref<32x512xf32, #tpu.memory_space<hbm>>
    tpu.wait_dma2 semaphore(%arg13 : memref<!tpu.dma_semaphore, #tpu.memory_space<semaphore_mem>>) src(%dma_wait3A_41 : memref<32x512xf32, #tpu.memory_space<hbm>>) dst(%arg6 : memref<32x512xf32, #tpu.memory_space<vmem>>)
    %dma_wait3A_42 = arith.constant 0 : i32
    %dma_wait3A_43 = arith.constant 0 : i32
    %dma_wait3A_44 = tpu.memref_slice %arg2[%dma_wait3A_42, %dma_wait3A_43] : memref<8192x512xf32, #tpu.memory_space<hbm>> -> memref<32x512xf32, #tpu.memory_space<hbm>>
    %dma_wait3A_45 = arith.constant 0 : i32
    %dma_wait3A_46 = arith.constant 0 : i32
    %dma_wait3A_47 = tpu.memref_slice %arg2[%dma_wait3A_45, %dma_wait3A_46] : memref<8192x512xf32, #tpu.memory_space<hbm>> -> memref<32x512xf32, #tpu.memory_space<hbm>>
    tpu.wait_dma2 semaphore(%arg14 : memref<!tpu.dma_semaphore, #tpu.memory_space<semaphore_mem>>) src(%dma_wait3A_47 : memref<32x512xf32, #tpu.memory_space<hbm>>) dst(%arg7 : memref<32x512xf32, #tpu.memory_space<vmem>>)
    %dma_wait3A_48 = arith.constant 0 : i32
    %dma_wait3A_49 = arith.constant 0 : i32
    %dma_wait3A_50 = tpu.memref_slice %arg3[%dma_wait3A_48, %dma_wait3A_49] : memref<8192x512xf32, #tpu.memory_space<hbm>> -> memref<32x512xf32, #tpu.memory_space<hbm>>
    %dma_wait3A_51 = arith.constant 0 : i32
    %dma_wait3A_52 = arith.constant 0 : i32
    %dma_wait3A_53 = tpu.memref_slice %arg3[%dma_wait3A_51, %dma_wait3A_52] : memref<8192x512xf32, #tpu.memory_space<hbm>> -> memref<32x512xf32, #tpu.memory_space<hbm>>
    tpu.wait_dma2 semaphore(%arg15 : memref<!tpu.dma_semaphore, #tpu.memory_space<semaphore_mem>>) src(%dma_wait3A_53 : memref<32x512xf32, #tpu.memory_space<hbm>>) dst(%arg8 : memref<32x512xf32, #tpu.memory_space<vmem>>)
    %sub3A = arith.constant 32512 : i32
    %sub3A_54 = vector.broadcast %sub3A : i32 to vector<16xi32>
    %sub3A_55 = arith.subi %broadcast_in_dim3A_26, %sub3A_54 : vector<16xi32>
    %convert_element_type3A = arith.sitofp %sub3A_55 : vector<16xi32> to vector<16xf32>
    %gt3A = arith.constant 1.41421354 : f32
    %gt3A_56 = vector.broadcast %gt3A : f32 to vector<16xf32>
    %gt3A_57 = arith.cmpf ogt, %broadcast_in_dim3A_5, %gt3A_56 : vector<16xf32>
    %mul3A_58 = arith.constant 5.000000e-01 : f32
    %mul3A_59 = vector.broadcast %mul3A_58 : f32 to vector<16xf32>
    %mul3A_60 = arith.mulf %broadcast_in_dim3A_5, %mul3A_59 : vector<16xf32>
    %select_n3A = arith.select %gt3A_57, %mul3A_60, %broadcast_in_dim3A_5 : vector<16xi1>, vector<16xf32>
    %jit3A = arith.constant 1.000000e+00 : f32
    %jit3A_61 = arith.constant 0.000000e+00 : f32
    %broadcast_in_dim3A_62 = vector.broadcast %jit3A : f32 to vector<16xf32>
    %broadcast_in_dim3A_63 = vector.broadcast %jit3A_61 : f32 to vector<16xf32>
    %select_n3A_64 = arith.select %gt3A_57, %broadcast_in_dim3A_62, %broadcast_in_dim3A_63 : vector<16xi1>, vector<16xf32>
    %add3A_65 = arith.addf %convert_element_type3A, %select_n3A_64 : vector<16xf32>
    %sub3A_66 = arith.constant 1.000000e+00 : f32
    %sub3A_67 = vector.broadcast %sub3A_66 : f32 to vector<16xf32>
    %sub3A_68 = arith.subf %select_n3A, %sub3A_67 : vector<16xf32>
    %mul3A_69 = arith.constant 0.115897045 : f32
    %mul3A_70 = vector.broadcast %mul3A_69 : f32 to vector<16xf32>
    %mul3A_71 = arith.mulf %mul3A_70, %sub3A_68 : vector<16xf32>
    %add3A_72 = arith.constant -0.188526541 : f32
    %add3A_73 = vector.broadcast %add3A_72 : f32 to vector<16xf32>
    %add3A_74 = arith.addf %mul3A_71, %add3A_73 : vector<16xf32>
    %mul3A_75 = arith.mulf %add3A_74, %sub3A_68 : vector<16xf32>
    %add3A_76 = arith.constant 0.206553772 : f32
    %add3A_77 = vector.broadcast %add3A_76 : f32 to vector<16xf32>
    %add3A_78 = arith.addf %mul3A_75, %add3A_77 : vector<16xf32>
    %mul3A_79 = arith.mulf %add3A_78, %sub3A_68 : vector<16xf32>
    %add3A_80 = arith.constant -0.248863563 : f32
    %add3A_81 = vector.broadcast %add3A_80 : f32 to vector<16xf32>
    %add3A_82 = arith.addf %mul3A_79, %add3A_81 : vector<16xf32>
    %mul3A_83 = arith.mulf %add3A_82, %sub3A_68 : vector<16xf32>
    %add3A_84 = arith.constant 0.332995921 : f32
    %add3A_85 = vector.broadcast %add3A_84 : f32 to vector<16xf32>
    %add3A_86 = arith.addf %mul3A_83, %add3A_85 : vector<16xf32>
    %mul3A_87 = arith.mulf %add3A_86, %sub3A_68 : vector<16xf32>
    %add3A_88 = arith.constant -0.500019908 : f32
    %add3A_89 = vector.broadcast %add3A_88 : f32 to vector<16xf32>
    %add3A_90 = arith.addf %mul3A_87, %add3A_89 : vector<16xf32>
    %mul3A_91 = arith.mulf %add3A_90, %sub3A_68 : vector<16xf32>
    %add3A_92 = arith.constant 1.00000405 : f32
    %add3A_93 = vector.broadcast %add3A_92 : f32 to vector<16xf32>
    %add3A_94 = arith.addf %mul3A_91, %add3A_93 : vector<16xf32>
    %mul3A_95 = arith.mulf %add3A_94, %sub3A_68 : vector<16xf32>
    %add3A_96 = arith.constant 6.43456488E-8 : f32
    %add3A_97 = vector.broadcast %add3A_96 : f32 to vector<16xf32>
    %add3A_98 = arith.addf %mul3A_95, %add3A_97 : vector<16xf32>
    %mul3A_99 = arith.constant 0.693147182 : f32
    %mul3A_100 = vector.broadcast %mul3A_99 : f32 to vector<16xf32>
    %mul3A_101 = arith.mulf %add3A_65, %mul3A_100 : vector<16xf32>
    %add3A_102 = arith.addf %mul3A_101, %add3A_98 : vector<16xf32>
    %neg3A = arith.constant 0.000000e+00 : f32
    %neg3A_103 = vector.broadcast %neg3A : f32 to vector<16xf32>
    %neg3A_104 = arith.subf %neg3A_103, %add3A_102 : vector<16xf32>
    %sub3A_105 = arith.constant 32512 : i32
    %sub3A_106 = vector.broadcast %sub3A_105 : i32 to vector<16xi32>
    %sub3A_107 = arith.subi %broadcast_in_dim3A_26, %sub3A_106 : vector<16xi32>
    %convert_element_type3A_108 = arith.sitofp %sub3A_107 : vector<16xi32> to vector<16xf32>
    %gt3A_109 = arith.constant 1.41421354 : f32
    %gt3A_110 = vector.broadcast %gt3A_109 : f32 to vector<16xf32>
    %gt3A_111 = arith.cmpf ogt, %broadcast_in_dim3A_5, %gt3A_110 : vector<16xf32>
    %mul3A_112 = arith.constant 5.000000e-01 : f32
    %mul3A_113 = vector.broadcast %mul3A_112 : f32 to vector<16xf32>
    %mul3A_114 = arith.mulf %broadcast_in_dim3A_5, %mul3A_113 : vector<16xf32>
    %select_n3A_115 = arith.select %gt3A_111, %mul3A_114, %broadcast_in_dim3A_5 : vector<16xi1>, vector<16xf32>
    %jit3A_116 = arith.constant 1.000000e+00 : f32
    %jit3A_117 = arith.constant 0.000000e+00 : f32
    %broadcast_in_dim3A_118 = vector.broadcast %jit3A_116 : f32 to vector<16xf32>
    %broadcast_in_dim3A_119 = vector.broadcast %jit3A_117 : f32 to vector<16xf32>
    %select_n3A_120 = arith.select %gt3A_111, %broadcast_in_dim3A_118, %broadcast_in_dim3A_119 : vector<16xi1>, vector<16xf32>
    %add3A_121 = arith.addf %convert_element_type3A_108, %select_n3A_120 : vector<16xf32>
    %sub3A_122 = arith.constant 1.000000e+00 : f32
    %sub3A_123 = vector.broadcast %sub3A_122 : f32 to vector<16xf32>
    %sub3A_124 = arith.subf %select_n3A_115, %sub3A_123 : vector<16xf32>
    %mul3A_125 = arith.constant 0.115897045 : f32
    %mul3A_126 = vector.broadcast %mul3A_125 : f32 to vector<16xf32>
    %mul3A_127 = arith.mulf %mul3A_126, %sub3A_124 : vector<16xf32>
    %add3A_128 = arith.constant -0.188526541 : f32
    %add3A_129 = vector.broadcast %add3A_128 : f32 to vector<16xf32>
    %add3A_130 = arith.addf %mul3A_127, %add3A_129 : vector<16xf32>
    %mul3A_131 = arith.mulf %add3A_130, %sub3A_124 : vector<16xf32>
    %add3A_132 = arith.constant 0.206553772 : f32
    %add3A_133 = vector.broadcast %add3A_132 : f32 to vector<16xf32>
    %add3A_134 = arith.addf %mul3A_131, %add3A_133 : vector<16xf32>
    %mul3A_135 = arith.mulf %add3A_134, %sub3A_124 : vector<16xf32>
    %add3A_136 = arith.constant -0.248863563 : f32
    %add3A_137 = vector.broadcast %add3A_136 : f32 to vector<16xf32>
    %add3A_138 = arith.addf %mul3A_135, %add3A_137 : vector<16xf32>
    %mul3A_139 = arith.mulf %add3A_138, %sub3A_124 : vector<16xf32>
    %add3A_140 = arith.constant 0.332995921 : f32
    %add3A_141 = vector.broadcast %add3A_140 : f32 to vector<16xf32>
    %add3A_142 = arith.addf %mul3A_139, %add3A_141 : vector<16xf32>
    %mul3A_143 = arith.mulf %add3A_142, %sub3A_124 : vector<16xf32>
    %add3A_144 = arith.constant -0.500019908 : f32
    %add3A_145 = vector.broadcast %add3A_144 : f32 to vector<16xf32>
    %add3A_146 = arith.addf %mul3A_143, %add3A_145 : vector<16xf32>
    %mul3A_147 = arith.mulf %add3A_146, %sub3A_124 : vector<16xf32>
    %add3A_148 = arith.constant 1.00000405 : f32
    %add3A_149 = vector.broadcast %add3A_148 : f32 to vector<16xf32>
    %add3A_150 = arith.addf %mul3A_147, %add3A_149 : vector<16xf32>
    %mul3A_151 = arith.mulf %add3A_150, %sub3A_124 : vector<16xf32>
    %add3A_152 = arith.constant 6.43456488E-8 : f32
    %add3A_153 = vector.broadcast %add3A_152 : f32 to vector<16xf32>
    %add3A_154 = arith.addf %mul3A_151, %add3A_153 : vector<16xf32>
    %mul3A_155 = arith.constant 0.693147182 : f32
    %mul3A_156 = vector.broadcast %mul3A_155 : f32 to vector<16xf32>
    %mul3A_157 = arith.mulf %add3A_121, %mul3A_156 : vector<16xf32>
    %add3A_158 = arith.addf %mul3A_157, %add3A_154 : vector<16xf32>
    %neg3A_159 = arith.constant 0.000000e+00 : f32
    %neg3A_160 = vector.broadcast %neg3A_159 : f32 to vector<16xf32>
    %neg3A_161 = arith.subf %neg3A_160, %add3A_158 : vector<16xf32>
    %add3A_162 = arith.addf %neg3A_161, %neg3A_104 : vector<16xf32>
    %swap3A = arith.constant 0 : index
    %swap3A_163 = tpu.vector_load %arg10[%swap3A] {strides = array<i32>} : memref<128xf32, #tpu.memory_space<vmem>>, vector<16xf32>,
    tpu.vector_store %arg10[%swap3A], %broadcast_in_dim3A_3 {strides = array<i32>} : memref<128xf32, #tpu.memory_space<vmem>>, vector<16xf32>,
    %swap3A_164 = arith.constant 16 : index
    %swap3A_165 = tpu.vector_load %arg10[%swap3A_164] {strides = array<i32>} : memref<128xf32, #tpu.memory_space<vmem>>, vector<16xf32>,
    tpu.vector_store %arg10[%swap3A_164], %neg3A_161 {strides = array<i32>} : memref<128xf32, #tpu.memory_space<vmem>>, vector<16xf32>,
    %swap3A_166 = arith.constant 32 : index
    %swap3A_167 = tpu.vector_load %arg10[%swap3A_166] {strides = array<i32>} : memref<128xf32, #tpu.memory_space<vmem>>, vector<16xf32>,
    tpu.vector_store %arg10[%swap3A_166], %add3A_162 {strides = array<i32>} : memref<128xf32, #tpu.memory_space<vmem>>, vector<16xf32>,
    %swap3A_168 = arith.constant 48 : index
    %swap3A_169 = tpu.vector_load %arg10[%swap3A_168] {strides = array<i32>} : memref<128xf32, #tpu.memory_space<vmem>>, vector<16xf32>,
    tpu.vector_store %arg10[%swap3A_168], %broadcast_in_dim3A_3 {strides = array<i32>} : memref<128xf32, #tpu.memory_space<vmem>>, vector<16xf32>,
    %swap3A_170 = arith.constant 64 : index
    %swap3A_171 = tpu.vector_load %arg10[%swap3A_170] {strides = array<i32>} : memref<128xf32, #tpu.memory_space<vmem>>, vector<16xf32>,
    tpu.vector_store %arg10[%swap3A_170], %broadcast_in_dim3A_3 {strides = array<i32>} : memref<128xf32, #tpu.memory_space<vmem>>, vector<16xf32>,
    %swap3A_172 = arith.constant 80 : index
    %swap3A_173 = tpu.vector_load %arg10[%swap3A_172] {strides = array<i32>} : memref<128xf32, #tpu.memory_space<vmem>>, vector<16xf32>,
    tpu.vector_store %arg10[%swap3A_172], %broadcast_in_dim3A_3 {strides = array<i32>} : memref<128xf32, #tpu.memory_space<vmem>>, vector<16xf32>,
    %swap3A_174 = arith.constant 96 : index
    %swap3A_175 = tpu.vector_load %arg10[%swap3A_174] {strides = array<i32>} : memref<128xf32, #tpu.memory_space<vmem>>, vector<16xf32>,
    tpu.vector_store %arg10[%swap3A_174], %broadcast_in_dim3A_3 {strides = array<i32>} : memref<128xf32, #tpu.memory_space<vmem>>, vector<16xf32>,
    %swap3A_176 = arith.constant 112 : index
    %swap3A_177 = tpu.vector_load %arg10[%swap3A_176] {strides = array<i32>} : memref<128xf32, #tpu.memory_space<vmem>>, vector<16xf32>,
    tpu.vector_store %arg10[%swap3A_176], %broadcast_in_dim3A_3 {strides = array<i32>} : memref<128xf32, #tpu.memory_space<vmem>>, vector<16xf32>,
    %mul3A_178 = arith.constant 128 : i32
    %mul3A_179 = arith.muli %arg1, %mul3A_178 : i32
    "tpu.region"() ({
      %run_scoped3A = tpu.sem_alloc : memref<!tpu.dma_semaphore, #tpu.memory_space<semaphore_mem>>
      %dma_start3A_183 = tpu.memref_slice %arg11[%mul3A_179] : memref<2048xf32, #tpu.memory_space<vmem_shared>> -> memref<128xf32, #tpu.memory_space<vmem_shared>>
      %dma_start3A_184 = tpu.memref_slice %arg11[%mul3A_179] : memref<2048xf32, #tpu.memory_space<vmem_shared>> -> memref<128xf32, #tpu.memory_space<vmem_shared>>
      tpu.enqueue_dma source(%arg10 : memref<128xf32, #tpu.memory_space<vmem>>) target(%dma_start3A_184 : memref<128xf32, #tpu.memory_space<vmem_shared>>) target_semaphore(%run_scoped3A : memref<!tpu.dma_semaphore, #tpu.memory_space<semaphore_mem>>)
      %dma_wait3A_185 = tpu.memref_slice %arg11[%mul3A_179] : memref<2048xf32, #tpu.memory_space<vmem_shared>> -> memref<128xf32, #tpu.memory_space<vmem_shared>>
      %dma_wait3A_186 = tpu.memref_slice %arg11[%mul3A_179] : memref<2048xf32, #tpu.memory_space<vmem_shared>> -> memref<128xf32, #tpu.memory_space<vmem_shared>>
      tpu.wait_dma2 semaphore(%run_scoped3A : memref<!tpu.dma_semaphore, #tpu.memory_space<semaphore_mem>>) src(%arg10 : memref<128xf32, #tpu.memory_space<vmem>>) dst(%dma_wait3A_186 : memref<128xf32, #tpu.memory_space<vmem_shared>>)
      tpu.yield
    }) : () -> ()
    %barrier3A = arith.constant 0 : index
    tpu.barrier barrier_id(%barrier3A)
    %eq3A = arith.constant 0 : i32
    %eq3A_180 = arith.cmpi eq, %arg1, %eq3A : i32
    %convert_element_type3A_181 = arith.extui %eq3A_180 : i1 to i32
    %cond3A = arith.constant 0 : i32
    %cond3A_182 = arith.cmpi ne, %convert_element_type3A_181, %cond3A : i32
    scf.if %cond3A_182 {
      "tpu.region"() ({
        %run_scoped3A = tpu.sem_alloc : memref<!tpu.dma_semaphore, #tpu.memory_space<semaphore_mem>>
        %dma_start3A_334 = arith.constant 0 : i32
        %dma_start3A_335 = tpu.memref_slice %arg9[%dma_start3A_334] : memref<2048xf32, #tpu.memory_space<vmem>> -> memref<2048xf32, #tpu.memory_space<vmem>>
        %dma_start3A_336 = arith.constant 0 : i32
        %dma_start3A_337 = tpu.memref_slice %arg9[%dma_start3A_336] : memref<2048xf32, #tpu.memory_space<vmem>> -> memref<2048xf32, #tpu.memory_space<vmem>>
        tpu.enqueue_dma source(%arg11 : memref<2048xf32, #tpu.memory_space<vmem_shared>>) target(%dma_start3A_337 : memref<2048xf32, #tpu.memory_space<vmem>>) target_semaphore(%run_scoped3A : memref<!tpu.dma_semaphore, #tpu.memory_space<semaphore_mem>>)
        %dma_wait3A_338 = arith.constant 0 : i32
        %dma_wait3A_339 = tpu.memref_slice %arg9[%dma_wait3A_338] : memref<2048xf32, #tpu.memory_space<vmem>> -> memref<2048xf32, #tpu.memory_space<vmem>>
        %dma_wait3A_340 = arith.constant 0 : i32
        %dma_wait3A_341 = tpu.memref_slice %arg9[%dma_wait3A_340] : memref<2048xf32, #tpu.memory_space<vmem>> -> memref<2048xf32, #tpu.memory_space<vmem>>
        tpu.wait_dma2 semaphore(%run_scoped3A : memref<!tpu.dma_semaphore, #tpu.memory_space<semaphore_mem>>) src(%arg11 : memref<2048xf32, #tpu.memory_space<vmem_shared>>) dst(%dma_wait3A_341 : memref<2048xf32, #tpu.memory_space<vmem>>)
        tpu.yield
      }) : () -> ()
      %get3A = arith.constant 0 : index
      %get3A_183 = tpu.vector_load %arg9[%get3A] {strides = array<i32>} : memref<2048xf32, #tpu.memory_space<vmem>>, vector<16xf32>,
      %add3A_184 = arith.addf %broadcast_in_dim3A_3, %get3A_183 : vector<16xf32>
      %get3A_185 = arith.constant 128 : index
      %get3A_186 = tpu.vector_load %arg9[%get3A_185] {strides = array<i32>} : memref<2048xf32, #tpu.memory_space<vmem>>, vector<16xf32>,
      %add3A_187 = arith.addf %add3A_184, %get3A_186 : vector<16xf32>
      %get3A_188 = arith.constant 256 : index
      %get3A_189 = tpu.vector_load %arg9[%get3A_188] {strides = array<i32>} : memref<2048xf32, #tpu.memory_space<vmem>>, vector<16xf32>,
      %add3A_190 = arith.addf %add3A_187, %get3A_189 : vector<16xf32>
      %get3A_191 = arith.constant 384 : index
      %get3A_192 = tpu.vector_load %arg9[%get3A_191] {strides = array<i32>} : memref<2048xf32, #tpu.memory_space<vmem>>, vector<16xf32>,
      %add3A_193 = arith.addf %add3A_190, %get3A_192 : vector<16xf32>
      %get3A_194 = arith.constant 512 : index
      %get3A_195 = tpu.vector_load %arg9[%get3A_194] {strides = array<i32>} : memref<2048xf32, #tpu.memory_space<vmem>>, vector<16xf32>,
      %add3A_196 = arith.addf %add3A_193, %get3A_195 : vector<16xf32>
      %get3A_197 = arith.constant 640 : index
      %get3A_198 = tpu.vector_load %arg9[%get3A_197] {strides = array<i32>} : memref<2048xf32, #tpu.memory_space<vmem>>, vector<16xf32>,
      %add3A_199 = arith.addf %add3A_196, %get3A_198 : vector<16xf32>
      %get3A_200 = arith.constant 768 : index
      %get3A_201 = tpu.vector_load %arg9[%get3A_200] {strides = array<i32>} : memref<2048xf32, #tpu.memory_space<vmem>>, vector<16xf32>,
      %add3A_202 = arith.addf %add3A_199, %get3A_201 : vector<16xf32>
      %get3A_203 = arith.constant 896 : index
      %get3A_204 = tpu.vector_load %arg9[%get3A_203] {strides = array<i32>} : memref<2048xf32, #tpu.memory_space<vmem>>, vector<16xf32>,
      %add3A_205 = arith.addf %add3A_202, %get3A_204 : vector<16xf32>
      %get3A_206 = arith.constant 1024 : index
      %get3A_207 = tpu.vector_load %arg9[%get3A_206] {strides = array<i32>} : memref<2048xf32, #tpu.memory_space<vmem>>, vector<16xf32>,
      %add3A_208 = arith.addf %add3A_205, %get3A_207 : vector<16xf32>
      %get3A_209 = arith.constant 1152 : index
      %get3A_210 = tpu.vector_load %arg9[%get3A_209] {strides = array<i32>} : memref<2048xf32, #tpu.memory_space<vmem>>, vector<16xf32>,
      %add3A_211 = arith.addf %add3A_208, %get3A_210 : vector<16xf32>
      %get3A_212 = arith.constant 1280 : index
      %get3A_213 = tpu.vector_load %arg9[%get3A_212] {strides = array<i32>} : memref<2048xf32, #tpu.memory_space<vmem>>, vector<16xf32>,
      %add3A_214 = arith.addf %add3A_211, %get3A_213 : vector<16xf32>
      %get3A_215 = arith.constant 1408 : index
      %get3A_216 = tpu.vector_load %arg9[%get3A_215] {strides = array<i32>} : memref<2048xf32, #tpu.memory_space<vmem>>, vector<16xf32>,
      %add3A_217 = arith.addf %add3A_214, %get3A_216 : vector<16xf32>
      %get3A_218 = arith.constant 1536 : index
      %get3A_219 = tpu.vector_load %arg9[%get3A_218] {strides = array<i32>} : memref<2048xf32, #tpu.memory_space<vmem>>, vector<16xf32>,
      %add3A_220 = arith.addf %add3A_217, %get3A_219 : vector<16xf32>
      %get3A_221 = arith.constant 1664 : index
      %get3A_222 = tpu.vector_load %arg9[%get3A_221] {strides = array<i32>} : memref<2048xf32, #tpu.memory_space<vmem>>, vector<16xf32>,
      %add3A_223 = arith.addf %add3A_220, %get3A_222 : vector<16xf32>
      %get3A_224 = arith.constant 1792 : index
      %get3A_225 = tpu.vector_load %arg9[%get3A_224] {strides = array<i32>} : memref<2048xf32, #tpu.memory_space<vmem>>, vector<16xf32>,
      %add3A_226 = arith.addf %add3A_223, %get3A_225 : vector<16xf32>
      %get3A_227 = arith.constant 1920 : index
      %get3A_228 = tpu.vector_load %arg9[%get3A_227] {strides = array<i32>} : memref<2048xf32, #tpu.memory_space<vmem>>, vector<16xf32>,
      %add3A_229 = arith.addf %add3A_226, %get3A_228 : vector<16xf32>
      %swap3A_230 = arith.constant 0 : index
      %swap3A_231 = tpu.vector_load %arg10[%swap3A_230] {strides = array<i32>} : memref<128xf32, #tpu.memory_space<vmem>>, vector<16xf32>,
      tpu.vector_store %arg10[%swap3A_230], %add3A_229 {strides = array<i32>} : memref<128xf32, #tpu.memory_space<vmem>>, vector<16xf32>,
      %get3A_232 = arith.constant 16 : index
      %get3A_233 = tpu.vector_load %arg9[%get3A_232] {strides = array<i32>} : memref<2048xf32, #tpu.memory_space<vmem>>, vector<16xf32>,
      %add3A_234 = arith.addf %broadcast_in_dim3A_3, %get3A_233 : vector<16xf32>
      %get3A_235 = arith.constant 144 : index
      %get3A_236 = tpu.vector_load %arg9[%get3A_235] {strides = array<i32>} : memref<2048xf32, #tpu.memory_space<vmem>>, vector<16xf32>,
      %add3A_237 = arith.addf %add3A_234, %get3A_236 : vector<16xf32>
      %get3A_238 = arith.constant 272 : index
      %get3A_239 = tpu.vector_load %arg9[%get3A_238] {strides = array<i32>} : memref<2048xf32, #tpu.memory_space<vmem>>, vector<16xf32>,
      %add3A_240 = arith.addf %add3A_237, %get3A_239 : vector<16xf32>
      %get3A_241 = arith.constant 400 : index
      %get3A_242 = tpu.vector_load %arg9[%get3A_241] {strides = array<i32>} : memref<2048xf32, #tpu.memory_space<vmem>>, vector<16xf32>,
      %add3A_243 = arith.addf %add3A_240, %get3A_242 : vector<16xf32>
      %get3A_244 = arith.constant 528 : index
      %get3A_245 = tpu.vector_load %arg9[%get3A_244] {strides = array<i32>} : memref<2048xf32, #tpu.memory_space<vmem>>, vector<16xf32>,
      %add3A_246 = arith.addf %add3A_243, %get3A_245 : vector<16xf32>
      %get3A_247 = arith.constant 656 : index
      %get3A_248 = tpu.vector_load %arg9[%get3A_247] {strides = array<i32>} : memref<2048xf32, #tpu.memory_space<vmem>>, vector<16xf32>,
      %add3A_249 = arith.addf %add3A_246, %get3A_248 : vector<16xf32>
      %get3A_250 = arith.constant 784 : index
      %get3A_251 = tpu.vector_load %arg9[%get3A_250] {strides = array<i32>} : memref<2048xf32, #tpu.memory_space<vmem>>, vector<16xf32>,
      %add3A_252 = arith.addf %add3A_249, %get3A_251 : vector<16xf32>
      %get3A_253 = arith.constant 912 : index
      %get3A_254 = tpu.vector_load %arg9[%get3A_253] {strides = array<i32>} : memref<2048xf32, #tpu.memory_space<vmem>>, vector<16xf32>,
      %add3A_255 = arith.addf %add3A_252, %get3A_254 : vector<16xf32>
      %get3A_256 = arith.constant 1040 : index
      %get3A_257 = tpu.vector_load %arg9[%get3A_256] {strides = array<i32>} : memref<2048xf32, #tpu.memory_space<vmem>>, vector<16xf32>,
      %add3A_258 = arith.addf %add3A_255, %get3A_257 : vector<16xf32>
      %get3A_259 = arith.constant 1168 : index
      %get3A_260 = tpu.vector_load %arg9[%get3A_259] {strides = array<i32>} : memref<2048xf32, #tpu.memory_space<vmem>>, vector<16xf32>,
      %add3A_261 = arith.addf %add3A_258, %get3A_260 : vector<16xf32>
      %get3A_262 = arith.constant 1296 : index
      %get3A_263 = tpu.vector_load %arg9[%get3A_262] {strides = array<i32>} : memref<2048xf32, #tpu.memory_space<vmem>>, vector<16xf32>,
      %add3A_264 = arith.addf %add3A_261, %get3A_263 : vector<16xf32>
      %get3A_265 = arith.constant 1424 : index
      %get3A_266 = tpu.vector_load %arg9[%get3A_265] {strides = array<i32>} : memref<2048xf32, #tpu.memory_space<vmem>>, vector<16xf32>,
      %add3A_267 = arith.addf %add3A_264, %get3A_266 : vector<16xf32>
      %get3A_268 = arith.constant 1552 : index
      %get3A_269 = tpu.vector_load %arg9[%get3A_268] {strides = array<i32>} : memref<2048xf32, #tpu.memory_space<vmem>>, vector<16xf32>,
      %add3A_270 = arith.addf %add3A_267, %get3A_269 : vector<16xf32>
      %get3A_271 = arith.constant 1680 : index
      %get3A_272 = tpu.vector_load %arg9[%get3A_271] {strides = array<i32>} : memref<2048xf32, #tpu.memory_space<vmem>>, vector<16xf32>,
      %add3A_273 = arith.addf %add3A_270, %get3A_272 : vector<16xf32>
      %get3A_274 = arith.constant 1808 : index
      %get3A_275 = tpu.vector_load %arg9[%get3A_274] {strides = array<i32>} : memref<2048xf32, #tpu.memory_space<vmem>>, vector<16xf32>,
      %add3A_276 = arith.addf %add3A_273, %get3A_275 : vector<16xf32>
      %get3A_277 = arith.constant 1936 : index
      %get3A_278 = tpu.vector_load %arg9[%get3A_277] {strides = array<i32>} : memref<2048xf32, #tpu.memory_space<vmem>>, vector<16xf32>,
      %add3A_279 = arith.addf %add3A_276, %get3A_278 : vector<16xf32>
      %swap3A_280 = arith.constant 16 : index
      %swap3A_281 = tpu.vector_load %arg10[%swap3A_280] {strides = array<i32>} : memref<128xf32, #tpu.memory_space<vmem>>, vector<16xf32>,
      tpu.vector_store %arg10[%swap3A_280], %add3A_279 {strides = array<i32>} : memref<128xf32, #tpu.memory_space<vmem>>, vector<16xf32>,
      %get3A_282 = arith.constant 32 : index
      %get3A_283 = tpu.vector_load %arg9[%get3A_282] {strides = array<i32>} : memref<2048xf32, #tpu.memory_space<vmem>>, vector<16xf32>,
      %add3A_284 = arith.addf %broadcast_in_dim3A_3, %get3A_283 : vector<16xf32>
      %get3A_285 = arith.constant 160 : index
      %get3A_286 = tpu.vector_load %arg9[%get3A_285] {strides = array<i32>} : memref<2048xf32, #tpu.memory_space<vmem>>, vector<16xf32>,
      %add3A_287 = arith.addf %add3A_284, %get3A_286 : vector<16xf32>
      %get3A_288 = arith.constant 288 : index
      %get3A_289 = tpu.vector_load %arg9[%get3A_288] {strides = array<i32>} : memref<2048xf32, #tpu.memory_space<vmem>>, vector<16xf32>,
      %add3A_290 = arith.addf %add3A_287, %get3A_289 : vector<16xf32>
      %get3A_291 = arith.constant 416 : index
      %get3A_292 = tpu.vector_load %arg9[%get3A_291] {strides = array<i32>} : memref<2048xf32, #tpu.memory_space<vmem>>, vector<16xf32>,
      %add3A_293 = arith.addf %add3A_290, %get3A_292 : vector<16xf32>
      %get3A_294 = arith.constant 544 : index
      %get3A_295 = tpu.vector_load %arg9[%get3A_294] {strides = array<i32>} : memref<2048xf32, #tpu.memory_space<vmem>>, vector<16xf32>,
      %add3A_296 = arith.addf %add3A_293, %get3A_295 : vector<16xf32>
      %get3A_297 = arith.constant 672 : index
      %get3A_298 = tpu.vector_load %arg9[%get3A_297] {strides = array<i32>} : memref<2048xf32, #tpu.memory_space<vmem>>, vector<16xf32>,
      %add3A_299 = arith.addf %add3A_296, %get3A_298 : vector<16xf32>
      %get3A_300 = arith.constant 800 : index
      %get3A_301 = tpu.vector_load %arg9[%get3A_300] {strides = array<i32>} : memref<2048xf32, #tpu.memory_space<vmem>>, vector<16xf32>,
      %add3A_302 = arith.addf %add3A_299, %get3A_301 : vector<16xf32>
      %get3A_303 = arith.constant 928 : index
      %get3A_304 = tpu.vector_load %arg9[%get3A_303] {strides = array<i32>} : memref<2048xf32, #tpu.memory_space<vmem>>, vector<16xf32>,
      %add3A_305 = arith.addf %add3A_302, %get3A_304 : vector<16xf32>
      %get3A_306 = arith.constant 1056 : index
      %get3A_307 = tpu.vector_load %arg9[%get3A_306] {strides = array<i32>} : memref<2048xf32, #tpu.memory_space<vmem>>, vector<16xf32>,
      %add3A_308 = arith.addf %add3A_305, %get3A_307 : vector<16xf32>
      %get3A_309 = arith.constant 1184 : index
      %get3A_310 = tpu.vector_load %arg9[%get3A_309] {strides = array<i32>} : memref<2048xf32, #tpu.memory_space<vmem>>, vector<16xf32>,
      %add3A_311 = arith.addf %add3A_308, %get3A_310 : vector<16xf32>
      %get3A_312 = arith.constant 1312 : index
      %get3A_313 = tpu.vector_load %arg9[%get3A_312] {strides = array<i32>} : memref<2048xf32, #tpu.memory_space<vmem>>, vector<16xf32>,
      %add3A_314 = arith.addf %add3A_311, %get3A_313 : vector<16xf32>
      %get3A_315 = arith.constant 1440 : index
      %get3A_316 = tpu.vector_load %arg9[%get3A_315] {strides = array<i32>} : memref<2048xf32, #tpu.memory_space<vmem>>, vector<16xf32>,
      %add3A_317 = arith.addf %add3A_314, %get3A_316 : vector<16xf32>
      %get3A_318 = arith.constant 1568 : index
      %get3A_319 = tpu.vector_load %arg9[%get3A_318] {strides = array<i32>} : memref<2048xf32, #tpu.memory_space<vmem>>, vector<16xf32>,
      %add3A_320 = arith.addf %add3A_317, %get3A_319 : vector<16xf32>
      %get3A_321 = arith.constant 1696 : index
      %get3A_322 = tpu.vector_load %arg9[%get3A_321] {strides = array<i32>} : memref<2048xf32, #tpu.memory_space<vmem>>, vector<16xf32>,
      %add3A_323 = arith.addf %add3A_320, %get3A_322 : vector<16xf32>
      %get3A_324 = arith.constant 1824 : index
      %get3A_325 = tpu.vector_load %arg9[%get3A_324] {strides = array<i32>} : memref<2048xf32, #tpu.memory_space<vmem>>, vector<16xf32>,
      %add3A_326 = arith.addf %add3A_323, %get3A_325 : vector<16xf32>
      %get3A_327 = arith.constant 1952 : index
      %get3A_328 = tpu.vector_load %arg9[%get3A_327] {strides = array<i32>} : memref<2048xf32, #tpu.memory_space<vmem>>, vector<16xf32>,
      %add3A_329 = arith.addf %add3A_326, %get3A_328 : vector<16xf32>
      %swap3A_330 = arith.constant 32 : index
      %swap3A_331 = tpu.vector_load %arg10[%swap3A_330] {strides = array<i32>} : memref<128xf32, #tpu.memory_space<vmem>>, vector<16xf32>,
      tpu.vector_store %arg10[%swap3A_330], %add3A_329 {strides = array<i32>} : memref<128xf32, #tpu.memory_space<vmem>>, vector<16xf32>,
      %mul3A_332 = arith.constant 128 : i32
      %mul3A_333 = arith.muli %arg0, %mul3A_332 : i32
      "tpu.region"() ({
        %run_scoped3A = tpu.sem_alloc : memref<!tpu.dma_semaphore, #tpu.memory_space<semaphore_mem>>
        %dma_start3A_334 = tpu.memref_slice %arg4[%mul3A_333] : memref<256xf32, #tpu.memory_space<hbm>> -> memref<128xf32, #tpu.memory_space<hbm>>
        %dma_start3A_335 = tpu.memref_slice %arg4[%mul3A_333] : memref<256xf32, #tpu.memory_space<hbm>> -> memref<128xf32, #tpu.memory_space<hbm>>
        tpu.enqueue_dma source(%arg10 : memref<128xf32, #tpu.memory_space<vmem>>) target(%dma_start3A_335 : memref<128xf32, #tpu.memory_space<hbm>>) target_semaphore(%run_scoped3A : memref<!tpu.dma_semaphore, #tpu.memory_space<semaphore_mem>>)
        %dma_wait3A_336 = tpu.memref_slice %arg4[%mul3A_333] : memref<256xf32, #tpu.memory_space<hbm>> -> memref<128xf32, #tpu.memory_space<hbm>>
        %dma_wait3A_337 = tpu.memref_slice %arg4[%mul3A_333] : memref<256xf32, #tpu.memory_space<hbm>> -> memref<128xf32, #tpu.memory_space<hbm>>
        tpu.wait_dma2 semaphore(%run_scoped3A : memref<!tpu.dma_semaphore, #tpu.memory_space<semaphore_mem>>) src(%arg10 : memref<128xf32, #tpu.memory_space<vmem>>) dst(%dma_wait3A_337 : memref<128xf32, #tpu.memory_space<hbm>>)
        tpu.yield
      }) : () -> ()
    } else {
    }
    return
  }
}

#map = affine_map<(d0, d1) -> (0, 0)>
#map1 = affine_map<(d0, d1) -> (0)>
module attributes {stable_mosaic.version = 14 : i64} {
  func.func @_k1(%arg0: i32, %arg1: i32, %arg2: memref<8192x512xf32, #tpu.memory_space<hbm>>, %arg3: memref<8192x512xf32, #tpu.memory_space<hbm>>, %arg4: memref<2048xf32, #tpu.memory_space<hbm>>, %arg5: memref<2048xf32, #tpu.memory_space<hbm>>, %arg6: memref<256xf32, #tpu.memory_space<hbm>>, %arg7: memref<32x512xf32, #tpu.memory_space<vmem>>, %arg8: memref<32x512xf32, #tpu.memory_space<vmem>>, %arg9: memref<32x512xf32, #tpu.memory_space<vmem>>, %arg10: memref<32x512xf32, #tpu.memory_space<vmem>>, %arg11: memref<1024xf32, #tpu.memory_space<vmem>>, %arg12: memref<1024xf32, #tpu.memory_space<vmem>>, %arg13: memref<64xf32, #tpu.memory_space<vmem>>, %arg14: memref<64xf32, #tpu.memory_space<vmem>>, %arg15: memref<2048xf32, #tpu.memory_space<vmem>>, %arg16: memref<128xf32, #tpu.memory_space<vmem>>, %arg17: memref<16384xf32, #tpu.memory_space<vmem_shared>>, %arg18: memref<16384xf32, #tpu.memory_space<vmem_shared>>, %arg19: memref<1024xf32, #tpu.memory_space<vmem_shared>>, %arg20: memref<1024xf32, #tpu.memory_space<vmem_shared>>, %arg21: memref<2048xf32, #tpu.memory_space<vmem_shared>>, %arg22: memref<!tpu.dma_semaphore, #tpu.memory_space<semaphore_mem>>, %arg23: memref<!tpu.dma_semaphore, #tpu.memory_space<semaphore_mem>>, %arg24: memref<!tpu.dma_semaphore, #tpu.memory_space<semaphore_mem>>, %arg25: memref<!tpu.dma_semaphore, #tpu.memory_space<semaphore_mem>>) attributes {dimension_semantics = [#tpu.dimension_semantics<core_parallel>, #tpu.dimension_semantics<subcore_parallel>], iteration_bounds = array<i64: 2, 16>, scalar_prefetch = 0 : i64, scratch_operands = 19 : i64, tpu.core_type = #tpu.core_type<sc_vector_subcore>, window_params = [{transform_indices = #map}, {transform_indices = #map}, {transform_indices = #map1}, {transform_indices = #map1}, {transform_indices = #map1}]} {
    %mul3A = arith.constant 16 : i32
    %mul3A_0 = arith.muli %arg0, %mul3A : i32
    %add3A = arith.addi %mul3A_0, %arg1 : i32
    %mul3A_1 = arith.constant 256 : i32
    %mul3A_2 = arith.muli %add3A, %mul3A_1 : i32
    %broadcast_in_dim3A = arith.constant 0.000000e+00 : f32
    %broadcast_in_dim3A_3 = vector.broadcast %broadcast_in_dim3A : f32 to vector<16xf32>
    %broadcast_in_dim3A_4 = arith.constant 1.000000e+00 : f32
    %broadcast_in_dim3A_5 = vector.broadcast %broadcast_in_dim3A_4 : f32 to vector<16xf32>
    %scan3A = arith.constant 0 : i32
    %scan3A_6 = arith.constant 0 : i32
    %scan3A_7 = arith.constant 64 : i32
    %scan3A_8 = arith.addi %scan3A_6, %scan3A_7 : i32
    %scan3A_9 = arith.constant 1 : i32
    %scan3A_10 = scf.for %scan3A_223 = %scan3A_6 to %scan3A_8 step %scan3A_9 iter_args(%scan3A_224 = %scan3A) -> (i32)  : i32 {
      %mul3A_225 = arith.constant 16 : i32
      %mul3A_226 = arith.muli %scan3A_223, %mul3A_225 : i32
      %multiple_of3A = tpu.assume_multiple %mul3A_226, 16 : i32
      %swap3A_227 = arith.index_cast %multiple_of3A : i32 to index
      %swap3A_228 = tpu.vector_load %arg11[%swap3A_227] {strides = array<i32>} : memref<1024xf32, #tpu.memory_space<vmem>>, vector<16xf32>,
      tpu.vector_store %arg11[%swap3A_227], %broadcast_in_dim3A_3 {strides = array<i32>} : memref<1024xf32, #tpu.memory_space<vmem>>, vector<16xf32>,
      %swap3A_229 = arith.index_cast %multiple_of3A : i32 to index
      %swap3A_230 = tpu.vector_load %arg12[%swap3A_229] {strides = array<i32>} : memref<1024xf32, #tpu.memory_space<vmem>>, vector<16xf32>,
      tpu.vector_store %arg12[%swap3A_229], %broadcast_in_dim3A_3 {strides = array<i32>} : memref<1024xf32, #tpu.memory_space<vmem>>, vector<16xf32>,
      %scan3A_231 = arith.constant 0 : i32
      scf.yield %scan3A_231 : i32
    }
    %scan3A_11 = arith.constant 64 : i32
    %add3A_12 = arith.constant 0 : i32
    %add3A_13 = arith.addi %mul3A_2, %add3A_12 : i32
    %dma_start3A = arith.constant 0 : i32
    %dma_start3A_14 = tpu.memref_slice %arg2[%add3A_13, %dma_start3A] : memref<8192x512xf32, #tpu.memory_space<hbm>> -> memref<32x512xf32, #tpu.memory_space<hbm>>
    %dma_start3A_15 = arith.constant 0 : i32
    %dma_start3A_16 = tpu.memref_slice %arg2[%add3A_13, %dma_start3A_15] : memref<8192x512xf32, #tpu.memory_space<hbm>> -> memref<32x512xf32, #tpu.memory_space<hbm>>
    tpu.enqueue_dma source(%dma_start3A_16 : memref<32x512xf32, #tpu.memory_space<hbm>>) target(%arg7 : memref<32x512xf32, #tpu.memory_space<vmem>>) target_semaphore(%arg22 : memref<!tpu.dma_semaphore, #tpu.memory_space<semaphore_mem>>)
    %dma_start3A_17 = arith.constant 0 : i32
    %dma_start3A_18 = tpu.memref_slice %arg3[%add3A_13, %dma_start3A_17] : memref<8192x512xf32, #tpu.memory_space<hbm>> -> memref<32x512xf32, #tpu.memory_space<hbm>>
    %dma_start3A_19 = arith.constant 0 : i32
    %dma_start3A_20 = tpu.memref_slice %arg3[%add3A_13, %dma_start3A_19] : memref<8192x512xf32, #tpu.memory_space<hbm>> -> memref<32x512xf32, #tpu.memory_space<hbm>>
    tpu.enqueue_dma source(%dma_start3A_20 : memref<32x512xf32, #tpu.memory_space<hbm>>) target(%arg8 : memref<32x512xf32, #tpu.memory_space<vmem>>) target_semaphore(%arg23 : memref<!tpu.dma_semaphore, #tpu.memory_space<semaphore_mem>>)
    %add3A_21 = arith.constant 32 : i32
    %add3A_22 = arith.addi %mul3A_2, %add3A_21 : i32
    %dma_start3A_23 = arith.constant 0 : i32
    %dma_start3A_24 = tpu.memref_slice %arg2[%add3A_22, %dma_start3A_23] : memref<8192x512xf32, #tpu.memory_space<hbm>> -> memref<32x512xf32, #tpu.memory_space<hbm>>
    %dma_start3A_25 = arith.constant 0 : i32
    %dma_start3A_26 = tpu.memref_slice %arg2[%add3A_22, %dma_start3A_25] : memref<8192x512xf32, #tpu.memory_space<hbm>> -> memref<32x512xf32, #tpu.memory_space<hbm>>
    tpu.enqueue_dma source(%dma_start3A_26 : memref<32x512xf32, #tpu.memory_space<hbm>>) target(%arg9 : memref<32x512xf32, #tpu.memory_space<vmem>>) target_semaphore(%arg24 : memref<!tpu.dma_semaphore, #tpu.memory_space<semaphore_mem>>)
    %dma_start3A_27 = arith.constant 0 : i32
    %dma_start3A_28 = tpu.memref_slice %arg3[%add3A_22, %dma_start3A_27] : memref<8192x512xf32, #tpu.memory_space<hbm>> -> memref<32x512xf32, #tpu.memory_space<hbm>>
    %dma_start3A_29 = arith.constant 0 : i32
    %dma_start3A_30 = tpu.memref_slice %arg3[%add3A_22, %dma_start3A_29] : memref<8192x512xf32, #tpu.memory_space<hbm>> -> memref<32x512xf32, #tpu.memory_space<hbm>>
    tpu.enqueue_dma source(%dma_start3A_30 : memref<32x512xf32, #tpu.memory_space<hbm>>) target(%arg10 : memref<32x512xf32, #tpu.memory_space<vmem>>) target_semaphore(%arg25 : memref<!tpu.dma_semaphore, #tpu.memory_space<semaphore_mem>>)
    %scan3A_31 = arith.constant 0 : i32
    %scan3A_32 = arith.constant 4 : i32
    %scan3A_33 = arith.addi %scan3A_31, %scan3A_32 : i32
    %scan3A_34 = arith.constant 1 : i32
    %scan3A_35:3 = scf.for %scan3A_223 = %scan3A_31 to %scan3A_33 step %scan3A_34 iter_args(%scan3A_224 = %broadcast_in_dim3A_3, %scan3A_225 = %broadcast_in_dim3A_3, %scan3A_226 = %broadcast_in_dim3A_3) -> (vector<16xf32>, vector<16xf32>, vector<16xf32>)  : i32 {
      %dma_wait3A_227 = arith.constant 0 : i32
      %dma_wait3A_228 = arith.constant 0 : i32
      %dma_wait3A_229 = tpu.memref_slice %arg2[%dma_wait3A_227, %dma_wait3A_228] : memref<8192x512xf32, #tpu.memory_space<hbm>> -> memref<32x512xf32, #tpu.memory_space<hbm>>
      %dma_wait3A_230 = arith.constant 0 : i32
      %dma_wait3A_231 = arith.constant 0 : i32
      %dma_wait3A_232 = tpu.memref_slice %arg2[%dma_wait3A_230, %dma_wait3A_231] : memref<8192x512xf32, #tpu.memory_space<hbm>> -> memref<32x512xf32, #tpu.memory_space<hbm>>
      tpu.wait_dma2 semaphore(%arg22 : memref<!tpu.dma_semaphore, #tpu.memory_space<semaphore_mem>>) src(%dma_wait3A_232 : memref<32x512xf32, #tpu.memory_space<hbm>>) dst(%arg7 : memref<32x512xf32, #tpu.memory_space<vmem>>)
      %dma_wait3A_233 = arith.constant 0 : i32
      %dma_wait3A_234 = arith.constant 0 : i32
      %dma_wait3A_235 = tpu.memref_slice %arg3[%dma_wait3A_233, %dma_wait3A_234] : memref<8192x512xf32, #tpu.memory_space<hbm>> -> memref<32x512xf32, #tpu.memory_space<hbm>>
      %dma_wait3A_236 = arith.constant 0 : i32
      %dma_wait3A_237 = arith.constant 0 : i32
      %dma_wait3A_238 = tpu.memref_slice %arg3[%dma_wait3A_236, %dma_wait3A_237] : memref<8192x512xf32, #tpu.memory_space<hbm>> -> memref<32x512xf32, #tpu.memory_space<hbm>>
      tpu.wait_dma2 semaphore(%arg23 : memref<!tpu.dma_semaphore, #tpu.memory_space<semaphore_mem>>) src(%dma_wait3A_238 : memref<32x512xf32, #tpu.memory_space<hbm>>) dst(%arg8 : memref<32x512xf32, #tpu.memory_space<vmem>>)
      %parallel_loop3A = arith.constant 0 : i32
      %parallel_loop3A_239 = arith.constant 1024 : i32
      %parallel_loop3A_240 = arith.constant 1 : i32
      %parallel_loop3A_241:3 = scf.for %parallel_loop3A_291 = %parallel_loop3A to %parallel_loop3A_239 step %parallel_loop3A_240 iter_args(%parallel_loop3A_292 = %scan3A_224, %parallel_loop3A_293 = %scan3A_225, %parallel_loop3A_294 = %scan3A_226) -> (vector<16xf32>, vector<16xf32>, vector<16xf32>)  : i32 {
        %parallel_loop3A_295 = arith.constant 5 : i32
        %parallel_loop3A_296 = arith.shrsi %parallel_loop3A_291, %parallel_loop3A_295 : i32
        %parallel_loop3A_297 = arith.constant 31 : i32
        %parallel_loop3A_298 = arith.andi %parallel_loop3A_291, %parallel_loop3A_297 : i32
        %parallel_loop3A_299 = arith.constant 16 : i32
        %parallel_loop3A_300 = arith.muli %parallel_loop3A_298, %parallel_loop3A_299 : i32
        %parallel_loop3A_301 = tpu.assume_multiple %parallel_loop3A_300, 16 : i32
        %parallel_loop3A_302 = arith.index_cast %parallel_loop3A_296 : i32 to index
        %parallel_loop3A_303 = arith.index_cast %parallel_loop3A_301 : i32 to index
        %parallel_loop3A_304 = tpu.vector_load %arg7[%parallel_loop3A_302, %parallel_loop3A_303] {strides = array<i32>} : memref<32x512xf32, #tpu.memory_space<vmem>>, vector<16xf32>,
        %parallel_loop3A_305 = arith.index_cast %parallel_loop3A_296 : i32 to index
        %parallel_loop3A_306 = arith.index_cast %parallel_loop3A_301 : i32 to index
        %parallel_loop3A_307 = tpu.vector_load %arg8[%parallel_loop3A_305, %parallel_loop3A_306] {strides = array<i32>} : memref<32x512xf32, #tpu.memory_space<vmem>>, vector<16xf32>,
        %parallel_loop3A_308 = arith.constant 1.000000e-07 : f32
        %parallel_loop3A_309 = vector.broadcast %parallel_loop3A_308 : f32 to vector<16xf32>
        %parallel_loop3A_310 = arith.maximumf %parallel_loop3A_304, %parallel_loop3A_309 : vector<16xf32>
        %parallel_loop3A_311 = arith.constant 1.000000e+00 : f32
        %parallel_loop3A_312 = arith.constant 1.000000e-07 : f32
        %parallel_loop3A_313 = arith.subf %parallel_loop3A_311, %parallel_loop3A_312 : f32
        %parallel_loop3A_314 = vector.broadcast %parallel_loop3A_313 : f32 to vector<16xf32>
        %parallel_loop3A_315 = arith.minimumf %parallel_loop3A_310, %parallel_loop3A_314 : vector<16xf32>
        %parallel_loop3A_316 = arith.constant 5.000000e-01 : f32
        %parallel_loop3A_317 = vector.broadcast %parallel_loop3A_316 : f32 to vector<16xf32>
        %parallel_loop3A_318 = arith.cmpf ogt, %parallel_loop3A_307, %parallel_loop3A_317 : vector<16xf32>
        %parallel_loop3A_319 = arith.constant 1.000000e+00 : f32
        %parallel_loop3A_320 = vector.broadcast %parallel_loop3A_319 : f32 to vector<16xf32>
        %parallel_loop3A_321 = arith.subf %parallel_loop3A_320, %parallel_loop3A_315 : vector<16xf32>
        %parallel_loop3A_322 = arith.select %parallel_loop3A_318, %parallel_loop3A_315, %parallel_loop3A_321 : vector<16xi1>, vector<16xf32>
        %parallel_loop3A_323 = tpu.bitcast %parallel_loop3A_322 : vector<16xf32> -> vector<16xi32>
        %parallel_loop3A_324 = arith.constant 23 : i32
        %parallel_loop3A_325 = vector.broadcast %parallel_loop3A_324 : i32 to vector<16xi32>
        %parallel_loop3A_326 = arith.shrsi %parallel_loop3A_323, %parallel_loop3A_325 : vector<16xi32>
        %parallel_loop3A_327 = arith.constant 127 : i32
        %parallel_loop3A_328 = vector.broadcast %parallel_loop3A_327 : i32 to vector<16xi32>
        %parallel_loop3A_329 = arith.subi %parallel_loop3A_326, %parallel_loop3A_328 : vector<16xi32>
        %parallel_loop3A_330 = arith.constant 8388607 : i32
        %parallel_loop3A_331 = vector.broadcast %parallel_loop3A_330 : i32 to vector<16xi32>
        %parallel_loop3A_332 = arith.andi %parallel_loop3A_323, %parallel_loop3A_331 : vector<16xi32>
        %parallel_loop3A_333 = arith.constant 1065353216 : i32
        %parallel_loop3A_334 = vector.broadcast %parallel_loop3A_333 : i32 to vector<16xi32>
        %parallel_loop3A_335 = arith.ori %parallel_loop3A_332, %parallel_loop3A_334 : vector<16xi32>
        %parallel_loop3A_336 = tpu.bitcast %parallel_loop3A_335 : vector<16xi32> -> vector<16xf32>
        %parallel_loop3A_337 = arith.sitofp %parallel_loop3A_329 : vector<16xi32> to vector<16xf32>
        %parallel_loop3A_338 = arith.constant 1.41421354 : f32
        %parallel_loop3A_339 = vector.broadcast %parallel_loop3A_338 : f32 to vector<16xf32>
        %parallel_loop3A_340 = arith.cmpf ogt, %parallel_loop3A_336, %parallel_loop3A_339 : vector<16xf32>
        %parallel_loop3A_341 = arith.constant 5.000000e-01 : f32
        %parallel_loop3A_342 = vector.broadcast %parallel_loop3A_341 : f32 to vector<16xf32>
        %parallel_loop3A_343 = arith.mulf %parallel_loop3A_336, %parallel_loop3A_342 : vector<16xf32>
        %parallel_loop3A_344 = arith.select %parallel_loop3A_340, %parallel_loop3A_343, %parallel_loop3A_336 : vector<16xi1>, vector<16xf32>
        %parallel_loop3A_345 = arith.constant 1.000000e+00 : f32
        %parallel_loop3A_346 = arith.constant 0.000000e+00 : f32
        %parallel_loop3A_347 = vector.broadcast %parallel_loop3A_345 : f32 to vector<16xf32>
        %parallel_loop3A_348 = vector.broadcast %parallel_loop3A_346 : f32 to vector<16xf32>
        %parallel_loop3A_349 = arith.select %parallel_loop3A_340, %parallel_loop3A_347, %parallel_loop3A_348 : vector<16xi1>, vector<16xf32>
        %parallel_loop3A_350 = arith.addf %parallel_loop3A_337, %parallel_loop3A_349 : vector<16xf32>
        %parallel_loop3A_351 = arith.constant 1.000000e+00 : f32
        %parallel_loop3A_352 = vector.broadcast %parallel_loop3A_351 : f32 to vector<16xf32>
        %parallel_loop3A_353 = arith.subf %parallel_loop3A_344, %parallel_loop3A_352 : vector<16xf32>
        %parallel_loop3A_354 = arith.constant 0.115897045 : f32
        %parallel_loop3A_355 = vector.broadcast %parallel_loop3A_354 : f32 to vector<16xf32>
        %parallel_loop3A_356 = arith.mulf %parallel_loop3A_355, %parallel_loop3A_353 : vector<16xf32>
        %parallel_loop3A_357 = arith.constant -0.188526541 : f32
        %parallel_loop3A_358 = vector.broadcast %parallel_loop3A_357 : f32 to vector<16xf32>
        %parallel_loop3A_359 = arith.addf %parallel_loop3A_356, %parallel_loop3A_358 : vector<16xf32>
        %parallel_loop3A_360 = arith.mulf %parallel_loop3A_359, %parallel_loop3A_353 : vector<16xf32>
        %parallel_loop3A_361 = arith.constant 0.206553772 : f32
        %parallel_loop3A_362 = vector.broadcast %parallel_loop3A_361 : f32 to vector<16xf32>
        %parallel_loop3A_363 = arith.addf %parallel_loop3A_360, %parallel_loop3A_362 : vector<16xf32>
        %parallel_loop3A_364 = arith.mulf %parallel_loop3A_363, %parallel_loop3A_353 : vector<16xf32>
        %parallel_loop3A_365 = arith.constant -0.248863563 : f32
        %parallel_loop3A_366 = vector.broadcast %parallel_loop3A_365 : f32 to vector<16xf32>
        %parallel_loop3A_367 = arith.addf %parallel_loop3A_364, %parallel_loop3A_366 : vector<16xf32>
        %parallel_loop3A_368 = arith.mulf %parallel_loop3A_367, %parallel_loop3A_353 : vector<16xf32>
        %parallel_loop3A_369 = arith.constant 0.332995921 : f32
        %parallel_loop3A_370 = vector.broadcast %parallel_loop3A_369 : f32 to vector<16xf32>
        %parallel_loop3A_371 = arith.addf %parallel_loop3A_368, %parallel_loop3A_370 : vector<16xf32>
        %parallel_loop3A_372 = arith.mulf %parallel_loop3A_371, %parallel_loop3A_353 : vector<16xf32>
        %parallel_loop3A_373 = arith.constant -0.500019908 : f32
        %parallel_loop3A_374 = vector.broadcast %parallel_loop3A_373 : f32 to vector<16xf32>
        %parallel_loop3A_375 = arith.addf %parallel_loop3A_372, %parallel_loop3A_374 : vector<16xf32>
        %parallel_loop3A_376 = arith.mulf %parallel_loop3A_375, %parallel_loop3A_353 : vector<16xf32>
        %parallel_loop3A_377 = arith.constant 1.00000405 : f32
        %parallel_loop3A_378 = vector.broadcast %parallel_loop3A_377 : f32 to vector<16xf32>
        %parallel_loop3A_379 = arith.addf %parallel_loop3A_376, %parallel_loop3A_378 : vector<16xf32>
        %parallel_loop3A_380 = arith.mulf %parallel_loop3A_379, %parallel_loop3A_353 : vector<16xf32>
        %parallel_loop3A_381 = arith.constant 6.43456488E-8 : f32
        %parallel_loop3A_382 = vector.broadcast %parallel_loop3A_381 : f32 to vector<16xf32>
        %parallel_loop3A_383 = arith.addf %parallel_loop3A_380, %parallel_loop3A_382 : vector<16xf32>
        %parallel_loop3A_384 = arith.constant 0.693147182 : f32
        %parallel_loop3A_385 = vector.broadcast %parallel_loop3A_384 : f32 to vector<16xf32>
        %parallel_loop3A_386 = arith.mulf %parallel_loop3A_350, %parallel_loop3A_385 : vector<16xf32>
        %parallel_loop3A_387 = arith.addf %parallel_loop3A_386, %parallel_loop3A_383 : vector<16xf32>
        %parallel_loop3A_388 = arith.constant 0.000000e+00 : f32
        %parallel_loop3A_389 = vector.broadcast %parallel_loop3A_388 : f32 to vector<16xf32>
        %parallel_loop3A_390 = arith.subf %parallel_loop3A_389, %parallel_loop3A_387 : vector<16xf32>
        %parallel_loop3A_391 = arith.addf %parallel_loop3A_294, %parallel_loop3A_390 : vector<16xf32>
        %parallel_loop3A_392 = arith.addf %parallel_loop3A_292, %parallel_loop3A_307 : vector<16xf32>
        %parallel_loop3A_393 = arith.constant 0.000000e+00 : f32
        %parallel_loop3A_394 = vector.broadcast %parallel_loop3A_393 : f32 to vector<16xf32>
        %parallel_loop3A_395 = arith.select %parallel_loop3A_318, %parallel_loop3A_390, %parallel_loop3A_394 : vector<16xi1>, vector<16xf32>
        %parallel_loop3A_396 = arith.addf %parallel_loop3A_293, %parallel_loop3A_395 : vector<16xf32>
        %parallel_loop3A_397 = arith.constant 63.209877 : f32
        %parallel_loop3A_398 = vector.broadcast %parallel_loop3A_397 : f32 to vector<16xf32>
        %parallel_loop3A_399 = arith.mulf %parallel_loop3A_390, %parallel_loop3A_398 : vector<16xf32>
        %parallel_loop3A_400 = arith.fptosi %parallel_loop3A_399 : vector<16xf32> to vector<16xi32>
        %parallel_loop3A_401 = arith.constant 1023 : i32
        %parallel_loop3A_402 = vector.broadcast %parallel_loop3A_401 : i32 to vector<16xi32>
        %parallel_loop3A_403 = arith.minsi %parallel_loop3A_400, %parallel_loop3A_402 : vector<16xi32>
        %parallel_loop3A_404 = arith.constant dense<true> : vector<16xi1>
        %parallel_loop3A_405 = arith.xori %parallel_loop3A_318, %parallel_loop3A_404 : vector<16xi1>
        tpu.vector_store_idx %arg11[%parallel_loop3A_403], %broadcast_in_dim3A_5 masked %parallel_loop3A_405 {add = true} : memref<1024xf32, #tpu.memory_space<vmem>>[vector<16xi32>], vector<16xf32>, vector<16xi1>
        tpu.vector_store_idx %arg12[%parallel_loop3A_403], %parallel_loop3A_390 masked %parallel_loop3A_405 {add = true} : memref<1024xf32, #tpu.memory_space<vmem>>[vector<16xi32>], vector<16xf32>, vector<16xi1>
        scf.yield %parallel_loop3A_392, %parallel_loop3A_396, %parallel_loop3A_391 : vector<16xf32>, vector<16xf32>, vector<16xf32>
      } {sc.loop_unroll_factor = 4 : i64, sc.parallel_access}
      %mul3A_242 = arith.constant 2 : i32
      %mul3A_243 = arith.muli %mul3A_242, %scan3A_223 : i32
      %add3A_244 = arith.constant 2 : i32
      %add3A_245 = arith.addi %mul3A_243, %add3A_244 : i32
      %min3A = arith.constant 7 : i32
      %min3A_246 = arith.minsi %add3A_245, %min3A : i32
      %mul3A_247 = arith.constant 32 : i32
      %mul3A_248 = arith.muli %min3A_246, %mul3A_247 : i32
      %add3A_249 = arith.addi %mul3A_2, %mul3A_248 : i32
      %dma_start3A_250 = arith.constant 0 : i32
      %dma_start3A_251 = tpu.memref_slice %arg2[%add3A_249, %dma_start3A_250] : memref<8192x512xf32, #tpu.memory_space<hbm>> -> memref<32x512xf32, #tpu.memory_space<hbm>>
      %dma_start3A_252 = arith.constant 0 : i32
      %dma_start3A_253 = tpu.memref_slice %arg2[%add3A_249, %dma_start3A_252] : memref<8192x512xf32, #tpu.memory_space<hbm>> -> memref<32x512xf32, #tpu.memory_space<hbm>>
      tpu.enqueue_dma source(%dma_start3A_253 : memref<32x512xf32, #tpu.memory_space<hbm>>) target(%arg7 : memref<32x512xf32, #tpu.memory_space<vmem>>) target_semaphore(%arg22 : memref<!tpu.dma_semaphore, #tpu.memory_space<semaphore_mem>>)
      %dma_start3A_254 = arith.constant 0 : i32
      %dma_start3A_255 = tpu.memref_slice %arg3[%add3A_249, %dma_start3A_254] : memref<8192x512xf32, #tpu.memory_space<hbm>> -> memref<32x512xf32, #tpu.memory_space<hbm>>
      %dma_start3A_256 = arith.constant 0 : i32
      %dma_start3A_257 = tpu.memref_slice %arg3[%add3A_249, %dma_start3A_256] : memref<8192x512xf32, #tpu.memory_space<hbm>> -> memref<32x512xf32, #tpu.memory_space<hbm>>
      tpu.enqueue_dma source(%dma_start3A_257 : memref<32x512xf32, #tpu.memory_space<hbm>>) target(%arg8 : memref<32x512xf32, #tpu.memory_space<vmem>>) target_semaphore(%arg23 : memref<!tpu.dma_semaphore, #tpu.memory_space<semaphore_mem>>)
      %dma_wait3A_258 = arith.constant 0 : i32
      %dma_wait3A_259 = arith.constant 0 : i32
      %dma_wait3A_260 = tpu.memref_slice %arg2[%dma_wait3A_258, %dma_wait3A_259] : memref<8192x512xf32, #tpu.memory_space<hbm>> -> memref<32x512xf32, #tpu.memory_space<hbm>>
      %dma_wait3A_261 = arith.constant 0 : i32
      %dma_wait3A_262 = arith.constant 0 : i32
      %dma_wait3A_263 = tpu.memref_slice %arg2[%dma_wait3A_261, %dma_wait3A_262] : memref<8192x512xf32, #tpu.memory_space<hbm>> -> memref<32x512xf32, #tpu.memory_space<hbm>>
      tpu.wait_dma2 semaphore(%arg24 : memref<!tpu.dma_semaphore, #tpu.memory_space<semaphore_mem>>) src(%dma_wait3A_263 : memref<32x512xf32, #tpu.memory_space<hbm>>) dst(%arg9 : memref<32x512xf32, #tpu.memory_space<vmem>>)
      %dma_wait3A_264 = arith.constant 0 : i32
      %dma_wait3A_265 = arith.constant 0 : i32
      %dma_wait3A_266 = tpu.memref_slice %arg3[%dma_wait3A_264, %dma_wait3A_265] : memref<8192x512xf32, #tpu.memory_space<hbm>> -> memref<32x512xf32, #tpu.memory_space<hbm>>
      %dma_wait3A_267 = arith.constant 0 : i32
      %dma_wait3A_268 = arith.constant 0 : i32
      %dma_wait3A_269 = tpu.memref_slice %arg3[%dma_wait3A_267, %dma_wait3A_268] : memref<8192x512xf32, #tpu.memory_space<hbm>> -> memref<32x512xf32, #tpu.memory_space<hbm>>
      tpu.wait_dma2 semaphore(%arg25 : memref<!tpu.dma_semaphore, #tpu.memory_space<semaphore_mem>>) src(%dma_wait3A_269 : memref<32x512xf32, #tpu.memory_space<hbm>>) dst(%arg10 : memref<32x512xf32, #tpu.memory_space<vmem>>)
      %parallel_loop3A_270 = arith.constant 0 : i32
      %parallel_loop3A_271 = arith.constant 1024 : i32
      %parallel_loop3A_272 = arith.constant 1 : i32
      %parallel_loop3A_273:3 = scf.for %parallel_loop3A_291 = %parallel_loop3A_270 to %parallel_loop3A_271 step %parallel_loop3A_272 iter_args(%parallel_loop3A_292 = %parallel_loop3A_241#0, %parallel_loop3A_293 = %parallel_loop3A_241#1, %parallel_loop3A_294 = %parallel_loop3A_241#2) -> (vector<16xf32>, vector<16xf32>, vector<16xf32>)  : i32 {
        %parallel_loop3A_295 = arith.constant 5 : i32
        %parallel_loop3A_296 = arith.shrsi %parallel_loop3A_291, %parallel_loop3A_295 : i32
        %parallel_loop3A_297 = arith.constant 31 : i32
        %parallel_loop3A_298 = arith.andi %parallel_loop3A_291, %parallel_loop3A_297 : i32
        %parallel_loop3A_299 = arith.constant 16 : i32
        %parallel_loop3A_300 = arith.muli %parallel_loop3A_298, %parallel_loop3A_299 : i32
        %parallel_loop3A_301 = tpu.assume_multiple %parallel_loop3A_300, 16 : i32
        %parallel_loop3A_302 = arith.index_cast %parallel_loop3A_296 : i32 to index
        %parallel_loop3A_303 = arith.index_cast %parallel_loop3A_301 : i32 to index
        %parallel_loop3A_304 = tpu.vector_load %arg9[%parallel_loop3A_302, %parallel_loop3A_303] {strides = array<i32>} : memref<32x512xf32, #tpu.memory_space<vmem>>, vector<16xf32>,
        %parallel_loop3A_305 = arith.index_cast %parallel_loop3A_296 : i32 to index
        %parallel_loop3A_306 = arith.index_cast %parallel_loop3A_301 : i32 to index
        %parallel_loop3A_307 = tpu.vector_load %arg10[%parallel_loop3A_305, %parallel_loop3A_306] {strides = array<i32>} : memref<32x512xf32, #tpu.memory_space<vmem>>, vector<16xf32>,
        %parallel_loop3A_308 = arith.constant 1.000000e-07 : f32
        %parallel_loop3A_309 = vector.broadcast %parallel_loop3A_308 : f32 to vector<16xf32>
        %parallel_loop3A_310 = arith.maximumf %parallel_loop3A_304, %parallel_loop3A_309 : vector<16xf32>
        %parallel_loop3A_311 = arith.constant 1.000000e+00 : f32
        %parallel_loop3A_312 = arith.constant 1.000000e-07 : f32
        %parallel_loop3A_313 = arith.subf %parallel_loop3A_311, %parallel_loop3A_312 : f32
        %parallel_loop3A_314 = vector.broadcast %parallel_loop3A_313 : f32 to vector<16xf32>
        %parallel_loop3A_315 = arith.minimumf %parallel_loop3A_310, %parallel_loop3A_314 : vector<16xf32>
        %parallel_loop3A_316 = arith.constant 5.000000e-01 : f32
        %parallel_loop3A_317 = vector.broadcast %parallel_loop3A_316 : f32 to vector<16xf32>
        %parallel_loop3A_318 = arith.cmpf ogt, %parallel_loop3A_307, %parallel_loop3A_317 : vector<16xf32>
        %parallel_loop3A_319 = arith.constant 1.000000e+00 : f32
        %parallel_loop3A_320 = vector.broadcast %parallel_loop3A_319 : f32 to vector<16xf32>
        %parallel_loop3A_321 = arith.subf %parallel_loop3A_320, %parallel_loop3A_315 : vector<16xf32>
        %parallel_loop3A_322 = arith.select %parallel_loop3A_318, %parallel_loop3A_315, %parallel_loop3A_321 : vector<16xi1>, vector<16xf32>
        %parallel_loop3A_323 = tpu.bitcast %parallel_loop3A_322 : vector<16xf32> -> vector<16xi32>
        %parallel_loop3A_324 = arith.constant 23 : i32
        %parallel_loop3A_325 = vector.broadcast %parallel_loop3A_324 : i32 to vector<16xi32>
        %parallel_loop3A_326 = arith.shrsi %parallel_loop3A_323, %parallel_loop3A_325 : vector<16xi32>
        %parallel_loop3A_327 = arith.constant 127 : i32
        %parallel_loop3A_328 = vector.broadcast %parallel_loop3A_327 : i32 to vector<16xi32>
        %parallel_loop3A_329 = arith.subi %parallel_loop3A_326, %parallel_loop3A_328 : vector<16xi32>
        %parallel_loop3A_330 = arith.constant 8388607 : i32
        %parallel_loop3A_331 = vector.broadcast %parallel_loop3A_330 : i32 to vector<16xi32>
        %parallel_loop3A_332 = arith.andi %parallel_loop3A_323, %parallel_loop3A_331 : vector<16xi32>
        %parallel_loop3A_333 = arith.constant 1065353216 : i32
        %parallel_loop3A_334 = vector.broadcast %parallel_loop3A_333 : i32 to vector<16xi32>
        %parallel_loop3A_335 = arith.ori %parallel_loop3A_332, %parallel_loop3A_334 : vector<16xi32>
        %parallel_loop3A_336 = tpu.bitcast %parallel_loop3A_335 : vector<16xi32> -> vector<16xf32>
        %parallel_loop3A_337 = arith.sitofp %parallel_loop3A_329 : vector<16xi32> to vector<16xf32>
        %parallel_loop3A_338 = arith.constant 1.41421354 : f32
        %parallel_loop3A_339 = vector.broadcast %parallel_loop3A_338 : f32 to vector<16xf32>
        %parallel_loop3A_340 = arith.cmpf ogt, %parallel_loop3A_336, %parallel_loop3A_339 : vector<16xf32>
        %parallel_loop3A_341 = arith.constant 5.000000e-01 : f32
        %parallel_loop3A_342 = vector.broadcast %parallel_loop3A_341 : f32 to vector<16xf32>
        %parallel_loop3A_343 = arith.mulf %parallel_loop3A_336, %parallel_loop3A_342 : vector<16xf32>
        %parallel_loop3A_344 = arith.select %parallel_loop3A_340, %parallel_loop3A_343, %parallel_loop3A_336 : vector<16xi1>, vector<16xf32>
        %parallel_loop3A_345 = arith.constant 1.000000e+00 : f32
        %parallel_loop3A_346 = arith.constant 0.000000e+00 : f32
        %parallel_loop3A_347 = vector.broadcast %parallel_loop3A_345 : f32 to vector<16xf32>
        %parallel_loop3A_348 = vector.broadcast %parallel_loop3A_346 : f32 to vector<16xf32>
        %parallel_loop3A_349 = arith.select %parallel_loop3A_340, %parallel_loop3A_347, %parallel_loop3A_348 : vector<16xi1>, vector<16xf32>
        %parallel_loop3A_350 = arith.addf %parallel_loop3A_337, %parallel_loop3A_349 : vector<16xf32>
        %parallel_loop3A_351 = arith.constant 1.000000e+00 : f32
        %parallel_loop3A_352 = vector.broadcast %parallel_loop3A_351 : f32 to vector<16xf32>
        %parallel_loop3A_353 = arith.subf %parallel_loop3A_344, %parallel_loop3A_352 : vector<16xf32>
        %parallel_loop3A_354 = arith.constant 0.115897045 : f32
        %parallel_loop3A_355 = vector.broadcast %parallel_loop3A_354 : f32 to vector<16xf32>
        %parallel_loop3A_356 = arith.mulf %parallel_loop3A_355, %parallel_loop3A_353 : vector<16xf32>
        %parallel_loop3A_357 = arith.constant -0.188526541 : f32
        %parallel_loop3A_358 = vector.broadcast %parallel_loop3A_357 : f32 to vector<16xf32>
        %parallel_loop3A_359 = arith.addf %parallel_loop3A_356, %parallel_loop3A_358 : vector<16xf32>
        %parallel_loop3A_360 = arith.mulf %parallel_loop3A_359, %parallel_loop3A_353 : vector<16xf32>
        %parallel_loop3A_361 = arith.constant 0.206553772 : f32
        %parallel_loop3A_362 = vector.broadcast %parallel_loop3A_361 : f32 to vector<16xf32>
        %parallel_loop3A_363 = arith.addf %parallel_loop3A_360, %parallel_loop3A_362 : vector<16xf32>
        %parallel_loop3A_364 = arith.mulf %parallel_loop3A_363, %parallel_loop3A_353 : vector<16xf32>
        %parallel_loop3A_365 = arith.constant -0.248863563 : f32
        %parallel_loop3A_366 = vector.broadcast %parallel_loop3A_365 : f32 to vector<16xf32>
        %parallel_loop3A_367 = arith.addf %parallel_loop3A_364, %parallel_loop3A_366 : vector<16xf32>
        %parallel_loop3A_368 = arith.mulf %parallel_loop3A_367, %parallel_loop3A_353 : vector<16xf32>
        %parallel_loop3A_369 = arith.constant 0.332995921 : f32
        %parallel_loop3A_370 = vector.broadcast %parallel_loop3A_369 : f32 to vector<16xf32>
        %parallel_loop3A_371 = arith.addf %parallel_loop3A_368, %parallel_loop3A_370 : vector<16xf32>
        %parallel_loop3A_372 = arith.mulf %parallel_loop3A_371, %parallel_loop3A_353 : vector<16xf32>
        %parallel_loop3A_373 = arith.constant -0.500019908 : f32
        %parallel_loop3A_374 = vector.broadcast %parallel_loop3A_373 : f32 to vector<16xf32>
        %parallel_loop3A_375 = arith.addf %parallel_loop3A_372, %parallel_loop3A_374 : vector<16xf32>
        %parallel_loop3A_376 = arith.mulf %parallel_loop3A_375, %parallel_loop3A_353 : vector<16xf32>
        %parallel_loop3A_377 = arith.constant 1.00000405 : f32
        %parallel_loop3A_378 = vector.broadcast %parallel_loop3A_377 : f32 to vector<16xf32>
        %parallel_loop3A_379 = arith.addf %parallel_loop3A_376, %parallel_loop3A_378 : vector<16xf32>
        %parallel_loop3A_380 = arith.mulf %parallel_loop3A_379, %parallel_loop3A_353 : vector<16xf32>
        %parallel_loop3A_381 = arith.constant 6.43456488E-8 : f32
        %parallel_loop3A_382 = vector.broadcast %parallel_loop3A_381 : f32 to vector<16xf32>
        %parallel_loop3A_383 = arith.addf %parallel_loop3A_380, %parallel_loop3A_382 : vector<16xf32>
        %parallel_loop3A_384 = arith.constant 0.693147182 : f32
        %parallel_loop3A_385 = vector.broadcast %parallel_loop3A_384 : f32 to vector<16xf32>
        %parallel_loop3A_386 = arith.mulf %parallel_loop3A_350, %parallel_loop3A_385 : vector<16xf32>
        %parallel_loop3A_387 = arith.addf %parallel_loop3A_386, %parallel_loop3A_383 : vector<16xf32>
        %parallel_loop3A_388 = arith.constant 0.000000e+00 : f32
        %parallel_loop3A_389 = vector.broadcast %parallel_loop3A_388 : f32 to vector<16xf32>
        %parallel_loop3A_390 = arith.subf %parallel_loop3A_389, %parallel_loop3A_387 : vector<16xf32>
        %parallel_loop3A_391 = arith.addf %parallel_loop3A_294, %parallel_loop3A_390 : vector<16xf32>
        %parallel_loop3A_392 = arith.addf %parallel_loop3A_292, %parallel_loop3A_307 : vector<16xf32>
        %parallel_loop3A_393 = arith.constant 0.000000e+00 : f32
        %parallel_loop3A_394 = vector.broadcast %parallel_loop3A_393 : f32 to vector<16xf32>
        %parallel_loop3A_395 = arith.select %parallel_loop3A_318, %parallel_loop3A_390, %parallel_loop3A_394 : vector<16xi1>, vector<16xf32>
        %parallel_loop3A_396 = arith.addf %parallel_loop3A_293, %parallel_loop3A_395 : vector<16xf32>
        %parallel_loop3A_397 = arith.constant 63.209877 : f32
        %parallel_loop3A_398 = vector.broadcast %parallel_loop3A_397 : f32 to vector<16xf32>
        %parallel_loop3A_399 = arith.mulf %parallel_loop3A_390, %parallel_loop3A_398 : vector<16xf32>
        %parallel_loop3A_400 = arith.fptosi %parallel_loop3A_399 : vector<16xf32> to vector<16xi32>
        %parallel_loop3A_401 = arith.constant 1023 : i32
        %parallel_loop3A_402 = vector.broadcast %parallel_loop3A_401 : i32 to vector<16xi32>
        %parallel_loop3A_403 = arith.minsi %parallel_loop3A_400, %parallel_loop3A_402 : vector<16xi32>
        %parallel_loop3A_404 = arith.constant dense<true> : vector<16xi1>
        %parallel_loop3A_405 = arith.xori %parallel_loop3A_318, %parallel_loop3A_404 : vector<16xi1>
        tpu.vector_store_idx %arg11[%parallel_loop3A_403], %broadcast_in_dim3A_5 masked %parallel_loop3A_405 {add = true} : memref<1024xf32, #tpu.memory_space<vmem>>[vector<16xi32>], vector<16xf32>, vector<16xi1>
        tpu.vector_store_idx %arg12[%parallel_loop3A_403], %parallel_loop3A_390 masked %parallel_loop3A_405 {add = true} : memref<1024xf32, #tpu.memory_space<vmem>>[vector<16xi32>], vector<16xf32>, vector<16xi1>
        scf.yield %parallel_loop3A_392, %parallel_loop3A_396, %parallel_loop3A_391 : vector<16xf32>, vector<16xf32>, vector<16xf32>
      } {sc.loop_unroll_factor = 4 : i64, sc.parallel_access}
      %mul3A_274 = arith.constant 2 : i32
      %mul3A_275 = arith.muli %mul3A_274, %scan3A_223 : i32
      %add3A_276 = arith.constant 3 : i32
      %add3A_277 = arith.addi %mul3A_275, %add3A_276 : i32
      %min3A_278 = arith.constant 7 : i32
      %min3A_279 = arith.minsi %add3A_277, %min3A_278 : i32
      %mul3A_280 = arith.constant 32 : i32
      %mul3A_281 = arith.muli %min3A_279, %mul3A_280 : i32
      %add3A_282 = arith.addi %mul3A_2, %mul3A_281 : i32
      %dma_start3A_283 = arith.constant 0 : i32
      %dma_start3A_284 = tpu.memref_slice %arg2[%add3A_282, %dma_start3A_283] : memref<8192x512xf32, #tpu.memory_space<hbm>> -> memref<32x512xf32, #tpu.memory_space<hbm>>
      %dma_start3A_285 = arith.constant 0 : i32
      %dma_start3A_286 = tpu.memref_slice %arg2[%add3A_282, %dma_start3A_285] : memref<8192x512xf32, #tpu.memory_space<hbm>> -> memref<32x512xf32, #tpu.memory_space<hbm>>
      tpu.enqueue_dma source(%dma_start3A_286 : memref<32x512xf32, #tpu.memory_space<hbm>>) target(%arg9 : memref<32x512xf32, #tpu.memory_space<vmem>>) target_semaphore(%arg24 : memref<!tpu.dma_semaphore, #tpu.memory_space<semaphore_mem>>)
      %dma_start3A_287 = arith.constant 0 : i32
      %dma_start3A_288 = tpu.memref_slice %arg3[%add3A_282, %dma_start3A_287] : memref<8192x512xf32, #tpu.memory_space<hbm>> -> memref<32x512xf32, #tpu.memory_space<hbm>>
      %dma_start3A_289 = arith.constant 0 : i32
      %dma_start3A_290 = tpu.memref_slice %arg3[%add3A_282, %dma_start3A_289] : memref<8192x512xf32, #tpu.memory_space<hbm>> -> memref<32x512xf32, #tpu.memory_space<hbm>>
      tpu.enqueue_dma source(%dma_start3A_290 : memref<32x512xf32, #tpu.memory_space<hbm>>) target(%arg10 : memref<32x512xf32, #tpu.memory_space<vmem>>) target_semaphore(%arg25 : memref<!tpu.dma_semaphore, #tpu.memory_space<semaphore_mem>>)
      scf.yield %parallel_loop3A_273#0, %parallel_loop3A_273#1, %parallel_loop3A_273#2 : vector<16xf32>, vector<16xf32>, vector<16xf32>
    }
    %scan3A_36 = arith.constant 4 : i32
    %dma_wait3A = arith.constant 0 : i32
    %dma_wait3A_37 = arith.constant 0 : i32
    %dma_wait3A_38 = tpu.memref_slice %arg2[%dma_wait3A, %dma_wait3A_37] : memref<8192x512xf32, #tpu.memory_space<hbm>> -> memref<32x512xf32, #tpu.memory_space<hbm>>
    %dma_wait3A_39 = arith.constant 0 : i32
    %dma_wait3A_40 = arith.constant 0 : i32
    %dma_wait3A_41 = tpu.memref_slice %arg2[%dma_wait3A_39, %dma_wait3A_40] : memref<8192x512xf32, #tpu.memory_space<hbm>> -> memref<32x512xf32, #tpu.memory_space<hbm>>
    tpu.wait_dma2 semaphore(%arg22 : memref<!tpu.dma_semaphore, #tpu.memory_space<semaphore_mem>>) src(%dma_wait3A_41 : memref<32x512xf32, #tpu.memory_space<hbm>>) dst(%arg7 : memref<32x512xf32, #tpu.memory_space<vmem>>)
    %dma_wait3A_42 = arith.constant 0 : i32
    %dma_wait3A_43 = arith.constant 0 : i32
    %dma_wait3A_44 = tpu.memref_slice %arg3[%dma_wait3A_42, %dma_wait3A_43] : memref<8192x512xf32, #tpu.memory_space<hbm>> -> memref<32x512xf32, #tpu.memory_space<hbm>>
    %dma_wait3A_45 = arith.constant 0 : i32
    %dma_wait3A_46 = arith.constant 0 : i32
    %dma_wait3A_47 = tpu.memref_slice %arg3[%dma_wait3A_45, %dma_wait3A_46] : memref<8192x512xf32, #tpu.memory_space<hbm>> -> memref<32x512xf32, #tpu.memory_space<hbm>>
    tpu.wait_dma2 semaphore(%arg23 : memref<!tpu.dma_semaphore, #tpu.memory_space<semaphore_mem>>) src(%dma_wait3A_47 : memref<32x512xf32, #tpu.memory_space<hbm>>) dst(%arg8 : memref<32x512xf32, #tpu.memory_space<vmem>>)
    %dma_wait3A_48 = arith.constant 0 : i32
    %dma_wait3A_49 = arith.constant 0 : i32
    %dma_wait3A_50 = tpu.memref_slice %arg2[%dma_wait3A_48, %dma_wait3A_49] : memref<8192x512xf32, #tpu.memory_space<hbm>> -> memref<32x512xf32, #tpu.memory_space<hbm>>
    %dma_wait3A_51 = arith.constant 0 : i32
    %dma_wait3A_52 = arith.constant 0 : i32
    %dma_wait3A_53 = tpu.memref_slice %arg2[%dma_wait3A_51, %dma_wait3A_52] : memref<8192x512xf32, #tpu.memory_space<hbm>> -> memref<32x512xf32, #tpu.memory_space<hbm>>
    tpu.wait_dma2 semaphore(%arg24 : memref<!tpu.dma_semaphore, #tpu.memory_space<semaphore_mem>>) src(%dma_wait3A_53 : memref<32x512xf32, #tpu.memory_space<hbm>>) dst(%arg9 : memref<32x512xf32, #tpu.memory_space<vmem>>)
    %dma_wait3A_54 = arith.constant 0 : i32
    %dma_wait3A_55 = arith.constant 0 : i32
    %dma_wait3A_56 = tpu.memref_slice %arg3[%dma_wait3A_54, %dma_wait3A_55] : memref<8192x512xf32, #tpu.memory_space<hbm>> -> memref<32x512xf32, #tpu.memory_space<hbm>>
    %dma_wait3A_57 = arith.constant 0 : i32
    %dma_wait3A_58 = arith.constant 0 : i32
    %dma_wait3A_59 = tpu.memref_slice %arg3[%dma_wait3A_57, %dma_wait3A_58] : memref<8192x512xf32, #tpu.memory_space<hbm>> -> memref<32x512xf32, #tpu.memory_space<hbm>>
    tpu.wait_dma2 semaphore(%arg25 : memref<!tpu.dma_semaphore, #tpu.memory_space<semaphore_mem>>) src(%dma_wait3A_59 : memref<32x512xf32, #tpu.memory_space<hbm>>) dst(%arg10 : memref<32x512xf32, #tpu.memory_space<vmem>>)
    %swap3A = arith.constant 0 : index
    %swap3A_60 = tpu.vector_load %arg16[%swap3A] {strides = array<i32>} : memref<128xf32, #tpu.memory_space<vmem>>, vector<16xf32>,
    tpu.vector_store %arg16[%swap3A], %scan3A_35#0 {strides = array<i32>} : memref<128xf32, #tpu.memory_space<vmem>>, vector<16xf32>,
    %swap3A_61 = arith.constant 16 : index
    %swap3A_62 = tpu.vector_load %arg16[%swap3A_61] {strides = array<i32>} : memref<128xf32, #tpu.memory_space<vmem>>, vector<16xf32>,
    tpu.vector_store %arg16[%swap3A_61], %scan3A_35#1 {strides = array<i32>} : memref<128xf32, #tpu.memory_space<vmem>>, vector<16xf32>,
    %swap3A_63 = arith.constant 32 : index
    %swap3A_64 = tpu.vector_load %arg16[%swap3A_63] {strides = array<i32>} : memref<128xf32, #tpu.memory_space<vmem>>, vector<16xf32>,
    tpu.vector_store %arg16[%swap3A_63], %scan3A_35#2 {strides = array<i32>} : memref<128xf32, #tpu.memory_space<vmem>>, vector<16xf32>,
    %swap3A_65 = arith.constant 48 : index
    %swap3A_66 = tpu.vector_load %arg16[%swap3A_65] {strides = array<i32>} : memref<128xf32, #tpu.memory_space<vmem>>, vector<16xf32>,
    tpu.vector_store %arg16[%swap3A_65], %broadcast_in_dim3A_3 {strides = array<i32>} : memref<128xf32, #tpu.memory_space<vmem>>, vector<16xf32>,
    %swap3A_67 = arith.constant 64 : index
    %swap3A_68 = tpu.vector_load %arg16[%swap3A_67] {strides = array<i32>} : memref<128xf32, #tpu.memory_space<vmem>>, vector<16xf32>,
    tpu.vector_store %arg16[%swap3A_67], %broadcast_in_dim3A_3 {strides = array<i32>} : memref<128xf32, #tpu.memory_space<vmem>>, vector<16xf32>,
    %swap3A_69 = arith.constant 80 : index
    %swap3A_70 = tpu.vector_load %arg16[%swap3A_69] {strides = array<i32>} : memref<128xf32, #tpu.memory_space<vmem>>, vector<16xf32>,
    tpu.vector_store %arg16[%swap3A_69], %broadcast_in_dim3A_3 {strides = array<i32>} : memref<128xf32, #tpu.memory_space<vmem>>, vector<16xf32>,
    %swap3A_71 = arith.constant 96 : index
    %swap3A_72 = tpu.vector_load %arg16[%swap3A_71] {strides = array<i32>} : memref<128xf32, #tpu.memory_space<vmem>>, vector<16xf32>,
    tpu.vector_store %arg16[%swap3A_71], %broadcast_in_dim3A_3 {strides = array<i32>} : memref<128xf32, #tpu.memory_space<vmem>>, vector<16xf32>,
    %swap3A_73 = arith.constant 112 : index
    %swap3A_74 = tpu.vector_load %arg16[%swap3A_73] {strides = array<i32>} : memref<128xf32, #tpu.memory_space<vmem>>, vector<16xf32>,
    tpu.vector_store %arg16[%swap3A_73], %broadcast_in_dim3A_3 {strides = array<i32>} : memref<128xf32, #tpu.memory_space<vmem>>, vector<16xf32>,
    %mul3A_75 = arith.constant 128 : i32
    %mul3A_76 = arith.muli %arg1, %mul3A_75 : i32
    "tpu.region"() ({
      %run_scoped3A = tpu.sem_alloc : memref<!tpu.dma_semaphore, #tpu.memory_space<semaphore_mem>>
      %dma_start3A_223 = tpu.memref_slice %arg21[%mul3A_76] : memref<2048xf32, #tpu.memory_space<vmem_shared>> -> memref<128xf32, #tpu.memory_space<vmem_shared>>
      %dma_start3A_224 = tpu.memref_slice %arg21[%mul3A_76] : memref<2048xf32, #tpu.memory_space<vmem_shared>> -> memref<128xf32, #tpu.memory_space<vmem_shared>>
      tpu.enqueue_dma source(%arg16 : memref<128xf32, #tpu.memory_space<vmem>>) target(%dma_start3A_224 : memref<128xf32, #tpu.memory_space<vmem_shared>>) target_semaphore(%run_scoped3A : memref<!tpu.dma_semaphore, #tpu.memory_space<semaphore_mem>>)
      %dma_wait3A_225 = tpu.memref_slice %arg21[%mul3A_76] : memref<2048xf32, #tpu.memory_space<vmem_shared>> -> memref<128xf32, #tpu.memory_space<vmem_shared>>
      %dma_wait3A_226 = tpu.memref_slice %arg21[%mul3A_76] : memref<2048xf32, #tpu.memory_space<vmem_shared>> -> memref<128xf32, #tpu.memory_space<vmem_shared>>
      tpu.wait_dma2 semaphore(%run_scoped3A : memref<!tpu.dma_semaphore, #tpu.memory_space<semaphore_mem>>) src(%arg16 : memref<128xf32, #tpu.memory_space<vmem>>) dst(%dma_wait3A_226 : memref<128xf32, #tpu.memory_space<vmem_shared>>)
      tpu.yield
    }) : () -> ()
    %mul3A_77 = arith.constant 1024 : i32
    %mul3A_78 = arith.muli %arg1, %mul3A_77 : i32
    "tpu.region"() ({
      %run_scoped3A = tpu.sem_alloc : memref<!tpu.dma_semaphore, #tpu.memory_space<semaphore_mem>>
      %dma_start3A_223 = tpu.memref_slice %arg17[%mul3A_78] : memref<16384xf32, #tpu.memory_space<vmem_shared>> -> memref<1024xf32, #tpu.memory_space<vmem_shared>>
      %dma_start3A_224 = tpu.memref_slice %arg17[%mul3A_78] : memref<16384xf32, #tpu.memory_space<vmem_shared>> -> memref<1024xf32, #tpu.memory_space<vmem_shared>>
      tpu.enqueue_dma source(%arg11 : memref<1024xf32, #tpu.memory_space<vmem>>) target(%dma_start3A_224 : memref<1024xf32, #tpu.memory_space<vmem_shared>>) target_semaphore(%run_scoped3A : memref<!tpu.dma_semaphore, #tpu.memory_space<semaphore_mem>>)
      %dma_wait3A_225 = tpu.memref_slice %arg17[%mul3A_78] : memref<16384xf32, #tpu.memory_space<vmem_shared>> -> memref<1024xf32, #tpu.memory_space<vmem_shared>>
      %dma_wait3A_226 = tpu.memref_slice %arg17[%mul3A_78] : memref<16384xf32, #tpu.memory_space<vmem_shared>> -> memref<1024xf32, #tpu.memory_space<vmem_shared>>
      tpu.wait_dma2 semaphore(%run_scoped3A : memref<!tpu.dma_semaphore, #tpu.memory_space<semaphore_mem>>) src(%arg11 : memref<1024xf32, #tpu.memory_space<vmem>>) dst(%dma_wait3A_226 : memref<1024xf32, #tpu.memory_space<vmem_shared>>)
      tpu.yield
    }) : () -> ()
    %mul3A_79 = arith.constant 1024 : i32
    %mul3A_80 = arith.muli %arg1, %mul3A_79 : i32
    "tpu.region"() ({
      %run_scoped3A = tpu.sem_alloc : memref<!tpu.dma_semaphore, #tpu.memory_space<semaphore_mem>>
      %dma_start3A_223 = tpu.memref_slice %arg18[%mul3A_80] : memref<16384xf32, #tpu.memory_space<vmem_shared>> -> memref<1024xf32, #tpu.memory_space<vmem_shared>>
      %dma_start3A_224 = tpu.memref_slice %arg18[%mul3A_80] : memref<16384xf32, #tpu.memory_space<vmem_shared>> -> memref<1024xf32, #tpu.memory_space<vmem_shared>>
      tpu.enqueue_dma source(%arg12 : memref<1024xf32, #tpu.memory_space<vmem>>) target(%dma_start3A_224 : memref<1024xf32, #tpu.memory_space<vmem_shared>>) target_semaphore(%run_scoped3A : memref<!tpu.dma_semaphore, #tpu.memory_space<semaphore_mem>>)
      %dma_wait3A_225 = tpu.memref_slice %arg18[%mul3A_80] : memref<16384xf32, #tpu.memory_space<vmem_shared>> -> memref<1024xf32, #tpu.memory_space<vmem_shared>>
      %dma_wait3A_226 = tpu.memref_slice %arg18[%mul3A_80] : memref<16384xf32, #tpu.memory_space<vmem_shared>> -> memref<1024xf32, #tpu.memory_space<vmem_shared>>
      tpu.wait_dma2 semaphore(%run_scoped3A : memref<!tpu.dma_semaphore, #tpu.memory_space<semaphore_mem>>) src(%arg12 : memref<1024xf32, #tpu.memory_space<vmem>>) dst(%dma_wait3A_226 : memref<1024xf32, #tpu.memory_space<vmem_shared>>)
      tpu.yield
    }) : () -> ()
    %barrier3A = arith.constant 0 : index
    tpu.barrier barrier_id(%barrier3A)
    %mul3A_81 = arith.constant 64 : i32
    %mul3A_82 = arith.muli %arg1, %mul3A_81 : i32
    %add3A_83 = arith.constant 0 : i32
    %add3A_84 = arith.addi %add3A_83, %mul3A_82 : i32
    "tpu.region"() ({
      %run_scoped3A = tpu.sem_alloc : memref<!tpu.dma_semaphore, #tpu.memory_space<semaphore_mem>>
      %dma_start3A_223 = arith.constant 0 : i32
      %dma_start3A_224 = tpu.memref_slice %arg11[%dma_start3A_223] : memref<1024xf32, #tpu.memory_space<vmem>> -> memref<64xf32, #tpu.memory_space<vmem>>
      %dma_start3A_225 = tpu.memref_slice %arg17[%add3A_84] : memref<16384xf32, #tpu.memory_space<vmem_shared>> -> memref<64xf32, #tpu.memory_space<vmem_shared>>
      %dma_start3A_226 = arith.constant 0 : i32
      %dma_start3A_227 = tpu.memref_slice %arg11[%dma_start3A_226] : memref<1024xf32, #tpu.memory_space<vmem>> -> memref<64xf32, #tpu.memory_space<vmem>>
      %dma_start3A_228 = tpu.memref_slice %arg17[%add3A_84] : memref<16384xf32, #tpu.memory_space<vmem_shared>> -> memref<64xf32, #tpu.memory_space<vmem_shared>>
      tpu.enqueue_dma source(%dma_start3A_228 : memref<64xf32, #tpu.memory_space<vmem_shared>>) target(%dma_start3A_227 : memref<64xf32, #tpu.memory_space<vmem>>) target_semaphore(%run_scoped3A : memref<!tpu.dma_semaphore, #tpu.memory_space<semaphore_mem>>)
      %dma_wait3A_229 = arith.constant 0 : i32
      %dma_wait3A_230 = tpu.memref_slice %arg11[%dma_wait3A_229] : memref<1024xf32, #tpu.memory_space<vmem>> -> memref<64xf32, #tpu.memory_space<vmem>>
      %dma_wait3A_231 = tpu.memref_slice %arg17[%add3A_84] : memref<16384xf32, #tpu.memory_space<vmem_shared>> -> memref<64xf32, #tpu.memory_space<vmem_shared>>
      %dma_wait3A_232 = arith.constant 0 : i32
      %dma_wait3A_233 = tpu.memref_slice %arg11[%dma_wait3A_232] : memref<1024xf32, #tpu.memory_space<vmem>> -> memref<64xf32, #tpu.memory_space<vmem>>
      %dma_wait3A_234 = tpu.memref_slice %arg17[%add3A_84] : memref<16384xf32, #tpu.memory_space<vmem_shared>> -> memref<64xf32, #tpu.memory_space<vmem_shared>>
      tpu.wait_dma2 semaphore(%run_scoped3A : memref<!tpu.dma_semaphore, #tpu.memory_space<semaphore_mem>>) src(%dma_wait3A_234 : memref<64xf32, #tpu.memory_space<vmem_shared>>) dst(%dma_wait3A_233 : memref<64xf32, #tpu.memory_space<vmem>>)
      tpu.yield
    }) : () -> ()
    %mul3A_85 = arith.constant 64 : i32
    %mul3A_86 = arith.muli %arg1, %mul3A_85 : i32
    %add3A_87 = arith.constant 0 : i32
    %add3A_88 = arith.addi %add3A_87, %mul3A_86 : i32
    "tpu.region"() ({
      %run_scoped3A = tpu.sem_alloc : memref<!tpu.dma_semaphore, #tpu.memory_space<semaphore_mem>>
      %dma_start3A_223 = arith.constant 0 : i32
      %dma_start3A_224 = tpu.memref_slice %arg12[%dma_start3A_223] : memref<1024xf32, #tpu.memory_space<vmem>> -> memref<64xf32, #tpu.memory_space<vmem>>
      %dma_start3A_225 = tpu.memref_slice %arg18[%add3A_88] : memref<16384xf32, #tpu.memory_space<vmem_shared>> -> memref<64xf32, #tpu.memory_space<vmem_shared>>
      %dma_start3A_226 = arith.constant 0 : i32
      %dma_start3A_227 = tpu.memref_slice %arg12[%dma_start3A_226] : memref<1024xf32, #tpu.memory_space<vmem>> -> memref<64xf32, #tpu.memory_space<vmem>>
      %dma_start3A_228 = tpu.memref_slice %arg18[%add3A_88] : memref<16384xf32, #tpu.memory_space<vmem_shared>> -> memref<64xf32, #tpu.memory_space<vmem_shared>>
      tpu.enqueue_dma source(%dma_start3A_228 : memref<64xf32, #tpu.memory_space<vmem_shared>>) target(%dma_start3A_227 : memref<64xf32, #tpu.memory_space<vmem>>) target_semaphore(%run_scoped3A : memref<!tpu.dma_semaphore, #tpu.memory_space<semaphore_mem>>)
      %dma_wait3A_229 = arith.constant 0 : i32
      %dma_wait3A_230 = tpu.memref_slice %arg12[%dma_wait3A_229] : memref<1024xf32, #tpu.memory_space<vmem>> -> memref<64xf32, #tpu.memory_space<vmem>>
      %dma_wait3A_231 = tpu.memref_slice %arg18[%add3A_88] : memref<16384xf32, #tpu.memory_space<vmem_shared>> -> memref<64xf32, #tpu.memory_space<vmem_shared>>
      %dma_wait3A_232 = arith.constant 0 : i32
      %dma_wait3A_233 = tpu.memref_slice %arg12[%dma_wait3A_232] : memref<1024xf32, #tpu.memory_space<vmem>> -> memref<64xf32, #tpu.memory_space<vmem>>
      %dma_wait3A_234 = tpu.memref_slice %arg18[%add3A_88] : memref<16384xf32, #tpu.memory_space<vmem_shared>> -> memref<64xf32, #tpu.memory_space<vmem_shared>>
      tpu.wait_dma2 semaphore(%run_scoped3A : memref<!tpu.dma_semaphore, #tpu.memory_space<semaphore_mem>>) src(%dma_wait3A_234 : memref<64xf32, #tpu.memory_space<vmem_shared>>) dst(%dma_wait3A_233 : memref<64xf32, #tpu.memory_space<vmem>>)
      tpu.yield
    }) : () -> ()
    %mul3A_89 = arith.constant 64 : i32
    %mul3A_90 = arith.muli %arg1, %mul3A_89 : i32
    %add3A_91 = arith.constant 1024 : i32
    %add3A_92 = arith.addi %add3A_91, %mul3A_90 : i32
    "tpu.region"() ({
      %run_scoped3A = tpu.sem_alloc : memref<!tpu.dma_semaphore, #tpu.memory_space<semaphore_mem>>
      %dma_start3A_223 = arith.constant 64 : i32
      %dma_start3A_224 = tpu.memref_slice %arg11[%dma_start3A_223] : memref<1024xf32, #tpu.memory_space<vmem>> -> memref<64xf32, #tpu.memory_space<vmem>>
      %dma_start3A_225 = tpu.memref_slice %arg17[%add3A_92] : memref<16384xf32, #tpu.memory_space<vmem_shared>> -> memref<64xf32, #tpu.memory_space<vmem_shared>>
      %dma_start3A_226 = arith.constant 64 : i32
      %dma_start3A_227 = tpu.memref_slice %arg11[%dma_start3A_226] : memref<1024xf32, #tpu.memory_space<vmem>> -> memref<64xf32, #tpu.memory_space<vmem>>
      %dma_start3A_228 = tpu.memref_slice %arg17[%add3A_92] : memref<16384xf32, #tpu.memory_space<vmem_shared>> -> memref<64xf32, #tpu.memory_space<vmem_shared>>
      tpu.enqueue_dma source(%dma_start3A_228 : memref<64xf32, #tpu.memory_space<vmem_shared>>) target(%dma_start3A_227 : memref<64xf32, #tpu.memory_space<vmem>>) target_semaphore(%run_scoped3A : memref<!tpu.dma_semaphore, #tpu.memory_space<semaphore_mem>>)
      %dma_wait3A_229 = arith.constant 64 : i32
      %dma_wait3A_230 = tpu.memref_slice %arg11[%dma_wait3A_229] : memref<1024xf32, #tpu.memory_space<vmem>> -> memref<64xf32, #tpu.memory_space<vmem>>
      %dma_wait3A_231 = tpu.memref_slice %arg17[%add3A_92] : memref<16384xf32, #tpu.memory_space<vmem_shared>> -> memref<64xf32, #tpu.memory_space<vmem_shared>>
      %dma_wait3A_232 = arith.constant 64 : i32
      %dma_wait3A_233 = tpu.memref_slice %arg11[%dma_wait3A_232] : memref<1024xf32, #tpu.memory_space<vmem>> -> memref<64xf32, #tpu.memory_space<vmem>>
      %dma_wait3A_234 = tpu.memref_slice %arg17[%add3A_92] : memref<16384xf32, #tpu.memory_space<vmem_shared>> -> memref<64xf32, #tpu.memory_space<vmem_shared>>
      tpu.wait_dma2 semaphore(%run_scoped3A : memref<!tpu.dma_semaphore, #tpu.memory_space<semaphore_mem>>) src(%dma_wait3A_234 : memref<64xf32, #tpu.memory_space<vmem_shared>>) dst(%dma_wait3A_233 : memref<64xf32, #tpu.memory_space<vmem>>)
      tpu.yield
    }) : () -> ()
    %mul3A_93 = arith.constant 64 : i32
    %mul3A_94 = arith.muli %arg1, %mul3A_93 : i32
    %add3A_95 = arith.constant 1024 : i32
    %add3A_96 = arith.addi %add3A_95, %mul3A_94 : i32
    "tpu.region"() ({
      %run_scoped3A = tpu.sem_alloc : memref<!tpu.dma_semaphore, #tpu.memory_space<semaphore_mem>>
      %dma_start3A_223 = arith.constant 64 : i32
      %dma_start3A_224 = tpu.memref_slice %arg12[%dma_start3A_223] : memref<1024xf32, #tpu.memory_space<vmem>> -> memref<64xf32, #tpu.memory_space<vmem>>
      %dma_start3A_225 = tpu.memref_slice %arg18[%add3A_96] : memref<16384xf32, #tpu.memory_space<vmem_shared>> -> memref<64xf32, #tpu.memory_space<vmem_shared>>
      %dma_start3A_226 = arith.constant 64 : i32
      %dma_start3A_227 = tpu.memref_slice %arg12[%dma_start3A_226] : memref<1024xf32, #tpu.memory_space<vmem>> -> memref<64xf32, #tpu.memory_space<vmem>>
      %dma_start3A_228 = tpu.memref_slice %arg18[%add3A_96] : memref<16384xf32, #tpu.memory_space<vmem_shared>> -> memref<64xf32, #tpu.memory_space<vmem_shared>>
      tpu.enqueue_dma source(%dma_start3A_228 : memref<64xf32, #tpu.memory_space<vmem_shared>>) target(%dma_start3A_227 : memref<64xf32, #tpu.memory_space<vmem>>) target_semaphore(%run_scoped3A : memref<!tpu.dma_semaphore, #tpu.memory_space<semaphore_mem>>)
      %dma_wait3A_229 = arith.constant 64 : i32
      %dma_wait3A_230 = tpu.memref_slice %arg12[%dma_wait3A_229] : memref<1024xf32, #tpu.memory_space<vmem>> -> memref<64xf32, #tpu.memory_space<vmem>>
      %dma_wait3A_231 = tpu.memref_slice %arg18[%add3A_96] : memref<16384xf32, #tpu.memory_space<vmem_shared>> -> memref<64xf32, #tpu.memory_space<vmem_shared>>
      %dma_wait3A_232 = arith.constant 64 : i32
      %dma_wait3A_233 = tpu.memref_slice %arg12[%dma_wait3A_232] : memref<1024xf32, #tpu.memory_space<vmem>> -> memref<64xf32, #tpu.memory_space<vmem>>
      %dma_wait3A_234 = tpu.memref_slice %arg18[%add3A_96] : memref<16384xf32, #tpu.memory_space<vmem_shared>> -> memref<64xf32, #tpu.memory_space<vmem_shared>>
      tpu.wait_dma2 semaphore(%run_scoped3A : memref<!tpu.dma_semaphore, #tpu.memory_space<semaphore_mem>>) src(%dma_wait3A_234 : memref<64xf32, #tpu.memory_space<vmem_shared>>) dst(%dma_wait3A_233 : memref<64xf32, #tpu.memory_space<vmem>>)
      tpu.yield
    }) : () -> ()
    %mul3A_97 = arith.constant 64 : i32
    %mul3A_98 = arith.muli %arg1, %mul3A_97 : i32
    %add3A_99 = arith.constant 2048 : i32
    %add3A_100 = arith.addi %add3A_99, %mul3A_98 : i32
    "tpu.region"() ({
      %run_scoped3A = tpu.sem_alloc : memref<!tpu.dma_semaphore, #tpu.memory_space<semaphore_mem>>
      %dma_start3A_223 = arith.constant 128 : i32
      %dma_start3A_224 = tpu.memref_slice %arg11[%dma_start3A_223] : memref<1024xf32, #tpu.memory_space<vmem>> -> memref<64xf32, #tpu.memory_space<vmem>>
      %dma_start3A_225 = tpu.memref_slice %arg17[%add3A_100] : memref<16384xf32, #tpu.memory_space<vmem_shared>> -> memref<64xf32, #tpu.memory_space<vmem_shared>>
      %dma_start3A_226 = arith.constant 128 : i32
      %dma_start3A_227 = tpu.memref_slice %arg11[%dma_start3A_226] : memref<1024xf32, #tpu.memory_space<vmem>> -> memref<64xf32, #tpu.memory_space<vmem>>
      %dma_start3A_228 = tpu.memref_slice %arg17[%add3A_100] : memref<16384xf32, #tpu.memory_space<vmem_shared>> -> memref<64xf32, #tpu.memory_space<vmem_shared>>
      tpu.enqueue_dma source(%dma_start3A_228 : memref<64xf32, #tpu.memory_space<vmem_shared>>) target(%dma_start3A_227 : memref<64xf32, #tpu.memory_space<vmem>>) target_semaphore(%run_scoped3A : memref<!tpu.dma_semaphore, #tpu.memory_space<semaphore_mem>>)
      %dma_wait3A_229 = arith.constant 128 : i32
      %dma_wait3A_230 = tpu.memref_slice %arg11[%dma_wait3A_229] : memref<1024xf32, #tpu.memory_space<vmem>> -> memref<64xf32, #tpu.memory_space<vmem>>
      %dma_wait3A_231 = tpu.memref_slice %arg17[%add3A_100] : memref<16384xf32, #tpu.memory_space<vmem_shared>> -> memref<64xf32, #tpu.memory_space<vmem_shared>>
      %dma_wait3A_232 = arith.constant 128 : i32
      %dma_wait3A_233 = tpu.memref_slice %arg11[%dma_wait3A_232] : memref<1024xf32, #tpu.memory_space<vmem>> -> memref<64xf32, #tpu.memory_space<vmem>>
      %dma_wait3A_234 = tpu.memref_slice %arg17[%add3A_100] : memref<16384xf32, #tpu.memory_space<vmem_shared>> -> memref<64xf32, #tpu.memory_space<vmem_shared>>
      tpu.wait_dma2 semaphore(%run_scoped3A : memref<!tpu.dma_semaphore, #tpu.memory_space<semaphore_mem>>) src(%dma_wait3A_234 : memref<64xf32, #tpu.memory_space<vmem_shared>>) dst(%dma_wait3A_233 : memref<64xf32, #tpu.memory_space<vmem>>)
      tpu.yield
    }) : () -> ()
    %mul3A_101 = arith.constant 64 : i32
    %mul3A_102 = arith.muli %arg1, %mul3A_101 : i32
    %add3A_103 = arith.constant 2048 : i32
    %add3A_104 = arith.addi %add3A_103, %mul3A_102 : i32
    "tpu.region"() ({
      %run_scoped3A = tpu.sem_alloc : memref<!tpu.dma_semaphore, #tpu.memory_space<semaphore_mem>>
      %dma_start3A_223 = arith.constant 128 : i32
      %dma_start3A_224 = tpu.memref_slice %arg12[%dma_start3A_223] : memref<1024xf32, #tpu.memory_space<vmem>> -> memref<64xf32, #tpu.memory_space<vmem>>
      %dma_start3A_225 = tpu.memref_slice %arg18[%add3A_104] : memref<16384xf32, #tpu.memory_space<vmem_shared>> -> memref<64xf32, #tpu.memory_space<vmem_shared>>
      %dma_start3A_226 = arith.constant 128 : i32
      %dma_start3A_227 = tpu.memref_slice %arg12[%dma_start3A_226] : memref<1024xf32, #tpu.memory_space<vmem>> -> memref<64xf32, #tpu.memory_space<vmem>>
      %dma_start3A_228 = tpu.memref_slice %arg18[%add3A_104] : memref<16384xf32, #tpu.memory_space<vmem_shared>> -> memref<64xf32, #tpu.memory_space<vmem_shared>>
      tpu.enqueue_dma source(%dma_start3A_228 : memref<64xf32, #tpu.memory_space<vmem_shared>>) target(%dma_start3A_227 : memref<64xf32, #tpu.memory_space<vmem>>) target_semaphore(%run_scoped3A : memref<!tpu.dma_semaphore, #tpu.memory_space<semaphore_mem>>)
      %dma_wait3A_229 = arith.constant 128 : i32
      %dma_wait3A_230 = tpu.memref_slice %arg12[%dma_wait3A_229] : memref<1024xf32, #tpu.memory_space<vmem>> -> memref<64xf32, #tpu.memory_space<vmem>>
      %dma_wait3A_231 = tpu.memref_slice %arg18[%add3A_104] : memref<16384xf32, #tpu.memory_space<vmem_shared>> -> memref<64xf32, #tpu.memory_space<vmem_shared>>
      %dma_wait3A_232 = arith.constant 128 : i32
      %dma_wait3A_233 = tpu.memref_slice %arg12[%dma_wait3A_232] : memref<1024xf32, #tpu.memory_space<vmem>> -> memref<64xf32, #tpu.memory_space<vmem>>
      %dma_wait3A_234 = tpu.memref_slice %arg18[%add3A_104] : memref<16384xf32, #tpu.memory_space<vmem_shared>> -> memref<64xf32, #tpu.memory_space<vmem_shared>>
      tpu.wait_dma2 semaphore(%run_scoped3A : memref<!tpu.dma_semaphore, #tpu.memory_space<semaphore_mem>>) src(%dma_wait3A_234 : memref<64xf32, #tpu.memory_space<vmem_shared>>) dst(%dma_wait3A_233 : memref<64xf32, #tpu.memory_space<vmem>>)
      tpu.yield
    }) : () -> ()
    %mul3A_105 = arith.constant 64 : i32
    %mul3A_106 = arith.muli %arg1, %mul3A_105 : i32
    %add3A_107 = arith.constant 3072 : i32
    %add3A_108 = arith.addi %add3A_107, %mul3A_106 : i32
    "tpu.region"() ({
      %run_scoped3A = tpu.sem_alloc : memref<!tpu.dma_semaphore, #tpu.memory_space<semaphore_mem>>
      %dma_start3A_223 = arith.constant 192 : i32
      %dma_start3A_224 = tpu.memref_slice %arg11[%dma_start3A_223] : memref<1024xf32, #tpu.memory_space<vmem>> -> memref<64xf32, #tpu.memory_space<vmem>>
      %dma_start3A_225 = tpu.memref_slice %arg17[%add3A_108] : memref<16384xf32, #tpu.memory_space<vmem_shared>> -> memref<64xf32, #tpu.memory_space<vmem_shared>>
      %dma_start3A_226 = arith.constant 192 : i32
      %dma_start3A_227 = tpu.memref_slice %arg11[%dma_start3A_226] : memref<1024xf32, #tpu.memory_space<vmem>> -> memref<64xf32, #tpu.memory_space<vmem>>
      %dma_start3A_228 = tpu.memref_slice %arg17[%add3A_108] : memref<16384xf32, #tpu.memory_space<vmem_shared>> -> memref<64xf32, #tpu.memory_space<vmem_shared>>
      tpu.enqueue_dma source(%dma_start3A_228 : memref<64xf32, #tpu.memory_space<vmem_shared>>) target(%dma_start3A_227 : memref<64xf32, #tpu.memory_space<vmem>>) target_semaphore(%run_scoped3A : memref<!tpu.dma_semaphore, #tpu.memory_space<semaphore_mem>>)
      %dma_wait3A_229 = arith.constant 192 : i32
      %dma_wait3A_230 = tpu.memref_slice %arg11[%dma_wait3A_229] : memref<1024xf32, #tpu.memory_space<vmem>> -> memref<64xf32, #tpu.memory_space<vmem>>
      %dma_wait3A_231 = tpu.memref_slice %arg17[%add3A_108] : memref<16384xf32, #tpu.memory_space<vmem_shared>> -> memref<64xf32, #tpu.memory_space<vmem_shared>>
      %dma_wait3A_232 = arith.constant 192 : i32
      %dma_wait3A_233 = tpu.memref_slice %arg11[%dma_wait3A_232] : memref<1024xf32, #tpu.memory_space<vmem>> -> memref<64xf32, #tpu.memory_space<vmem>>
      %dma_wait3A_234 = tpu.memref_slice %arg17[%add3A_108] : memref<16384xf32, #tpu.memory_space<vmem_shared>> -> memref<64xf32, #tpu.memory_space<vmem_shared>>
      tpu.wait_dma2 semaphore(%run_scoped3A : memref<!tpu.dma_semaphore, #tpu.memory_space<semaphore_mem>>) src(%dma_wait3A_234 : memref<64xf32, #tpu.memory_space<vmem_shared>>) dst(%dma_wait3A_233 : memref<64xf32, #tpu.memory_space<vmem>>)
      tpu.yield
    }) : () -> ()
    %mul3A_109 = arith.constant 64 : i32
    %mul3A_110 = arith.muli %arg1, %mul3A_109 : i32
    %add3A_111 = arith.constant 3072 : i32
    %add3A_112 = arith.addi %add3A_111, %mul3A_110 : i32
    "tpu.region"() ({
      %run_scoped3A = tpu.sem_alloc : memref<!tpu.dma_semaphore, #tpu.memory_space<semaphore_mem>>
      %dma_start3A_223 = arith.constant 192 : i32
      %dma_start3A_224 = tpu.memref_slice %arg12[%dma_start3A_223] : memref<1024xf32, #tpu.memory_space<vmem>> -> memref<64xf32, #tpu.memory_space<vmem>>
      %dma_start3A_225 = tpu.memref_slice %arg18[%add3A_112] : memref<16384xf32, #tpu.memory_space<vmem_shared>> -> memref<64xf32, #tpu.memory_space<vmem_shared>>
      %dma_start3A_226 = arith.constant 192 : i32
      %dma_start3A_227 = tpu.memref_slice %arg12[%dma_start3A_226] : memref<1024xf32, #tpu.memory_space<vmem>> -> memref<64xf32, #tpu.memory_space<vmem>>
      %dma_start3A_228 = tpu.memref_slice %arg18[%add3A_112] : memref<16384xf32, #tpu.memory_space<vmem_shared>> -> memref<64xf32, #tpu.memory_space<vmem_shared>>
      tpu.enqueue_dma source(%dma_start3A_228 : memref<64xf32, #tpu.memory_space<vmem_shared>>) target(%dma_start3A_227 : memref<64xf32, #tpu.memory_space<vmem>>) target_semaphore(%run_scoped3A : memref<!tpu.dma_semaphore, #tpu.memory_space<semaphore_mem>>)
      %dma_wait3A_229 = arith.constant 192 : i32
      %dma_wait3A_230 = tpu.memref_slice %arg12[%dma_wait3A_229] : memref<1024xf32, #tpu.memory_space<vmem>> -> memref<64xf32, #tpu.memory_space<vmem>>
      %dma_wait3A_231 = tpu.memref_slice %arg18[%add3A_112] : memref<16384xf32, #tpu.memory_space<vmem_shared>> -> memref<64xf32, #tpu.memory_space<vmem_shared>>
      %dma_wait3A_232 = arith.constant 192 : i32
      %dma_wait3A_233 = tpu.memref_slice %arg12[%dma_wait3A_232] : memref<1024xf32, #tpu.memory_space<vmem>> -> memref<64xf32, #tpu.memory_space<vmem>>
      %dma_wait3A_234 = tpu.memref_slice %arg18[%add3A_112] : memref<16384xf32, #tpu.memory_space<vmem_shared>> -> memref<64xf32, #tpu.memory_space<vmem_shared>>
      tpu.wait_dma2 semaphore(%run_scoped3A : memref<!tpu.dma_semaphore, #tpu.memory_space<semaphore_mem>>) src(%dma_wait3A_234 : memref<64xf32, #tpu.memory_space<vmem_shared>>) dst(%dma_wait3A_233 : memref<64xf32, #tpu.memory_space<vmem>>)
      tpu.yield
    }) : () -> ()
    %mul3A_113 = arith.constant 64 : i32
    %mul3A_114 = arith.muli %arg1, %mul3A_113 : i32
    %add3A_115 = arith.constant 4096 : i32
    %add3A_116 = arith.addi %add3A_115, %mul3A_114 : i32
    "tpu.region"() ({
      %run_scoped3A = tpu.sem_alloc : memref<!tpu.dma_semaphore, #tpu.memory_space<semaphore_mem>>
      %dma_start3A_223 = arith.constant 256 : i32
      %dma_start3A_224 = tpu.memref_slice %arg11[%dma_start3A_223] : memref<1024xf32, #tpu.memory_space<vmem>> -> memref<64xf32, #tpu.memory_space<vmem>>
      %dma_start3A_225 = tpu.memref_slice %arg17[%add3A_116] : memref<16384xf32, #tpu.memory_space<vmem_shared>> -> memref<64xf32, #tpu.memory_space<vmem_shared>>
      %dma_start3A_226 = arith.constant 256 : i32
      %dma_start3A_227 = tpu.memref_slice %arg11[%dma_start3A_226] : memref<1024xf32, #tpu.memory_space<vmem>> -> memref<64xf32, #tpu.memory_space<vmem>>
      %dma_start3A_228 = tpu.memref_slice %arg17[%add3A_116] : memref<16384xf32, #tpu.memory_space<vmem_shared>> -> memref<64xf32, #tpu.memory_space<vmem_shared>>
      tpu.enqueue_dma source(%dma_start3A_228 : memref<64xf32, #tpu.memory_space<vmem_shared>>) target(%dma_start3A_227 : memref<64xf32, #tpu.memory_space<vmem>>) target_semaphore(%run_scoped3A : memref<!tpu.dma_semaphore, #tpu.memory_space<semaphore_mem>>)
      %dma_wait3A_229 = arith.constant 256 : i32
      %dma_wait3A_230 = tpu.memref_slice %arg11[%dma_wait3A_229] : memref<1024xf32, #tpu.memory_space<vmem>> -> memref<64xf32, #tpu.memory_space<vmem>>
      %dma_wait3A_231 = tpu.memref_slice %arg17[%add3A_116] : memref<16384xf32, #tpu.memory_space<vmem_shared>> -> memref<64xf32, #tpu.memory_space<vmem_shared>>
      %dma_wait3A_232 = arith.constant 256 : i32
      %dma_wait3A_233 = tpu.memref_slice %arg11[%dma_wait3A_232] : memref<1024xf32, #tpu.memory_space<vmem>> -> memref<64xf32, #tpu.memory_space<vmem>>
      %dma_wait3A_234 = tpu.memref_slice %arg17[%add3A_116] : memref<16384xf32, #tpu.memory_space<vmem_shared>> -> memref<64xf32, #tpu.memory_space<vmem_shared>>
      tpu.wait_dma2 semaphore(%run_scoped3A : memref<!tpu.dma_semaphore, #tpu.memory_space<semaphore_mem>>) src(%dma_wait3A_234 : memref<64xf32, #tpu.memory_space<vmem_shared>>) dst(%dma_wait3A_233 : memref<64xf32, #tpu.memory_space<vmem>>)
      tpu.yield
    }) : () -> ()
    %mul3A_117 = arith.constant 64 : i32
    %mul3A_118 = arith.muli %arg1, %mul3A_117 : i32
    %add3A_119 = arith.constant 4096 : i32
    %add3A_120 = arith.addi %add3A_119, %mul3A_118 : i32
    "tpu.region"() ({
      %run_scoped3A = tpu.sem_alloc : memref<!tpu.dma_semaphore, #tpu.memory_space<semaphore_mem>>
      %dma_start3A_223 = arith.constant 256 : i32
      %dma_start3A_224 = tpu.memref_slice %arg12[%dma_start3A_223] : memref<1024xf32, #tpu.memory_space<vmem>> -> memref<64xf32, #tpu.memory_space<vmem>>
      %dma_start3A_225 = tpu.memref_slice %arg18[%add3A_120] : memref<16384xf32, #tpu.memory_space<vmem_shared>> -> memref<64xf32, #tpu.memory_space<vmem_shared>>
      %dma_start3A_226 = arith.constant 256 : i32
      %dma_start3A_227 = tpu.memref_slice %arg12[%dma_start3A_226] : memref<1024xf32, #tpu.memory_space<vmem>> -> memref<64xf32, #tpu.memory_space<vmem>>
      %dma_start3A_228 = tpu.memref_slice %arg18[%add3A_120] : memref<16384xf32, #tpu.memory_space<vmem_shared>> -> memref<64xf32, #tpu.memory_space<vmem_shared>>
      tpu.enqueue_dma source(%dma_start3A_228 : memref<64xf32, #tpu.memory_space<vmem_shared>>) target(%dma_start3A_227 : memref<64xf32, #tpu.memory_space<vmem>>) target_semaphore(%run_scoped3A : memref<!tpu.dma_semaphore, #tpu.memory_space<semaphore_mem>>)
      %dma_wait3A_229 = arith.constant 256 : i32
      %dma_wait3A_230 = tpu.memref_slice %arg12[%dma_wait3A_229] : memref<1024xf32, #tpu.memory_space<vmem>> -> memref<64xf32, #tpu.memory_space<vmem>>
      %dma_wait3A_231 = tpu.memref_slice %arg18[%add3A_120] : memref<16384xf32, #tpu.memory_space<vmem_shared>> -> memref<64xf32, #tpu.memory_space<vmem_shared>>
      %dma_wait3A_232 = arith.constant 256 : i32
      %dma_wait3A_233 = tpu.memref_slice %arg12[%dma_wait3A_232] : memref<1024xf32, #tpu.memory_space<vmem>> -> memref<64xf32, #tpu.memory_space<vmem>>
      %dma_wait3A_234 = tpu.memref_slice %arg18[%add3A_120] : memref<16384xf32, #tpu.memory_space<vmem_shared>> -> memref<64xf32, #tpu.memory_space<vmem_shared>>
      tpu.wait_dma2 semaphore(%run_scoped3A : memref<!tpu.dma_semaphore, #tpu.memory_space<semaphore_mem>>) src(%dma_wait3A_234 : memref<64xf32, #tpu.memory_space<vmem_shared>>) dst(%dma_wait3A_233 : memref<64xf32, #tpu.memory_space<vmem>>)
      tpu.yield
    }) : () -> ()
    %mul3A_121 = arith.constant 64 : i32
    %mul3A_122 = arith.muli %arg1, %mul3A_121 : i32
    %add3A_123 = arith.constant 5120 : i32
    %add3A_124 = arith.addi %add3A_123, %mul3A_122 : i32
    "tpu.region"() ({
      %run_scoped3A = tpu.sem_alloc : memref<!tpu.dma_semaphore, #tpu.memory_space<semaphore_mem>>
      %dma_start3A_223 = arith.constant 320 : i32
      %dma_start3A_224 = tpu.memref_slice %arg11[%dma_start3A_223] : memref<1024xf32, #tpu.memory_space<vmem>> -> memref<64xf32, #tpu.memory_space<vmem>>
      %dma_start3A_225 = tpu.memref_slice %arg17[%add3A_124] : memref<16384xf32, #tpu.memory_space<vmem_shared>> -> memref<64xf32, #tpu.memory_space<vmem_shared>>
      %dma_start3A_226 = arith.constant 320 : i32
      %dma_start3A_227 = tpu.memref_slice %arg11[%dma_start3A_226] : memref<1024xf32, #tpu.memory_space<vmem>> -> memref<64xf32, #tpu.memory_space<vmem>>
      %dma_start3A_228 = tpu.memref_slice %arg17[%add3A_124] : memref<16384xf32, #tpu.memory_space<vmem_shared>> -> memref<64xf32, #tpu.memory_space<vmem_shared>>
      tpu.enqueue_dma source(%dma_start3A_228 : memref<64xf32, #tpu.memory_space<vmem_shared>>) target(%dma_start3A_227 : memref<64xf32, #tpu.memory_space<vmem>>) target_semaphore(%run_scoped3A : memref<!tpu.dma_semaphore, #tpu.memory_space<semaphore_mem>>)
      %dma_wait3A_229 = arith.constant 320 : i32
      %dma_wait3A_230 = tpu.memref_slice %arg11[%dma_wait3A_229] : memref<1024xf32, #tpu.memory_space<vmem>> -> memref<64xf32, #tpu.memory_space<vmem>>
      %dma_wait3A_231 = tpu.memref_slice %arg17[%add3A_124] : memref<16384xf32, #tpu.memory_space<vmem_shared>> -> memref<64xf32, #tpu.memory_space<vmem_shared>>
      %dma_wait3A_232 = arith.constant 320 : i32
      %dma_wait3A_233 = tpu.memref_slice %arg11[%dma_wait3A_232] : memref<1024xf32, #tpu.memory_space<vmem>> -> memref<64xf32, #tpu.memory_space<vmem>>
      %dma_wait3A_234 = tpu.memref_slice %arg17[%add3A_124] : memref<16384xf32, #tpu.memory_space<vmem_shared>> -> memref<64xf32, #tpu.memory_space<vmem_shared>>
      tpu.wait_dma2 semaphore(%run_scoped3A : memref<!tpu.dma_semaphore, #tpu.memory_space<semaphore_mem>>) src(%dma_wait3A_234 : memref<64xf32, #tpu.memory_space<vmem_shared>>) dst(%dma_wait3A_233 : memref<64xf32, #tpu.memory_space<vmem>>)
      tpu.yield
    }) : () -> ()
    %mul3A_125 = arith.constant 64 : i32
    %mul3A_126 = arith.muli %arg1, %mul3A_125 : i32
    %add3A_127 = arith.constant 5120 : i32
    %add3A_128 = arith.addi %add3A_127, %mul3A_126 : i32
    "tpu.region"() ({
      %run_scoped3A = tpu.sem_alloc : memref<!tpu.dma_semaphore, #tpu.memory_space<semaphore_mem>>
      %dma_start3A_223 = arith.constant 320 : i32
      %dma_start3A_224 = tpu.memref_slice %arg12[%dma_start3A_223] : memref<1024xf32, #tpu.memory_space<vmem>> -> memref<64xf32, #tpu.memory_space<vmem>>
      %dma_start3A_225 = tpu.memref_slice %arg18[%add3A_128] : memref<16384xf32, #tpu.memory_space<vmem_shared>> -> memref<64xf32, #tpu.memory_space<vmem_shared>>
      %dma_start3A_226 = arith.constant 320 : i32
      %dma_start3A_227 = tpu.memref_slice %arg12[%dma_start3A_226] : memref<1024xf32, #tpu.memory_space<vmem>> -> memref<64xf32, #tpu.memory_space<vmem>>
      %dma_start3A_228 = tpu.memref_slice %arg18[%add3A_128] : memref<16384xf32, #tpu.memory_space<vmem_shared>> -> memref<64xf32, #tpu.memory_space<vmem_shared>>
      tpu.enqueue_dma source(%dma_start3A_228 : memref<64xf32, #tpu.memory_space<vmem_shared>>) target(%dma_start3A_227 : memref<64xf32, #tpu.memory_space<vmem>>) target_semaphore(%run_scoped3A : memref<!tpu.dma_semaphore, #tpu.memory_space<semaphore_mem>>)
      %dma_wait3A_229 = arith.constant 320 : i32
      %dma_wait3A_230 = tpu.memref_slice %arg12[%dma_wait3A_229] : memref<1024xf32, #tpu.memory_space<vmem>> -> memref<64xf32, #tpu.memory_space<vmem>>
      %dma_wait3A_231 = tpu.memref_slice %arg18[%add3A_128] : memref<16384xf32, #tpu.memory_space<vmem_shared>> -> memref<64xf32, #tpu.memory_space<vmem_shared>>
      %dma_wait3A_232 = arith.constant 320 : i32
      %dma_wait3A_233 = tpu.memref_slice %arg12[%dma_wait3A_232] : memref<1024xf32, #tpu.memory_space<vmem>> -> memref<64xf32, #tpu.memory_space<vmem>>
      %dma_wait3A_234 = tpu.memref_slice %arg18[%add3A_128] : memref<16384xf32, #tpu.memory_space<vmem_shared>> -> memref<64xf32, #tpu.memory_space<vmem_shared>>
      tpu.wait_dma2 semaphore(%run_scoped3A : memref<!tpu.dma_semaphore, #tpu.memory_space<semaphore_mem>>) src(%dma_wait3A_234 : memref<64xf32, #tpu.memory_space<vmem_shared>>) dst(%dma_wait3A_233 : memref<64xf32, #tpu.memory_space<vmem>>)
      tpu.yield
    }) : () -> ()
    %mul3A_129 = arith.constant 64 : i32
    %mul3A_130 = arith.muli %arg1, %mul3A_129 : i32
    %add3A_131 = arith.constant 6144 : i32
    %add3A_132 = arith.addi %add3A_131, %mul3A_130 : i32
    "tpu.region"() ({
      %run_scoped3A = tpu.sem_alloc : memref<!tpu.dma_semaphore, #tpu.memory_space<semaphore_mem>>
      %dma_start3A_223 = arith.constant 384 : i32
      %dma_start3A_224 = tpu.memref_slice %arg11[%dma_start3A_223] : memref<1024xf32, #tpu.memory_space<vmem>> -> memref<64xf32, #tpu.memory_space<vmem>>
      %dma_start3A_225 = tpu.memref_slice %arg17[%add3A_132] : memref<16384xf32, #tpu.memory_space<vmem_shared>> -> memref<64xf32, #tpu.memory_space<vmem_shared>>
      %dma_start3A_226 = arith.constant 384 : i32
      %dma_start3A_227 = tpu.memref_slice %arg11[%dma_start3A_226] : memref<1024xf32, #tpu.memory_space<vmem>> -> memref<64xf32, #tpu.memory_space<vmem>>
      %dma_start3A_228 = tpu.memref_slice %arg17[%add3A_132] : memref<16384xf32, #tpu.memory_space<vmem_shared>> -> memref<64xf32, #tpu.memory_space<vmem_shared>>
      tpu.enqueue_dma source(%dma_start3A_228 : memref<64xf32, #tpu.memory_space<vmem_shared>>) target(%dma_start3A_227 : memref<64xf32, #tpu.memory_space<vmem>>) target_semaphore(%run_scoped3A : memref<!tpu.dma_semaphore, #tpu.memory_space<semaphore_mem>>)
      %dma_wait3A_229 = arith.constant 384 : i32
      %dma_wait3A_230 = tpu.memref_slice %arg11[%dma_wait3A_229] : memref<1024xf32, #tpu.memory_space<vmem>> -> memref<64xf32, #tpu.memory_space<vmem>>
      %dma_wait3A_231 = tpu.memref_slice %arg17[%add3A_132] : memref<16384xf32, #tpu.memory_space<vmem_shared>> -> memref<64xf32, #tpu.memory_space<vmem_shared>>
      %dma_wait3A_232 = arith.constant 384 : i32
      %dma_wait3A_233 = tpu.memref_slice %arg11[%dma_wait3A_232] : memref<1024xf32, #tpu.memory_space<vmem>> -> memref<64xf32, #tpu.memory_space<vmem>>
      %dma_wait3A_234 = tpu.memref_slice %arg17[%add3A_132] : memref<16384xf32, #tpu.memory_space<vmem_shared>> -> memref<64xf32, #tpu.memory_space<vmem_shared>>
      tpu.wait_dma2 semaphore(%run_scoped3A : memref<!tpu.dma_semaphore, #tpu.memory_space<semaphore_mem>>) src(%dma_wait3A_234 : memref<64xf32, #tpu.memory_space<vmem_shared>>) dst(%dma_wait3A_233 : memref<64xf32, #tpu.memory_space<vmem>>)
      tpu.yield
    }) : () -> ()
    %mul3A_133 = arith.constant 64 : i32
    %mul3A_134 = arith.muli %arg1, %mul3A_133 : i32
    %add3A_135 = arith.constant 6144 : i32
    %add3A_136 = arith.addi %add3A_135, %mul3A_134 : i32
    "tpu.region"() ({
      %run_scoped3A = tpu.sem_alloc : memref<!tpu.dma_semaphore, #tpu.memory_space<semaphore_mem>>
      %dma_start3A_223 = arith.constant 384 : i32
      %dma_start3A_224 = tpu.memref_slice %arg12[%dma_start3A_223] : memref<1024xf32, #tpu.memory_space<vmem>> -> memref<64xf32, #tpu.memory_space<vmem>>
      %dma_start3A_225 = tpu.memref_slice %arg18[%add3A_136] : memref<16384xf32, #tpu.memory_space<vmem_shared>> -> memref<64xf32, #tpu.memory_space<vmem_shared>>
      %dma_start3A_226 = arith.constant 384 : i32
      %dma_start3A_227 = tpu.memref_slice %arg12[%dma_start3A_226] : memref<1024xf32, #tpu.memory_space<vmem>> -> memref<64xf32, #tpu.memory_space<vmem>>
      %dma_start3A_228 = tpu.memref_slice %arg18[%add3A_136] : memref<16384xf32, #tpu.memory_space<vmem_shared>> -> memref<64xf32, #tpu.memory_space<vmem_shared>>
      tpu.enqueue_dma source(%dma_start3A_228 : memref<64xf32, #tpu.memory_space<vmem_shared>>) target(%dma_start3A_227 : memref<64xf32, #tpu.memory_space<vmem>>) target_semaphore(%run_scoped3A : memref<!tpu.dma_semaphore, #tpu.memory_space<semaphore_mem>>)
      %dma_wait3A_229 = arith.constant 384 : i32
      %dma_wait3A_230 = tpu.memref_slice %arg12[%dma_wait3A_229] : memref<1024xf32, #tpu.memory_space<vmem>> -> memref<64xf32, #tpu.memory_space<vmem>>
      %dma_wait3A_231 = tpu.memref_slice %arg18[%add3A_136] : memref<16384xf32, #tpu.memory_space<vmem_shared>> -> memref<64xf32, #tpu.memory_space<vmem_shared>>
      %dma_wait3A_232 = arith.constant 384 : i32
      %dma_wait3A_233 = tpu.memref_slice %arg12[%dma_wait3A_232] : memref<1024xf32, #tpu.memory_space<vmem>> -> memref<64xf32, #tpu.memory_space<vmem>>
      %dma_wait3A_234 = tpu.memref_slice %arg18[%add3A_136] : memref<16384xf32, #tpu.memory_space<vmem_shared>> -> memref<64xf32, #tpu.memory_space<vmem_shared>>
      tpu.wait_dma2 semaphore(%run_scoped3A : memref<!tpu.dma_semaphore, #tpu.memory_space<semaphore_mem>>) src(%dma_wait3A_234 : memref<64xf32, #tpu.memory_space<vmem_shared>>) dst(%dma_wait3A_233 : memref<64xf32, #tpu.memory_space<vmem>>)
      tpu.yield
    }) : () -> ()
    %mul3A_137 = arith.constant 64 : i32
    %mul3A_138 = arith.muli %arg1, %mul3A_137 : i32
    %add3A_139 = arith.constant 7168 : i32
    %add3A_140 = arith.addi %add3A_139, %mul3A_138 : i32
    "tpu.region"() ({
      %run_scoped3A = tpu.sem_alloc : memref<!tpu.dma_semaphore, #tpu.memory_space<semaphore_mem>>
      %dma_start3A_223 = arith.constant 448 : i32
      %dma_start3A_224 = tpu.memref_slice %arg11[%dma_start3A_223] : memref<1024xf32, #tpu.memory_space<vmem>> -> memref<64xf32, #tpu.memory_space<vmem>>
      %dma_start3A_225 = tpu.memref_slice %arg17[%add3A_140] : memref<16384xf32, #tpu.memory_space<vmem_shared>> -> memref<64xf32, #tpu.memory_space<vmem_shared>>
      %dma_start3A_226 = arith.constant 448 : i32
      %dma_start3A_227 = tpu.memref_slice %arg11[%dma_start3A_226] : memref<1024xf32, #tpu.memory_space<vmem>> -> memref<64xf32, #tpu.memory_space<vmem>>
      %dma_start3A_228 = tpu.memref_slice %arg17[%add3A_140] : memref<16384xf32, #tpu.memory_space<vmem_shared>> -> memref<64xf32, #tpu.memory_space<vmem_shared>>
      tpu.enqueue_dma source(%dma_start3A_228 : memref<64xf32, #tpu.memory_space<vmem_shared>>) target(%dma_start3A_227 : memref<64xf32, #tpu.memory_space<vmem>>) target_semaphore(%run_scoped3A : memref<!tpu.dma_semaphore, #tpu.memory_space<semaphore_mem>>)
      %dma_wait3A_229 = arith.constant 448 : i32
      %dma_wait3A_230 = tpu.memref_slice %arg11[%dma_wait3A_229] : memref<1024xf32, #tpu.memory_space<vmem>> -> memref<64xf32, #tpu.memory_space<vmem>>
      %dma_wait3A_231 = tpu.memref_slice %arg17[%add3A_140] : memref<16384xf32, #tpu.memory_space<vmem_shared>> -> memref<64xf32, #tpu.memory_space<vmem_shared>>
      %dma_wait3A_232 = arith.constant 448 : i32
      %dma_wait3A_233 = tpu.memref_slice %arg11[%dma_wait3A_232] : memref<1024xf32, #tpu.memory_space<vmem>> -> memref<64xf32, #tpu.memory_space<vmem>>
      %dma_wait3A_234 = tpu.memref_slice %arg17[%add3A_140] : memref<16384xf32, #tpu.memory_space<vmem_shared>> -> memref<64xf32, #tpu.memory_space<vmem_shared>>
      tpu.wait_dma2 semaphore(%run_scoped3A : memref<!tpu.dma_semaphore, #tpu.memory_space<semaphore_mem>>) src(%dma_wait3A_234 : memref<64xf32, #tpu.memory_space<vmem_shared>>) dst(%dma_wait3A_233 : memref<64xf32, #tpu.memory_space<vmem>>)
      tpu.yield
    }) : () -> ()
    %mul3A_141 = arith.constant 64 : i32
    %mul3A_142 = arith.muli %arg1, %mul3A_141 : i32
    %add3A_143 = arith.constant 7168 : i32
    %add3A_144 = arith.addi %add3A_143, %mul3A_142 : i32
    "tpu.region"() ({
      %run_scoped3A = tpu.sem_alloc : memref<!tpu.dma_semaphore, #tpu.memory_space<semaphore_mem>>
      %dma_start3A_223 = arith.constant 448 : i32
      %dma_start3A_224 = tpu.memref_slice %arg12[%dma_start3A_223] : memref<1024xf32, #tpu.memory_space<vmem>> -> memref<64xf32, #tpu.memory_space<vmem>>
      %dma_start3A_225 = tpu.memref_slice %arg18[%add3A_144] : memref<16384xf32, #tpu.memory_space<vmem_shared>> -> memref<64xf32, #tpu.memory_space<vmem_shared>>
      %dma_start3A_226 = arith.constant 448 : i32
      %dma_start3A_227 = tpu.memref_slice %arg12[%dma_start3A_226] : memref<1024xf32, #tpu.memory_space<vmem>> -> memref<64xf32, #tpu.memory_space<vmem>>
      %dma_start3A_228 = tpu.memref_slice %arg18[%add3A_144] : memref<16384xf32, #tpu.memory_space<vmem_shared>> -> memref<64xf32, #tpu.memory_space<vmem_shared>>
      tpu.enqueue_dma source(%dma_start3A_228 : memref<64xf32, #tpu.memory_space<vmem_shared>>) target(%dma_start3A_227 : memref<64xf32, #tpu.memory_space<vmem>>) target_semaphore(%run_scoped3A : memref<!tpu.dma_semaphore, #tpu.memory_space<semaphore_mem>>)
      %dma_wait3A_229 = arith.constant 448 : i32
      %dma_wait3A_230 = tpu.memref_slice %arg12[%dma_wait3A_229] : memref<1024xf32, #tpu.memory_space<vmem>> -> memref<64xf32, #tpu.memory_space<vmem>>
      %dma_wait3A_231 = tpu.memref_slice %arg18[%add3A_144] : memref<16384xf32, #tpu.memory_space<vmem_shared>> -> memref<64xf32, #tpu.memory_space<vmem_shared>>
      %dma_wait3A_232 = arith.constant 448 : i32
      %dma_wait3A_233 = tpu.memref_slice %arg12[%dma_wait3A_232] : memref<1024xf32, #tpu.memory_space<vmem>> -> memref<64xf32, #tpu.memory_space<vmem>>
      %dma_wait3A_234 = tpu.memref_slice %arg18[%add3A_144] : memref<16384xf32, #tpu.memory_space<vmem_shared>> -> memref<64xf32, #tpu.memory_space<vmem_shared>>
      tpu.wait_dma2 semaphore(%run_scoped3A : memref<!tpu.dma_semaphore, #tpu.memory_space<semaphore_mem>>) src(%dma_wait3A_234 : memref<64xf32, #tpu.memory_space<vmem_shared>>) dst(%dma_wait3A_233 : memref<64xf32, #tpu.memory_space<vmem>>)
      tpu.yield
    }) : () -> ()
    %mul3A_145 = arith.constant 64 : i32
    %mul3A_146 = arith.muli %arg1, %mul3A_145 : i32
    %add3A_147 = arith.constant 8192 : i32
    %add3A_148 = arith.addi %add3A_147, %mul3A_146 : i32
    "tpu.region"() ({
      %run_scoped3A = tpu.sem_alloc : memref<!tpu.dma_semaphore, #tpu.memory_space<semaphore_mem>>
      %dma_start3A_223 = arith.constant 512 : i32
      %dma_start3A_224 = tpu.memref_slice %arg11[%dma_start3A_223] : memref<1024xf32, #tpu.memory_space<vmem>> -> memref<64xf32, #tpu.memory_space<vmem>>
      %dma_start3A_225 = tpu.memref_slice %arg17[%add3A_148] : memref<16384xf32, #tpu.memory_space<vmem_shared>> -> memref<64xf32, #tpu.memory_space<vmem_shared>>
      %dma_start3A_226 = arith.constant 512 : i32
      %dma_start3A_227 = tpu.memref_slice %arg11[%dma_start3A_226] : memref<1024xf32, #tpu.memory_space<vmem>> -> memref<64xf32, #tpu.memory_space<vmem>>
      %dma_start3A_228 = tpu.memref_slice %arg17[%add3A_148] : memref<16384xf32, #tpu.memory_space<vmem_shared>> -> memref<64xf32, #tpu.memory_space<vmem_shared>>
      tpu.enqueue_dma source(%dma_start3A_228 : memref<64xf32, #tpu.memory_space<vmem_shared>>) target(%dma_start3A_227 : memref<64xf32, #tpu.memory_space<vmem>>) target_semaphore(%run_scoped3A : memref<!tpu.dma_semaphore, #tpu.memory_space<semaphore_mem>>)
      %dma_wait3A_229 = arith.constant 512 : i32
      %dma_wait3A_230 = tpu.memref_slice %arg11[%dma_wait3A_229] : memref<1024xf32, #tpu.memory_space<vmem>> -> memref<64xf32, #tpu.memory_space<vmem>>
      %dma_wait3A_231 = tpu.memref_slice %arg17[%add3A_148] : memref<16384xf32, #tpu.memory_space<vmem_shared>> -> memref<64xf32, #tpu.memory_space<vmem_shared>>
      %dma_wait3A_232 = arith.constant 512 : i32
      %dma_wait3A_233 = tpu.memref_slice %arg11[%dma_wait3A_232] : memref<1024xf32, #tpu.memory_space<vmem>> -> memref<64xf32, #tpu.memory_space<vmem>>
      %dma_wait3A_234 = tpu.memref_slice %arg17[%add3A_148] : memref<16384xf32, #tpu.memory_space<vmem_shared>> -> memref<64xf32, #tpu.memory_space<vmem_shared>>
      tpu.wait_dma2 semaphore(%run_scoped3A : memref<!tpu.dma_semaphore, #tpu.memory_space<semaphore_mem>>) src(%dma_wait3A_234 : memref<64xf32, #tpu.memory_space<vmem_shared>>) dst(%dma_wait3A_233 : memref<64xf32, #tpu.memory_space<vmem>>)
      tpu.yield
    }) : () -> ()
    %mul3A_149 = arith.constant 64 : i32
    %mul3A_150 = arith.muli %arg1, %mul3A_149 : i32
    %add3A_151 = arith.constant 8192 : i32
    %add3A_152 = arith.addi %add3A_151, %mul3A_150 : i32
    "tpu.region"() ({
      %run_scoped3A = tpu.sem_alloc : memref<!tpu.dma_semaphore, #tpu.memory_space<semaphore_mem>>
      %dma_start3A_223 = arith.constant 512 : i32
      %dma_start3A_224 = tpu.memref_slice %arg12[%dma_start3A_223] : memref<1024xf32, #tpu.memory_space<vmem>> -> memref<64xf32, #tpu.memory_space<vmem>>
      %dma_start3A_225 = tpu.memref_slice %arg18[%add3A_152] : memref<16384xf32, #tpu.memory_space<vmem_shared>> -> memref<64xf32, #tpu.memory_space<vmem_shared>>
      %dma_start3A_226 = arith.constant 512 : i32
      %dma_start3A_227 = tpu.memref_slice %arg12[%dma_start3A_226] : memref<1024xf32, #tpu.memory_space<vmem>> -> memref<64xf32, #tpu.memory_space<vmem>>
      %dma_start3A_228 = tpu.memref_slice %arg18[%add3A_152] : memref<16384xf32, #tpu.memory_space<vmem_shared>> -> memref<64xf32, #tpu.memory_space<vmem_shared>>
      tpu.enqueue_dma source(%dma_start3A_228 : memref<64xf32, #tpu.memory_space<vmem_shared>>) target(%dma_start3A_227 : memref<64xf32, #tpu.memory_space<vmem>>) target_semaphore(%run_scoped3A : memref<!tpu.dma_semaphore, #tpu.memory_space<semaphore_mem>>)
      %dma_wait3A_229 = arith.constant 512 : i32
      %dma_wait3A_230 = tpu.memref_slice %arg12[%dma_wait3A_229] : memref<1024xf32, #tpu.memory_space<vmem>> -> memref<64xf32, #tpu.memory_space<vmem>>
      %dma_wait3A_231 = tpu.memref_slice %arg18[%add3A_152] : memref<16384xf32, #tpu.memory_space<vmem_shared>> -> memref<64xf32, #tpu.memory_space<vmem_shared>>
      %dma_wait3A_232 = arith.constant 512 : i32
      %dma_wait3A_233 = tpu.memref_slice %arg12[%dma_wait3A_232] : memref<1024xf32, #tpu.memory_space<vmem>> -> memref<64xf32, #tpu.memory_space<vmem>>
      %dma_wait3A_234 = tpu.memref_slice %arg18[%add3A_152] : memref<16384xf32, #tpu.memory_space<vmem_shared>> -> memref<64xf32, #tpu.memory_space<vmem_shared>>
      tpu.wait_dma2 semaphore(%run_scoped3A : memref<!tpu.dma_semaphore, #tpu.memory_space<semaphore_mem>>) src(%dma_wait3A_234 : memref<64xf32, #tpu.memory_space<vmem_shared>>) dst(%dma_wait3A_233 : memref<64xf32, #tpu.memory_space<vmem>>)
      tpu.yield
    }) : () -> ()
    %mul3A_153 = arith.constant 64 : i32
    %mul3A_154 = arith.muli %arg1, %mul3A_153 : i32
    %add3A_155 = arith.constant 9216 : i32
    %add3A_156 = arith.addi %add3A_155, %mul3A_154 : i32
    "tpu.region"() ({
      %run_scoped3A = tpu.sem_alloc : memref<!tpu.dma_semaphore, #tpu.memory_space<semaphore_mem>>
      %dma_start3A_223 = arith.constant 576 : i32
      %dma_start3A_224 = tpu.memref_slice %arg11[%dma_start3A_223] : memref<1024xf32, #tpu.memory_space<vmem>> -> memref<64xf32, #tpu.memory_space<vmem>>
      %dma_start3A_225 = tpu.memref_slice %arg17[%add3A_156] : memref<16384xf32, #tpu.memory_space<vmem_shared>> -> memref<64xf32, #tpu.memory_space<vmem_shared>>
      %dma_start3A_226 = arith.constant 576 : i32
      %dma_start3A_227 = tpu.memref_slice %arg11[%dma_start3A_226] : memref<1024xf32, #tpu.memory_space<vmem>> -> memref<64xf32, #tpu.memory_space<vmem>>
      %dma_start3A_228 = tpu.memref_slice %arg17[%add3A_156] : memref<16384xf32, #tpu.memory_space<vmem_shared>> -> memref<64xf32, #tpu.memory_space<vmem_shared>>
      tpu.enqueue_dma source(%dma_start3A_228 : memref<64xf32, #tpu.memory_space<vmem_shared>>) target(%dma_start3A_227 : memref<64xf32, #tpu.memory_space<vmem>>) target_semaphore(%run_scoped3A : memref<!tpu.dma_semaphore, #tpu.memory_space<semaphore_mem>>)
      %dma_wait3A_229 = arith.constant 576 : i32
      %dma_wait3A_230 = tpu.memref_slice %arg11[%dma_wait3A_229] : memref<1024xf32, #tpu.memory_space<vmem>> -> memref<64xf32, #tpu.memory_space<vmem>>
      %dma_wait3A_231 = tpu.memref_slice %arg17[%add3A_156] : memref<16384xf32, #tpu.memory_space<vmem_shared>> -> memref<64xf32, #tpu.memory_space<vmem_shared>>
      %dma_wait3A_232 = arith.constant 576 : i32
      %dma_wait3A_233 = tpu.memref_slice %arg11[%dma_wait3A_232] : memref<1024xf32, #tpu.memory_space<vmem>> -> memref<64xf32, #tpu.memory_space<vmem>>
      %dma_wait3A_234 = tpu.memref_slice %arg17[%add3A_156] : memref<16384xf32, #tpu.memory_space<vmem_shared>> -> memref<64xf32, #tpu.memory_space<vmem_shared>>
      tpu.wait_dma2 semaphore(%run_scoped3A : memref<!tpu.dma_semaphore, #tpu.memory_space<semaphore_mem>>) src(%dma_wait3A_234 : memref<64xf32, #tpu.memory_space<vmem_shared>>) dst(%dma_wait3A_233 : memref<64xf32, #tpu.memory_space<vmem>>)
      tpu.yield
    }) : () -> ()
    %mul3A_157 = arith.constant 64 : i32
    %mul3A_158 = arith.muli %arg1, %mul3A_157 : i32
    %add3A_159 = arith.constant 9216 : i32
    %add3A_160 = arith.addi %add3A_159, %mul3A_158 : i32
    "tpu.region"() ({
      %run_scoped3A = tpu.sem_alloc : memref<!tpu.dma_semaphore, #tpu.memory_space<semaphore_mem>>
      %dma_start3A_223 = arith.constant 576 : i32
      %dma_start3A_224 = tpu.memref_slice %arg12[%dma_start3A_223] : memref<1024xf32, #tpu.memory_space<vmem>> -> memref<64xf32, #tpu.memory_space<vmem>>
      %dma_start3A_225 = tpu.memref_slice %arg18[%add3A_160] : memref<16384xf32, #tpu.memory_space<vmem_shared>> -> memref<64xf32, #tpu.memory_space<vmem_shared>>
      %dma_start3A_226 = arith.constant 576 : i32
      %dma_start3A_227 = tpu.memref_slice %arg12[%dma_start3A_226] : memref<1024xf32, #tpu.memory_space<vmem>> -> memref<64xf32, #tpu.memory_space<vmem>>
      %dma_start3A_228 = tpu.memref_slice %arg18[%add3A_160] : memref<16384xf32, #tpu.memory_space<vmem_shared>> -> memref<64xf32, #tpu.memory_space<vmem_shared>>
      tpu.enqueue_dma source(%dma_start3A_228 : memref<64xf32, #tpu.memory_space<vmem_shared>>) target(%dma_start3A_227 : memref<64xf32, #tpu.memory_space<vmem>>) target_semaphore(%run_scoped3A : memref<!tpu.dma_semaphore, #tpu.memory_space<semaphore_mem>>)
      %dma_wait3A_229 = arith.constant 576 : i32
      %dma_wait3A_230 = tpu.memref_slice %arg12[%dma_wait3A_229] : memref<1024xf32, #tpu.memory_space<vmem>> -> memref<64xf32, #tpu.memory_space<vmem>>
      %dma_wait3A_231 = tpu.memref_slice %arg18[%add3A_160] : memref<16384xf32, #tpu.memory_space<vmem_shared>> -> memref<64xf32, #tpu.memory_space<vmem_shared>>
      %dma_wait3A_232 = arith.constant 576 : i32
      %dma_wait3A_233 = tpu.memref_slice %arg12[%dma_wait3A_232] : memref<1024xf32, #tpu.memory_space<vmem>> -> memref<64xf32, #tpu.memory_space<vmem>>
      %dma_wait3A_234 = tpu.memref_slice %arg18[%add3A_160] : memref<16384xf32, #tpu.memory_space<vmem_shared>> -> memref<64xf32, #tpu.memory_space<vmem_shared>>
      tpu.wait_dma2 semaphore(%run_scoped3A : memref<!tpu.dma_semaphore, #tpu.memory_space<semaphore_mem>>) src(%dma_wait3A_234 : memref<64xf32, #tpu.memory_space<vmem_shared>>) dst(%dma_wait3A_233 : memref<64xf32, #tpu.memory_space<vmem>>)
      tpu.yield
    }) : () -> ()
    %mul3A_161 = arith.constant 64 : i32
    %mul3A_162 = arith.muli %arg1, %mul3A_161 : i32
    %add3A_163 = arith.constant 10240 : i32
    %add3A_164 = arith.addi %add3A_163, %mul3A_162 : i32
    "tpu.region"() ({
      %run_scoped3A = tpu.sem_alloc : memref<!tpu.dma_semaphore, #tpu.memory_space<semaphore_mem>>
      %dma_start3A_223 = arith.constant 640 : i32
      %dma_start3A_224 = tpu.memref_slice %arg11[%dma_start3A_223] : memref<1024xf32, #tpu.memory_space<vmem>> -> memref<64xf32, #tpu.memory_space<vmem>>
      %dma_start3A_225 = tpu.memref_slice %arg17[%add3A_164] : memref<16384xf32, #tpu.memory_space<vmem_shared>> -> memref<64xf32, #tpu.memory_space<vmem_shared>>
      %dma_start3A_226 = arith.constant 640 : i32
      %dma_start3A_227 = tpu.memref_slice %arg11[%dma_start3A_226] : memref<1024xf32, #tpu.memory_space<vmem>> -> memref<64xf32, #tpu.memory_space<vmem>>
      %dma_start3A_228 = tpu.memref_slice %arg17[%add3A_164] : memref<16384xf32, #tpu.memory_space<vmem_shared>> -> memref<64xf32, #tpu.memory_space<vmem_shared>>
      tpu.enqueue_dma source(%dma_start3A_228 : memref<64xf32, #tpu.memory_space<vmem_shared>>) target(%dma_start3A_227 : memref<64xf32, #tpu.memory_space<vmem>>) target_semaphore(%run_scoped3A : memref<!tpu.dma_semaphore, #tpu.memory_space<semaphore_mem>>)
      %dma_wait3A_229 = arith.constant 640 : i32
      %dma_wait3A_230 = tpu.memref_slice %arg11[%dma_wait3A_229] : memref<1024xf32, #tpu.memory_space<vmem>> -> memref<64xf32, #tpu.memory_space<vmem>>
      %dma_wait3A_231 = tpu.memref_slice %arg17[%add3A_164] : memref<16384xf32, #tpu.memory_space<vmem_shared>> -> memref<64xf32, #tpu.memory_space<vmem_shared>>
      %dma_wait3A_232 = arith.constant 640 : i32
      %dma_wait3A_233 = tpu.memref_slice %arg11[%dma_wait3A_232] : memref<1024xf32, #tpu.memory_space<vmem>> -> memref<64xf32, #tpu.memory_space<vmem>>
      %dma_wait3A_234 = tpu.memref_slice %arg17[%add3A_164] : memref<16384xf32, #tpu.memory_space<vmem_shared>> -> memref<64xf32, #tpu.memory_space<vmem_shared>>
      tpu.wait_dma2 semaphore(%run_scoped3A : memref<!tpu.dma_semaphore, #tpu.memory_space<semaphore_mem>>) src(%dma_wait3A_234 : memref<64xf32, #tpu.memory_space<vmem_shared>>) dst(%dma_wait3A_233 : memref<64xf32, #tpu.memory_space<vmem>>)
      tpu.yield
    }) : () -> ()
    %mul3A_165 = arith.constant 64 : i32
    %mul3A_166 = arith.muli %arg1, %mul3A_165 : i32
    %add3A_167 = arith.constant 10240 : i32
    %add3A_168 = arith.addi %add3A_167, %mul3A_166 : i32
    "tpu.region"() ({
      %run_scoped3A = tpu.sem_alloc : memref<!tpu.dma_semaphore, #tpu.memory_space<semaphore_mem>>
      %dma_start3A_223 = arith.constant 640 : i32
      %dma_start3A_224 = tpu.memref_slice %arg12[%dma_start3A_223] : memref<1024xf32, #tpu.memory_space<vmem>> -> memref<64xf32, #tpu.memory_space<vmem>>
      %dma_start3A_225 = tpu.memref_slice %arg18[%add3A_168] : memref<16384xf32, #tpu.memory_space<vmem_shared>> -> memref<64xf32, #tpu.memory_space<vmem_shared>>
      %dma_start3A_226 = arith.constant 640 : i32
      %dma_start3A_227 = tpu.memref_slice %arg12[%dma_start3A_226] : memref<1024xf32, #tpu.memory_space<vmem>> -> memref<64xf32, #tpu.memory_space<vmem>>
      %dma_start3A_228 = tpu.memref_slice %arg18[%add3A_168] : memref<16384xf32, #tpu.memory_space<vmem_shared>> -> memref<64xf32, #tpu.memory_space<vmem_shared>>
      tpu.enqueue_dma source(%dma_start3A_228 : memref<64xf32, #tpu.memory_space<vmem_shared>>) target(%dma_start3A_227 : memref<64xf32, #tpu.memory_space<vmem>>) target_semaphore(%run_scoped3A : memref<!tpu.dma_semaphore, #tpu.memory_space<semaphore_mem>>)
      %dma_wait3A_229 = arith.constant 640 : i32
      %dma_wait3A_230 = tpu.memref_slice %arg12[%dma_wait3A_229] : memref<1024xf32, #tpu.memory_space<vmem>> -> memref<64xf32, #tpu.memory_space<vmem>>
      %dma_wait3A_231 = tpu.memref_slice %arg18[%add3A_168] : memref<16384xf32, #tpu.memory_space<vmem_shared>> -> memref<64xf32, #tpu.memory_space<vmem_shared>>
      %dma_wait3A_232 = arith.constant 640 : i32
      %dma_wait3A_233 = tpu.memref_slice %arg12[%dma_wait3A_232] : memref<1024xf32, #tpu.memory_space<vmem>> -> memref<64xf32, #tpu.memory_space<vmem>>
      %dma_wait3A_234 = tpu.memref_slice %arg18[%add3A_168] : memref<16384xf32, #tpu.memory_space<vmem_shared>> -> memref<64xf32, #tpu.memory_space<vmem_shared>>
      tpu.wait_dma2 semaphore(%run_scoped3A : memref<!tpu.dma_semaphore, #tpu.memory_space<semaphore_mem>>) src(%dma_wait3A_234 : memref<64xf32, #tpu.memory_space<vmem_shared>>) dst(%dma_wait3A_233 : memref<64xf32, #tpu.memory_space<vmem>>)
      tpu.yield
    }) : () -> ()
    %mul3A_169 = arith.constant 64 : i32
    %mul3A_170 = arith.muli %arg1, %mul3A_169 : i32
    %add3A_171 = arith.constant 11264 : i32
    %add3A_172 = arith.addi %add3A_171, %mul3A_170 : i32
    "tpu.region"() ({
      %run_scoped3A = tpu.sem_alloc : memref<!tpu.dma_semaphore, #tpu.memory_space<semaphore_mem>>
      %dma_start3A_223 = arith.constant 704 : i32
      %dma_start3A_224 = tpu.memref_slice %arg11[%dma_start3A_223] : memref<1024xf32, #tpu.memory_space<vmem>> -> memref<64xf32, #tpu.memory_space<vmem>>
      %dma_start3A_225 = tpu.memref_slice %arg17[%add3A_172] : memref<16384xf32, #tpu.memory_space<vmem_shared>> -> memref<64xf32, #tpu.memory_space<vmem_shared>>
      %dma_start3A_226 = arith.constant 704 : i32
      %dma_start3A_227 = tpu.memref_slice %arg11[%dma_start3A_226] : memref<1024xf32, #tpu.memory_space<vmem>> -> memref<64xf32, #tpu.memory_space<vmem>>
      %dma_start3A_228 = tpu.memref_slice %arg17[%add3A_172] : memref<16384xf32, #tpu.memory_space<vmem_shared>> -> memref<64xf32, #tpu.memory_space<vmem_shared>>
      tpu.enqueue_dma source(%dma_start3A_228 : memref<64xf32, #tpu.memory_space<vmem_shared>>) target(%dma_start3A_227 : memref<64xf32, #tpu.memory_space<vmem>>) target_semaphore(%run_scoped3A : memref<!tpu.dma_semaphore, #tpu.memory_space<semaphore_mem>>)
      %dma_wait3A_229 = arith.constant 704 : i32
      %dma_wait3A_230 = tpu.memref_slice %arg11[%dma_wait3A_229] : memref<1024xf32, #tpu.memory_space<vmem>> -> memref<64xf32, #tpu.memory_space<vmem>>
      %dma_wait3A_231 = tpu.memref_slice %arg17[%add3A_172] : memref<16384xf32, #tpu.memory_space<vmem_shared>> -> memref<64xf32, #tpu.memory_space<vmem_shared>>
      %dma_wait3A_232 = arith.constant 704 : i32
      %dma_wait3A_233 = tpu.memref_slice %arg11[%dma_wait3A_232] : memref<1024xf32, #tpu.memory_space<vmem>> -> memref<64xf32, #tpu.memory_space<vmem>>
      %dma_wait3A_234 = tpu.memref_slice %arg17[%add3A_172] : memref<16384xf32, #tpu.memory_space<vmem_shared>> -> memref<64xf32, #tpu.memory_space<vmem_shared>>
      tpu.wait_dma2 semaphore(%run_scoped3A : memref<!tpu.dma_semaphore, #tpu.memory_space<semaphore_mem>>) src(%dma_wait3A_234 : memref<64xf32, #tpu.memory_space<vmem_shared>>) dst(%dma_wait3A_233 : memref<64xf32, #tpu.memory_space<vmem>>)
      tpu.yield
    }) : () -> ()
    %mul3A_173 = arith.constant 64 : i32
    %mul3A_174 = arith.muli %arg1, %mul3A_173 : i32
    %add3A_175 = arith.constant 11264 : i32
    %add3A_176 = arith.addi %add3A_175, %mul3A_174 : i32
    "tpu.region"() ({
      %run_scoped3A = tpu.sem_alloc : memref<!tpu.dma_semaphore, #tpu.memory_space<semaphore_mem>>
      %dma_start3A_223 = arith.constant 704 : i32
      %dma_start3A_224 = tpu.memref_slice %arg12[%dma_start3A_223] : memref<1024xf32, #tpu.memory_space<vmem>> -> memref<64xf32, #tpu.memory_space<vmem>>
      %dma_start3A_225 = tpu.memref_slice %arg18[%add3A_176] : memref<16384xf32, #tpu.memory_space<vmem_shared>> -> memref<64xf32, #tpu.memory_space<vmem_shared>>
      %dma_start3A_226 = arith.constant 704 : i32
      %dma_start3A_227 = tpu.memref_slice %arg12[%dma_start3A_226] : memref<1024xf32, #tpu.memory_space<vmem>> -> memref<64xf32, #tpu.memory_space<vmem>>
      %dma_start3A_228 = tpu.memref_slice %arg18[%add3A_176] : memref<16384xf32, #tpu.memory_space<vmem_shared>> -> memref<64xf32, #tpu.memory_space<vmem_shared>>
      tpu.enqueue_dma source(%dma_start3A_228 : memref<64xf32, #tpu.memory_space<vmem_shared>>) target(%dma_start3A_227 : memref<64xf32, #tpu.memory_space<vmem>>) target_semaphore(%run_scoped3A : memref<!tpu.dma_semaphore, #tpu.memory_space<semaphore_mem>>)
      %dma_wait3A_229 = arith.constant 704 : i32
      %dma_wait3A_230 = tpu.memref_slice %arg12[%dma_wait3A_229] : memref<1024xf32, #tpu.memory_space<vmem>> -> memref<64xf32, #tpu.memory_space<vmem>>
      %dma_wait3A_231 = tpu.memref_slice %arg18[%add3A_176] : memref<16384xf32, #tpu.memory_space<vmem_shared>> -> memref<64xf32, #tpu.memory_space<vmem_shared>>
      %dma_wait3A_232 = arith.constant 704 : i32
      %dma_wait3A_233 = tpu.memref_slice %arg12[%dma_wait3A_232] : memref<1024xf32, #tpu.memory_space<vmem>> -> memref<64xf32, #tpu.memory_space<vmem>>
      %dma_wait3A_234 = tpu.memref_slice %arg18[%add3A_176] : memref<16384xf32, #tpu.memory_space<vmem_shared>> -> memref<64xf32, #tpu.memory_space<vmem_shared>>
      tpu.wait_dma2 semaphore(%run_scoped3A : memref<!tpu.dma_semaphore, #tpu.memory_space<semaphore_mem>>) src(%dma_wait3A_234 : memref<64xf32, #tpu.memory_space<vmem_shared>>) dst(%dma_wait3A_233 : memref<64xf32, #tpu.memory_space<vmem>>)
      tpu.yield
    }) : () -> ()
    %mul3A_177 = arith.constant 64 : i32
    %mul3A_178 = arith.muli %arg1, %mul3A_177 : i32
    %add3A_179 = arith.constant 12288 : i32
    %add3A_180 = arith.addi %add3A_179, %mul3A_178 : i32
    "tpu.region"() ({
      %run_scoped3A = tpu.sem_alloc : memref<!tpu.dma_semaphore, #tpu.memory_space<semaphore_mem>>
      %dma_start3A_223 = arith.constant 768 : i32
      %dma_start3A_224 = tpu.memref_slice %arg11[%dma_start3A_223] : memref<1024xf32, #tpu.memory_space<vmem>> -> memref<64xf32, #tpu.memory_space<vmem>>
      %dma_start3A_225 = tpu.memref_slice %arg17[%add3A_180] : memref<16384xf32, #tpu.memory_space<vmem_shared>> -> memref<64xf32, #tpu.memory_space<vmem_shared>>
      %dma_start3A_226 = arith.constant 768 : i32
      %dma_start3A_227 = tpu.memref_slice %arg11[%dma_start3A_226] : memref<1024xf32, #tpu.memory_space<vmem>> -> memref<64xf32, #tpu.memory_space<vmem>>
      %dma_start3A_228 = tpu.memref_slice %arg17[%add3A_180] : memref<16384xf32, #tpu.memory_space<vmem_shared>> -> memref<64xf32, #tpu.memory_space<vmem_shared>>
      tpu.enqueue_dma source(%dma_start3A_228 : memref<64xf32, #tpu.memory_space<vmem_shared>>) target(%dma_start3A_227 : memref<64xf32, #tpu.memory_space<vmem>>) target_semaphore(%run_scoped3A : memref<!tpu.dma_semaphore, #tpu.memory_space<semaphore_mem>>)
      %dma_wait3A_229 = arith.constant 768 : i32
      %dma_wait3A_230 = tpu.memref_slice %arg11[%dma_wait3A_229] : memref<1024xf32, #tpu.memory_space<vmem>> -> memref<64xf32, #tpu.memory_space<vmem>>
      %dma_wait3A_231 = tpu.memref_slice %arg17[%add3A_180] : memref<16384xf32, #tpu.memory_space<vmem_shared>> -> memref<64xf32, #tpu.memory_space<vmem_shared>>
      %dma_wait3A_232 = arith.constant 768 : i32
      %dma_wait3A_233 = tpu.memref_slice %arg11[%dma_wait3A_232] : memref<1024xf32, #tpu.memory_space<vmem>> -> memref<64xf32, #tpu.memory_space<vmem>>
      %dma_wait3A_234 = tpu.memref_slice %arg17[%add3A_180] : memref<16384xf32, #tpu.memory_space<vmem_shared>> -> memref<64xf32, #tpu.memory_space<vmem_shared>>
      tpu.wait_dma2 semaphore(%run_scoped3A : memref<!tpu.dma_semaphore, #tpu.memory_space<semaphore_mem>>) src(%dma_wait3A_234 : memref<64xf32, #tpu.memory_space<vmem_shared>>) dst(%dma_wait3A_233 : memref<64xf32, #tpu.memory_space<vmem>>)
      tpu.yield
    }) : () -> ()
    %mul3A_181 = arith.constant 64 : i32
    %mul3A_182 = arith.muli %arg1, %mul3A_181 : i32
    %add3A_183 = arith.constant 12288 : i32
    %add3A_184 = arith.addi %add3A_183, %mul3A_182 : i32
    "tpu.region"() ({
      %run_scoped3A = tpu.sem_alloc : memref<!tpu.dma_semaphore, #tpu.memory_space<semaphore_mem>>
      %dma_start3A_223 = arith.constant 768 : i32
      %dma_start3A_224 = tpu.memref_slice %arg12[%dma_start3A_223] : memref<1024xf32, #tpu.memory_space<vmem>> -> memref<64xf32, #tpu.memory_space<vmem>>
      %dma_start3A_225 = tpu.memref_slice %arg18[%add3A_184] : memref<16384xf32, #tpu.memory_space<vmem_shared>> -> memref<64xf32, #tpu.memory_space<vmem_shared>>
      %dma_start3A_226 = arith.constant 768 : i32
      %dma_start3A_227 = tpu.memref_slice %arg12[%dma_start3A_226] : memref<1024xf32, #tpu.memory_space<vmem>> -> memref<64xf32, #tpu.memory_space<vmem>>
      %dma_start3A_228 = tpu.memref_slice %arg18[%add3A_184] : memref<16384xf32, #tpu.memory_space<vmem_shared>> -> memref<64xf32, #tpu.memory_space<vmem_shared>>
      tpu.enqueue_dma source(%dma_start3A_228 : memref<64xf32, #tpu.memory_space<vmem_shared>>) target(%dma_start3A_227 : memref<64xf32, #tpu.memory_space<vmem>>) target_semaphore(%run_scoped3A : memref<!tpu.dma_semaphore, #tpu.memory_space<semaphore_mem>>)
      %dma_wait3A_229 = arith.constant 768 : i32
      %dma_wait3A_230 = tpu.memref_slice %arg12[%dma_wait3A_229] : memref<1024xf32, #tpu.memory_space<vmem>> -> memref<64xf32, #tpu.memory_space<vmem>>
      %dma_wait3A_231 = tpu.memref_slice %arg18[%add3A_184] : memref<16384xf32, #tpu.memory_space<vmem_shared>> -> memref<64xf32, #tpu.memory_space<vmem_shared>>
      %dma_wait3A_232 = arith.constant 768 : i32
      %dma_wait3A_233 = tpu.memref_slice %arg12[%dma_wait3A_232] : memref<1024xf32, #tpu.memory_space<vmem>> -> memref<64xf32, #tpu.memory_space<vmem>>
      %dma_wait3A_234 = tpu.memref_slice %arg18[%add3A_184] : memref<16384xf32, #tpu.memory_space<vmem_shared>> -> memref<64xf32, #tpu.memory_space<vmem_shared>>
      tpu.wait_dma2 semaphore(%run_scoped3A : memref<!tpu.dma_semaphore, #tpu.memory_space<semaphore_mem>>) src(%dma_wait3A_234 : memref<64xf32, #tpu.memory_space<vmem_shared>>) dst(%dma_wait3A_233 : memref<64xf32, #tpu.memory_space<vmem>>)
      tpu.yield
    }) : () -> ()
    %mul3A_185 = arith.constant 64 : i32
    %mul3A_186 = arith.muli %arg1, %mul3A_185 : i32
    %add3A_187 = arith.constant 13312 : i32
    %add3A_188 = arith.addi %add3A_187, %mul3A_186 : i32
    "tpu.region"() ({
      %run_scoped3A = tpu.sem_alloc : memref<!tpu.dma_semaphore, #tpu.memory_space<semaphore_mem>>
      %dma_start3A_223 = arith.constant 832 : i32
      %dma_start3A_224 = tpu.memref_slice %arg11[%dma_start3A_223] : memref<1024xf32, #tpu.memory_space<vmem>> -> memref<64xf32, #tpu.memory_space<vmem>>
      %dma_start3A_225 = tpu.memref_slice %arg17[%add3A_188] : memref<16384xf32, #tpu.memory_space<vmem_shared>> -> memref<64xf32, #tpu.memory_space<vmem_shared>>
      %dma_start3A_226 = arith.constant 832 : i32
      %dma_start3A_227 = tpu.memref_slice %arg11[%dma_start3A_226] : memref<1024xf32, #tpu.memory_space<vmem>> -> memref<64xf32, #tpu.memory_space<vmem>>
      %dma_start3A_228 = tpu.memref_slice %arg17[%add3A_188] : memref<16384xf32, #tpu.memory_space<vmem_shared>> -> memref<64xf32, #tpu.memory_space<vmem_shared>>
      tpu.enqueue_dma source(%dma_start3A_228 : memref<64xf32, #tpu.memory_space<vmem_shared>>) target(%dma_start3A_227 : memref<64xf32, #tpu.memory_space<vmem>>) target_semaphore(%run_scoped3A : memref<!tpu.dma_semaphore, #tpu.memory_space<semaphore_mem>>)
      %dma_wait3A_229 = arith.constant 832 : i32
      %dma_wait3A_230 = tpu.memref_slice %arg11[%dma_wait3A_229] : memref<1024xf32, #tpu.memory_space<vmem>> -> memref<64xf32, #tpu.memory_space<vmem>>
      %dma_wait3A_231 = tpu.memref_slice %arg17[%add3A_188] : memref<16384xf32, #tpu.memory_space<vmem_shared>> -> memref<64xf32, #tpu.memory_space<vmem_shared>>
      %dma_wait3A_232 = arith.constant 832 : i32
      %dma_wait3A_233 = tpu.memref_slice %arg11[%dma_wait3A_232] : memref<1024xf32, #tpu.memory_space<vmem>> -> memref<64xf32, #tpu.memory_space<vmem>>
      %dma_wait3A_234 = tpu.memref_slice %arg17[%add3A_188] : memref<16384xf32, #tpu.memory_space<vmem_shared>> -> memref<64xf32, #tpu.memory_space<vmem_shared>>
      tpu.wait_dma2 semaphore(%run_scoped3A : memref<!tpu.dma_semaphore, #tpu.memory_space<semaphore_mem>>) src(%dma_wait3A_234 : memref<64xf32, #tpu.memory_space<vmem_shared>>) dst(%dma_wait3A_233 : memref<64xf32, #tpu.memory_space<vmem>>)
      tpu.yield
    }) : () -> ()
    %mul3A_189 = arith.constant 64 : i32
    %mul3A_190 = arith.muli %arg1, %mul3A_189 : i32
    %add3A_191 = arith.constant 13312 : i32
    %add3A_192 = arith.addi %add3A_191, %mul3A_190 : i32
    "tpu.region"() ({
      %run_scoped3A = tpu.sem_alloc : memref<!tpu.dma_semaphore, #tpu.memory_space<semaphore_mem>>
      %dma_start3A_223 = arith.constant 832 : i32
      %dma_start3A_224 = tpu.memref_slice %arg12[%dma_start3A_223] : memref<1024xf32, #tpu.memory_space<vmem>> -> memref<64xf32, #tpu.memory_space<vmem>>
      %dma_start3A_225 = tpu.memref_slice %arg18[%add3A_192] : memref<16384xf32, #tpu.memory_space<vmem_shared>> -> memref<64xf32, #tpu.memory_space<vmem_shared>>
      %dma_start3A_226 = arith.constant 832 : i32
      %dma_start3A_227 = tpu.memref_slice %arg12[%dma_start3A_226] : memref<1024xf32, #tpu.memory_space<vmem>> -> memref<64xf32, #tpu.memory_space<vmem>>
      %dma_start3A_228 = tpu.memref_slice %arg18[%add3A_192] : memref<16384xf32, #tpu.memory_space<vmem_shared>> -> memref<64xf32, #tpu.memory_space<vmem_shared>>
      tpu.enqueue_dma source(%dma_start3A_228 : memref<64xf32, #tpu.memory_space<vmem_shared>>) target(%dma_start3A_227 : memref<64xf32, #tpu.memory_space<vmem>>) target_semaphore(%run_scoped3A : memref<!tpu.dma_semaphore, #tpu.memory_space<semaphore_mem>>)
      %dma_wait3A_229 = arith.constant 832 : i32
      %dma_wait3A_230 = tpu.memref_slice %arg12[%dma_wait3A_229] : memref<1024xf32, #tpu.memory_space<vmem>> -> memref<64xf32, #tpu.memory_space<vmem>>
      %dma_wait3A_231 = tpu.memref_slice %arg18[%add3A_192] : memref<16384xf32, #tpu.memory_space<vmem_shared>> -> memref<64xf32, #tpu.memory_space<vmem_shared>>
      %dma_wait3A_232 = arith.constant 832 : i32
      %dma_wait3A_233 = tpu.memref_slice %arg12[%dma_wait3A_232] : memref<1024xf32, #tpu.memory_space<vmem>> -> memref<64xf32, #tpu.memory_space<vmem>>
      %dma_wait3A_234 = tpu.memref_slice %arg18[%add3A_192] : memref<16384xf32, #tpu.memory_space<vmem_shared>> -> memref<64xf32, #tpu.memory_space<vmem_shared>>
      tpu.wait_dma2 semaphore(%run_scoped3A : memref<!tpu.dma_semaphore, #tpu.memory_space<semaphore_mem>>) src(%dma_wait3A_234 : memref<64xf32, #tpu.memory_space<vmem_shared>>) dst(%dma_wait3A_233 : memref<64xf32, #tpu.memory_space<vmem>>)
      tpu.yield
    }) : () -> ()
    %mul3A_193 = arith.constant 64 : i32
    %mul3A_194 = arith.muli %arg1, %mul3A_193 : i32
    %add3A_195 = arith.constant 14336 : i32
    %add3A_196 = arith.addi %add3A_195, %mul3A_194 : i32
    "tpu.region"() ({
      %run_scoped3A = tpu.sem_alloc : memref<!tpu.dma_semaphore, #tpu.memory_space<semaphore_mem>>
      %dma_start3A_223 = arith.constant 896 : i32
      %dma_start3A_224 = tpu.memref_slice %arg11[%dma_start3A_223] : memref<1024xf32, #tpu.memory_space<vmem>> -> memref<64xf32, #tpu.memory_space<vmem>>
      %dma_start3A_225 = tpu.memref_slice %arg17[%add3A_196] : memref<16384xf32, #tpu.memory_space<vmem_shared>> -> memref<64xf32, #tpu.memory_space<vmem_shared>>
      %dma_start3A_226 = arith.constant 896 : i32
      %dma_start3A_227 = tpu.memref_slice %arg11[%dma_start3A_226] : memref<1024xf32, #tpu.memory_space<vmem>> -> memref<64xf32, #tpu.memory_space<vmem>>
      %dma_start3A_228 = tpu.memref_slice %arg17[%add3A_196] : memref<16384xf32, #tpu.memory_space<vmem_shared>> -> memref<64xf32, #tpu.memory_space<vmem_shared>>
      tpu.enqueue_dma source(%dma_start3A_228 : memref<64xf32, #tpu.memory_space<vmem_shared>>) target(%dma_start3A_227 : memref<64xf32, #tpu.memory_space<vmem>>) target_semaphore(%run_scoped3A : memref<!tpu.dma_semaphore, #tpu.memory_space<semaphore_mem>>)
      %dma_wait3A_229 = arith.constant 896 : i32
      %dma_wait3A_230 = tpu.memref_slice %arg11[%dma_wait3A_229] : memref<1024xf32, #tpu.memory_space<vmem>> -> memref<64xf32, #tpu.memory_space<vmem>>
      %dma_wait3A_231 = tpu.memref_slice %arg17[%add3A_196] : memref<16384xf32, #tpu.memory_space<vmem_shared>> -> memref<64xf32, #tpu.memory_space<vmem_shared>>
      %dma_wait3A_232 = arith.constant 896 : i32
      %dma_wait3A_233 = tpu.memref_slice %arg11[%dma_wait3A_232] : memref<1024xf32, #tpu.memory_space<vmem>> -> memref<64xf32, #tpu.memory_space<vmem>>
      %dma_wait3A_234 = tpu.memref_slice %arg17[%add3A_196] : memref<16384xf32, #tpu.memory_space<vmem_shared>> -> memref<64xf32, #tpu.memory_space<vmem_shared>>
      tpu.wait_dma2 semaphore(%run_scoped3A : memref<!tpu.dma_semaphore, #tpu.memory_space<semaphore_mem>>) src(%dma_wait3A_234 : memref<64xf32, #tpu.memory_space<vmem_shared>>) dst(%dma_wait3A_233 : memref<64xf32, #tpu.memory_space<vmem>>)
      tpu.yield
    }) : () -> ()
    %mul3A_197 = arith.constant 64 : i32
    %mul3A_198 = arith.muli %arg1, %mul3A_197 : i32
    %add3A_199 = arith.constant 14336 : i32
    %add3A_200 = arith.addi %add3A_199, %mul3A_198 : i32
    "tpu.region"() ({
      %run_scoped3A = tpu.sem_alloc : memref<!tpu.dma_semaphore, #tpu.memory_space<semaphore_mem>>
      %dma_start3A_223 = arith.constant 896 : i32
      %dma_start3A_224 = tpu.memref_slice %arg12[%dma_start3A_223] : memref<1024xf32, #tpu.memory_space<vmem>> -> memref<64xf32, #tpu.memory_space<vmem>>
      %dma_start3A_225 = tpu.memref_slice %arg18[%add3A_200] : memref<16384xf32, #tpu.memory_space<vmem_shared>> -> memref<64xf32, #tpu.memory_space<vmem_shared>>
      %dma_start3A_226 = arith.constant 896 : i32
      %dma_start3A_227 = tpu.memref_slice %arg12[%dma_start3A_226] : memref<1024xf32, #tpu.memory_space<vmem>> -> memref<64xf32, #tpu.memory_space<vmem>>
      %dma_start3A_228 = tpu.memref_slice %arg18[%add3A_200] : memref<16384xf32, #tpu.memory_space<vmem_shared>> -> memref<64xf32, #tpu.memory_space<vmem_shared>>
      tpu.enqueue_dma source(%dma_start3A_228 : memref<64xf32, #tpu.memory_space<vmem_shared>>) target(%dma_start3A_227 : memref<64xf32, #tpu.memory_space<vmem>>) target_semaphore(%run_scoped3A : memref<!tpu.dma_semaphore, #tpu.memory_space<semaphore_mem>>)
      %dma_wait3A_229 = arith.constant 896 : i32
      %dma_wait3A_230 = tpu.memref_slice %arg12[%dma_wait3A_229] : memref<1024xf32, #tpu.memory_space<vmem>> -> memref<64xf32, #tpu.memory_space<vmem>>
      %dma_wait3A_231 = tpu.memref_slice %arg18[%add3A_200] : memref<16384xf32, #tpu.memory_space<vmem_shared>> -> memref<64xf32, #tpu.memory_space<vmem_shared>>
      %dma_wait3A_232 = arith.constant 896 : i32
      %dma_wait3A_233 = tpu.memref_slice %arg12[%dma_wait3A_232] : memref<1024xf32, #tpu.memory_space<vmem>> -> memref<64xf32, #tpu.memory_space<vmem>>
      %dma_wait3A_234 = tpu.memref_slice %arg18[%add3A_200] : memref<16384xf32, #tpu.memory_space<vmem_shared>> -> memref<64xf32, #tpu.memory_space<vmem_shared>>
      tpu.wait_dma2 semaphore(%run_scoped3A : memref<!tpu.dma_semaphore, #tpu.memory_space<semaphore_mem>>) src(%dma_wait3A_234 : memref<64xf32, #tpu.memory_space<vmem_shared>>) dst(%dma_wait3A_233 : memref<64xf32, #tpu.memory_space<vmem>>)
      tpu.yield
    }) : () -> ()
    %mul3A_201 = arith.constant 64 : i32
    %mul3A_202 = arith.muli %arg1, %mul3A_201 : i32
    %add3A_203 = arith.constant 15360 : i32
    %add3A_204 = arith.addi %add3A_203, %mul3A_202 : i32
    "tpu.region"() ({
      %run_scoped3A = tpu.sem_alloc : memref<!tpu.dma_semaphore, #tpu.memory_space<semaphore_mem>>
      %dma_start3A_223 = arith.constant 960 : i32
      %dma_start3A_224 = tpu.memref_slice %arg11[%dma_start3A_223] : memref<1024xf32, #tpu.memory_space<vmem>> -> memref<64xf32, #tpu.memory_space<vmem>>
      %dma_start3A_225 = tpu.memref_slice %arg17[%add3A_204] : memref<16384xf32, #tpu.memory_space<vmem_shared>> -> memref<64xf32, #tpu.memory_space<vmem_shared>>
      %dma_start3A_226 = arith.constant 960 : i32
      %dma_start3A_227 = tpu.memref_slice %arg11[%dma_start3A_226] : memref<1024xf32, #tpu.memory_space<vmem>> -> memref<64xf32, #tpu.memory_space<vmem>>
      %dma_start3A_228 = tpu.memref_slice %arg17[%add3A_204] : memref<16384xf32, #tpu.memory_space<vmem_shared>> -> memref<64xf32, #tpu.memory_space<vmem_shared>>
      tpu.enqueue_dma source(%dma_start3A_228 : memref<64xf32, #tpu.memory_space<vmem_shared>>) target(%dma_start3A_227 : memref<64xf32, #tpu.memory_space<vmem>>) target_semaphore(%run_scoped3A : memref<!tpu.dma_semaphore, #tpu.memory_space<semaphore_mem>>)
      %dma_wait3A_229 = arith.constant 960 : i32
      %dma_wait3A_230 = tpu.memref_slice %arg11[%dma_wait3A_229] : memref<1024xf32, #tpu.memory_space<vmem>> -> memref<64xf32, #tpu.memory_space<vmem>>
      %dma_wait3A_231 = tpu.memref_slice %arg17[%add3A_204] : memref<16384xf32, #tpu.memory_space<vmem_shared>> -> memref<64xf32, #tpu.memory_space<vmem_shared>>
      %dma_wait3A_232 = arith.constant 960 : i32
      %dma_wait3A_233 = tpu.memref_slice %arg11[%dma_wait3A_232] : memref<1024xf32, #tpu.memory_space<vmem>> -> memref<64xf32, #tpu.memory_space<vmem>>
      %dma_wait3A_234 = tpu.memref_slice %arg17[%add3A_204] : memref<16384xf32, #tpu.memory_space<vmem_shared>> -> memref<64xf32, #tpu.memory_space<vmem_shared>>
      tpu.wait_dma2 semaphore(%run_scoped3A : memref<!tpu.dma_semaphore, #tpu.memory_space<semaphore_mem>>) src(%dma_wait3A_234 : memref<64xf32, #tpu.memory_space<vmem_shared>>) dst(%dma_wait3A_233 : memref<64xf32, #tpu.memory_space<vmem>>)
      tpu.yield
    }) : () -> ()
    %mul3A_205 = arith.constant 64 : i32
    %mul3A_206 = arith.muli %arg1, %mul3A_205 : i32
    %add3A_207 = arith.constant 15360 : i32
    %add3A_208 = arith.addi %add3A_207, %mul3A_206 : i32
    "tpu.region"() ({
      %run_scoped3A = tpu.sem_alloc : memref<!tpu.dma_semaphore, #tpu.memory_space<semaphore_mem>>
      %dma_start3A_223 = arith.constant 960 : i32
      %dma_start3A_224 = tpu.memref_slice %arg12[%dma_start3A_223] : memref<1024xf32, #tpu.memory_space<vmem>> -> memref<64xf32, #tpu.memory_space<vmem>>
      %dma_start3A_225 = tpu.memref_slice %arg18[%add3A_208] : memref<16384xf32, #tpu.memory_space<vmem_shared>> -> memref<64xf32, #tpu.memory_space<vmem_shared>>
      %dma_start3A_226 = arith.constant 960 : i32
      %dma_start3A_227 = tpu.memref_slice %arg12[%dma_start3A_226] : memref<1024xf32, #tpu.memory_space<vmem>> -> memref<64xf32, #tpu.memory_space<vmem>>
      %dma_start3A_228 = tpu.memref_slice %arg18[%add3A_208] : memref<16384xf32, #tpu.memory_space<vmem_shared>> -> memref<64xf32, #tpu.memory_space<vmem_shared>>
      tpu.enqueue_dma source(%dma_start3A_228 : memref<64xf32, #tpu.memory_space<vmem_shared>>) target(%dma_start3A_227 : memref<64xf32, #tpu.memory_space<vmem>>) target_semaphore(%run_scoped3A : memref<!tpu.dma_semaphore, #tpu.memory_space<semaphore_mem>>)
      %dma_wait3A_229 = arith.constant 960 : i32
      %dma_wait3A_230 = tpu.memref_slice %arg12[%dma_wait3A_229] : memref<1024xf32, #tpu.memory_space<vmem>> -> memref<64xf32, #tpu.memory_space<vmem>>
      %dma_wait3A_231 = tpu.memref_slice %arg18[%add3A_208] : memref<16384xf32, #tpu.memory_space<vmem_shared>> -> memref<64xf32, #tpu.memory_space<vmem_shared>>
      %dma_wait3A_232 = arith.constant 960 : i32
      %dma_wait3A_233 = tpu.memref_slice %arg12[%dma_wait3A_232] : memref<1024xf32, #tpu.memory_space<vmem>> -> memref<64xf32, #tpu.memory_space<vmem>>
      %dma_wait3A_234 = tpu.memref_slice %arg18[%add3A_208] : memref<16384xf32, #tpu.memory_space<vmem_shared>> -> memref<64xf32, #tpu.memory_space<vmem_shared>>
      tpu.wait_dma2 semaphore(%run_scoped3A : memref<!tpu.dma_semaphore, #tpu.memory_space<semaphore_mem>>) src(%dma_wait3A_234 : memref<64xf32, #tpu.memory_space<vmem_shared>>) dst(%dma_wait3A_233 : memref<64xf32, #tpu.memory_space<vmem>>)
      tpu.yield
    }) : () -> ()
    %scan3A_209 = arith.constant 0 : i32
    %scan3A_210 = arith.constant 0 : i32
    %scan3A_211 = arith.constant 4 : i32
    %scan3A_212 = arith.addi %scan3A_210, %scan3A_211 : i32
    %scan3A_213 = arith.constant 1 : i32
    %scan3A_214 = scf.for %scan3A_223 = %scan3A_210 to %scan3A_212 step %scan3A_213 iter_args(%scan3A_224 = %scan3A_209) -> (i32)  : i32 {
      %mul3A_225 = arith.constant 16 : i32
      %mul3A_226 = arith.muli %scan3A_223, %mul3A_225 : i32
      %multiple_of3A = tpu.assume_multiple %mul3A_226, 16 : i32
      %add3A_227 = arith.constant 0 : i32
      %add3A_228 = arith.addi %add3A_227, %multiple_of3A : i32
      %get3A = arith.index_cast %add3A_228 : i32 to index
      %get3A_229 = tpu.vector_load %arg11[%get3A] {strides = array<i32>} : memref<1024xf32, #tpu.memory_space<vmem>>, vector<16xf32>,
      %add3A_230 = arith.addf %broadcast_in_dim3A_3, %get3A_229 : vector<16xf32>
      %add3A_231 = arith.constant 0 : i32
      %add3A_232 = arith.addi %add3A_231, %multiple_of3A : i32
      %get3A_233 = arith.index_cast %add3A_232 : i32 to index
      %get3A_234 = tpu.vector_load %arg12[%get3A_233] {strides = array<i32>} : memref<1024xf32, #tpu.memory_space<vmem>>, vector<16xf32>,
      %add3A_235 = arith.addf %broadcast_in_dim3A_3, %get3A_234 : vector<16xf32>
      %add3A_236 = arith.constant 64 : i32
      %add3A_237 = arith.addi %add3A_236, %multiple_of3A : i32
      %get3A_238 = arith.index_cast %add3A_237 : i32 to index
      %get3A_239 = tpu.vector_load %arg11[%get3A_238] {strides = array<i32>} : memref<1024xf32, #tpu.memory_space<vmem>>, vector<16xf32>,
      %add3A_240 = arith.addf %add3A_230, %get3A_239 : vector<16xf32>
      %add3A_241 = arith.constant 64 : i32
      %add3A_242 = arith.addi %add3A_241, %multiple_of3A : i32
      %get3A_243 = arith.index_cast %add3A_242 : i32 to index
      %get3A_244 = tpu.vector_load %arg12[%get3A_243] {strides = array<i32>} : memref<1024xf32, #tpu.memory_space<vmem>>, vector<16xf32>,
      %add3A_245 = arith.addf %add3A_235, %get3A_244 : vector<16xf32>
      %add3A_246 = arith.constant 128 : i32
      %add3A_247 = arith.addi %add3A_246, %multiple_of3A : i32
      %get3A_248 = arith.index_cast %add3A_247 : i32 to index
      %get3A_249 = tpu.vector_load %arg11[%get3A_248] {strides = array<i32>} : memref<1024xf32, #tpu.memory_space<vmem>>, vector<16xf32>,
      %add3A_250 = arith.addf %add3A_240, %get3A_249 : vector<16xf32>
      %add3A_251 = arith.constant 128 : i32
      %add3A_252 = arith.addi %add3A_251, %multiple_of3A : i32
      %get3A_253 = arith.index_cast %add3A_252 : i32 to index
      %get3A_254 = tpu.vector_load %arg12[%get3A_253] {strides = array<i32>} : memref<1024xf32, #tpu.memory_space<vmem>>, vector<16xf32>,
      %add3A_255 = arith.addf %add3A_245, %get3A_254 : vector<16xf32>
      %add3A_256 = arith.constant 192 : i32
      %add3A_257 = arith.addi %add3A_256, %multiple_of3A : i32
      %get3A_258 = arith.index_cast %add3A_257 : i32 to index
      %get3A_259 = tpu.vector_load %arg11[%get3A_258] {strides = array<i32>} : memref<1024xf32, #tpu.memory_space<vmem>>, vector<16xf32>,
      %add3A_260 = arith.addf %add3A_250, %get3A_259 : vector<16xf32>
      %add3A_261 = arith.constant 192 : i32
      %add3A_262 = arith.addi %add3A_261, %multiple_of3A : i32
      %get3A_263 = arith.index_cast %add3A_262 : i32 to index
      %get3A_264 = tpu.vector_load %arg12[%get3A_263] {strides = array<i32>} : memref<1024xf32, #tpu.memory_space<vmem>>, vector<16xf32>,
      %add3A_265 = arith.addf %add3A_255, %get3A_264 : vector<16xf32>
      %add3A_266 = arith.constant 256 : i32
      %add3A_267 = arith.addi %add3A_266, %multiple_of3A : i32
      %get3A_268 = arith.index_cast %add3A_267 : i32 to index
      %get3A_269 = tpu.vector_load %arg11[%get3A_268] {strides = array<i32>} : memref<1024xf32, #tpu.memory_space<vmem>>, vector<16xf32>,
      %add3A_270 = arith.addf %add3A_260, %get3A_269 : vector<16xf32>
      %add3A_271 = arith.constant 256 : i32
      %add3A_272 = arith.addi %add3A_271, %multiple_of3A : i32
      %get3A_273 = arith.index_cast %add3A_272 : i32 to index
      %get3A_274 = tpu.vector_load %arg12[%get3A_273] {strides = array<i32>} : memref<1024xf32, #tpu.memory_space<vmem>>, vector<16xf32>,
      %add3A_275 = arith.addf %add3A_265, %get3A_274 : vector<16xf32>
      %add3A_276 = arith.constant 320 : i32
      %add3A_277 = arith.addi %add3A_276, %multiple_of3A : i32
      %get3A_278 = arith.index_cast %add3A_277 : i32 to index
      %get3A_279 = tpu.vector_load %arg11[%get3A_278] {strides = array<i32>} : memref<1024xf32, #tpu.memory_space<vmem>>, vector<16xf32>,
      %add3A_280 = arith.addf %add3A_270, %get3A_279 : vector<16xf32>
      %add3A_281 = arith.constant 320 : i32
      %add3A_282 = arith.addi %add3A_281, %multiple_of3A : i32
      %get3A_283 = arith.index_cast %add3A_282 : i32 to index
      %get3A_284 = tpu.vector_load %arg12[%get3A_283] {strides = array<i32>} : memref<1024xf32, #tpu.memory_space<vmem>>, vector<16xf32>,
      %add3A_285 = arith.addf %add3A_275, %get3A_284 : vector<16xf32>
      %add3A_286 = arith.constant 384 : i32
      %add3A_287 = arith.addi %add3A_286, %multiple_of3A : i32
      %get3A_288 = arith.index_cast %add3A_287 : i32 to index
      %get3A_289 = tpu.vector_load %arg11[%get3A_288] {strides = array<i32>} : memref<1024xf32, #tpu.memory_space<vmem>>, vector<16xf32>,
      %add3A_290 = arith.addf %add3A_280, %get3A_289 : vector<16xf32>
      %add3A_291 = arith.constant 384 : i32
      %add3A_292 = arith.addi %add3A_291, %multiple_of3A : i32
      %get3A_293 = arith.index_cast %add3A_292 : i32 to index
      %get3A_294 = tpu.vector_load %arg12[%get3A_293] {strides = array<i32>} : memref<1024xf32, #tpu.memory_space<vmem>>, vector<16xf32>,
      %add3A_295 = arith.addf %add3A_285, %get3A_294 : vector<16xf32>
      %add3A_296 = arith.constant 448 : i32
      %add3A_297 = arith.addi %add3A_296, %multiple_of3A : i32
      %get3A_298 = arith.index_cast %add3A_297 : i32 to index
      %get3A_299 = tpu.vector_load %arg11[%get3A_298] {strides = array<i32>} : memref<1024xf32, #tpu.memory_space<vmem>>, vector<16xf32>,
      %add3A_300 = arith.addf %add3A_290, %get3A_299 : vector<16xf32>
      %add3A_301 = arith.constant 448 : i32
      %add3A_302 = arith.addi %add3A_301, %multiple_of3A : i32
      %get3A_303 = arith.index_cast %add3A_302 : i32 to index
      %get3A_304 = tpu.vector_load %arg12[%get3A_303] {strides = array<i32>} : memref<1024xf32, #tpu.memory_space<vmem>>, vector<16xf32>,
      %add3A_305 = arith.addf %add3A_295, %get3A_304 : vector<16xf32>
      %add3A_306 = arith.constant 512 : i32
      %add3A_307 = arith.addi %add3A_306, %multiple_of3A : i32
      %get3A_308 = arith.index_cast %add3A_307 : i32 to index
      %get3A_309 = tpu.vector_load %arg11[%get3A_308] {strides = array<i32>} : memref<1024xf32, #tpu.memory_space<vmem>>, vector<16xf32>,
      %add3A_310 = arith.addf %add3A_300, %get3A_309 : vector<16xf32>
      %add3A_311 = arith.constant 512 : i32
      %add3A_312 = arith.addi %add3A_311, %multiple_of3A : i32
      %get3A_313 = arith.index_cast %add3A_312 : i32 to index
      %get3A_314 = tpu.vector_load %arg12[%get3A_313] {strides = array<i32>} : memref<1024xf32, #tpu.memory_space<vmem>>, vector<16xf32>,
      %add3A_315 = arith.addf %add3A_305, %get3A_314 : vector<16xf32>
      %add3A_316 = arith.constant 576 : i32
      %add3A_317 = arith.addi %add3A_316, %multiple_of3A : i32
      %get3A_318 = arith.index_cast %add3A_317 : i32 to index
      %get3A_319 = tpu.vector_load %arg11[%get3A_318] {strides = array<i32>} : memref<1024xf32, #tpu.memory_space<vmem>>, vector<16xf32>,
      %add3A_320 = arith.addf %add3A_310, %get3A_319 : vector<16xf32>
      %add3A_321 = arith.constant 576 : i32
      %add3A_322 = arith.addi %add3A_321, %multiple_of3A : i32
      %get3A_323 = arith.index_cast %add3A_322 : i32 to index
      %get3A_324 = tpu.vector_load %arg12[%get3A_323] {strides = array<i32>} : memref<1024xf32, #tpu.memory_space<vmem>>, vector<16xf32>,
      %add3A_325 = arith.addf %add3A_315, %get3A_324 : vector<16xf32>
      %add3A_326 = arith.constant 640 : i32
      %add3A_327 = arith.addi %add3A_326, %multiple_of3A : i32
      %get3A_328 = arith.index_cast %add3A_327 : i32 to index
      %get3A_329 = tpu.vector_load %arg11[%get3A_328] {strides = array<i32>} : memref<1024xf32, #tpu.memory_space<vmem>>, vector<16xf32>,
      %add3A_330 = arith.addf %add3A_320, %get3A_329 : vector<16xf32>
      %add3A_331 = arith.constant 640 : i32
      %add3A_332 = arith.addi %add3A_331, %multiple_of3A : i32
      %get3A_333 = arith.index_cast %add3A_332 : i32 to index
      %get3A_334 = tpu.vector_load %arg12[%get3A_333] {strides = array<i32>} : memref<1024xf32, #tpu.memory_space<vmem>>, vector<16xf32>,
      %add3A_335 = arith.addf %add3A_325, %get3A_334 : vector<16xf32>
      %add3A_336 = arith.constant 704 : i32
      %add3A_337 = arith.addi %add3A_336, %multiple_of3A : i32
      %get3A_338 = arith.index_cast %add3A_337 : i32 to index
      %get3A_339 = tpu.vector_load %arg11[%get3A_338] {strides = array<i32>} : memref<1024xf32, #tpu.memory_space<vmem>>, vector<16xf32>,
      %add3A_340 = arith.addf %add3A_330, %get3A_339 : vector<16xf32>
      %add3A_341 = arith.constant 704 : i32
      %add3A_342 = arith.addi %add3A_341, %multiple_of3A : i32
      %get3A_343 = arith.index_cast %add3A_342 : i32 to index
      %get3A_344 = tpu.vector_load %arg12[%get3A_343] {strides = array<i32>} : memref<1024xf32, #tpu.memory_space<vmem>>, vector<16xf32>,
      %add3A_345 = arith.addf %add3A_335, %get3A_344 : vector<16xf32>
      %add3A_346 = arith.constant 768 : i32
      %add3A_347 = arith.addi %add3A_346, %multiple_of3A : i32
      %get3A_348 = arith.index_cast %add3A_347 : i32 to index
      %get3A_349 = tpu.vector_load %arg11[%get3A_348] {strides = array<i32>} : memref<1024xf32, #tpu.memory_space<vmem>>, vector<16xf32>,
      %add3A_350 = arith.addf %add3A_340, %get3A_349 : vector<16xf32>
      %add3A_351 = arith.constant 768 : i32
      %add3A_352 = arith.addi %add3A_351, %multiple_of3A : i32
      %get3A_353 = arith.index_cast %add3A_352 : i32 to index
      %get3A_354 = tpu.vector_load %arg12[%get3A_353] {strides = array<i32>} : memref<1024xf32, #tpu.memory_space<vmem>>, vector<16xf32>,
      %add3A_355 = arith.addf %add3A_345, %get3A_354 : vector<16xf32>
      %add3A_356 = arith.constant 832 : i32
      %add3A_357 = arith.addi %add3A_356, %multiple_of3A : i32
      %get3A_358 = arith.index_cast %add3A_357 : i32 to index
      %get3A_359 = tpu.vector_load %arg11[%get3A_358] {strides = array<i32>} : memref<1024xf32, #tpu.memory_space<vmem>>, vector<16xf32>,
      %add3A_360 = arith.addf %add3A_350, %get3A_359 : vector<16xf32>
      %add3A_361 = arith.constant 832 : i32
      %add3A_362 = arith.addi %add3A_361, %multiple_of3A : i32
      %get3A_363 = arith.index_cast %add3A_362 : i32 to index
      %get3A_364 = tpu.vector_load %arg12[%get3A_363] {strides = array<i32>} : memref<1024xf32, #tpu.memory_space<vmem>>, vector<16xf32>,
      %add3A_365 = arith.addf %add3A_355, %get3A_364 : vector<16xf32>
      %add3A_366 = arith.constant 896 : i32
      %add3A_367 = arith.addi %add3A_366, %multiple_of3A : i32
      %get3A_368 = arith.index_cast %add3A_367 : i32 to index
      %get3A_369 = tpu.vector_load %arg11[%get3A_368] {strides = array<i32>} : memref<1024xf32, #tpu.memory_space<vmem>>, vector<16xf32>,
      %add3A_370 = arith.addf %add3A_360, %get3A_369 : vector<16xf32>
      %add3A_371 = arith.constant 896 : i32
      %add3A_372 = arith.addi %add3A_371, %multiple_of3A : i32
      %get3A_373 = arith.index_cast %add3A_372 : i32 to index
      %get3A_374 = tpu.vector_load %arg12[%get3A_373] {strides = array<i32>} : memref<1024xf32, #tpu.memory_space<vmem>>, vector<16xf32>,
      %add3A_375 = arith.addf %add3A_365, %get3A_374 : vector<16xf32>
      %add3A_376 = arith.constant 960 : i32
      %add3A_377 = arith.addi %add3A_376, %multiple_of3A : i32
      %get3A_378 = arith.index_cast %add3A_377 : i32 to index
      %get3A_379 = tpu.vector_load %arg11[%get3A_378] {strides = array<i32>} : memref<1024xf32, #tpu.memory_space<vmem>>, vector<16xf32>,
      %add3A_380 = arith.addf %add3A_370, %get3A_379 : vector<16xf32>
      %add3A_381 = arith.constant 960 : i32
      %add3A_382 = arith.addi %add3A_381, %multiple_of3A : i32
      %get3A_383 = arith.index_cast %add3A_382 : i32 to index
      %get3A_384 = tpu.vector_load %arg12[%get3A_383] {strides = array<i32>} : memref<1024xf32, #tpu.memory_space<vmem>>, vector<16xf32>,
      %add3A_385 = arith.addf %add3A_375, %get3A_384 : vector<16xf32>
      %swap3A_386 = arith.index_cast %multiple_of3A : i32 to index
      %swap3A_387 = tpu.vector_load %arg13[%swap3A_386] {strides = array<i32>} : memref<64xf32, #tpu.memory_space<vmem>>, vector<16xf32>,
      tpu.vector_store %arg13[%swap3A_386], %add3A_380 {strides = array<i32>} : memref<64xf32, #tpu.memory_space<vmem>>, vector<16xf32>,
      %swap3A_388 = arith.index_cast %multiple_of3A : i32 to index
      %swap3A_389 = tpu.vector_load %arg14[%swap3A_388] {strides = array<i32>} : memref<64xf32, #tpu.memory_space<vmem>>, vector<16xf32>,
      tpu.vector_store %arg14[%swap3A_388], %add3A_385 {strides = array<i32>} : memref<64xf32, #tpu.memory_space<vmem>>, vector<16xf32>,
      %scan3A_390 = arith.constant 0 : i32
      scf.yield %scan3A_390 : i32
    }
    %scan3A_215 = arith.constant 4 : i32
    %mul3A_216 = arith.constant 64 : i32
    %mul3A_217 = arith.muli %arg1, %mul3A_216 : i32
    "tpu.region"() ({
      %run_scoped3A = tpu.sem_alloc : memref<!tpu.dma_semaphore, #tpu.memory_space<semaphore_mem>>
      %dma_start3A_223 = tpu.memref_slice %arg19[%mul3A_217] : memref<1024xf32, #tpu.memory_space<vmem_shared>> -> memref<64xf32, #tpu.memory_space<vmem_shared>>
      %dma_start3A_224 = tpu.memref_slice %arg19[%mul3A_217] : memref<1024xf32, #tpu.memory_space<vmem_shared>> -> memref<64xf32, #tpu.memory_space<vmem_shared>>
      tpu.enqueue_dma source(%arg13 : memref<64xf32, #tpu.memory_space<vmem>>) target(%dma_start3A_224 : memref<64xf32, #tpu.memory_space<vmem_shared>>) target_semaphore(%run_scoped3A : memref<!tpu.dma_semaphore, #tpu.memory_space<semaphore_mem>>)
      %dma_wait3A_225 = tpu.memref_slice %arg19[%mul3A_217] : memref<1024xf32, #tpu.memory_space<vmem_shared>> -> memref<64xf32, #tpu.memory_space<vmem_shared>>
      %dma_wait3A_226 = tpu.memref_slice %arg19[%mul3A_217] : memref<1024xf32, #tpu.memory_space<vmem_shared>> -> memref<64xf32, #tpu.memory_space<vmem_shared>>
      tpu.wait_dma2 semaphore(%run_scoped3A : memref<!tpu.dma_semaphore, #tpu.memory_space<semaphore_mem>>) src(%arg13 : memref<64xf32, #tpu.memory_space<vmem>>) dst(%dma_wait3A_226 : memref<64xf32, #tpu.memory_space<vmem_shared>>)
      tpu.yield
    }) : () -> ()
    %mul3A_218 = arith.constant 64 : i32
    %mul3A_219 = arith.muli %arg1, %mul3A_218 : i32
    "tpu.region"() ({
      %run_scoped3A = tpu.sem_alloc : memref<!tpu.dma_semaphore, #tpu.memory_space<semaphore_mem>>
      %dma_start3A_223 = tpu.memref_slice %arg20[%mul3A_219] : memref<1024xf32, #tpu.memory_space<vmem_shared>> -> memref<64xf32, #tpu.memory_space<vmem_shared>>
      %dma_start3A_224 = tpu.memref_slice %arg20[%mul3A_219] : memref<1024xf32, #tpu.memory_space<vmem_shared>> -> memref<64xf32, #tpu.memory_space<vmem_shared>>
      tpu.enqueue_dma source(%arg14 : memref<64xf32, #tpu.memory_space<vmem>>) target(%dma_start3A_224 : memref<64xf32, #tpu.memory_space<vmem_shared>>) target_semaphore(%run_scoped3A : memref<!tpu.dma_semaphore, #tpu.memory_space<semaphore_mem>>)
      %dma_wait3A_225 = tpu.memref_slice %arg20[%mul3A_219] : memref<1024xf32, #tpu.memory_space<vmem_shared>> -> memref<64xf32, #tpu.memory_space<vmem_shared>>
      %dma_wait3A_226 = tpu.memref_slice %arg20[%mul3A_219] : memref<1024xf32, #tpu.memory_space<vmem_shared>> -> memref<64xf32, #tpu.memory_space<vmem_shared>>
      tpu.wait_dma2 semaphore(%run_scoped3A : memref<!tpu.dma_semaphore, #tpu.memory_space<semaphore_mem>>) src(%arg14 : memref<64xf32, #tpu.memory_space<vmem>>) dst(%dma_wait3A_226 : memref<64xf32, #tpu.memory_space<vmem_shared>>)
      tpu.yield
    }) : () -> ()
    %barrier3A_220 = arith.constant 0 : index
    tpu.barrier barrier_id(%barrier3A_220)
    %eq3A = arith.constant 0 : i32
    %eq3A_221 = arith.cmpi eq, %arg1, %eq3A : i32
    %convert_element_type3A = arith.extui %eq3A_221 : i1 to i32
    %cond3A = arith.constant 0 : i32
    %cond3A_222 = arith.cmpi ne, %convert_element_type3A, %cond3A : i32
    scf.if %cond3A_222 {
      %mul3A_223 = arith.constant 1024 : i32
      %mul3A_224 = arith.muli %arg0, %mul3A_223 : i32
      "tpu.region"() ({
        %run_scoped3A = tpu.sem_alloc : memref<!tpu.dma_semaphore, #tpu.memory_space<semaphore_mem>>
        %dma_start3A_378 = tpu.memref_slice %arg4[%mul3A_224] : memref<2048xf32, #tpu.memory_space<hbm>> -> memref<1024xf32, #tpu.memory_space<hbm>>
        tpu.enqueue_dma source(%arg19 : memref<1024xf32, #tpu.memory_space<vmem_shared>>) target(%dma_start3A_378 : memref<1024xf32, #tpu.memory_space<hbm>>) target_semaphore(%run_scoped3A : memref<!tpu.dma_semaphore, #tpu.memory_space<semaphore_mem>>)
        %dma_wait3A_379 = tpu.memref_slice %arg4[%mul3A_224] : memref<2048xf32, #tpu.memory_space<hbm>> -> memref<1024xf32, #tpu.memory_space<hbm>>
        tpu.wait_dma2 semaphore(%run_scoped3A : memref<!tpu.dma_semaphore, #tpu.memory_space<semaphore_mem>>) src(%arg19 : memref<1024xf32, #tpu.memory_space<vmem_shared>>) dst(%dma_wait3A_379 : memref<1024xf32, #tpu.memory_space<hbm>>)
        tpu.yield
      }) : () -> ()
      %mul3A_225 = arith.constant 1024 : i32
      %mul3A_226 = arith.muli %arg0, %mul3A_225 : i32
      "tpu.region"() ({
        %run_scoped3A = tpu.sem_alloc : memref<!tpu.dma_semaphore, #tpu.memory_space<semaphore_mem>>
        %dma_start3A_378 = tpu.memref_slice %arg5[%mul3A_226] : memref<2048xf32, #tpu.memory_space<hbm>> -> memref<1024xf32, #tpu.memory_space<hbm>>
        tpu.enqueue_dma source(%arg20 : memref<1024xf32, #tpu.memory_space<vmem_shared>>) target(%dma_start3A_378 : memref<1024xf32, #tpu.memory_space<hbm>>) target_semaphore(%run_scoped3A : memref<!tpu.dma_semaphore, #tpu.memory_space<semaphore_mem>>)
        %dma_wait3A_379 = tpu.memref_slice %arg5[%mul3A_226] : memref<2048xf32, #tpu.memory_space<hbm>> -> memref<1024xf32, #tpu.memory_space<hbm>>
        tpu.wait_dma2 semaphore(%run_scoped3A : memref<!tpu.dma_semaphore, #tpu.memory_space<semaphore_mem>>) src(%arg20 : memref<1024xf32, #tpu.memory_space<vmem_shared>>) dst(%dma_wait3A_379 : memref<1024xf32, #tpu.memory_space<hbm>>)
        tpu.yield
      }) : () -> ()
      "tpu.region"() ({
        %run_scoped3A = tpu.sem_alloc : memref<!tpu.dma_semaphore, #tpu.memory_space<semaphore_mem>>
        %dma_start3A_378 = arith.constant 0 : i32
        %dma_start3A_379 = tpu.memref_slice %arg15[%dma_start3A_378] : memref<2048xf32, #tpu.memory_space<vmem>> -> memref<2048xf32, #tpu.memory_space<vmem>>
        %dma_start3A_380 = arith.constant 0 : i32
        %dma_start3A_381 = tpu.memref_slice %arg15[%dma_start3A_380] : memref<2048xf32, #tpu.memory_space<vmem>> -> memref<2048xf32, #tpu.memory_space<vmem>>
        tpu.enqueue_dma source(%arg21 : memref<2048xf32, #tpu.memory_space<vmem_shared>>) target(%dma_start3A_381 : memref<2048xf32, #tpu.memory_space<vmem>>) target_semaphore(%run_scoped3A : memref<!tpu.dma_semaphore, #tpu.memory_space<semaphore_mem>>)
        %dma_wait3A_382 = arith.constant 0 : i32
        %dma_wait3A_383 = tpu.memref_slice %arg15[%dma_wait3A_382] : memref<2048xf32, #tpu.memory_space<vmem>> -> memref<2048xf32, #tpu.memory_space<vmem>>
        %dma_wait3A_384 = arith.constant 0 : i32
        %dma_wait3A_385 = tpu.memref_slice %arg15[%dma_wait3A_384] : memref<2048xf32, #tpu.memory_space<vmem>> -> memref<2048xf32, #tpu.memory_space<vmem>>
        tpu.wait_dma2 semaphore(%run_scoped3A : memref<!tpu.dma_semaphore, #tpu.memory_space<semaphore_mem>>) src(%arg21 : memref<2048xf32, #tpu.memory_space<vmem_shared>>) dst(%dma_wait3A_385 : memref<2048xf32, #tpu.memory_space<vmem>>)
        tpu.yield
      }) : () -> ()
      %get3A = arith.constant 0 : index
      %get3A_227 = tpu.vector_load %arg15[%get3A] {strides = array<i32>} : memref<2048xf32, #tpu.memory_space<vmem>>, vector<16xf32>,
      %add3A_228 = arith.addf %broadcast_in_dim3A_3, %get3A_227 : vector<16xf32>
      %get3A_229 = arith.constant 128 : index
      %get3A_230 = tpu.vector_load %arg15[%get3A_229] {strides = array<i32>} : memref<2048xf32, #tpu.memory_space<vmem>>, vector<16xf32>,
      %add3A_231 = arith.addf %add3A_228, %get3A_230 : vector<16xf32>
      %get3A_232 = arith.constant 256 : index
      %get3A_233 = tpu.vector_load %arg15[%get3A_232] {strides = array<i32>} : memref<2048xf32, #tpu.memory_space<vmem>>, vector<16xf32>,
      %add3A_234 = arith.addf %add3A_231, %get3A_233 : vector<16xf32>
      %get3A_235 = arith.constant 384 : index
      %get3A_236 = tpu.vector_load %arg15[%get3A_235] {strides = array<i32>} : memref<2048xf32, #tpu.memory_space<vmem>>, vector<16xf32>,
      %add3A_237 = arith.addf %add3A_234, %get3A_236 : vector<16xf32>
      %get3A_238 = arith.constant 512 : index
      %get3A_239 = tpu.vector_load %arg15[%get3A_238] {strides = array<i32>} : memref<2048xf32, #tpu.memory_space<vmem>>, vector<16xf32>,
      %add3A_240 = arith.addf %add3A_237, %get3A_239 : vector<16xf32>
      %get3A_241 = arith.constant 640 : index
      %get3A_242 = tpu.vector_load %arg15[%get3A_241] {strides = array<i32>} : memref<2048xf32, #tpu.memory_space<vmem>>, vector<16xf32>,
      %add3A_243 = arith.addf %add3A_240, %get3A_242 : vector<16xf32>
      %get3A_244 = arith.constant 768 : index
      %get3A_245 = tpu.vector_load %arg15[%get3A_244] {strides = array<i32>} : memref<2048xf32, #tpu.memory_space<vmem>>, vector<16xf32>,
      %add3A_246 = arith.addf %add3A_243, %get3A_245 : vector<16xf32>
      %get3A_247 = arith.constant 896 : index
      %get3A_248 = tpu.vector_load %arg15[%get3A_247] {strides = array<i32>} : memref<2048xf32, #tpu.memory_space<vmem>>, vector<16xf32>,
      %add3A_249 = arith.addf %add3A_246, %get3A_248 : vector<16xf32>
      %get3A_250 = arith.constant 1024 : index
      %get3A_251 = tpu.vector_load %arg15[%get3A_250] {strides = array<i32>} : memref<2048xf32, #tpu.memory_space<vmem>>, vector<16xf32>,
      %add3A_252 = arith.addf %add3A_249, %get3A_251 : vector<16xf32>
      %get3A_253 = arith.constant 1152 : index
      %get3A_254 = tpu.vector_load %arg15[%get3A_253] {strides = array<i32>} : memref<2048xf32, #tpu.memory_space<vmem>>, vector<16xf32>,
      %add3A_255 = arith.addf %add3A_252, %get3A_254 : vector<16xf32>
      %get3A_256 = arith.constant 1280 : index
      %get3A_257 = tpu.vector_load %arg15[%get3A_256] {strides = array<i32>} : memref<2048xf32, #tpu.memory_space<vmem>>, vector<16xf32>,
      %add3A_258 = arith.addf %add3A_255, %get3A_257 : vector<16xf32>
      %get3A_259 = arith.constant 1408 : index
      %get3A_260 = tpu.vector_load %arg15[%get3A_259] {strides = array<i32>} : memref<2048xf32, #tpu.memory_space<vmem>>, vector<16xf32>,
      %add3A_261 = arith.addf %add3A_258, %get3A_260 : vector<16xf32>
      %get3A_262 = arith.constant 1536 : index
      %get3A_263 = tpu.vector_load %arg15[%get3A_262] {strides = array<i32>} : memref<2048xf32, #tpu.memory_space<vmem>>, vector<16xf32>,
      %add3A_264 = arith.addf %add3A_261, %get3A_263 : vector<16xf32>
      %get3A_265 = arith.constant 1664 : index
      %get3A_266 = tpu.vector_load %arg15[%get3A_265] {strides = array<i32>} : memref<2048xf32, #tpu.memory_space<vmem>>, vector<16xf32>,
      %add3A_267 = arith.addf %add3A_264, %get3A_266 : vector<16xf32>
      %get3A_268 = arith.constant 1792 : index
      %get3A_269 = tpu.vector_load %arg15[%get3A_268] {strides = array<i32>} : memref<2048xf32, #tpu.memory_space<vmem>>, vector<16xf32>,
      %add3A_270 = arith.addf %add3A_267, %get3A_269 : vector<16xf32>
      %get3A_271 = arith.constant 1920 : index
      %get3A_272 = tpu.vector_load %arg15[%get3A_271] {strides = array<i32>} : memref<2048xf32, #tpu.memory_space<vmem>>, vector<16xf32>,
      %add3A_273 = arith.addf %add3A_270, %get3A_272 : vector<16xf32>
      %swap3A_274 = arith.constant 0 : index
      %swap3A_275 = tpu.vector_load %arg16[%swap3A_274] {strides = array<i32>} : memref<128xf32, #tpu.memory_space<vmem>>, vector<16xf32>,
      tpu.vector_store %arg16[%swap3A_274], %add3A_273 {strides = array<i32>} : memref<128xf32, #tpu.memory_space<vmem>>, vector<16xf32>,
      %get3A_276 = arith.constant 16 : index
      %get3A_277 = tpu.vector_load %arg15[%get3A_276] {strides = array<i32>} : memref<2048xf32, #tpu.memory_space<vmem>>, vector<16xf32>,
      %add3A_278 = arith.addf %broadcast_in_dim3A_3, %get3A_277 : vector<16xf32>
      %get3A_279 = arith.constant 144 : index
      %get3A_280 = tpu.vector_load %arg15[%get3A_279] {strides = array<i32>} : memref<2048xf32, #tpu.memory_space<vmem>>, vector<16xf32>,
      %add3A_281 = arith.addf %add3A_278, %get3A_280 : vector<16xf32>
      %get3A_282 = arith.constant 272 : index
      %get3A_283 = tpu.vector_load %arg15[%get3A_282] {strides = array<i32>} : memref<2048xf32, #tpu.memory_space<vmem>>, vector<16xf32>,
      %add3A_284 = arith.addf %add3A_281, %get3A_283 : vector<16xf32>
      %get3A_285 = arith.constant 400 : index
      %get3A_286 = tpu.vector_load %arg15[%get3A_285] {strides = array<i32>} : memref<2048xf32, #tpu.memory_space<vmem>>, vector<16xf32>,
      %add3A_287 = arith.addf %add3A_284, %get3A_286 : vector<16xf32>
      %get3A_288 = arith.constant 528 : index
      %get3A_289 = tpu.vector_load %arg15[%get3A_288] {strides = array<i32>} : memref<2048xf32, #tpu.memory_space<vmem>>, vector<16xf32>,
      %add3A_290 = arith.addf %add3A_287, %get3A_289 : vector<16xf32>
      %get3A_291 = arith.constant 656 : index
      %get3A_292 = tpu.vector_load %arg15[%get3A_291] {strides = array<i32>} : memref<2048xf32, #tpu.memory_space<vmem>>, vector<16xf32>,
      %add3A_293 = arith.addf %add3A_290, %get3A_292 : vector<16xf32>
      %get3A_294 = arith.constant 784 : index
      %get3A_295 = tpu.vector_load %arg15[%get3A_294] {strides = array<i32>} : memref<2048xf32, #tpu.memory_space<vmem>>, vector<16xf32>,
      %add3A_296 = arith.addf %add3A_293, %get3A_295 : vector<16xf32>
      %get3A_297 = arith.constant 912 : index
      %get3A_298 = tpu.vector_load %arg15[%get3A_297] {strides = array<i32>} : memref<2048xf32, #tpu.memory_space<vmem>>, vector<16xf32>,
      %add3A_299 = arith.addf %add3A_296, %get3A_298 : vector<16xf32>
      %get3A_300 = arith.constant 1040 : index
      %get3A_301 = tpu.vector_load %arg15[%get3A_300] {strides = array<i32>} : memref<2048xf32, #tpu.memory_space<vmem>>, vector<16xf32>,
      %add3A_302 = arith.addf %add3A_299, %get3A_301 : vector<16xf32>
      %get3A_303 = arith.constant 1168 : index
      %get3A_304 = tpu.vector_load %arg15[%get3A_303] {strides = array<i32>} : memref<2048xf32, #tpu.memory_space<vmem>>, vector<16xf32>,
      %add3A_305 = arith.addf %add3A_302, %get3A_304 : vector<16xf32>
      %get3A_306 = arith.constant 1296 : index
      %get3A_307 = tpu.vector_load %arg15[%get3A_306] {strides = array<i32>} : memref<2048xf32, #tpu.memory_space<vmem>>, vector<16xf32>,
      %add3A_308 = arith.addf %add3A_305, %get3A_307 : vector<16xf32>
      %get3A_309 = arith.constant 1424 : index
      %get3A_310 = tpu.vector_load %arg15[%get3A_309] {strides = array<i32>} : memref<2048xf32, #tpu.memory_space<vmem>>, vector<16xf32>,
      %add3A_311 = arith.addf %add3A_308, %get3A_310 : vector<16xf32>
      %get3A_312 = arith.constant 1552 : index
      %get3A_313 = tpu.vector_load %arg15[%get3A_312] {strides = array<i32>} : memref<2048xf32, #tpu.memory_space<vmem>>, vector<16xf32>,
      %add3A_314 = arith.addf %add3A_311, %get3A_313 : vector<16xf32>
      %get3A_315 = arith.constant 1680 : index
      %get3A_316 = tpu.vector_load %arg15[%get3A_315] {strides = array<i32>} : memref<2048xf32, #tpu.memory_space<vmem>>, vector<16xf32>,
      %add3A_317 = arith.addf %add3A_314, %get3A_316 : vector<16xf32>
      %get3A_318 = arith.constant 1808 : index
      %get3A_319 = tpu.vector_load %arg15[%get3A_318] {strides = array<i32>} : memref<2048xf32, #tpu.memory_space<vmem>>, vector<16xf32>,
      %add3A_320 = arith.addf %add3A_317, %get3A_319 : vector<16xf32>
      %get3A_321 = arith.constant 1936 : index
      %get3A_322 = tpu.vector_load %arg15[%get3A_321] {strides = array<i32>} : memref<2048xf32, #tpu.memory_space<vmem>>, vector<16xf32>,
      %add3A_323 = arith.addf %add3A_320, %get3A_322 : vector<16xf32>
      %swap3A_324 = arith.constant 16 : index
      %swap3A_325 = tpu.vector_load %arg16[%swap3A_324] {strides = array<i32>} : memref<128xf32, #tpu.memory_space<vmem>>, vector<16xf32>,
      tpu.vector_store %arg16[%swap3A_324], %add3A_323 {strides = array<i32>} : memref<128xf32, #tpu.memory_space<vmem>>, vector<16xf32>,
      %get3A_326 = arith.constant 32 : index
      %get3A_327 = tpu.vector_load %arg15[%get3A_326] {strides = array<i32>} : memref<2048xf32, #tpu.memory_space<vmem>>, vector<16xf32>,
      %add3A_328 = arith.addf %broadcast_in_dim3A_3, %get3A_327 : vector<16xf32>
      %get3A_329 = arith.constant 160 : index
      %get3A_330 = tpu.vector_load %arg15[%get3A_329] {strides = array<i32>} : memref<2048xf32, #tpu.memory_space<vmem>>, vector<16xf32>,
      %add3A_331 = arith.addf %add3A_328, %get3A_330 : vector<16xf32>
      %get3A_332 = arith.constant 288 : index
      %get3A_333 = tpu.vector_load %arg15[%get3A_332] {strides = array<i32>} : memref<2048xf32, #tpu.memory_space<vmem>>, vector<16xf32>,
      %add3A_334 = arith.addf %add3A_331, %get3A_333 : vector<16xf32>
      %get3A_335 = arith.constant 416 : index
      %get3A_336 = tpu.vector_load %arg15[%get3A_335] {strides = array<i32>} : memref<2048xf32, #tpu.memory_space<vmem>>, vector<16xf32>,
      %add3A_337 = arith.addf %add3A_334, %get3A_336 : vector<16xf32>
      %get3A_338 = arith.constant 544 : index
      %get3A_339 = tpu.vector_load %arg15[%get3A_338] {strides = array<i32>} : memref<2048xf32, #tpu.memory_space<vmem>>, vector<16xf32>,
      %add3A_340 = arith.addf %add3A_337, %get3A_339 : vector<16xf32>
      %get3A_341 = arith.constant 672 : index
      %get3A_342 = tpu.vector_load %arg15[%get3A_341] {strides = array<i32>} : memref<2048xf32, #tpu.memory_space<vmem>>, vector<16xf32>,
      %add3A_343 = arith.addf %add3A_340, %get3A_342 : vector<16xf32>
      %get3A_344 = arith.constant 800 : index
      %get3A_345 = tpu.vector_load %arg15[%get3A_344] {strides = array<i32>} : memref<2048xf32, #tpu.memory_space<vmem>>, vector<16xf32>,
      %add3A_346 = arith.addf %add3A_343, %get3A_345 : vector<16xf32>
      %get3A_347 = arith.constant 928 : index
      %get3A_348 = tpu.vector_load %arg15[%get3A_347] {strides = array<i32>} : memref<2048xf32, #tpu.memory_space<vmem>>, vector<16xf32>,
      %add3A_349 = arith.addf %add3A_346, %get3A_348 : vector<16xf32>
      %get3A_350 = arith.constant 1056 : index
      %get3A_351 = tpu.vector_load %arg15[%get3A_350] {strides = array<i32>} : memref<2048xf32, #tpu.memory_space<vmem>>, vector<16xf32>,
      %add3A_352 = arith.addf %add3A_349, %get3A_351 : vector<16xf32>
      %get3A_353 = arith.constant 1184 : index
      %get3A_354 = tpu.vector_load %arg15[%get3A_353] {strides = array<i32>} : memref<2048xf32, #tpu.memory_space<vmem>>, vector<16xf32>,
      %add3A_355 = arith.addf %add3A_352, %get3A_354 : vector<16xf32>
      %get3A_356 = arith.constant 1312 : index
      %get3A_357 = tpu.vector_load %arg15[%get3A_356] {strides = array<i32>} : memref<2048xf32, #tpu.memory_space<vmem>>, vector<16xf32>,
      %add3A_358 = arith.addf %add3A_355, %get3A_357 : vector<16xf32>
      %get3A_359 = arith.constant 1440 : index
      %get3A_360 = tpu.vector_load %arg15[%get3A_359] {strides = array<i32>} : memref<2048xf32, #tpu.memory_space<vmem>>, vector<16xf32>,
      %add3A_361 = arith.addf %add3A_358, %get3A_360 : vector<16xf32>
      %get3A_362 = arith.constant 1568 : index
      %get3A_363 = tpu.vector_load %arg15[%get3A_362] {strides = array<i32>} : memref<2048xf32, #tpu.memory_space<vmem>>, vector<16xf32>,
      %add3A_364 = arith.addf %add3A_361, %get3A_363 : vector<16xf32>
      %get3A_365 = arith.constant 1696 : index
      %get3A_366 = tpu.vector_load %arg15[%get3A_365] {strides = array<i32>} : memref<2048xf32, #tpu.memory_space<vmem>>, vector<16xf32>,
      %add3A_367 = arith.addf %add3A_364, %get3A_366 : vector<16xf32>
      %get3A_368 = arith.constant 1824 : index
      %get3A_369 = tpu.vector_load %arg15[%get3A_368] {strides = array<i32>} : memref<2048xf32, #tpu.memory_space<vmem>>, vector<16xf32>,
      %add3A_370 = arith.addf %add3A_367, %get3A_369 : vector<16xf32>
      %get3A_371 = arith.constant 1952 : index
      %get3A_372 = tpu.vector_load %arg15[%get3A_371] {strides = array<i32>} : memref<2048xf32, #tpu.memory_space<vmem>>, vector<16xf32>,
      %add3A_373 = arith.addf %add3A_370, %get3A_372 : vector<16xf32>
      %swap3A_374 = arith.constant 32 : index
      %swap3A_375 = tpu.vector_load %arg16[%swap3A_374] {strides = array<i32>} : memref<128xf32, #tpu.memory_space<vmem>>, vector<16xf32>,
      tpu.vector_store %arg16[%swap3A_374], %add3A_373 {strides = array<i32>} : memref<128xf32, #tpu.memory_space<vmem>>, vector<16xf32>,
      %mul3A_376 = arith.constant 128 : i32
      %mul3A_377 = arith.muli %arg0, %mul3A_376 : i32
      "tpu.region"() ({
        %run_scoped3A = tpu.sem_alloc : memref<!tpu.dma_semaphore, #tpu.memory_space<semaphore_mem>>
        %dma_start3A_378 = tpu.memref_slice %arg6[%mul3A_377] : memref<256xf32, #tpu.memory_space<hbm>> -> memref<128xf32, #tpu.memory_space<hbm>>
        %dma_start3A_379 = tpu.memref_slice %arg6[%mul3A_377] : memref<256xf32, #tpu.memory_space<hbm>> -> memref<128xf32, #tpu.memory_space<hbm>>
        tpu.enqueue_dma source(%arg16 : memref<128xf32, #tpu.memory_space<vmem>>) target(%dma_start3A_379 : memref<128xf32, #tpu.memory_space<hbm>>) target_semaphore(%run_scoped3A : memref<!tpu.dma_semaphore, #tpu.memory_space<semaphore_mem>>)
        %dma_wait3A_380 = tpu.memref_slice %arg6[%mul3A_377] : memref<256xf32, #tpu.memory_space<hbm>> -> memref<128xf32, #tpu.memory_space<hbm>>
        %dma_wait3A_381 = tpu.memref_slice %arg6[%mul3A_377] : memref<256xf32, #tpu.memory_space<hbm>> -> memref<128xf32, #tpu.memory_space<hbm>>
        tpu.wait_dma2 semaphore(%run_scoped3A : memref<!tpu.dma_semaphore, #tpu.memory_space<semaphore_mem>>) src(%arg16 : memref<128xf32, #tpu.memory_space<vmem>>) dst(%dma_wait3A_381 : memref<128xf32, #tpu.memory_space<hbm>>)
        tpu.yield
      }) : () -> ()
    } else {
    }
    return
  }
}

module attributes {stable_mosaic.version = 14 : i64} {
  func.func @_tc_body(%arg0: i32, %arg1: memref<896x512xf32, #tpu.memory_space<vmem>>, %arg2: memref<896x512xf32, #tpu.memory_space<vmem>>, %arg3: memref<1x1xf32, #tpu.memory_space<vmem>>, %arg4: memref<1x1xf32, #tpu.memory_space<vmem>>, %arg5: memref<1x1xf32, #tpu.memory_space<vmem>>) attributes {dimension_semantics = [#tpu.dimension_semantics<arbitrary>], iteration_bounds = array<i64: 8>, scalar_prefetch = 0 : i64, scratch_operands = 0 : i64, tpu.core_type = #tpu.core_type<tc>, window_params = [{transform_indices = @transform_0, window_bounds = array<i64: 896, 512>}, {transform_indices = @transform_1, window_bounds = array<i64: 896, 512>}, {pipeline_mode = #tpu.pipeline_mode<synchronous>, transform_indices = @transform_2, window_bounds = array<i64: 1, 1>}, {pipeline_mode = #tpu.pipeline_mode<synchronous>, transform_indices = @transform_3, window_bounds = array<i64: 1, 1>}, {pipeline_mode = #tpu.pipeline_mode<synchronous>, transform_indices = @transform_4, window_bounds = array<i64: 1, 1>}]} {
    %eq3A = arith.constant 0 : i32
    %eq3A_0 = arith.cmpi eq, %arg0, %eq3A : i32
    %convert_element_type3A = arith.extui %eq3A_0 : i1 to i32
    %cond3A = arith.constant 0 : i32
    %cond3A_1 = arith.cmpi ne, %convert_element_type3A, %cond3A : i32
    scf.if %cond3A_1 {
      %broadcast_in_dim3A_61 = arith.constant 0.000000e+00 : f32
      %broadcast_in_dim3A_62 = vector.broadcast %broadcast_in_dim3A_61 : f32 to vector<1x1xf32>
      %swap3A_63 = arith.constant 0 : index
      %swap3A_64 = arith.constant 0 : index
      %swap3A_65 = vector.load %arg3[%swap3A_63, %swap3A_64] : memref<1x1xf32, #tpu.memory_space<vmem>>, vector<1x1xf32>
      tpu.vector_store %arg3[%swap3A_63, %swap3A_64], %broadcast_in_dim3A_62 {strides = array<i32>} : memref<1x1xf32, #tpu.memory_space<vmem>>, vector<1x1xf32>,
      %broadcast_in_dim3A_66 = arith.constant 0.000000e+00 : f32
      %broadcast_in_dim3A_67 = vector.broadcast %broadcast_in_dim3A_66 : f32 to vector<1x1xf32>
      %swap3A_68 = arith.constant 0 : index
      %swap3A_69 = arith.constant 0 : index
      %swap3A_70 = vector.load %arg4[%swap3A_68, %swap3A_69] : memref<1x1xf32, #tpu.memory_space<vmem>>, vector<1x1xf32>
      tpu.vector_store %arg4[%swap3A_68, %swap3A_69], %broadcast_in_dim3A_67 {strides = array<i32>} : memref<1x1xf32, #tpu.memory_space<vmem>>, vector<1x1xf32>,
      %broadcast_in_dim3A_71 = arith.constant 0.000000e+00 : f32
      %broadcast_in_dim3A_72 = vector.broadcast %broadcast_in_dim3A_71 : f32 to vector<1x1xf32>
      %swap3A_73 = arith.constant 0 : index
      %swap3A_74 = arith.constant 0 : index
      %swap3A_75 = vector.load %arg5[%swap3A_73, %swap3A_74] : memref<1x1xf32, #tpu.memory_space<vmem>>, vector<1x1xf32>
      tpu.vector_store %arg5[%swap3A_73, %swap3A_74], %broadcast_in_dim3A_72 {strides = array<i32>} : memref<1x1xf32, #tpu.memory_space<vmem>>, vector<1x1xf32>,
    } else {
    }
    %get3A = arith.constant 0 : index
    %get3A_2 = arith.constant 0 : index
    %get3A_3 = vector.load %arg1[%get3A, %get3A_2] : memref<896x512xf32, #tpu.memory_space<vmem>>, vector<896x512xf32>
    %get3A_4 = arith.constant 0 : index
    %get3A_5 = arith.constant 0 : index
    %get3A_6 = vector.load %arg2[%get3A_4, %get3A_5] : memref<896x512xf32, #tpu.memory_space<vmem>>, vector<896x512xf32>
    %sub3A = arith.constant 1.000000e+00 : f32
    %sub3A_7 = arith.constant 1.000000e-07 : f32
    %sub3A_8 = arith.subf %sub3A, %sub3A_7 : f32
    %jit3A = arith.constant 1.000000e-07 : f32
    %max3A = vector.broadcast %jit3A : f32 to vector<896x512xf32>
    %max3A_9 = arith.maximumf %max3A, %get3A_3 : vector<896x512xf32>
    %min3A = vector.broadcast %sub3A_8 : f32 to vector<896x512xf32>
    %min3A_10 = arith.minimumf %min3A, %max3A_9 : vector<896x512xf32>
    %gt3A = arith.constant 5.000000e-01 : f32
    %gt3A_11 = vector.broadcast %gt3A : f32 to vector<896x512xf32>
    %gt3A_12 = arith.cmpf ogt, %get3A_6, %gt3A_11 : vector<896x512xf32>
    %sub3A_13 = arith.constant 1.000000e+00 : f32
    %sub3A_14 = vector.broadcast %sub3A_13 : f32 to vector<896x512xf32>
    %sub3A_15 = arith.subf %sub3A_14, %min3A_10 : vector<896x512xf32>
    %select_n3A = arith.select %gt3A_12, %min3A_10, %sub3A_15 : vector<896x512xi1>, vector<896x512xf32>
    %log3A = math.log %select_n3A : vector<896x512xf32>
    %neg3A = arith.constant 0.000000e+00 : f32
    %neg3A_16 = vector.broadcast %neg3A : f32 to vector<896x512xf32>
    %neg3A_17 = arith.subf %neg3A_16, %log3A : vector<896x512xf32>
    %get3A_18 = arith.constant 0 : index
    %get3A_19 = arith.constant 0 : index
    %get3A_20 = vector.load %arg3[%get3A_18, %get3A_19] : memref<1x1xf32, #tpu.memory_space<vmem>>, vector<1x1xf32>
    %reduce_sum3A = arith.constant dense<0.000000e+00> : vector<512xf32>
    %reduce_sum3A_21 = vector.multi_reduction <add>, %get3A_6, %reduce_sum3A [0] : vector<896x512xf32> to vector<512xf32>
    %reduce_sum3A_22 = vector.shape_cast %reduce_sum3A_21 : vector<512xf32> to vector<1x512xf32>
    %reduce_sum3A_23 = arith.constant dense<0.000000e+00> : vector<1xf32>
    %reduce_sum3A_24 = vector.multi_reduction <add>, %reduce_sum3A_22, %reduce_sum3A_23 [1] : vector<1x512xf32> to vector<1xf32>
    %reduce_sum3A_25 = vector.shape_cast %reduce_sum3A_24 : vector<1xf32> to vector<1x1xf32>
    %reduce_sum3A_26 = vector.extract %reduce_sum3A_25[0, 0] : f32 from vector<1x1xf32>
    %reshape3A = vector.broadcast %reduce_sum3A_26 : f32 to vector<1x1xf32>
    %add3A = arith.addf %get3A_20, %reshape3A : vector<1x1xf32>
    %swap3A = arith.constant 0 : index
    %swap3A_27 = arith.constant 0 : index
    %swap3A_28 = vector.load %arg3[%swap3A, %swap3A_27] : memref<1x1xf32, #tpu.memory_space<vmem>>, vector<1x1xf32>
    tpu.vector_store %arg3[%swap3A, %swap3A_27], %add3A {strides = array<i32>} : memref<1x1xf32, #tpu.memory_space<vmem>>, vector<1x1xf32>,
    %get3A_29 = arith.constant 0 : index
    %get3A_30 = arith.constant 0 : index
    %get3A_31 = vector.load %arg4[%get3A_29, %get3A_30] : memref<1x1xf32, #tpu.memory_space<vmem>>, vector<1x1xf32>
    %jit3A_32 = arith.constant 0.000000e+00 : f32
    %broadcast_in_dim3A = vector.broadcast %jit3A_32 : f32 to vector<896x512xf32>
    %select_n3A_33 = arith.select %gt3A_12, %neg3A_17, %broadcast_in_dim3A : vector<896x512xi1>, vector<896x512xf32>
    %reduce_sum3A_34 = arith.constant dense<0.000000e+00> : vector<512xf32>
    %reduce_sum3A_35 = vector.multi_reduction <add>, %select_n3A_33, %reduce_sum3A_34 [0] : vector<896x512xf32> to vector<512xf32>
    %reduce_sum3A_36 = vector.shape_cast %reduce_sum3A_35 : vector<512xf32> to vector<1x512xf32>
    %reduce_sum3A_37 = arith.constant dense<0.000000e+00> : vector<1xf32>
    %reduce_sum3A_38 = vector.multi_reduction <add>, %reduce_sum3A_36, %reduce_sum3A_37 [1] : vector<1x512xf32> to vector<1xf32>
    %reduce_sum3A_39 = vector.shape_cast %reduce_sum3A_38 : vector<1xf32> to vector<1x1xf32>
    %reduce_sum3A_40 = vector.extract %reduce_sum3A_39[0, 0] : f32 from vector<1x1xf32>
    %reshape3A_41 = vector.broadcast %reduce_sum3A_40 : f32 to vector<1x1xf32>
    %add3A_42 = arith.addf %get3A_31, %reshape3A_41 : vector<1x1xf32>
    %swap3A_43 = arith.constant 0 : index
    %swap3A_44 = arith.constant 0 : index
    %swap3A_45 = vector.load %arg4[%swap3A_43, %swap3A_44] : memref<1x1xf32, #tpu.memory_space<vmem>>, vector<1x1xf32>
    tpu.vector_store %arg4[%swap3A_43, %swap3A_44], %add3A_42 {strides = array<i32>} : memref<1x1xf32, #tpu.memory_space<vmem>>, vector<1x1xf32>,
    %get3A_46 = arith.constant 0 : index
    %get3A_47 = arith.constant 0 : index
    %get3A_48 = vector.load %arg5[%get3A_46, %get3A_47] : memref<1x1xf32, #tpu.memory_space<vmem>>, vector<1x1xf32>
    %reduce_sum3A_49 = arith.constant dense<0.000000e+00> : vector<512xf32>
    %reduce_sum3A_50 = vector.multi_reduction <add>, %neg3A_17, %reduce_sum3A_49 [0] : vector<896x512xf32> to vector<512xf32>
    %reduce_sum3A_51 = vector.shape_cast %reduce_sum3A_50 : vector<512xf32> to vector<1x512xf32>
    %reduce_sum3A_52 = arith.constant dense<0.000000e+00> : vector<1xf32>
    %reduce_sum3A_53 = vector.multi_reduction <add>, %reduce_sum3A_51, %reduce_sum3A_52 [1] : vector<1x512xf32> to vector<1xf32>
    %reduce_sum3A_54 = vector.shape_cast %reduce_sum3A_53 : vector<1xf32> to vector<1x1xf32>
    %reduce_sum3A_55 = vector.extract %reduce_sum3A_54[0, 0] : f32 from vector<1x1xf32>
    %reshape3A_56 = vector.broadcast %reduce_sum3A_55 : f32 to vector<1x1xf32>
    %add3A_57 = arith.addf %get3A_48, %reshape3A_56 : vector<1x1xf32>
    %swap3A_58 = arith.constant 0 : index
    %swap3A_59 = arith.constant 0 : index
    %swap3A_60 = vector.load %arg5[%swap3A_58, %swap3A_59] : memref<1x1xf32, #tpu.memory_space<vmem>>, vector<1x1xf32>
    tpu.vector_store %arg5[%swap3A_58, %swap3A_59], %add3A_57 {strides = array<i32>} : memref<1x1xf32, #tpu.memory_space<vmem>>, vector<1x1xf32>,
    return
  }
  func.func @transform_0(%arg0: i32) -> (i32, i32) {
    %add3A = arith.constant 1 : i32
    %add3A_0 = arith.addi %add3A, %arg0 : i32
    %c0_i32 = arith.constant 0 : i32
    %c0_i32_1 = arith.constant 0 : i32
    return %add3A_0, %c0_i32 : i32, i32
  }
  func.func @transform_1(%arg0: i32) -> (i32, i32) {
    %add3A = arith.constant 1 : i32
    %add3A_0 = arith.addi %add3A, %arg0 : i32
    %c0_i32 = arith.constant 0 : i32
    %c0_i32_1 = arith.constant 0 : i32
    return %add3A_0, %c0_i32 : i32, i32
  }
  func.func @transform_2(%arg0: i32) -> (i32, i32) {
    %c0_i32 = arith.constant 0 : i32
    %c0_i32_0 = arith.constant 0 : i32
    %c0_i32_1 = arith.constant 0 : i32
    return %c0_i32, %c0_i32_0 : i32, i32
  }
  func.func @transform_3(%arg0: i32) -> (i32, i32) {
    %c0_i32 = arith.constant 0 : i32
    %c0_i32_0 = arith.constant 0 : i32
    %c0_i32_1 = arith.constant 0 : i32
    return %c0_i32, %c0_i32_0 : i32, i32
  }
  func.func @transform_4(%arg0: i32) -> (i32, i32) {
    %c0_i32 = arith.constant 0 : i32
    %c0_i32_0 = arith.constant 0 : i32
    %c0_i32_1 = arith.constant 0 : i32
    return %c0_i32, %c0_i32_0 : i32, i32
  }
}

</mosaic_0001>

<sc_bundles>
// kernel: branch_1_fun.4.cloned.1.call-start
scs
__scs_entry_jumppad:
0x0: {  	(pc) =	sbr.rel $0x88, $3  }
0x1: {  	(tag) =	ssettag $0x0;
	lr =	simm.s32 $0x1  }
0x2: {  	[smem:$0x3F9F] =	sst lr;
	_ =	strace $0xD0000000  }
0x3: {  	_ = 	snop  }
0x4: {  	_ = 	snop  }
0x5: {  	_ = 	snop  }
0x6: {  	_ = 	snop  }
0x7: {  	_ = 	snop  }
__scs_overlays_trampoline_lowered:
0x8: {  	[smem:$0x3FAE] =	sst s0  }
0x9: {  	[smem:$0x3FAF] =	sst s1  }
0xa: {  	[smem:$0x3FB0] =	sst s2  }
0xb: {  	[smem:$0x3FB1] =	sst s3  }
0xc: {  	[smem:$0x3FB2] =	sst s4  }
0xd: {  	[smem:$0x3FB3] =	sst s5  }
0xe: {  	[smem:$0x3FB4] =	sst s6  }
0xf: {  	[smem:$0x3FB5] =	sst s7  }
0x10: {  	[smem:$0x3FB6] =	sst s8  }
0x11: {  	[smem:$0x3FB7] =	sst s9;
	s0 =	simm.s32 @!p0 $0x0  }
0x12: {  	s1 =	sld [smem:$0x3F9D];
	s0 =	simm.s32 @p0 $0x1  }
0x13: {  	[smem:$0x3FB8] =	sst s0;
	s0 =	simm.s32 @!p1 $0x0  }
0x14: {  	s2 =	sld [smem:$0x3F9C];
	s0 =	simm.s32 @p1 $0x1  }
0x15: {  	[smem:$0x3FB9] =	sst s0;
	s0 =	simm.s32 @!p2 $0x0  }
0x16: {  	s3 =	sld [smem:$0x3FDB];
	s0 =	simm.s32 @p2 $0x1  }
0x17: {  	s4 =	simm.s32 $0x1BF5;
	[smem:$0x3FBB] =	sst s0  }
0x18: {  	s0 =	sld [smem:$0x3F9E];
	_ =	swait.ge [sflag:s4], $0x0  }
0x19: {  	s7 =	sld [smem:$0x3F9F]  }
0x1a: {  	s8 =	sadd.s32 $0xFFFFE003, lr  }
0x1b: {  	s9 =	sadd.s32 $0xFFFFFEF7, lr;
	s5 =	simm.s32 $0xFFFFFFFF;
	p2 =	slt.u32 s8, $0xFFFFF086  }
0x1c: {  	p1 =	slt.u32 s9, $0xF7A;
	s5 =	simm.s32 @!p2 $0x0  }
0x1d: {  	s5 =	simm.s32 @p1 $0x1;
	p0 =	seq.s32 s7, s2  }
0x1e: {  	s7 =	smul.u32 @!p0 $0xF7A, s2;
	p2 =	seq.s32 @!p0 s5, $0x0  }
0x1f: {  	s9 =	smul.u32 $0xF7A, s1;
	s8 =	simm.s32 @!p0 $0x1BF5;
	p2 =	por !p2, p0  }
0x20: {  	[sflag:s8] =	ssyncset.s32 @!p0 $0xFFFFF086;
	s6 =	sadd.s32 @!p0 s3, s7;
	s7 =	simm.s32 @!p0 $0x108  }
0x21: {  	s3 =	sadd.s32 s3, s9;
	s6 =	sadd.s32 @!p0 $0x88, s6;
	s7 =	simm.s32 @p2 $0x1082  }
0x22: {  	[simem:s7], [sflag:s8] =	dma.local @!p0 [hbm:s6], $0xF7A  }
0x23: {  	s9 =	sor.u32 $0xD0000000, s2;
	s6 =	simm.s32 $0x108;
	_ =	swait.ge @!p0 [sflag:s8], $0x0  }
0x24: {  	s3 =	sadd.s32 $0x88, s3;
	s6 =	simm.s32 @!p1 $0x1082;
	[sflag:s4] =	ssyncset.s32 $0xFFFFF086  }
0x25: {  	[simem:s6], [sflag:s4] =	dma.local [hbm:s3], $0xF7A  }
0x26: {  	[smem:$0x3F9F] =	sst s1;
	(tag) =	ssettag s2;
	_ =	strace s9  }
0x27: {  	s1 =	sld [smem:$0x3FAF]  }
0x28: {  	s2 =	sld [smem:$0x3FB0]  }
0x29: {  	s4 =	sld [smem:$0x3FB2]  }
0x2a: {  	p0 =	seq.s32 s5, $0x0;
	s5 =	sld [smem:$0x3FB3]  }
0x2b: {  	s6 =	sld [smem:$0x3FB4]  }
0x2c: {  	s7 =	sld [smem:$0x3FB5]  }
0x2d: {  	s3 =	simm.s32 $0x108;
	s8 =	sld [smem:$0x3FB6]  }
0x2e: {  	s3 =	simm.s32 @!p0 $0x1082;
	s9 =	sld [smem:$0x3FB7]  }
0x2f: {  	lr =	sadd.s32 s0, s3;
	s0 =	sld [smem:$0x3FAE]  }
0x30: {  	s3 =	sld [smem:$0x3FB1]  }
0x31: {  	[smem:$0x3FBA] =	sst s10  }
0x32: {  	s10 =	sld [smem:$0x3FB8];
	_ =	sdelay $0x3  }
0x33: {  	p0 =	seq.s32 s10, $0x1;
	s10 =	sld [smem:$0x3FBA];
	_ =	sdelay $0x3  }
0x34: {  	[smem:$0x3FBA] =	sst s10  }
0x35: {  	s10 =	sld [smem:$0x3FB9];
	_ =	sdelay $0x3  }
0x36: {  	p1 =	seq.s32 s10, $0x1;
	s10 =	sld [smem:$0x3FBA];
	_ =	sdelay $0x3  }
0x37: {  	[smem:$0x3FBA] =	sst s10  }
0x38: {  	s10 =	sld [smem:$0x3FBB]  }
0x39: {  	_ = 	snop;
	(pc) =	sbr.ind lr, $3  }
0x3a: {  	_ = 	snop  }
0x3b: {  	_ = 	snop  }
0x3c: {  	p2 =	seq.s32 s10, $0x1;
	s10 =	sld [smem:$0x3FBA]  }
0x3d: {  	_ =	shalt  }
0x3e: {  	_ =	shalt  }
0x3f: {  	_ =	shalt  }
0x40: {  	_ =	shalt  }
0x41: {  	_ =	shalt  }
0x42: {  	_ =	shalt  }
0x43: {  	_ =	shalt  }
0x44: {  	_ =	shalt  }
0x45: {  	_ =	shalt  }
0x46: {  	_ =	shalt  }
0x47: {  	_ =	shalt  }
0x48: {  	_ =	shalt  }
0x49: {  	_ =	shalt  }
0x4a: {  	_ =	shalt  }
0x4b: {  	_ =	shalt  }
0x4c: {  	_ =	shalt  }
0x4d: {  	_ =	shalt  }
0x4e: {  	_ =	shalt  }
0x4f: {  	_ =	shalt  }
0x50: {  	_ =	shalt  }
0x51: {  	_ =	shalt  }
0x52: {  	_ =	shalt  }
0x53: {  	_ =	shalt  }
0x54: {  	_ =	shalt  }
0x55: {  	_ =	shalt  }
0x56: {  	_ =	shalt  }
0x57: {  	_ =	shalt  }
0x58: {  	_ =	shalt  }
0x59: {  	_ =	shalt  }
0x5a: {  	_ =	shalt  }
0x5b: {  	_ =	shalt  }
0x5c: {  	_ =	shalt  }
0x5d: {  	_ =	shalt  }
0x5e: {  	_ =	shalt  }
0x5f: {  	_ =	shalt  }
0x60: {  	_ =	shalt  }
0x61: {  	_ =	shalt  }
0x62: {  	_ =	shalt  }
0x63: {  	_ =	shalt  }
0x64: {  	_ =	shalt  }
0x65: {  	_ =	shalt  }
0x66: {  	_ =	shalt  }
0x67: {  	_ =	shalt  }
0x68: {  	_ =	shalt  }
0x69: {  	_ =	shalt  }
0x6a: {  	_ =	shalt  }
0x6b: {  	_ =	shalt  }
0x6c: {  	_ =	shalt  }
0x6d: {  	_ =	shalt  }
0x6e: {  	_ =	shalt  }
0x6f: {  	_ =	shalt  }
0x70: {  	_ =	shalt  }
0x71: {  	_ =	shalt  }
0x72: {  	_ =	shalt  }
0x73: {  	_ =	shalt  }
0x74: {  	_ =	shalt  }
0x75: {  	_ =	shalt  }
0x76: {  	_ =	shalt  }
0x77: {  	_ =	shalt  }
0x78: {  	_ =	shalt  }
0x79: {  	_ =	shalt  }
0x7a: {  	_ =	shalt  }
0x7b: {  	_ =	shalt  }
0x7c: {  	_ =	shalt  }
0x7d: {  	_ =	shalt  }
0x7e: {  	_ =	shalt  }
0x7f: {  	_ =	shalt  }
0x80: {  	_ =	shalt  }
0x81: {  	_ =	shalt  }
0x82: {  	_ =	shalt  }
0x83: {  	_ =	shalt  }
0x84: {  	_ =	shalt  }
0x85: {  	_ =	shalt  }
0x86: {  	_ =	shalt  }
0x87: {  	_ =	shalt  }
.Lfunc_end0:
.L_simem_size_0:
called_computation_lowered:
.L_overlay_start_0:
0x88: {  	s2 =	sld [smem:$0x3FD9]  }
0x89: {  	s3 =	sld [smem:$0x3FFE];
	_ =	sdelay $0x1  }
0x8a: {  	s1 =	srdreg.scid  }
0x8b: {  	s0 =	sand.u32 $0x1, s1  }
0x8c: {  	s17 =	sshll.u32 s0, $0xA;
	s2 =	sadd.s32 s3, s2  }
0x8d: {  	s2 =	sadd.s32 s2, s17  }
0x8e: {  	[smem:$0x3FC6] =	sst s2  }
0x8f: {  	_ = 	snop  }
0x90: {  	s2 =	sld [smem:$0x3FC8];
	(tm) =	ssettm $0x1  }
0x91: {  	s18 =	sld [smem:$0x3FFB];
	_ =	sdelay $0x3  }
0x92: {  	_ =	strace s18  }
0x93: {  	s3 =	sld [smem:$0x3FFC];
	_ =	sdelay $0x3  }
0x94: {  	_ =	strace s3  }
0x95: {  	s3 =	sld [smem:$0x3FFD];
	_ =	sdelay $0x3  }
0x96: {  	_ =	strace s3  }
0x97: {  	_ =	strace $0x8FFFFFFF  }
0x98: {  	s19 =	sld [smem:$0x3FDB];
	_ =	sdelay $0x1  }
0x99: {  	s4 =	simm.s32 $_scs_section_size  }
0x9a: {  	s5 =	simm.s32 $_size__tile_overlayer_lowered;
	s6 =	simm.s32 $_tile_overlayer_lowered  }
0x9b: {  	s22 =	simm.s32 $0x1BFF;
	s21 =	sshll.u32 s6, $0x1;
	s3 =	sadd.s32 s4, s19  }
0x9c: {  	s7 =	simm.s32 $0x0;
	s20 =	sshll.u32 s5, $0x1;
	s5 =	sadd.s32 s21, s3  }
0x9d: {  	[timem:s7], [sflag:s22] =	dma.local [hbm:s5], s20  }
0x9e: {  	_ =	swait.ge [sflag:s22], s20  }
0x9f: {  	s4 =	ssub.s32 $0x0, s20;
	[sflag:s22] =	ssyncset.done $0x0  }
0xa0: {  	[sflag:s22] =	ssyncadd.s32 s4;
	_ =	sdelay $0x1  }
0xa1: {  	s23 =	simm.s32 $0x1B8B  }
0xa2: {  	_ =	swait.ge [sflag:s23], $0x1  }
0xa3: {  	[sflag:s23] =	ssyncset.done $0x0  }
0xa4: {  	s25 =	simm.s32 $0x1B8E;
	s24 =	sld [smem:$0x3FFE];
	[sflag:s23] =	ssyncadd.s32 $0xFFFFFFFF  }
0xa5: {  	s26 =	simm.s32 $execute0_lowered;
	[smem:$0x3FD2] =	sst s25  }
0xa6: {  	s5 =	sshll.u32 s26, $0x1;
	_ =	strace $0x80000046;
	[dreg:$0x1] =	wrdreg $0xFFFFFFFF  }
0xa7: {  	s28 =	simm.s32 $_size_execute0_lowered;
	s3 =	sadd.s32 s3, s5;
	[dreg:$0x0] =	wrdreg $0x0  }
0xa8: {  	s5 =	sshll.u32 s28, $0x1;
	[dreg:$0x2] =	wrdreg s3  }
0xa9: {  	[dreg:$0x3] =	wrdreg s5  }
0xaa: {  	[dreg:$0x4] =	wrdreg $0xC0  }
0xab: {  	_ =	task [dreg:s7], $0x5FFFF  }
0xac: {  	[dreg:$0x1] =	wrdreg $0xFFFFFFFF  }
0xad: {  	[dreg:$0x0] =	wrdreg $0x60  }
0xae: {  	[dreg:$0x2] =	wrdreg s24  }
0xaf: {  	[dreg:$0x3] =	wrdreg s2  }
0xb0: {  	[dreg:$0x4] =	wrdreg $0x11A000  }
0xb1: {  	[dreg:$0x5] =	wrdreg $0x111800  }
0xb2: {  	[dreg:$0x6] =	wrdreg $0x115800  }
0xb3: {  	[dreg:$0x7] =	wrdreg $0x119800  }
0xb4: {  	[dreg:$0x8] =	wrdreg $0x119C00  }
0xb5: {  	[dreg:$0x9] =	wrdreg $0x9  }
0xb6: {  	_ =	task.clear_ibuf [dreg:s7], $0xAFFFF;
	_ =	strace $0x90000046  }
0xb7: {  	s29 =	simm.s32 $0x9;
	_ =	strace $0x80000048  }
0xb8: {  	_ =	swait.ge [sflag:s29], $0x1  }
0xb9: {  	[sflag:s29] =	ssyncadd.s32 $0xFFFFFFFF  }
0xba: {  	_ =	strace $0x90000048  }
0xbb: {  	_ =	sfence  }
0xbc: {  	s30 =	sld [smem:$0x0];
	_ =	sdelay $0x2  }
0xbd: {  	s31 =	sshll.u32 s1, $0xD;
	s1 =	sshrl.u32 s1, $0x2  }
0xbe: {  	s3 =	sand.u32 $0x4000, s31;
	s1 =	sadd.s32 s1, s30  }
0xbf: {  	s0 =	sor.u32 s3, s0;
	s1 =	sshll.u32 s1, $0x11  }
0xc0: {  	s0 =	sor.u32 s1, s0  }
0xc1: {  	s0 =	sadd.s32 $0x8F2B, s0  }
0xc2: {  	[sflag:s0] =	ssyncadd.remote.s32 $0x1  }
0xc3: {  	_ =	sfence.sel $0xFFFF  }
0xc4: {  	[dreg:$0x0] =	wrdreg $0xFFFFFFFF;
	(pc) =	sbr.abs _section_cstart, $3  }
0xc5: {  	[dreg:$0x1] =	wrdreg $0xFFFFFFFF  }
0xc6: {  	_ =	task.clear_ibuf [dreg:s7], $0x2FFFF;
	_ =	strace $0x9FFFFFFF  }
0xc7: {  	(tm) =	ssettm $0x7FFFFFFF  }
tec
execute0_lowered:
.L_overlay_start_1:
0x0: {  	(tag) =	ssettag $0x1  }
0x1: {  	s4 =	rddreg [dreg:$0x0]  }
0x2: {  	s0 =	rddreg [dreg:$0x1]  }
0x3: {  	s13 =	rddreg [dreg:$0x2]  }
0x4: {  	s2 =	rddreg [dreg:$0x3]  }
0x5: {  	s1 =	rddreg [dreg:$0x4]  }
0x6: {  	s14 =	rddreg [dreg:$0x5]  }
0x7: {  	s15 =	rddreg [dreg:$0x6]  }
0x8: {  	s5 =	simm.s32 $0x0;
	s3 =	srdreg.scid;
	s9 =	stileid.u32  }
0x9: {  	s28 =	simm.s32 $0xC000;
	[smem:$0x7FF] =	sst s5;
	s7 =	sand.u32 $0x1, s3  }
0xa: {  	s6 =	sadd.s32 $0x1600, s4;
	s11 =	sshll.u32 s9, $0xE;
	s16 =	sshll.u32 s9, $0xA  }
0xb: {  	_ =	strace $0x80000047;
	s3 =	sshll.u32 s7, $0x7;
	s8 =	sshll.u32 s7, $0x4  }
0xc: {  	s10 =	ssub.s32 $0x2, s7;
	s7 =	sshll.u32 s7, $0x12;
	s17 =	sadd.s32 s16, s2  }
0xd: {  	s3 =	sadd.s32 s3, s4;
	s4 =	sadd.s32 s8, s4;
	s12 =	sor.u32 s11, s7  }
0xe: {  	s22 =	sshrl.u32 s10, $0x1;
	[dreg:$0xd] =	wrdreg s17;
	s23 =	sadd.s32 s6, s12  }
0xf: {  	s24 =	sor.u32 $0x800, s12;
	s25 =	sadd.s32 s0, s12;
	[dreg:$0x8] =	wrdreg s23  }
0x10: {  	s7 =	ssub.s32 s10, s22;
	[dreg:$0x9] =	wrdreg s25;
	s26 =	sadd.s32 s6, s24  }
0x11: {  	s10 =	sshll.u32 s9, $0x7;
	s8 =	sadd.s32 s0, s24;
	[dreg:$0xa] =	wrdreg s26  }
0x12: {  	[dreg:$0xb] =	wrdreg s8;
	s8 =	sadd.s32 s10, s13;
	s10 =	sshll.u32 s9, $0x6  }
0x13: {  	[dreg:$0xc] =	wrdreg s8;
	s8 =	sadd.s32 s16, s1;
	s18 =	sor.u32 $0x400, s10  }
0x14: {  	s29 =	simm.s32 $0x1;
	[dreg:$0xe] =	wrdreg s8;
	s19 =	sadd.s32 s18, s2  }
0x15: {  	s20 =	sor.u32 $0x800, s10;
	s8 =	sadd.s32 s18, s1;
	[dreg:$0xf] =	wrdreg s19  }
0x16: {  	s22 =	sor.u32 $0xC00, s10;
	s21 =	sadd.s32 s20, s2;
	[dreg:$0x10] =	wrdreg s8  }
0x17: {  	p0 =	sne.s32 s9, $0x0;
	s23 =	sadd.s32 s22, s2;
	[dreg:$0x11] =	wrdreg s21  }
0x18: {  	s24 =	sor.u32 $0x1000, s10;
	s9 =	sadd.s32 s22, s1;
	[dreg:$0x13] =	wrdreg s23  }
0x19: {  	s26 =	sor.u32 $0x1400, s10;
	s25 =	sadd.s32 s24, s2;
	[dreg:$0x14] =	wrdreg s9  }
0x1a: {  	s16 =	sor.u32 $0x1800, s10;
	s13 =	sadd.s32 s26, s2;
	[dreg:$0x15] =	wrdreg s25  }
0x1b: {  	s30 =	simm.s32 $0x2;
	s17 =	sadd.s32 s16, s2;
	[dreg:$0x17] =	wrdreg s13  }
0x1c: {  	s31 =	simm.s32 $0x10000;
	s8 =	sadd.s32 s20, s1;
	[dreg:$0x19] =	wrdreg s17  }
0x1d: {  	s18 =	sor.u32 $0x1C00, s10;
	s9 =	sadd.s32 s26, s1;
	[dreg:$0x12] =	wrdreg s8  }
0x1e: {  	s22 =	sor.u32 $0x2400, s10;
	s19 =	sadd.s32 s18, s2;
	[dreg:$0x18] =	wrdreg s9  }
0x1f: {  	s11 =	sor.u32 $0x1000, s12;
	s23 =	sadd.s32 s22, s2;
	[dreg:$0x1b] =	wrdreg s19  }
0x20: {  	s12 =	sor.u32 $0x1800, s12;
	s8 =	sadd.s32 s24, s1;
	[dreg:$0x1f] =	wrdreg s23  }
0x21: {  	s20 =	sor.u32 $0x2000, s10;
	s9 =	sadd.s32 s18, s1;
	[dreg:$0x16] =	wrdreg s8  }
0x22: {  	s26 =	sor.u32 $0x2C00, s10;
	s21 =	sadd.s32 s20, s2;
	[dreg:$0x1c] =	wrdreg s9  }
0x23: {  	s24 =	sor.u32 $0x2800, s10;
	s13 =	sadd.s32 s26, s2;
	[dreg:$0x1d] =	wrdreg s21  }
0x24: {  	s18 =	sor.u32 $0x3400, s10;
	s23 =	sadd.s32 s10, s2;
	[smem:$0x7F2] =	sst s13  }
0x25: {  	s8 =	sadd.s32 s16, s1;
	s9 =	sadd.s32 s22, s1;
	[smem:$0x7FA] =	sst s23  }
0x26: {  	s25 =	sadd.s32 s24, s2;
	s16 =	sor.u32 $0x3000, s10;
	[dreg:$0x1a] =	wrdreg s8  }
0x27: {  	s19 =	sadd.s32 s18, s2;
	s22 =	sor.u32 $0x3C00, s10;
	[smem:$0x7EF] =	sst s9  }
0x28: {  	s23 =	sadd.s32 s10, s15;
	s8 =	sadd.s32 s20, s1;
	[smem:$0x7F0] =	sst s25  }
0x29: {  	s9 =	sadd.s32 s26, s1;
	s17 =	sadd.s32 s16, s2;
	[smem:$0x7F6] =	sst s19  }
0x2a: {  	s20 =	sor.u32 $0x3800, s10;
	s19 =	sadd.s32 s22, s2;
	[dreg:$0x1e] =	wrdreg s8  }
0x2b: {  	s25 =	sadd.s32 $0x81800, s3;
	s26 =	sadd.s32 $0x81A00, s4;
	[smem:$0x7F3] =	sst s9  }
0x2c: {  	s4 =	simm.s32 $0x5;
	s8 =	sadd.s32 s24, s1;
	[smem:$0x7F4] =	sst s17  }
0x2d: {  	s9 =	sadd.s32 s18, s1;
	s21 =	sadd.s32 s20, s2;
	[smem:$0x7FC] =	sst s25  }
0x2e: {  	s24 =	sadd.s32 $0x81600, s3;
	[smem:$0x7FD] =	sst s26;
	s25 =	simm.s32 $0x4000  }
0x2f: {  	s26 =	simm.s32 $0x8000;
	s2 =	simm.s32 $0x3;
	[smem:$0x7F1] =	sst s8  }
.Ltmp0:
0x30: {  	s3 =	simm.s32 $0x4;
	[smem:$0x7F7] =	sst s9;
	(pc) =	sbr.rel .LBB2_1-.Ltmp0, $4  }
0x31: {  	s8 =	sadd.s32 s16, s1;
	[smem:$0x7F8] =	sst s21;
	s21 =	sadd.s32 s10, s1  }
0x32: {  	[smem:$0x7FB] =	sst s24;
	s24 =	smax.u32 s7, $0x1;
	s7 =	simm.s32 $0x0  }
0x33: {  	[smem:$0x7F5] =	sst s8;
	s8 =	sadd.s32 s20, s1;
	s20 =	sadd.s32 s22, s1  }
0x34: {  	v0 =	vimm.f32 $0.0e+00;
	v1 =	vimm.f32 $1.000000000e+00;
	s22 =	sadd.s32 s10, s14;
	s1 =	simm.s32 $0x10400;
	[smem:$0x7F9] =	sst s8  }
.LBB2_11:
0x35: {  	s7 =	sadd.s32 $0x1, s7  }
0x36: {  	p1 =	sne.s32 s7, s24  }
.Ltmp1:
0x37: {  	_ = 	snop;
	(pc) =	sbr.rel @!p1 .LBB2_12-.Ltmp1, $1  }
0x38: {  	_ =	sdelay $0x3  }
.LBB2_1:
0x39: {  	s8 =	simm.s32 $0x40;
	s9 =	simm.s32 $0x0  }
.LBB2_2:
0x3a: {  	p1 =	sne.s32 s8, $0xFC0;
	[tilespmem:s9+$0x10000] =	vst v0;
	s10 =	smov.u32 s8;
	s8 =	sadd.s32 $0x40, s8  }
.Ltmp2:
0x3b: {  	[tilespmem:s9+$0x10400] =	vst v0;
	(pc) =	sbr.rel @p1 .LBB2_2-.Ltmp2, $2  }
0x3c: {  	_ =	sdelay $0x2  }
0x3d: {  	s9 =	sshra.s32 s10, $0x2  }
0x3e: {  	[tilespmem:s9+$0x10000] =	vst v0  }
0x3f: {  	[tilespmem:s9+$0x10400] =	vst v0;
	s8 =	simm.s32 $0x0;
	s15 =	rddreg [dreg:$0x8]  }
0x40: {  	[tilespmem:s8], [sflag:$0x1] =	stream.linear.gather [hbm4b:s15+s8], $0x4000, $0x38;
	[tilespmem:$0x11A80] =	vst v63  }
0x41: {  	s16 =	rddreg [dreg:$0x9]  }
0x42: {  	[tilespmem:s25], [sflag:$0x2] =	stream.linear.gather [hbm4b:s16+s8], $0x4000, $0x38;
	[tilespmem:$0x11A80] =	vst v63  }
0x43: {  	s17 =	rddreg [dreg:$0xa]  }
0x44: {  	[tilespmem:s26], [sflag:$0x3] =	stream.linear.gather [hbm4b:s17+s8], $0x4000, $0x38;
	[tilespmem:$0x11A80] =	vst v63  }
0x45: {  	s18 =	rddreg [dreg:$0xb];
	s9 =	simm.s32 $0x0  }
0x46: {  	v2 =	vimm.f32 $0.0e+00;
	v3 =	vimm.f32 $0.0e+00;
	v4 =	vimm.f32 $0.0e+00;
	[tilespmem:s28], [sflag:$0x4] =	stream.linear.gather [hbm4b:s18+s8], $0x4000, $0x38;
	[tilespmem:$0x11A80] =	vst v63  }
.LBB2_4:
0x47: {  	_ =	swait.ge [sflag:s29], $0x4000  }
0x48: {  	s10 =	simm.s32 $0x0;
	s13 =	sand.u32 $0xC00, s8;
	[sflag:s29] =	ssyncset.done $0x0  }
0x49: {  	s14 =	simm.s32 $0x0;
	s10 =	sand.u32 $0x3000, s10;
	[sflag:s29] =	ssyncadd.s32 $0xFFFFC000  }
0x4a: {  	s15 =	sand.u32 $0x380, s14;
	s10 =	sor.u32 s13, s10;
	_ =	swait.ge [sflag:s30], $0x4000  }
0x4b: {  	s16 =	sand.u32 $0x40, s8;
	s10 =	sor.u32 s15, s10;
	[sflag:s30] =	ssyncset.done $0x0  }
0x4c: {  	s10 =	sor.u32 s16, s10;
	[sflag:s30] =	ssyncadd.s32 $0xFFFFC000  }
0x4d: {  	v8 =	vld [tilespmem:s10+$0x4000]  }
0x4e: {  	v5 =	vld [tilespmem:s10+$0x4010]  }
0x4f: {  	v6 =	vld [tilespmem:s10+$0x4020]  }
0x50: {  	v7 =	vld [tilespmem:s10+$0x4030]  }
0x51: {  	v9 =	vld [tilespmem:s10+$0x0]  }
0x52: {  	v10 =	vld [tilespmem:s10+$0x10]  }
0x53: {  	v11 =	vld [tilespmem:s10+$0x20]  }
0x54: {  	v12 =	vld [tilespmem:s10+$0x30];
	_ =	sdelay $0x1  }
0x55: {  	vm0 =	vgt.f32 v8, $5.000000000e-01  }
0x56: {  	vm1 =	vgt.f32 v5, $5.000000000e-01;
	v9 =	vmax.f32 v9, $1.000000010e-07;
	vm2 =	vgt.f32 v6, $5.000000000e-01  }
0x57: {  	vm4 =	vgt.f32 v7, $5.000000000e-01;
	v10 =	vmax.f32 v10, $1.000000010e-07;
	v11 =	vmax.f32 v11, $1.000000010e-07  }
0x58: {  	v12 =	vmax.f32 v12, $1.000000010e-07;
	v8 =	vadd.f32 v8, v4;
	v9 =	vmin.f32 v9, $9.999998800e-01  }
0x59: {  	vm3 =	vmneg vm0;
	vm1 =	vmneg vm1;
	v10 =	vmin.f32 v10, $9.999998800e-01  }
0x5a: {  	v11 =	vmin.f32 v11, $9.999998800e-01;
	v12 =	vmin.f32 v12, $9.999998800e-01;
	v13 =	vsub.f32 $1.000000000e+00, v9  }
0x5b: {  	vm2 =	vmneg vm2;
	v14 =	vsub.f32 $1.000000000e+00, v10;
	v15 =	vsub.f32 $1.000000000e+00, v11  }
0x5c: {  	vm0 =	vmneg vm4;
	v16 =	vsub.f32 $1.000000000e+00, v12;
	v8 =	vadd.f32 v5, v8  }
0x5d: {  	v9 =	vsel vm3, v13, v9;
	v10 =	vsel vm1, v14, v10;
	v11 =	vsel vm2, v15, v11  }
0x5e: {  	v12 =	vsel vm0, v16, v12;
	v13 =	vand.u32 $0x7FFFFF, v9;
	v14 =	vand.u32 $0x7FFFFF, v10  }
0x5f: {  	v15 =	vand.u32 $0x7FFFFF, v11;
	v16 =	vand.u32 $0x7FFFFF, v12;
	v13 =	vor.u32 $0x3F800000, v13  }
0x60: {  	v14 =	vor.u32 $0x3F800000, v14;
	v15 =	vor.u32 $0x3F800000, v15;
	v17 =	vmul.f32 $5.000000000e-01, v13  }
0x61: {  	v16 =	vor.u32 $0x3F800000, v16;
	vm6 =	vgt.f32 v13, $1.414213540e+00;
	vm4 =	vgt.f32 v14, $1.414213540e+00  }
0x62: {  	v18 =	vmul.f32 $5.000000000e-01, v15;
	v13 =	vsel vm6, v17, v13;
	v17 =	vmul.f32 $5.000000000e-01, v14  }
0x63: {  	vm5 =	vgt.f32 v15, $1.414213540e+00;
	v19 =	vmul.f32 $5.000000000e-01, v16;
	v13 =	vadd.f32 $-1.000000000e+00, v13  }
0x64: {  	vm7 =	vgt.f32 v16, $1.414213540e+00;
	v15 =	vsel vm5, v18, v15;
	v14 =	vsel vm4, v17, v14  }
0x65: {  	v16 =	vsel vm7, v19, v16;
	v17 =	vmul.f32 $1.158970450e-01, v13;
	v14 =	vadd.f32 $-1.000000000e+00, v14  }
0x66: {  	vm8 =	vmmov vm1;
	v15 =	vadd.f32 $-1.000000000e+00, v15;
	v16 =	vadd.f32 $-1.000000000e+00, v16  }
0x67: {  	v8 =	vadd.f32 v6, v8;
	v17 =	vadd.f32 $-1.885265410e-01, v17;
	v18 =	vmul.f32 $1.158970450e-01, v14  }
0x68: {  	v9 =	vshra.s32 v9, $0x17;
	v19 =	vmul.f32 $1.158970450e-01, v15;
	v20 =	vmul.f32 $1.158970450e-01, v16  }
0x69: {  	v10 =	vshra.s32 v10, $0x17;
	v17 =	vmul.f32 v17, v13;
	v18 =	vadd.f32 $-1.885265410e-01, v18  }
0x6a: {  	v11 =	vshra.s32 v11, $0x17;
	v19 =	vadd.f32 $-1.885265410e-01, v19;
	v20 =	vadd.f32 $-1.885265410e-01, v20  }
0x6b: {  	v12 =	vshra.s32 v12, $0x17;
	v17 =	vadd.f32 $2.065537720e-01, v17;
	v18 =	vmul.f32 v18, v14  }
0x6c: {  	v9 =	vadd.s32 $0xFFFFFF81, v9;
	v19 =	vmul.f32 v19, v15;
	v20 =	vmul.f32 v20, v16  }
0x6d: {  	v10 =	vadd.s32 $0xFFFFFF81, v10;
	v17 =	vmul.f32 v17, v13;
	v18 =	vadd.f32 $2.065537720e-01, v18  }
0x6e: {  	v11 =	vadd.s32 $0xFFFFFF81, v11;
	v19 =	vadd.f32 $2.065537720e-01, v19;
	v20 =	vadd.f32 $2.065537720e-01, v20  }
0x6f: {  	v9 =	vcvt.s32.f32 v9;
	v17 =	vadd.f32 $-2.488635630e-01, v17;
	v18 =	vmul.f32 v18, v14  }
0x70: {  	v12 =	vadd.s32 $0xFFFFFF81, v12;
	v19 =	vmul.f32 v19, v15;
	v20 =	vmul.f32 v20, v16  }
0x71: {  	v10 =	vcvt.s32.f32 v10;
	v17 =	vmul.f32 v17, v13;
	v18 =	vadd.f32 $-2.488635630e-01, v18  }
0x72: {  	v11 =	vcvt.s32.f32 v11;
	v19 =	vadd.f32 $-2.488635630e-01, v19;
	v20 =	vadd.f32 $-2.488635630e-01, v20  }
0x73: {  	v12 =	vcvt.s32.f32 v12;
	v17 =	vadd.f32 $3.329959210e-01, v17;
	v18 =	vmul.f32 v18, v14  }
0x74: {  	v7 =	vadd.f32 v7, v8;
	v19 =	vmul.f32 v19, v15;
	v20 =	vmul.f32 v20, v16  }
0x75: {  	v21 =	vsel vm6, $0x3F800000, v0;
	v17 =	vmul.f32 v17, v13;
	v18 =	vadd.f32 $3.329959210e-01, v18  }
0x76: {  	v22 =	vsel vm4, $0x3F800000, v0;
	v19 =	vadd.f32 $3.329959210e-01, v19;
	v20 =	vadd.f32 $3.329959210e-01, v20  }
0x77: {  	v23 =	vsel vm5, $0x3F800000, v0;
	v17 =	vadd.f32 $-5.000199080e-01, v17;
	v18 =	vmul.f32 v18, v14  }
0x78: {  	v9 =	vadd.f32 v9, v21;
	v19 =	vmul.f32 v19, v15;
	v20 =	vmul.f32 v20, v16  }
0x79: {  	s17 =	simm.s32 $0x40;
	s10 =	simm.s32 $0x200;
	v10 =	vadd.f32 v10, v22;
	v17 =	vmul.f32 v17, v13;
	v18 =	vadd.f32 $-5.000199080e-01, v18  }
0x7a: {  	s13 =	sand.u32 $0x3000, s17;
	s15 =	simm.s32 $0x10;
	s18 =	sand.u32 $0xC00, s10;
	v24 =	vsel vm7, $0x3F800000, v0;
	v19 =	vadd.f32 $-5.000199080e-01, v19;
	v20 =	vadd.f32 $-5.000199080e-01, v20  }
0x7b: {  	s15 =	sand.u32 $0x380, s15;
	s14 =	sor.u32 s18, s13;
	s13 =	simm.s32 $0x40;
	v11 =	vadd.f32 v11, v23;
	v17 =	vadd.f32 $1.000004050e+00, v17;
	v18 =	vmul.f32 v18, v14  }
0x7c: {  	s16 =	sand.u32 $0x40, s13;
	s14 =	sor.u32 s15, s14;
	v12 =	vadd.f32 v12, v24;
	v19 =	vmul.f32 v19, v15;
	v20 =	vmul.f32 v20, v16  }
0x7d: {  	s14 =	sor.u32 s16, s14;
	vm6 =	vmmov vm3;
	v13 =	vmul.f32 v17, v13;
	v17 =	vadd.f32 $1.000004050e+00, v18  }
0x7e: {  	v5 =	vld [tilespmem:s14+$0x4020];
	v9 =	vmul.f32 $6.931471820e-01, v9;
	v18 =	vadd.f32 $1.000004050e+00, v19;
	v19 =	vadd.f32 $1.000004050e+00, v20  }
0x7f: {  	v10 =	vmul.f32 $6.931471820e-01, v10;
	v13 =	vadd.f32 $6.434564880e-08, v13;
	v14 =	vmul.f32 v17, v14  }
0x80: {  	vm7 =	vmmov vm2;
	v15 =	vmul.f32 v18, v15;
	v16 =	vmul.f32 v19, v16  }
0x81: {  	v12 =	vmul.f32 $6.931471820e-01, v12;
	v18 =	vld [tilespmem:s14+$0x0];
	v9 =	vadd.f32 v13, v9;
	v13 =	vadd.f32 $6.434564880e-08, v14  }
0x82: {  	v14 =	vmul.f32 $6.931471820e-01, v11;
	v15 =	vadd.f32 $6.434564880e-08, v15;
	v16 =	vadd.f32 $6.434564880e-08, v16  }
0x83: {  	vm3 =	vgt.f32 v5, $5.000000000e-01;
	v11 =	vsub.f32 $0.0e+00, v9;
	v9 =	vadd.f32 v13, v10  }
0x84: {  	vm3 =	vmneg vm3;
	v10 =	vadd.f32 v15, v14;
	v14 =	vadd.f32 v16, v12  }
0x85: {  	v2 =	vadd.f32 v11, v2;
	v12 =	vsel vm6, $0x0, v11;
	v13 =	vsub.f32 $0.0e+00, v9  }
0x86: {  	v18 =	vmax.f32 v18, $1.000000010e-07;
	v9 =	vadd.f32 v12, v3;
	v12 =	vsub.f32 $0.0e+00, v10  }
0x87: {  	v18 =	vmin.f32 v18, $9.999998800e-01;
	v10 =	vmul.f32 $6.320987700e+01, v11;
	v15 =	vsel vm1, $0x0, v13  }
0x88: {  	v4 =	vld [tilespmem:s14+$0x4000];
	v2 =	vadd.f32 v13, v2;
	v15 =	vadd.f32 v15, v9;
	v17 =	vsel vm2, $0x0, v12  }
0x89: {  	v3 =	vld [tilespmem:s14+$0x4010];
	v9 =	vsub.f32 $0.0e+00, v14;
	v14 =	vmul.f32 $6.320987700e+01, v13;
	v10 =	vtrunc.f32 v10  }
0x8a: {  	v20 =	vld [tilespmem:s14+$0x10];
	vm2 =	vmmov vm0;
	v16 =	vadd.f32 v12, v2;
	v50 =	vcvt.f32.s32 v10  }
0x8b: {  	v15 =	vadd.f32 v17, v15;
	v17 =	vmul.f32 $6.320987700e+01, v12;
	v19 =	vmul.f32 $6.320987700e+01, v9  }
0x8c: {  	v14 =	vtrunc.f32 v14;
	v6 =	vadd.f32 v9, v16;
	v16 =	vsel vm0, $0x0, v9  }
0x8d: {  	v2 =	vld [tilespmem:s14+$0x4030];
	v14 =	vcvt.f32.s32 v14;
	vm13 =	vlt.s32 v50, $0x3FF;
	vm0 =	vgt.f32 v4, $5.000000000e-01  }
0x8e: {  	vm1 =	vgt.f32 v3, $5.000000000e-01;
	v8 =	vadd.f32 v16, v15;
	v15 =	vld [tilespmem:s14+$0x20];
	v16 =	vtrunc.f32 v17  }
0x8f: {  	v17 =	vld [tilespmem:s14+$0x30];
	v10 =	vtrunc.f32 v19;
	v19 =	vmax.f32 v20, $1.000000010e-07;
	v20 =	vsub.f32 $1.000000000e+00, v18  }
0x90: {  	vm4 =	vmneg vm0;
	vm1 =	vmneg vm1;
	v19 =	vmin.f32 v19, $9.999998800e-01  }
0x91: {  	v21 =	vnsel vm13, $0x3FF, v50;
	v51 =	vsub.f32 $1.000000000e+00, v19;
	v18 =	vsel vm4, v20, v18  }
0x92: {  	v16 =	vcvt.f32.s32 v16;
	v10 =	vcvt.f32.s32 v10;
	v20 =	vand.u32 $0x7FFFFF, v18  }
0x93: {  	vm5 =	vgt.f32 v2, $5.000000000e-01;
	v19 =	vsel vm1, v51, v19;
	v20 =	vor.u32 $0x3F800000, v20  }
0x94: {  	v15 =	vmax.f32 v15, $1.000000010e-07;
	v17 =	vmax.f32 v17, $1.000000010e-07;
	v22 =	vand.u32 $0x7FFFFF, v19  }
0x95: {  	v25 =	vmul.f32 $5.000000000e-01, v20;
	v15 =	vmin.f32 v15, $9.999998800e-01;
	v17 =	vmin.f32 v17, $9.999998800e-01  }
0x96: {  	v22 =	vor.u32 $0x3F800000, v22;
	v52 =	vsub.f32 $1.000000000e+00, v15;
	v53 =	vsub.f32 $1.000000000e+00, v17  }
0x97: {  	vm0 =	vmneg vm5;
	vm12 =	vgt.f32 v20, $1.414213540e+00;
	vm11 =	vgt.f32 v22, $1.414213540e+00  }
0x98: {  	v20 =	vsel vm12, v25, v20;
	v15 =	vsel vm3, v52, v15;
	v17 =	vsel vm0, v53, v17  }
0x99: {  	v54 =	vmul.f32 $5.000000000e-01, v22;
	v23 =	vand.u32 $0x7FFFFF, v15;
	v24 =	vand.u32 $0x7FFFFF, v17  }
0x9a: {  	v20 =	vadd.f32 $-1.000000000e+00, v20;
	v23 =	vor.u32 $0x3F800000, v23;
	v24 =	vor.u32 $0x3F800000, v24  }
0x9b: {  	v22 =	vsel vm11, v54, v22;
	v26 =	vmul.f32 $5.000000000e-01, v23;
	v27 =	vmul.f32 $5.000000000e-01, v24  }
0x9c: {  	v55 =	vmul.f32 $1.158970450e-01, v20;
	vm10 =	vgt.f32 v23, $1.414213540e+00;
	vm9 =	vgt.f32 v24, $1.414213540e+00  }
0x9d: {  	v22 =	vadd.f32 $-1.000000000e+00, v22;
	v23 =	vsel vm10, v26, v23;
	v24 =	vsel vm9, v27, v24  }
0x9e: {  	vm14 =	vlt.s32 v14, $0x3FF;
	v23 =	vadd.f32 $-1.000000000e+00, v23;
	v24 =	vadd.f32 $-1.000000000e+00, v24  }
0x9f: {  	v14 =	vnsel vm14, $0x3FF, v14;
	v25 =	vadd.f32 $-1.885265410e-01, v55;
	v56 =	vmul.f32 $1.158970450e-01, v22  }
0xa0: {  	vm15 =	vlt.s32 v16, $0x3FF;
	v57 =	vmul.f32 $1.158970450e-01, v23;
	v28 =	vmul.f32 $1.158970450e-01, v24  }
0xa1: {  	v18 =	vshra.s32 v18, $0x17;
	v25 =	vmul.f32 v25, v20;
	v26 =	vadd.f32 $-1.885265410e-01, v56  }
0xa2: {  	v16 =	vnsel vm15, $0x3FF, v16;
	v27 =	vadd.f32 $-1.885265410e-01, v57;
	v28 =	vadd.f32 $-1.885265410e-01, v28  }
0xa3: {  	v18 =	vadd.s32 $0xFFFFFF81, v18;
	v25 =	vadd.f32 $2.065537720e-01, v25;
	v26 =	vmul.f32 v26, v22  }
0xa4: {  	v19 =	vshra.s32 v19, $0x17;
	v27 =	vmul.f32 v27, v23;
	v28 =	vmul.f32 v28, v24  }
0xa5: {  	v18 =	vcvt.s32.f32 v18;
	v25 =	vmul.f32 v25, v20;
	v26 =	vadd.f32 $2.065537720e-01, v26  }
0xa6: {  	v19 =	vadd.s32 $0xFFFFFF81, v19;
	v27 =	vadd.f32 $2.065537720e-01, v27;
	v28 =	vadd.f32 $2.065537720e-01, v28  }
0xa7: {  	v19 =	vcvt.s32.f32 v19;
	v25 =	vadd.f32 $-2.488635630e-01, v25;
	v26 =	vmul.f32 v26, v22  }
0xa8: {  	v29 =	vsel vm12, $0x3F800000, v0;
	v27 =	vmul.f32 v27, v23;
	v28 =	vmul.f32 v28, v24  }
0xa9: {  	v18 =	vadd.f32 v18, v29;
	v25 =	vmul.f32 v25, v20;
	v26 =	vadd.f32 $-2.488635630e-01, v26  }
0xaa: {  	[tilespmem:v14+s31+$0x0] =	vst.idx.add.f32.msk vm8, v1;
	v30 =	vsel vm11, $0x3F800000, v0;
	v27 =	vadd.f32 $-2.488635630e-01, v27;
	v28 =	vadd.f32 $-2.488635630e-01, v28  }
0xab: {  	[tilespmem:v14+s1+$0x0] =	vst.idx.add.f32.msk vm8, v13;
	v13 =	vmul.f32 $6.931471820e-01, v18;
	v25 =	vadd.f32 $3.329959210e-01, v25;
	v26 =	vmul.f32 v26, v22  }
0xac: {  	v19 =	vadd.f32 v19, v30;
	v27 =	vmul.f32 v27, v23;
	v28 =	vmul.f32 v28, v24  }
0xad: {  	v15 =	vshra.s32 v15, $0x17;
	v25 =	vmul.f32 v25, v20;
	v26 =	vadd.f32 $3.329959210e-01, v26  }
0xae: {  	v17 =	vshra.s32 v17, $0x17;
	v27 =	vadd.f32 $3.329959210e-01, v27;
	v28 =	vadd.f32 $3.329959210e-01, v28  }
0xaf: {  	v15 =	vadd.s32 $0xFFFFFF81, v15;
	v25 =	vadd.f32 $-5.000199080e-01, v25;
	v26 =	vmul.f32 v26, v22  }
0xb0: {  	[tilespmem:v16+s31+$0x0] =	vst.idx.add.f32.msk vm7, v1;
	v17 =	vadd.s32 $0xFFFFFF81, v17;
	v27 =	vmul.f32 v27, v23;
	v28 =	vmul.f32 v28, v24  }
0xb1: {  	[tilespmem:v16+s1+$0x0] =	vst.idx.add.f32.msk vm7, v12;
	v12 =	vmul.f32 $6.931471820e-01, v19;
	v25 =	vmul.f32 v25, v20;
	v26 =	vadd.f32 $-5.000199080e-01, v26  }
0xb2: {  	[tilespmem:v21+s31+$0x0] =	vst.idx.add.f32.msk vm6, v1;
	v15 =	vcvt.s32.f32 v15;
	v27 =	vadd.f32 $-5.000199080e-01, v27;
	v28 =	vadd.f32 $-5.000199080e-01, v28  }
0xb3: {  	[tilespmem:v21+s1+$0x0] =	vst.idx.add.f32.msk vm6, v11;
	v17 =	vcvt.s32.f32 v17;
	v11 =	vadd.f32 $1.000004050e+00, v25;
	v59 =	vmul.f32 v26, v22  }
0xb4: {  	vm5 =	vlt.s32 v10, $0x3FF;
	v61 =	vmul.f32 v27, v23;
	v62 =	vmul.f32 v28, v24  }
0xb5: {  	v58 =	vsel vm10, $0x3F800000, v0;
	v14 =	vmul.f32 v11, v20;
	v20 =	vadd.f32 $1.000004050e+00, v59  }
0xb6: {  	v60 =	vsel vm9, $0x3F800000, v0;
	v18 =	vadd.f32 $1.000004050e+00, v61;
	v63 =	vadd.f32 $1.000004050e+00, v62  }
0xb7: {  	v11 =	vadd.f32 v15, v58;
	v15 =	vadd.f32 $6.434564880e-08, v14;
	v16 =	vmul.f32 v20, v22  }
0xb8: {  	s14 =	simm.s32 $0x4;
	v14 =	vadd.f32 v17, v60;
	v18 =	vmul.f32 v18, v23;
	v17 =	vmul.f32 v63, v24  }
.LBB2_5:
0xb9: {  	s14 =	sadd.s32 $0x4, s14;
	v13 =	vadd.f32 v15, v13;
	v15 =	vadd.f32 $6.434564880e-08, v16;
	v16 =	vmul.f32 $6.931471820e-01, v11  }
0xba: {  	s10 =	sadd.s32 $0x200, s10;
	s15 =	sshll.u32 s14, $0x4;
	v18 =	vadd.f32 $6.434564880e-08, v18;
	v17 =	vadd.f32 $6.434564880e-08, v17;
	v14 =	vmul.f32 $6.931471820e-01, v14  }
0xbb: {  	s16 =	sand.u32 $0xC00, s10;
	s17 =	sshll.u32 s14, $0x2;
	s15 =	sand.u32 $0x3000, s15;
	v11 =	vsub.f32 $0.0e+00, v13;
	v12 =	vadd.f32 v15, v12;
	v15 =	vnsel vm5, $0x3FF, v10  }
0xbc: {  	s13 =	sadd.s32 $0x40, s13;
	vm6 =	vmmov vm4;
	s15 =	sor.u32 s16, s15;
	s16 =	sand.u32 $0x380, s17;
	v10 =	vadd.f32 v18, v16;
	v14 =	vadd.f32 v17, v14  }
0xbd: {  	p1 =	slt.u32 s14, $0x3FC;
	s17 =	sand.u32 $0x40, s13;
	s15 =	sor.u32 s16, s15;
	v6 =	vadd.f32 v11, v6;
	v13 =	vsel vm6, $0x0, v11;
	v12 =	vsub.f32 $0.0e+00, v12  }
0xbe: {  	v7 =	vadd.f32 v4, v7;
	v16 =	vmul.f32 $6.320987700e+01, v11;
	s15 =	sor.u32 s17, s15;
	v8 =	vadd.f32 v13, v8  }
0xbf: {  	v13 =	vsub.f32 $0.0e+00, v10;
	v4 =	vld [tilespmem:s15+$0x4000];
	v6 =	vadd.f32 v12, v6;
	v17 =	vsel vm1, $0x0, v12  }
0xc0: {  	v7 =	vadd.f32 v3, v7;
	v10 =	vmul.f32 $6.320987700e+01, v12;
	v3 =	vld [tilespmem:s15+$0x4010];
	v8 =	vadd.f32 v17, v8  }
0xc1: {  	v14 =	vsub.f32 $0.0e+00, v14;
	v18 =	vsel vm3, $0x0, v13;
	v17 =	vld [tilespmem:s15+$0x4020];
	v6 =	vadd.f32 v13, v6  }
0xc2: {  	v5 =	vadd.f32 v5, v7;
	v19 =	vld [tilespmem:s15+$0x4030];
	v8 =	vadd.f32 v18, v8;
	v18 =	vmul.f32 $6.320987700e+01, v13  }
0xc3: {  	v21 =	vsel vm0, $0x0, v14;
	v22 =	vmul.f32 $6.320987700e+01, v14;
	v20 =	vld [tilespmem:s15+$0x0];
	v6 =	vadd.f32 v14, v6  }
0xc4: {  	v16 =	vtrunc.f32 v16;
	v7 =	vadd.f32 v2, v5;
	v23 =	vld [tilespmem:s15+$0x10];
	v8 =	vadd.f32 v21, v8  }
0xc5: {  	vm8 =	vmmov vm1;
	v25 =	vtrunc.f32 v10;
	v10 =	vtrunc.f32 v18;
	v21 =	vld [tilespmem:s15+$0x20]  }
0xc6: {  	vm7 =	vmmov vm3;
	v16 =	vcvt.f32.s32 v16;
	v22 =	vtrunc.f32 v22;
	v18 =	vld [tilespmem:s15+$0x30];
	v5 =	vmovc v17  }
0xc7: {  	v24 =	vcvt.f32.s32 v10;
	v17 =	vcvt.f32.s32 v25;
	[tilespmem:v15+s31+$0x0] =	vst.idx.add.f32.msk vm2, v1;
	v2 =	vmov v19  }
0xc8: {  	vm13 =	vlt.s32 v16, $0x3FF;
	v10 =	vcvt.f32.s32 v22;
	[tilespmem:v15+s1+$0x0] =	vst.idx.add.f32.msk vm2, v9;
	v9 =	vmovc v14;
	vm2 =	vmmov vm0  }
0xc9: {  	vm1 =	vgt.f32 v3, $5.000000000e-01;
	vm0 =	vgt.f32 v4, $5.000000000e-01;
	vm14 =	vlt.s32 v17, $0x3FF  }
0xca: {  	vm3 =	vgt.f32 v5, $5.000000000e-01;
	v14 =	vmax.f32 v20, $1.000000010e-07;
	vm5 =	vgt.f32 v2, $5.000000000e-01  }
0xcb: {  	v15 =	vmax.f32 v23, $1.000000010e-07;
	v19 =	vmax.f32 v21, $1.000000010e-07;
	v18 =	vmax.f32 v18, $1.000000010e-07  }
0xcc: {  	vm1 =	vmneg vm1;
	v14 =	vmin.f32 v14, $9.999998800e-01;
	vm4 =	vmneg vm0  }
0xcd: {  	v20 =	vsub.f32 $1.000000000e+00, v14;
	v15 =	vmin.f32 v15, $9.999998800e-01;
	v19 =	vmin.f32 v19, $9.999998800e-01  }
0xce: {  	v21 =	vsub.f32 $1.000000000e+00, v15;
	v22 =	vsub.f32 $1.000000000e+00, v19;
	v18 =	vmin.f32 v18, $9.999998800e-01  }
0xcf: {  	vm3 =	vmneg vm3;
	vm0 =	vmneg vm5;
	v23 =	vsub.f32 $1.000000000e+00, v18  }
0xd0: {  	v14 =	vsel vm4, v20, v14;
	v15 =	vsel vm1, v21, v15;
	v19 =	vsel vm3, v22, v19  }
0xd1: {  	v20 =	vand.u32 $0x7FFFFF, v14;
	v21 =	vand.u32 $0x7FFFFF, v15;
	v18 =	vsel vm0, v23, v18  }
0xd2: {  	v20 =	vor.u32 $0x3F800000, v20;
	v22 =	vand.u32 $0x7FFFFF, v19;
	v23 =	vand.u32 $0x7FFFFF, v18  }
0xd3: {  	v25 =	vmul.f32 $5.000000000e-01, v20;
	v21 =	vor.u32 $0x3F800000, v21;
	v22 =	vor.u32 $0x3F800000, v22  }
0xd4: {  	vm11 =	vgt.f32 v20, $1.414213540e+00;
	vm9 =	vgt.f32 v21, $1.414213540e+00;
	v23 =	vor.u32 $0x3F800000, v23  }
0xd5: {  	v20 =	vsel vm11, v25, v20;
	v25 =	vmul.f32 $5.000000000e-01, v21;
	v26 =	vmul.f32 $5.000000000e-01, v22  }
0xd6: {  	vm10 =	vgt.f32 v22, $1.414213540e+00;
	v20 =	vadd.f32 $-1.000000000e+00, v20;
	v27 =	vmul.f32 $5.000000000e-01, v23  }
0xd7: {  	vm12 =	vgt.f32 v23, $1.414213540e+00;
	v21 =	vsel vm9, v25, v21;
	v22 =	vsel vm10, v26, v22  }
0xd8: {  	v25 =	vmul.f32 $1.158970450e-01, v20;
	v21 =	vadd.f32 $-1.000000000e+00, v21;
	v23 =	vsel vm12, v27, v23  }
0xd9: {  	vm15 =	vlt.s32 v24, $0x3FF;
	v22 =	vadd.f32 $-1.000000000e+00, v22;
	v23 =	vadd.f32 $-1.000000000e+00, v23  }
0xda: {  	vm5 =	vlt.s32 v10, $0x3FF;
	v25 =	vadd.f32 $-1.885265410e-01, v25;
	v26 =	vmul.f32 $1.158970450e-01, v21  }
0xdb: {  	v16 =	vnsel vm13, $0x3FF, v16;
	v27 =	vmul.f32 $1.158970450e-01, v22;
	v28 =	vmul.f32 $1.158970450e-01, v23  }
0xdc: {  	v17 =	vnsel vm14, $0x3FF, v17;
	v25 =	vmul.f32 v25, v20;
	v26 =	vadd.f32 $-1.885265410e-01, v26  }
0xdd: {  	v24 =	vnsel vm15, $0x3FF, v24;
	v27 =	vadd.f32 $-1.885265410e-01, v27;
	v28 =	vadd.f32 $-1.885265410e-01, v28  }
0xde: {  	v14 =	vshra.s32 v14, $0x17;
	v25 =	vadd.f32 $2.065537720e-01, v25;
	v26 =	vmul.f32 v26, v21  }
0xdf: {  	v15 =	vshra.s32 v15, $0x17;
	v27 =	vmul.f32 v27, v22;
	v28 =	vmul.f32 v28, v23  }
0xe0: {  	v19 =	vshra.s32 v19, $0x17;
	v25 =	vmul.f32 v25, v20;
	v26 =	vadd.f32 $2.065537720e-01, v26;
	[tilespmem:v16+s31+$0x0] =	vst.idx.add.f32.msk vm6, v1  }
0xe1: {  	v18 =	vshra.s32 v18, $0x17;
	v27 =	vadd.f32 $2.065537720e-01, v27;
	v28 =	vadd.f32 $2.065537720e-01, v28;
	[tilespmem:v16+s1+$0x0] =	vst.idx.add.f32.msk vm6, v11  }
0xe2: {  	v11 =	vadd.s32 $0xFFFFFF81, v14;
	v14 =	vadd.f32 $-2.488635630e-01, v25;
	v16 =	vmul.f32 v26, v21;
	[tilespmem:v17+s31+$0x0] =	vst.idx.add.f32.msk vm8, v1  }
0xe3: {  	v15 =	vadd.s32 $0xFFFFFF81, v15;
	v25 =	vmul.f32 v27, v22;
	v26 =	vmul.f32 v28, v23;
	[tilespmem:v17+s1+$0x0] =	vst.idx.add.f32.msk vm8, v12  }
0xe4: {  	v12 =	vmul.f32 v14, v20;
	v14 =	vadd.f32 $-2.488635630e-01, v16;
	v16 =	vadd.s32 $0xFFFFFF81, v19;
	[tilespmem:v24+s31+$0x0] =	vst.idx.add.f32.msk vm7, v1  }
0xe5: {  	v11 =	vcvt.s32.f32 v11;
	v17 =	vadd.f32 $-2.488635630e-01, v25;
	v19 =	vadd.f32 $-2.488635630e-01, v26;
	[tilespmem:v24+s1+$0x0] =	vst.idx.add.f32.msk vm7, v13  }
0xe6: {  	v12 =	vadd.f32 $3.329959210e-01, v12;
	v13 =	vcvt.s32.f32 v15;
	v14 =	vmul.f32 v14, v21  }
0xe7: {  	v15 =	vmul.f32 v17, v22;
	v17 =	vadd.s32 $0xFFFFFF81, v18;
	v18 =	vmul.f32 v19, v23  }
0xe8: {  	v16 =	vcvt.s32.f32 v16;
	v12 =	vmul.f32 v12, v20;
	v14 =	vadd.f32 $3.329959210e-01, v14  }
0xe9: {  	v17 =	vcvt.s32.f32 v17;
	v15 =	vadd.f32 $3.329959210e-01, v15;
	v18 =	vadd.f32 $3.329959210e-01, v18  }
0xea: {  	v19 =	vsel vm11, $0x3F800000, v0;
	v12 =	vadd.f32 $-5.000199080e-01, v12;
	v14 =	vmul.f32 v14, v21  }
0xeb: {  	v24 =	vsel vm9, $0x3F800000, v0;
	v15 =	vmul.f32 v15, v22;
	v18 =	vmul.f32 v18, v23  }
0xec: {  	v25 =	vsel vm10, $0x3F800000, v0;
	v12 =	vmul.f32 v12, v20;
	v14 =	vadd.f32 $-5.000199080e-01, v14  }
0xed: {  	v26 =	vsel vm12, $0x3F800000, v0;
	v15 =	vadd.f32 $-5.000199080e-01, v15;
	v18 =	vadd.f32 $-5.000199080e-01, v18  }
0xee: {  	v19 =	vadd.f32 v11, v19;
	v11 =	vadd.f32 $1.000004050e+00, v12;
	v12 =	vmul.f32 v14, v21  }
.Ltmp3:
0xef: {  	v14 =	vadd.f32 v13, v24;
	v15 =	vmul.f32 v15, v22;
	v18 =	vmul.f32 v18, v23;
	(pc) =	sbr.rel @p1 .LBB2_5-.Ltmp3, $4  }
0xf0: {  	v20 =	vmul.f32 v11, v20;
	v12 =	vadd.f32 $1.000004050e+00, v12;
	v11 =	vadd.f32 v16, v25  }
0xf1: {  	v13 =	vmul.f32 $6.931471820e-01, v19;
	v19 =	vadd.f32 $1.000004050e+00, v15;
	v24 =	vadd.f32 $1.000004050e+00, v18  }
0xf2: {  	v15 =	vadd.f32 $6.434564880e-08, v20;
	v16 =	vmul.f32 v12, v21;
	v12 =	vmul.f32 $6.931471820e-01, v14  }
0xf3: {  	v18 =	vmul.f32 v19, v22;
	v14 =	vadd.f32 v17, v26;
	v17 =	vmul.f32 v24, v23  }
0xf4: {  	v13 =	vadd.f32 v15, v13;
	v15 =	vadd.f32 $6.434564880e-08, v16  }
0xf5: {  	v16 =	vadd.f32 $6.434564880e-08, v18  }
0xf6: {  	v11 =	vmul.f32 $6.931471820e-01, v11;
	v13 =	vsub.f32 $0.0e+00, v13;
	v12 =	vadd.f32 v15, v12  }
0xf7: {  	v14 =	vmul.f32 $6.931471820e-01, v14;
	v15 =	vadd.f32 $6.434564880e-08, v17  }
0xf8: {  	v11 =	vadd.f32 v16, v11;
	v16 =	vsub.f32 $0.0e+00, v12;
	v12 =	vmul.f32 $6.320987700e+01, v13  }
0xf9: {  	v14 =	vadd.f32 v15, v14  }
0xfa: {  	v15 =	vsub.f32 $0.0e+00, v11;
	v11 =	vmul.f32 $6.320987700e+01, v16;
	v12 =	vtrunc.f32 v12  }
0xfb: {  	v10 =	vnsel vm5, $0x3FF, v10;
	v12 =	vcvt.f32.s32 v12  }
0xfc: {  	v14 =	vsub.f32 $0.0e+00, v14;
	v17 =	vmul.f32 $6.320987700e+01, v15;
	v11 =	vtrunc.f32 v11  }
0xfd: {  	vm4 =	vmmov vm4;
	v11 =	vcvt.f32.s32 v11;
	vm5 =	vlt.s32 v12, $0x3FF  }
0xfe: {  	v18 =	vmul.f32 $6.320987700e+01, v14;
	v17 =	vtrunc.f32 v17;
	v12 =	vnsel vm5, $0x3FF, v12  }
0xff: {  	v17 =	vcvt.f32.s32 v17;
	vm6 =	vlt.s32 v11, $0x3FF  }
0x100: {  	v18 =	vtrunc.f32 v18;
	v11 =	vnsel vm6, $0x3FF, v11  }
0x101: {  	[tilespmem:v10+s31+$0x0] =	vst.idx.add.f32.msk vm2, v1;
	v18 =	vcvt.f32.s32 v18;
	vm7 =	vlt.s32 v17, $0x3FF  }
0x102: {  	[tilespmem:v10+s1+$0x0] =	vst.idx.add.f32.msk vm2, v9;
	v9 =	vnsel vm7, $0x3FF, v17  }
0x103: {  	vm7 =	vlt.s32 v18, $0x3FF;
	[tilespmem:v12+s31+$0x0] =	vst.idx.add.f32.msk vm4, v1  }
0x104: {  	v10 =	vnsel vm7, $0x3FF, v18;
	[tilespmem:v12+s1+$0x0] =	vst.idx.add.f32.msk vm4, v13  }
0x105: {  	[tilespmem:v11+s31+$0x0] =	vst.idx.add.f32.msk vm1, v1  }
0x106: {  	s10 =	sshll.u32 s9, $0x1;
	[tilespmem:v11+s1+$0x0] =	vst.idx.add.f32.msk vm1, v16  }
0x107: {  	s13 =	smin.u32 s10, $0x5;
	[tilespmem:v9+s31+$0x0] =	vst.idx.add.f32.msk vm3, v1  }
0x108: {  	s13 =	sshll.u32 s13, $0xB;
	[tilespmem:v9+s1+$0x0] =	vst.idx.add.f32.msk vm3, v15  }
0x109: {  	s13 =	sadd.s32 s13, s11;
	[tilespmem:v10+s31+$0x0] =	vst.idx.add.f32.msk vm0, v1  }
0x10a: {  	s15 =	simm.s32 $0x0;
	s14 =	sadd.s32 s6, s13;
	[tilespmem:v10+s1+$0x0] =	vst.idx.add.f32.msk vm0, v14  }
0x10b: {  	[tilespmem:s15], [sflag:$0x1] =	stream.linear.gather [hbm4b:s14+s15], $0x4000, $0x38;
	[tilespmem:$0x11A80] =	vst v63  }
0x10c: {  	s13 =	sadd.s32 s0, s13  }
0x10d: {  	[tilespmem:s25], [sflag:$0x2] =	stream.linear.gather [hbm4b:s13+s15], $0x4000, $0x38;
	[tilespmem:$0x11A80] =	vst v63  }
0x10e: {  	_ =	swait.ge [sflag:s2], $0x4000  }
0x10f: {  	s16 =	simm.s32 $0x0;
	s17 =	sand.u32 $0xC00, s15;
	[sflag:s2] =	ssyncset.done $0x0  }
0x110: {  	s13 =	sand.u32 $0x3000, s16;
	s16 =	simm.s32 $0x0;
	[sflag:s2] =	ssyncadd.s32 $0xFFFFC000  }
0x111: {  	s13 =	sor.u32 s17, s13;
	s18 =	sand.u32 $0x380, s16;
	_ =	swait.ge [sflag:s3], $0x4000  }
0x112: {  	s15 =	sand.u32 $0x40, s15;
	s13 =	sor.u32 s18, s13;
	[sflag:s3] =	ssyncset.done $0x0  }
0x113: {  	s13 =	sor.u32 s15, s13;
	[sflag:s3] =	ssyncadd.s32 $0xFFFFC000  }
0x114: {  	v12 =	vld [tilespmem:s13+$0xC000]  }
0x115: {  	v11 =	vld [tilespmem:s13+$0xC010]  }
0x116: {  	v10 =	vld [tilespmem:s13+$0xC020]  }
0x117: {  	v6 =	vadd.f32 v13, v6;
	v9 =	vld [tilespmem:s13+$0xC030]  }
0x118: {  	v4 =	vadd.f32 v4, v7;
	v13 =	vsel vm4, $0x0, v13;
	v17 =	vld [tilespmem:s13+$0x8000]  }
0x119: {  	v6 =	vadd.f32 v16, v6;
	v7 =	vadd.f32 v13, v8;
	v8 =	vld [tilespmem:s13+$0x8010]  }
0x11a: {  	v3 =	vadd.f32 v3, v4;
	v13 =	vsel vm1, $0x0, v16;
	v16 =	vld [tilespmem:s13+$0x8020]  }
0x11b: {  	v6 =	vadd.f32 v15, v6;
	v4 =	vadd.f32 v13, v7;
	v7 =	vld [tilespmem:s13+$0x8030]  }
0x11c: {  	v5 =	vadd.f32 v5, v3;
	vm2 =	vmmov vm0;
	vm5 =	vmmov vm1  }
0x11d: {  	v3 =	vadd.f32 v14, v6;
	vm6 =	vmmov vm3;
	v13 =	vsel vm3, $0x0, v15  }
0x11e: {  	v4 =	vadd.f32 v13, v4;
	vm1 =	vgt.f32 v12, $5.000000000e-01;
	vm2 =	vgt.f32 v11, $5.000000000e-01  }
0x11f: {  	v6 =	vmax.f32 v17, $1.000000010e-07;
	vm3 =	vgt.f32 v10, $5.000000000e-01;
	vm5 =	vgt.f32 v9, $5.000000000e-01  }
0x120: {  	v8 =	vmax.f32 v8, $1.000000010e-07;
	v13 =	vmax.f32 v16, $1.000000010e-07;
	v7 =	vmax.f32 v7, $1.000000010e-07  }
0x121: {  	v6 =	vmin.f32 v6, $9.999998800e-01;
	vm4 =	vmneg vm1;
	vm2 =	vmneg vm2  }
0x122: {  	v8 =	vmin.f32 v8, $9.999998800e-01;
	v13 =	vmin.f32 v13, $9.999998800e-01;
	v15 =	vsub.f32 $1.000000000e+00, v6  }
0x123: {  	v7 =	vmin.f32 v7, $9.999998800e-01;
	v16 =	vsub.f32 $1.000000000e+00, v8;
	v17 =	vsub.f32 $1.000000000e+00, v13  }
0x124: {  	vm3 =	vmneg vm3;
	vm1 =	vmneg vm5;
	v18 =	vsub.f32 $1.000000000e+00, v7  }
0x125: {  	v6 =	vsel vm4, v15, v6;
	v8 =	vsel vm2, v16, v8;
	v13 =	vsel vm3, v17, v13  }
0x126: {  	v7 =	vsel vm1, v18, v7;
	v15 =	vand.u32 $0x7FFFFF, v6;
	v16 =	vand.u32 $0x7FFFFF, v8  }
0x127: {  	v17 =	vand.u32 $0x7FFFFF, v13;
	v18 =	vand.u32 $0x7FFFFF, v7;
	v15 =	vor.u32 $0x3F800000, v15  }
0x128: {  	v16 =	vor.u32 $0x3F800000, v16;
	v17 =	vor.u32 $0x3F800000, v17;
	v19 =	vmul.f32 $5.000000000e-01, v15  }
0x129: {  	v18 =	vor.u32 $0x3F800000, v18;
	vm7 =	vgt.f32 v15, $1.414213540e+00;
	vm5 =	vgt.f32 v16, $1.414213540e+00  }
0x12a: {  	v20 =	vmul.f32 $5.000000000e-01, v17;
	v15 =	vsel vm7, v19, v15;
	v19 =	vmul.f32 $5.000000000e-01, v16  }
0x12b: {  	vm6 =	vgt.f32 v17, $1.414213540e+00;
	v21 =	vmul.f32 $5.000000000e-01, v18;
	v15 =	vadd.f32 $-1.000000000e+00, v15  }
0x12c: {  	vm8 =	vgt.f32 v18, $1.414213540e+00;
	v17 =	vsel vm6, v20, v17;
	v16 =	vsel vm5, v19, v16  }
0x12d: {  	v18 =	vsel vm8, v21, v18;
	v19 =	vmul.f32 $1.158970450e-01, v15;
	v16 =	vadd.f32 $-1.000000000e+00, v16  }
0x12e: {  	v17 =	vadd.f32 $-1.000000000e+00, v17;
	v18 =	vadd.f32 $-1.000000000e+00, v18  }
0x12f: {  	v2 =	vadd.f32 v2, v5;
	v19 =	vadd.f32 $-1.885265410e-01, v19;
	v20 =	vmul.f32 $1.158970450e-01, v16  }
0x130: {  	v14 =	vsel vm0, $0x0, v14;
	v5 =	vmul.f32 $1.158970450e-01, v17;
	v49 =	vmul.f32 $1.158970450e-01, v18  }
0x131: {  	v4 =	vadd.f32 v14, v4;
	v14 =	vmul.f32 v19, v15;
	v19 =	vadd.f32 $-1.885265410e-01, v20  }
0x132: {  	vm0 =	vmmov vm1;
	v5 =	vadd.f32 $-1.885265410e-01, v5;
	v20 =	vadd.f32 $-1.885265410e-01, v49  }
0x133: {  	v6 =	vshra.s32 v6, $0x17;
	v14 =	vadd.f32 $2.065537720e-01, v14;
	v19 =	vmul.f32 v19, v16  }
0x134: {  	v8 =	vshra.s32 v8, $0x17;
	v5 =	vmul.f32 v5, v17;
	v20 =	vmul.f32 v20, v18  }
0x135: {  	v13 =	vshra.s32 v13, $0x17;
	v14 =	vmul.f32 v14, v15;
	v19 =	vadd.f32 $2.065537720e-01, v19  }
0x136: {  	v7 =	vshra.s32 v7, $0x17;
	v5 =	vadd.f32 $2.065537720e-01, v5;
	v20 =	vadd.f32 $2.065537720e-01, v20  }
0x137: {  	v6 =	vadd.s32 $0xFFFFFF81, v6;
	v14 =	vadd.f32 $-2.488635630e-01, v14;
	v19 =	vmul.f32 v19, v16  }
0x138: {  	v8 =	vadd.s32 $0xFFFFFF81, v8;
	v5 =	vmul.f32 v5, v17;
	v20 =	vmul.f32 v20, v18  }
0x139: {  	v13 =	vadd.s32 $0xFFFFFF81, v13;
	v14 =	vmul.f32 v14, v15;
	v19 =	vadd.f32 $-2.488635630e-01, v19  }
0x13a: {  	v6 =	vcvt.s32.f32 v6;
	v5 =	vadd.f32 $-2.488635630e-01, v5;
	v20 =	vadd.f32 $-2.488635630e-01, v20  }
0x13b: {  	v8 =	vcvt.s32.f32 v8;
	v14 =	vadd.f32 $3.329959210e-01, v14;
	v19 =	vmul.f32 v19, v16  }
0x13c: {  	v7 =	vadd.s32 $0xFFFFFF81, v7;
	v5 =	vmul.f32 v5, v17;
	v20 =	vmul.f32 v20, v18  }
0x13d: {  	v13 =	vcvt.s32.f32 v13;
	v14 =	vmul.f32 v14, v15;
	v19 =	vadd.f32 $3.329959210e-01, v19  }
0x13e: {  	v7 =	vcvt.s32.f32 v7;
	v5 =	vadd.f32 $3.329959210e-01, v5;
	v20 =	vadd.f32 $3.329959210e-01, v20  }
0x13f: {  	v50 =	vsel vm7, $0x3F800000, v0;
	v14 =	vadd.f32 $-5.000199080e-01, v14;
	v19 =	vmul.f32 v19, v16  }
0x140: {  	v22 =	vsel vm5, $0x3F800000, v0;
	v5 =	vmul.f32 v5, v17;
	v20 =	vmul.f32 v20, v18  }
0x141: {  	v23 =	vsel vm6, $0x3F800000, v0;
	v14 =	vmul.f32 v14, v15;
	v19 =	vadd.f32 $-5.000199080e-01, v19  }
0x142: {  	v24 =	vsel vm8, $0x3F800000, v0;
	v5 =	vadd.f32 $-5.000199080e-01, v5;
	v20 =	vadd.f32 $-5.000199080e-01, v20  }
0x143: {  	v6 =	vadd.f32 v6, v50;
	v14 =	vadd.f32 $1.000004050e+00, v14;
	v19 =	vmul.f32 v19, v16  }
0x144: {  	v8 =	vadd.f32 v8, v22;
	v5 =	vmul.f32 v5, v17;
	v20 =	vmul.f32 v20, v18  }
0x145: {  	v7 =	vadd.f32 v7, v24;
	v14 =	vmul.f32 v14, v15;
	v15 =	vadd.f32 $1.000004050e+00, v19  }
0x146: {  	v6 =	vmul.f32 $6.931471820e-01, v6;
	v5 =	vadd.f32 $1.000004050e+00, v5;
	v19 =	vadd.f32 $1.000004050e+00, v20  }
0x147: {  	v8 =	vmul.f32 $6.931471820e-01, v8;
	v14 =	vadd.f32 $6.434564880e-08, v14;
	v15 =	vmul.f32 v15, v16  }
0x148: {  	v13 =	vadd.f32 v13, v23;
	v5 =	vmul.f32 v5, v17;
	v16 =	vmul.f32 v19, v18  }
0x149: {  	v7 =	vmul.f32 $6.931471820e-01, v7;
	v6 =	vadd.f32 v14, v6;
	v14 =	vadd.f32 $6.434564880e-08, v15  }
0x14a: {  	s16 =	simm.s32 $0x40;
	s13 =	simm.s32 $0x200;
	v5 =	vadd.f32 $6.434564880e-08, v5;
	v15 =	vmul.f32 $6.931471820e-01, v13;
	v16 =	vadd.f32 $6.434564880e-08, v16  }
0x14b: {  	s14 =	sand.u32 $0x3000, s16;
	s18 =	simm.s32 $0x10;
	s17 =	sand.u32 $0xC00, s13;
	vm6 =	vmmov vm4;
	v13 =	vsub.f32 $0.0e+00, v6;
	v6 =	vadd.f32 v14, v8  }
0x14c: {  	s16 =	sand.u32 $0x380, s18;
	s15 =	sor.u32 s17, s14;
	s14 =	simm.s32 $0x40;
	vm8 =	vmmov vm2;
	v5 =	vadd.f32 v5, v15;
	v7 =	vadd.f32 v16, v7  }
0x14d: {  	s17 =	sand.u32 $0x40, s14;
	s15 =	sor.u32 s16, s15;
	vm7 =	vmmov vm3;
	v8 =	vadd.f32 v13, v3;
	v14 =	vsub.f32 $0.0e+00, v6  }
0x14e: {  	s15 =	sor.u32 s17, s15;
	v3 =	vsel vm6, $0x0, v13;
	v6 =	vadd.f32 v12, v2;
	v12 =	vsub.f32 $0.0e+00, v5  }
0x14f: {  	v16 =	vmul.f32 $6.320987700e+01, v13;
	v2 =	vld [tilespmem:s15+$0xC010];
	v4 =	vadd.f32 v3, v4;
	v8 =	vadd.f32 v14, v8  }
0x150: {  	v5 =	vld [tilespmem:s15+$0xC020];
	v15 =	vsel vm2, $0x0, v14;
	v11 =	vadd.f32 v11, v6;
	v17 =	vsel vm3, $0x0, v12  }
0x151: {  	v3 =	vld [tilespmem:s15+$0xC000];
	v6 =	vsub.f32 $0.0e+00, v7;
	v18 =	vmul.f32 $6.320987700e+01, v14;
	v16 =	vtrunc.f32 v16  }
0x152: {  	v15 =	vadd.f32 v15, v4;
	v16 =	vcvt.f32.s32 v16;
	v8 =	vadd.f32 v12, v8  }
0x153: {  	v10 =	vadd.f32 v10, v11;
	v19 =	vsel vm1, $0x0, v6;
	v20 =	vmul.f32 $6.320987700e+01, v6  }
0x154: {  	v51 =	vld [tilespmem:s15+$0x8010];
	v11 =	vadd.f32 v17, v15;
	v15 =	vmul.f32 $6.320987700e+01, v12;
	vm13 =	vlt.s32 v16, $0x3FF  }
0x155: {  	v4 =	vld [tilespmem:s15+$0xC030];
	vm2 =	vgt.f32 v2, $5.000000000e-01;
	vm3 =	vgt.f32 v5, $5.000000000e-01;
	v7 =	vadd.f32 v6, v8  }
0x156: {  	v17 =	vld [tilespmem:s15+$0x8000];
	v8 =	vadd.f32 v9, v10;
	v10 =	vtrunc.f32 v18;
	vm1 =	vgt.f32 v3, $5.000000000e-01  }
0x157: {  	v18 =	vld [tilespmem:s15+$0x8030];
	vm2 =	vmneg vm2;
	vm3 =	vmneg vm3;
	v16 =	vnsel vm13, $0x3FF, v16  }
0x158: {  	v9 =	vadd.f32 v19, v11;
	v11 =	vld [tilespmem:s15+$0x8020];
	v15 =	vtrunc.f32 v15;
	v19 =	vtrunc.f32 v20  }
0x159: {  	v20 =	vcvt.f32.s32 v10;
	vm4 =	vmneg vm1;
	v15 =	vcvt.f32.s32 v15  }
0x15a: {  	v10 =	vcvt.f32.s32 v19;
	vm5 =	vgt.f32 v4, $5.000000000e-01;
	v19 =	vmax.f32 v51, $1.000000010e-07  }
0x15b: {  	v19 =	vmin.f32 v19, $9.999998800e-01;
	vm1 =	vmneg vm5;
	v17 =	vmax.f32 v17, $1.000000010e-07  }
0x15c: {  	v53 =	vsub.f32 $1.000000000e+00, v19;
	v18 =	vmax.f32 v18, $1.000000010e-07;
	v17 =	vmin.f32 v17, $9.999998800e-01  }
0x15d: {  	v11 =	vmax.f32 v11, $1.000000010e-07;
	v52 =	vsub.f32 $1.000000000e+00, v17;
	v18 =	vmin.f32 v18, $9.999998800e-01  }
0x15e: {  	v19 =	vsel vm2, v53, v19;
	v11 =	vmin.f32 v11, $9.999998800e-01;
	v55 =	vsub.f32 $1.000000000e+00, v18  }
0x15f: {  	v22 =	vand.u32 $0x7FFFFF, v19;
	v54 =	vsub.f32 $1.000000000e+00, v11;
	v17 =	vsel vm4, v52, v17  }
0x160: {  	v22 =	vor.u32 $0x3F800000, v22;
	v21 =	vand.u32 $0x7FFFFF, v17;
	v18 =	vsel vm1, v55, v18  }
0x161: {  	vm11 =	vgt.f32 v22, $1.414213540e+00;
	v56 =	vmul.f32 $5.000000000e-01, v22;
	v21 =	vor.u32 $0x3F800000, v21  }
0x162: {  	v11 =	vsel vm3, v54, v11;
	v24 =	vand.u32 $0x7FFFFF, v18;
	v25 =	vmul.f32 $5.000000000e-01, v21  }
0x163: {  	v23 =	vand.u32 $0x7FFFFF, v11;
	vm12 =	vgt.f32 v21, $1.414213540e+00;
	v24 =	vor.u32 $0x3F800000, v24  }
0x164: {  	v22 =	vsel vm11, v56, v22;
	v23 =	vor.u32 $0x3F800000, v23;
	v21 =	vsel vm12, v25, v21  }
0x165: {  	v27 =	vmul.f32 $5.000000000e-01, v24;
	v26 =	vmul.f32 $5.000000000e-01, v23;
	v21 =	vadd.f32 $-1.000000000e+00, v21  }
0x166: {  	vm9 =	vgt.f32 v24, $1.414213540e+00;
	v22 =	vadd.f32 $-1.000000000e+00, v22;
	vm10 =	vgt.f32 v23, $1.414213540e+00  }
0x167: {  	v24 =	vsel vm9, v27, v24;
	v23 =	vsel vm10, v26, v23;
	v57 =	vmul.f32 $1.158970450e-01, v21  }
0x168: {  	vm14 =	vlt.s32 v20, $0x3FF;
	v24 =	vadd.f32 $-1.000000000e+00, v24;
	v23 =	vadd.f32 $-1.000000000e+00, v23  }
0x169: {  	vm15 =	vlt.s32 v15, $0x3FF;
	v58 =	vmul.f32 $1.158970450e-01, v22;
	v25 =	vadd.f32 $-1.885265410e-01, v57  }
0x16a: {  	vm5 =	vlt.s32 v10, $0x3FF;
	v28 =	vmul.f32 $1.158970450e-01, v24;
	v59 =	vmul.f32 $1.158970450e-01, v23  }
0x16b: {  	v20 =	vnsel vm14, $0x3FF, v20;
	v26 =	vadd.f32 $-1.885265410e-01, v58;
	v25 =	vmul.f32 v25, v21  }
0x16c: {  	v15 =	vnsel vm15, $0x3FF, v15;
	v28 =	vadd.f32 $-1.885265410e-01, v28;
	v27 =	vadd.f32 $-1.885265410e-01, v59  }
0x16d: {  	v19 =	vshra.s32 v19, $0x17;
	v26 =	vmul.f32 v26, v22;
	v25 =	vadd.f32 $2.065537720e-01, v25  }
0x16e: {  	v19 =	vadd.s32 $0xFFFFFF81, v19;
	v28 =	vmul.f32 v28, v24;
	v27 =	vmul.f32 v27, v23  }
0x16f: {  	v17 =	vshra.s32 v17, $0x17;
	v26 =	vadd.f32 $2.065537720e-01, v26;
	v25 =	vmul.f32 v25, v21  }
0x170: {  	v19 =	vcvt.s32.f32 v19;
	v28 =	vadd.f32 $2.065537720e-01, v28;
	v27 =	vadd.f32 $2.065537720e-01, v27  }
0x171: {  	v18 =	vshra.s32 v18, $0x17;
	v26 =	vmul.f32 v26, v22;
	v25 =	vadd.f32 $-2.488635630e-01, v25  }
0x172: {  	v17 =	vadd.s32 $0xFFFFFF81, v17;
	v28 =	vmul.f32 v28, v24;
	v27 =	vmul.f32 v27, v23  }
0x173: {  	v30 =	vsel vm11, $0x3F800000, v0;
	v26 =	vadd.f32 $-2.488635630e-01, v26;
	v25 =	vmul.f32 v25, v21  }
0x174: {  	v11 =	vshra.s32 v11, $0x17;
	v28 =	vadd.f32 $-2.488635630e-01, v28;
	v27 =	vadd.f32 $-2.488635630e-01, v27  }
0x175: {  	v17 =	vcvt.s32.f32 v17;
	v26 =	vmul.f32 v26, v22;
	v25 =	vadd.f32 $3.329959210e-01, v25  }
0x176: {  	v18 =	vadd.s32 $0xFFFFFF81, v18;
	v28 =	vmul.f32 v28, v24;
	v27 =	vmul.f32 v27, v23  }
0x177: {  	v19 =	vadd.f32 v19, v30;
	v26 =	vadd.f32 $3.329959210e-01, v26;
	v25 =	vmul.f32 v25, v21  }
0x178: {  	v29 =	vcvt.s32.f32 v18;
	v18 =	vadd.f32 $3.329959210e-01, v28;
	v27 =	vadd.f32 $3.329959210e-01, v27  }
0x179: {  	v11 =	vadd.s32 $0xFFFFFF81, v11;
	v26 =	vmul.f32 v26, v22;
	v25 =	vadd.f32 $-5.000199080e-01, v25  }
0x17a: {  	[tilespmem:v16+s31+$0x0] =	vst.idx.add.f32.msk vm6, v1;
	v60 =	vsel vm12, $0x3F800000, v0;
	v18 =	vmul.f32 v18, v24;
	v27 =	vmul.f32 v27, v23  }
0x17b: {  	[tilespmem:v16+s1+$0x0] =	vst.idx.add.f32.msk vm6, v13;
	v17 =	vadd.f32 v17, v60;
	v26 =	vadd.f32 $-5.000199080e-01, v26;
	v25 =	vmul.f32 v25, v21  }
0x17c: {  	[tilespmem:v15+s31+$0x0] =	vst.idx.add.f32.msk vm7, v1;
	v11 =	vcvt.s32.f32 v11;
	v18 =	vadd.f32 $-5.000199080e-01, v18;
	v27 =	vadd.f32 $-5.000199080e-01, v27  }
0x17d: {  	[tilespmem:v15+s1+$0x0] =	vst.idx.add.f32.msk vm7, v12;
	v12 =	vmul.f32 $6.931471820e-01, v19;
	v16 =	vmul.f32 v26, v22;
	v13 =	vadd.f32 $1.000004050e+00, v25  }
0x17e: {  	[tilespmem:v20+s31+$0x0] =	vst.idx.add.f32.msk vm8, v1;
	v62 =	vsel vm9, $0x3F800000, v0;
	v18 =	vmul.f32 v18, v24;
	v63 =	vmul.f32 v27, v23  }
0x17f: {  	[tilespmem:v20+s1+$0x0] =	vst.idx.add.f32.msk vm8, v14;
	v61 =	vsel vm10, $0x3F800000, v0;
	v16 =	vadd.f32 $1.000004050e+00, v16;
	v14 =	vmul.f32 v13, v21  }
0x180: {  	v20 =	vadd.f32 $1.000004050e+00, v18;
	v13 =	vmul.f32 $6.931471820e-01, v17;
	v17 =	vadd.f32 $1.000004050e+00, v63  }
0x181: {  	v11 =	vadd.f32 v11, v61;
	v16 =	vmul.f32 v16, v22;
	v15 =	vadd.f32 $6.434564880e-08, v14  }
0x182: {  	s15 =	simm.s32 $0x4;
	v18 =	vmul.f32 v17, v23;
	v14 =	vadd.f32 v29, v62;
	v17 =	vmul.f32 v20, v24  }
.LBB2_7:
0x183: {  	s15 =	sadd.s32 $0x4, s15;
	v13 =	vadd.f32 v15, v13;
	v15 =	vadd.f32 $6.434564880e-08, v16;
	v16 =	vmul.f32 $6.931471820e-01, v11  }
0x184: {  	s13 =	sadd.s32 $0x200, s13;
	s16 =	sshll.u32 s15, $0x4;
	v18 =	vadd.f32 $6.434564880e-08, v18;
	v17 =	vadd.f32 $6.434564880e-08, v17;
	v14 =	vmul.f32 $6.931471820e-01, v14  }
0x185: {  	s17 =	sand.u32 $0xC00, s13;
	s18 =	sshll.u32 s15, $0x2;
	s16 =	sand.u32 $0x3000, s16;
	v11 =	vsub.f32 $0.0e+00, v13;
	v12 =	vadd.f32 v15, v12;
	v15 =	vnsel vm5, $0x3FF, v10  }
0x186: {  	s14 =	sadd.s32 $0x40, s14;
	vm6 =	vmmov vm4;
	s16 =	sor.u32 s17, s16;
	s17 =	sand.u32 $0x380, s18;
	v10 =	vadd.f32 v18, v16;
	v14 =	vadd.f32 v17, v14  }
0x187: {  	p1 =	slt.u32 s15, $0x3FC;
	s18 =	sand.u32 $0x40, s14;
	s16 =	sor.u32 s17, s16;
	v7 =	vadd.f32 v11, v7;
	v13 =	vsel vm6, $0x0, v11;
	v12 =	vsub.f32 $0.0e+00, v12  }
0x188: {  	v8 =	vadd.f32 v3, v8;
	v16 =	vmul.f32 $6.320987700e+01, v11;
	s16 =	sor.u32 s18, s16;
	v9 =	vadd.f32 v13, v9  }
0x189: {  	v13 =	vsub.f32 $0.0e+00, v10;
	v3 =	vld [tilespmem:s16+$0xC000];
	v7 =	vadd.f32 v12, v7;
	v17 =	vsel vm2, $0x0, v12  }
0x18a: {  	v8 =	vadd.f32 v2, v8;
	v10 =	vmul.f32 $6.320987700e+01, v12;
	v2 =	vld [tilespmem:s16+$0xC010];
	v9 =	vadd.f32 v17, v9  }
0x18b: {  	v14 =	vsub.f32 $0.0e+00, v14;
	v18 =	vsel vm3, $0x0, v13;
	v17 =	vld [tilespmem:s16+$0xC020];
	v7 =	vadd.f32 v13, v7  }
0x18c: {  	v5 =	vadd.f32 v5, v8;
	v19 =	vld [tilespmem:s16+$0xC030];
	v9 =	vadd.f32 v18, v9;
	v18 =	vmul.f32 $6.320987700e+01, v13  }
0x18d: {  	v21 =	vsel vm1, $0x0, v14;
	v22 =	vmul.f32 $6.320987700e+01, v14;
	v20 =	vld [tilespmem:s16+$0x8000];
	v7 =	vadd.f32 v14, v7  }
0x18e: {  	v16 =	vtrunc.f32 v16;
	v8 =	vadd.f32 v4, v5;
	v23 =	vld [tilespmem:s16+$0x8010];
	v9 =	vadd.f32 v21, v9  }
0x18f: {  	vm8 =	vmmov vm2;
	v25 =	vtrunc.f32 v10;
	v10 =	vtrunc.f32 v18;
	v21 =	vld [tilespmem:s16+$0x8020]  }
0x190: {  	vm7 =	vmmov vm3;
	v16 =	vcvt.f32.s32 v16;
	v22 =	vtrunc.f32 v22;
	v18 =	vld [tilespmem:s16+$0x8030];
	v5 =	vmovc v17  }
0x191: {  	v24 =	vcvt.f32.s32 v10;
	v17 =	vcvt.f32.s32 v25;
	[tilespmem:v15+s31+$0x0] =	vst.idx.add.f32.msk vm0, v1;
	v4 =	vmov v19  }
0x192: {  	vm13 =	vlt.s32 v16, $0x3FF;
	v10 =	vcvt.f32.s32 v22;
	[tilespmem:v15+s1+$0x0] =	vst.idx.add.f32.msk vm0, v6;
	v6 =	vmovc v14;
	vm0 =	vmmov vm1  }
0x193: {  	vm2 =	vgt.f32 v2, $5.000000000e-01;
	vm1 =	vgt.f32 v3, $5.000000000e-01;
	vm14 =	vlt.s32 v17, $0x3FF  }
0x194: {  	vm3 =	vgt.f32 v5, $5.000000000e-01;
	v14 =	vmax.f32 v20, $1.000000010e-07;
	vm5 =	vgt.f32 v4, $5.000000000e-01  }
0x195: {  	v15 =	vmax.f32 v23, $1.000000010e-07;
	v19 =	vmax.f32 v21, $1.000000010e-07;
	v18 =	vmax.f32 v18, $1.000000010e-07  }
0x196: {  	vm2 =	vmneg vm2;
	v14 =	vmin.f32 v14, $9.999998800e-01;
	vm4 =	vmneg vm1  }
0x197: {  	v20 =	vsub.f32 $1.000000000e+00, v14;
	v15 =	vmin.f32 v15, $9.999998800e-01;
	v19 =	vmin.f32 v19, $9.999998800e-01  }
0x198: {  	v21 =	vsub.f32 $1.000000000e+00, v15;
	v22 =	vsub.f32 $1.000000000e+00, v19;
	v18 =	vmin.f32 v18, $9.999998800e-01  }
0x199: {  	vm3 =	vmneg vm3;
	vm1 =	vmneg vm5;
	v23 =	vsub.f32 $1.000000000e+00, v18  }
0x19a: {  	v14 =	vsel vm4, v20, v14;
	v15 =	vsel vm2, v21, v15;
	v19 =	vsel vm3, v22, v19  }
0x19b: {  	v20 =	vand.u32 $0x7FFFFF, v14;
	v21 =	vand.u32 $0x7FFFFF, v15;
	v18 =	vsel vm1, v23, v18  }
0x19c: {  	v20 =	vor.u32 $0x3F800000, v20;
	v22 =	vand.u32 $0x7FFFFF, v19;
	v23 =	vand.u32 $0x7FFFFF, v18  }
0x19d: {  	v25 =	vmul.f32 $5.000000000e-01, v20;
	v21 =	vor.u32 $0x3F800000, v21;
	v22 =	vor.u32 $0x3F800000, v22  }
0x19e: {  	vm11 =	vgt.f32 v20, $1.414213540e+00;
	vm9 =	vgt.f32 v21, $1.414213540e+00;
	v23 =	vor.u32 $0x3F800000, v23  }
0x19f: {  	v20 =	vsel vm11, v25, v20;
	v25 =	vmul.f32 $5.000000000e-01, v21;
	v26 =	vmul.f32 $5.000000000e-01, v22  }
0x1a0: {  	vm10 =	vgt.f32 v22, $1.414213540e+00;
	v20 =	vadd.f32 $-1.000000000e+00, v20;
	v27 =	vmul.f32 $5.000000000e-01, v23  }
0x1a1: {  	vm12 =	vgt.f32 v23, $1.414213540e+00;
	v21 =	vsel vm9, v25, v21;
	v22 =	vsel vm10, v26, v22  }
0x1a2: {  	v25 =	vmul.f32 $1.158970450e-01, v20;
	v21 =	vadd.f32 $-1.000000000e+00, v21;
	v23 =	vsel vm12, v27, v23  }
0x1a3: {  	vm15 =	vlt.s32 v24, $0x3FF;
	v22 =	vadd.f32 $-1.000000000e+00, v22;
	v23 =	vadd.f32 $-1.000000000e+00, v23  }
0x1a4: {  	vm5 =	vlt.s32 v10, $0x3FF;
	v25 =	vadd.f32 $-1.885265410e-01, v25;
	v26 =	vmul.f32 $1.158970450e-01, v21  }
0x1a5: {  	v16 =	vnsel vm13, $0x3FF, v16;
	v27 =	vmul.f32 $1.158970450e-01, v22;
	v28 =	vmul.f32 $1.158970450e-01, v23  }
0x1a6: {  	v17 =	vnsel vm14, $0x3FF, v17;
	v25 =	vmul.f32 v25, v20;
	v26 =	vadd.f32 $-1.885265410e-01, v26  }
0x1a7: {  	v24 =	vnsel vm15, $0x3FF, v24;
	v27 =	vadd.f32 $-1.885265410e-01, v27;
	v28 =	vadd.f32 $-1.885265410e-01, v28  }
0x1a8: {  	v14 =	vshra.s32 v14, $0x17;
	v25 =	vadd.f32 $2.065537720e-01, v25;
	v26 =	vmul.f32 v26, v21  }
0x1a9: {  	v15 =	vshra.s32 v15, $0x17;
	v27 =	vmul.f32 v27, v22;
	v28 =	vmul.f32 v28, v23  }
0x1aa: {  	v19 =	vshra.s32 v19, $0x17;
	v25 =	vmul.f32 v25, v20;
	v26 =	vadd.f32 $2.065537720e-01, v26;
	[tilespmem:v16+s31+$0x0] =	vst.idx.add.f32.msk vm6, v1  }
0x1ab: {  	v18 =	vshra.s32 v18, $0x17;
	v27 =	vadd.f32 $2.065537720e-01, v27;
	v28 =	vadd.f32 $2.065537720e-01, v28;
	[tilespmem:v16+s1+$0x0] =	vst.idx.add.f32.msk vm6, v11  }
0x1ac: {  	v11 =	vadd.s32 $0xFFFFFF81, v14;
	v14 =	vadd.f32 $-2.488635630e-01, v25;
	v16 =	vmul.f32 v26, v21;
	[tilespmem:v17+s31+$0x0] =	vst.idx.add.f32.msk vm8, v1  }
0x1ad: {  	v15 =	vadd.s32 $0xFFFFFF81, v15;
	v25 =	vmul.f32 v27, v22;
	v26 =	vmul.f32 v28, v23;
	[tilespmem:v17+s1+$0x0] =	vst.idx.add.f32.msk vm8, v12  }
0x1ae: {  	v12 =	vmul.f32 v14, v20;
	v14 =	vadd.f32 $-2.488635630e-01, v16;
	v16 =	vadd.s32 $0xFFFFFF81, v19;
	[tilespmem:v24+s31+$0x0] =	vst.idx.add.f32.msk vm7, v1  }
0x1af: {  	v11 =	vcvt.s32.f32 v11;
	v17 =	vadd.f32 $-2.488635630e-01, v25;
	v19 =	vadd.f32 $-2.488635630e-01, v26;
	[tilespmem:v24+s1+$0x0] =	vst.idx.add.f32.msk vm7, v13  }
0x1b0: {  	v12 =	vadd.f32 $3.329959210e-01, v12;
	v13 =	vcvt.s32.f32 v15;
	v14 =	vmul.f32 v14, v21  }
0x1b1: {  	v15 =	vmul.f32 v17, v22;
	v17 =	vadd.s32 $0xFFFFFF81, v18;
	v18 =	vmul.f32 v19, v23  }
0x1b2: {  	v16 =	vcvt.s32.f32 v16;
	v12 =	vmul.f32 v12, v20;
	v14 =	vadd.f32 $3.329959210e-01, v14  }
0x1b3: {  	v17 =	vcvt.s32.f32 v17;
	v15 =	vadd.f32 $3.329959210e-01, v15;
	v18 =	vadd.f32 $3.329959210e-01, v18  }
0x1b4: {  	v19 =	vsel vm11, $0x3F800000, v0;
	v12 =	vadd.f32 $-5.000199080e-01, v12;
	v14 =	vmul.f32 v14, v21  }
0x1b5: {  	v24 =	vsel vm9, $0x3F800000, v0;
	v15 =	vmul.f32 v15, v22;
	v18 =	vmul.f32 v18, v23  }
0x1b6: {  	v25 =	vsel vm10, $0x3F800000, v0;
	v12 =	vmul.f32 v12, v20;
	v14 =	vadd.f32 $-5.000199080e-01, v14  }
0x1b7: {  	v26 =	vsel vm12, $0x3F800000, v0;
	v15 =	vadd.f32 $-5.000199080e-01, v15;
	v18 =	vadd.f32 $-5.000199080e-01, v18  }
0x1b8: {  	v19 =	vadd.f32 v11, v19;
	v11 =	vadd.f32 $1.000004050e+00, v12;
	v12 =	vmul.f32 v14, v21  }
.Ltmp4:
0x1b9: {  	v14 =	vadd.f32 v13, v24;
	v15 =	vmul.f32 v15, v22;
	v18 =	vmul.f32 v18, v23;
	(pc) =	sbr.rel @p1 .LBB2_7-.Ltmp4, $4  }
0x1ba: {  	v20 =	vmul.f32 v11, v20;
	v12 =	vadd.f32 $1.000004050e+00, v12;
	v11 =	vadd.f32 v16, v25  }
0x1bb: {  	v13 =	vmul.f32 $6.931471820e-01, v19;
	v19 =	vadd.f32 $1.000004050e+00, v15;
	v24 =	vadd.f32 $1.000004050e+00, v18  }
0x1bc: {  	v15 =	vadd.f32 $6.434564880e-08, v20;
	v16 =	vmul.f32 v12, v21;
	v12 =	vmul.f32 $6.931471820e-01, v14  }
0x1bd: {  	v18 =	vmul.f32 v19, v22;
	v14 =	vadd.f32 v17, v26;
	v17 =	vmul.f32 v24, v23  }
0x1be: {  	_ = 	snop  }
0x1bf: {  	v13 =	vadd.f32 v15, v13;
	v11 =	vmul.f32 $6.931471820e-01, v11;
	v56 =	vadd.f32 $6.434564880e-08, v18  }
0x1c0: {  	v55 =	vadd.f32 $6.434564880e-08, v16  }
0x1c1: {  	v13 =	vsub.f32 $0.0e+00, v13;
	v11 =	vadd.f32 v56, v11  }
0x1c2: {  	v57 =	vadd.f32 $6.434564880e-08, v17;
	v14 =	vmul.f32 $6.931471820e-01, v14  }
0x1c3: {  	v12 =	vadd.f32 v55, v12;
	v58 =	vmul.f32 $6.320987700e+01, v13;
	v11 =	vsub.f32 $0.0e+00, v11  }
0x1c4: {  	v10 =	vnsel vm5, $0x3FF, v10;
	v14 =	vadd.f32 v57, v14  }
0x1c5: {  	v12 =	vsub.f32 $0.0e+00, v12;
	v16 =	vtrunc.f32 v58;
	v60 =	vmul.f32 $6.320987700e+01, v11  }
0x1c6: {  	v16 =	vcvt.f32.s32 v16  }
0x1c7: {  	v14 =	vsub.f32 $0.0e+00, v14;
	v59 =	vmul.f32 $6.320987700e+01, v12;
	v17 =	vtrunc.f32 v60  }
0x1c8: {  	vm4 =	vmmov vm4;
	vm11 =	vlt.s32 v16, $0x3FF;
	v17 =	vcvt.f32.s32 v17  }
0x1c9: {  	v61 =	vmul.f32 $6.320987700e+01, v14;
	v15 =	vtrunc.f32 v59;
	v16 =	vnsel vm11, $0x3FF, v16  }
0x1ca: {  	[tilespmem:v10+s31+$0x0] =	vst.idx.add.f32.msk vm0, v1;
	v15 =	vcvt.f32.s32 v15;
	vm7 =	vlt.s32 v17, $0x3FF  }
0x1cb: {  	[tilespmem:v10+s1+$0x0] =	vst.idx.add.f32.msk vm0, v6;
	v18 =	vtrunc.f32 v61;
	v6 =	vnsel vm7, $0x3FF, v17  }
0x1cc: {  	v18 =	vcvt.f32.s32 v18;
	vm6 =	vlt.s32 v15, $0x3FF  }
0x1cd: {  	v15 =	vnsel vm6, $0x3FF, v15  }
0x1ce: {  	vm15 =	vlt.s32 v18, $0x3FF;
	[tilespmem:v16+s31+$0x0] =	vst.idx.add.f32.msk vm4, v1  }
0x1cf: {  	v62 =	vnsel vm15, $0x3FF, v18;
	[tilespmem:v16+s1+$0x0] =	vst.idx.add.f32.msk vm4, v13  }
0x1d0: {  	[tilespmem:v6+s31+$0x0] =	vst.idx.add.f32.msk vm3, v1  }
0x1d1: {  	[tilespmem:v6+s1+$0x0] =	vst.idx.add.f32.msk vm3, v11;
	v6 =	vadd.f32 v13, v7;
	v7 =	vsel vm4, $0x0, v13  }
0x1d2: {  	s10 =	smin.u32 s10, $0x4;
	v3 =	vadd.f32 v3, v8;
	s9 =	sadd.s32 $0x1, s9;
	[tilespmem:v15+s31+$0x0] =	vst.idx.add.f32.msk vm2, v1;
	v7 =	vadd.f32 v7, v9  }
0x1d3: {  	s10 =	sshll.u32 s10, $0xB;
	p1 =	sne.s32 s9, $0x4;
	v63 =	vsel vm2, $0x0, v12;
	[tilespmem:v15+s1+$0x0] =	vst.idx.add.f32.msk vm2, v12;
	v6 =	vadd.f32 v12, v6  }
.Ltmp5:
0x1d4: {  	s10 =	sadd.s32 s10, s12;
	v2 =	vadd.f32 v2, v3;
	[tilespmem:v62+s31+$0x0] =	vst.idx.add.f32.msk vm1, v1;
	v3 =	vadd.f32 v63, v7;
	(pc) =	sbr.rel @p1 .LBB2_4-.Ltmp5, $4  }
0x1d5: {  	s13 =	sadd.s32 s6, s10;
	[tilespmem:v62+s1+$0x0] =	vst.idx.add.f32.msk vm1, v14;
	v7 =	vsel vm3, $0x0, v11;
	v6 =	vadd.f32 v11, v6  }
0x1d6: {  	vm12 =	vmmov vm2;
	v5 =	vadd.f32 v5, v2;
	[tilespmem:s26], [sflag:$0x3] =	stream.linear.gather [hbm4b:s13+s5], $0x4000, $0x38;
	v3 =	vadd.f32 v7, v3;
	[tilespmem:$0x11A80] =	vst v63  }
0x1d7: {  	vm13 =	vmmov vm3;
	s10 =	sadd.s32 s0, s10;
	v2 =	vadd.f32 v14, v6;
	v6 =	vsel vm1, $0x0, v14  }
0x1d8: {  	vm14 =	vmmov vm1;
	v4 =	vadd.f32 v4, v5;
	[tilespmem:s28], [sflag:$0x4] =	stream.linear.gather [hbm4b:s10+s5], $0x4000, $0x38;
	v3 =	vadd.f32 v6, v3;
	[tilespmem:$0x11A80] =	vst v63  }
0x1d9: {  	_ =	swait.ge [sflag:s29], $0x4000  }
0x1da: {  	[sflag:s29] =	ssyncset.done $0x0  }
0x1db: {  	[sflag:s29] =	ssyncadd.s32 $0xFFFFC000  }
0x1dc: {  	_ =	swait.ge [sflag:s30], $0x4000  }
0x1dd: {  	[sflag:s30] =	ssyncset.done $0x0  }
0x1de: {  	[sflag:s30] =	ssyncadd.s32 $0xFFFFC000  }
0x1df: {  	_ =	swait.ge [sflag:s2], $0x4000  }
0x1e0: {  	[sflag:s2] =	ssyncset.done $0x0  }
0x1e1: {  	[sflag:s2] =	ssyncadd.s32 $0xFFFFC000  }
0x1e2: {  	_ =	swait.ge [sflag:s3], $0x4000  }
0x1e3: {  	[sflag:s3] =	ssyncset.done $0x0  }
0x1e4: {  	[sflag:s3] =	ssyncadd.s32 $0xFFFFC000  }
0x1e5: {  	[tilespmem:$0x11100] =	vst v4  }
0x1e6: {  	[tilespmem:$0x11110] =	vst v3  }
0x1e7: {  	[tilespmem:$0x11120] =	vst v2  }
0x1e8: {  	[tilespmem:$0x11130] =	vst v0  }
0x1e9: {  	[tilespmem:$0x11140] =	vst v0  }
0x1ea: {  	[tilespmem:$0x11150] =	vst v0  }
0x1eb: {  	[tilespmem:$0x11160] =	vst v0  }
0x1ec: {  	s9 =	simm.s32 $0x11100;
	s8 =	rddreg [dreg:$0xc];
	[tilespmem:$0x11170] =	vst v0  }
0x1ed: {  	[spmem:s8] =	stream.linear.scatter [tilespmem:s9], [sflag:$0x5], $0x80, $0x38;
	[tilespmem:$0x11A80] =	vst v63  }
0x1ee: {  	_ =	swait.ge [sflag:s4], $0x80  }
0x1ef: {  	[sflag:s4] =	ssyncset.done $0x0  }
0x1f0: {  	s10 =	rddreg [dreg:$0xd];
	[sflag:s4] =	ssyncadd.s32 $0xFFFFFF80  }
0x1f1: {  	[spmem:s10] =	stream.linear.scatter [tilespmem:s31], [sflag:$0x5], $0x400, $0x38;
	[tilespmem:$0x11A80] =	vst v63  }
0x1f2: {  	_ =	swait.ge [sflag:s4], $0x400  }
0x1f3: {  	[sflag:s4] =	ssyncset.done $0x0  }
0x1f4: {  	s13 =	rddreg [dreg:$0xe];
	[sflag:s4] =	ssyncadd.s32 $0xFFFFFC00  }
0x1f5: {  	[spmem:s13] =	stream.linear.scatter [tilespmem:s1], [sflag:$0x5], $0x400, $0x38;
	[tilespmem:$0x11A80] =	vst v63  }
0x1f6: {  	_ =	swait.ge [sflag:s4], $0x400  }
0x1f7: {  	[sflag:s4] =	ssyncset.done $0x0  }
0x1f8: {  	[sflag:s4] =	ssyncadd.s32 $0xFFFFFC00  }
0x1f9: {  	[bflag:$0x0] =	sbarrier.arrive $0xFFFF  }
0x1fa: {  	s14 =	sld [smem:$0x7FA];
	_ =	sdelay $0x2  }
0x1fb: {  	[tilespmem:s31], [sflag:$0x5] =	stream.linear.gather [spmem:s14], $0x40, $0x38;
	[tilespmem:$0x11A80] =	vst v63  }
0x1fc: {  	_ =	swait.ge [sflag:s4], $0x40  }
0x1fd: {  	[sflag:s4] =	ssyncset.done $0x0  }
0x1fe: {  	[sflag:s4] =	ssyncadd.s32 $0xFFFFFFC0  }
0x1ff: {  	[tilespmem:s1], [sflag:$0x5] =	stream.linear.gather [spmem:s21], $0x40, $0x38;
	[tilespmem:$0x11A80] =	vst v63  }
0x200: {  	_ =	swait.ge [sflag:s4], $0x40  }
0x201: {  	[sflag:s4] =	ssyncset.done $0x0  }
0x202: {  	s16 =	simm.s32 $0x10040;
	s15 =	rddreg [dreg:$0xf];
	[sflag:s4] =	ssyncadd.s32 $0xFFFFFFC0  }
0x203: {  	[tilespmem:s16], [sflag:$0x5] =	stream.linear.gather [spmem:s15], $0x40, $0x38;
	[tilespmem:$0x11A80] =	vst v63  }
0x204: {  	_ =	swait.ge [sflag:s4], $0x40  }
0x205: {  	[sflag:s4] =	ssyncset.done $0x0  }
0x206: {  	s18 =	simm.s32 $0x10440;
	s17 =	rddreg [dreg:$0x10];
	[sflag:s4] =	ssyncadd.s32 $0xFFFFFFC0  }
0x207: {  	[tilespmem:s18], [sflag:$0x5] =	stream.linear.gather [spmem:s17], $0x40, $0x38;
	[tilespmem:$0x11A80] =	vst v63  }
0x208: {  	_ =	swait.ge [sflag:s4], $0x40  }
0x209: {  	[sflag:s4] =	ssyncset.done $0x0  }
0x20a: {  	s10 =	simm.s32 $0x10080;
	s9 =	rddreg [dreg:$0x11];
	[sflag:s4] =	ssyncadd.s32 $0xFFFFFFC0  }
0x20b: {  	[tilespmem:s10], [sflag:$0x5] =	stream.linear.gather [spmem:s9], $0x40, $0x38;
	[tilespmem:$0x11A80] =	vst v63  }
0x20c: {  	_ =	swait.ge [sflag:s4], $0x40  }
0x20d: {  	[sflag:s4] =	ssyncset.done $0x0  }
0x20e: {  	s14 =	simm.s32 $0x10480;
	s13 =	rddreg [dreg:$0x12];
	[sflag:s4] =	ssyncadd.s32 $0xFFFFFFC0  }
0x20f: {  	[tilespmem:s14], [sflag:$0x5] =	stream.linear.gather [spmem:s13], $0x40, $0x38;
	[tilespmem:$0x11A80] =	vst v63  }
0x210: {  	_ =	swait.ge [sflag:s4], $0x40  }
0x211: {  	[sflag:s4] =	ssyncset.done $0x0  }
0x212: {  	s16 =	simm.s32 $0x100C0;
	s15 =	rddreg [dreg:$0x13];
	[sflag:s4] =	ssyncadd.s32 $0xFFFFFFC0  }
0x213: {  	[tilespmem:s16], [sflag:$0x5] =	stream.linear.gather [spmem:s15], $0x40, $0x38;
	[tilespmem:$0x11A80] =	vst v63  }
0x214: {  	_ =	swait.ge [sflag:s4], $0x40  }
0x215: {  	[sflag:s4] =	ssyncset.done $0x0  }
0x216: {  	s18 =	simm.s32 $0x104C0;
	s17 =	rddreg [dreg:$0x14];
	[sflag:s4] =	ssyncadd.s32 $0xFFFFFFC0  }
0x217: {  	[tilespmem:s18], [sflag:$0x5] =	stream.linear.gather [spmem:s17], $0x40, $0x38;
	[tilespmem:$0x11A80] =	vst v63  }
0x218: {  	_ =	swait.ge [sflag:s4], $0x40  }
0x219: {  	[sflag:s4] =	ssyncset.done $0x0  }
0x21a: {  	s10 =	simm.s32 $0x10100;
	s9 =	rddreg [dreg:$0x15];
	[sflag:s4] =	ssyncadd.s32 $0xFFFFFFC0  }
0x21b: {  	[tilespmem:s10], [sflag:$0x5] =	stream.linear.gather [spmem:s9], $0x40, $0x38;
	[tilespmem:$0x11A80] =	vst v63  }
0x21c: {  	_ =	swait.ge [sflag:s4], $0x40  }
0x21d: {  	[sflag:s4] =	ssyncset.done $0x0  }
0x21e: {  	s14 =	simm.s32 $0x10500;
	s13 =	rddreg [dreg:$0x16];
	[sflag:s4] =	ssyncadd.s32 $0xFFFFFFC0  }
0x21f: {  	[tilespmem:s14], [sflag:$0x5] =	stream.linear.gather [spmem:s13], $0x40, $0x38;
	[tilespmem:$0x11A80] =	vst v63  }
0x220: {  	_ =	swait.ge [sflag:s4], $0x40  }
0x221: {  	[sflag:s4] =	ssyncset.done $0x0  }
0x222: {  	s16 =	simm.s32 $0x10140;
	s15 =	rddreg [dreg:$0x17];
	[sflag:s4] =	ssyncadd.s32 $0xFFFFFFC0  }
0x223: {  	[tilespmem:s16], [sflag:$0x5] =	stream.linear.gather [spmem:s15], $0x40, $0x38;
	[tilespmem:$0x11A80] =	vst v63  }
0x224: {  	_ =	swait.ge [sflag:s4], $0x40  }
0x225: {  	[sflag:s4] =	ssyncset.done $0x0  }
0x226: {  	s18 =	simm.s32 $0x10540;
	s17 =	rddreg [dreg:$0x18];
	[sflag:s4] =	ssyncadd.s32 $0xFFFFFFC0  }
0x227: {  	[tilespmem:s18], [sflag:$0x5] =	stream.linear.gather [spmem:s17], $0x40, $0x38;
	[tilespmem:$0x11A80] =	vst v63  }
0x228: {  	_ =	swait.ge [sflag:s4], $0x40  }
0x229: {  	[sflag:s4] =	ssyncset.done $0x0  }
0x22a: {  	s10 =	simm.s32 $0x10180;
	s9 =	rddreg [dreg:$0x19];
	[sflag:s4] =	ssyncadd.s32 $0xFFFFFFC0  }
0x22b: {  	[tilespmem:s10], [sflag:$0x5] =	stream.linear.gather [spmem:s9], $0x40, $0x38;
	[tilespmem:$0x11A80] =	vst v63  }
0x22c: {  	_ =	swait.ge [sflag:s4], $0x40  }
0x22d: {  	[sflag:s4] =	ssyncset.done $0x0  }
0x22e: {  	s14 =	simm.s32 $0x10580;
	s13 =	rddreg [dreg:$0x1a];
	[sflag:s4] =	ssyncadd.s32 $0xFFFFFFC0  }
0x22f: {  	[tilespmem:s14], [sflag:$0x5] =	stream.linear.gather [spmem:s13], $0x40, $0x38;
	[tilespmem:$0x11A80] =	vst v63  }
0x230: {  	_ =	swait.ge [sflag:s4], $0x40  }
0x231: {  	[sflag:s4] =	ssyncset.done $0x0  }
0x232: {  	s16 =	simm.s32 $0x101C0;
	s15 =	rddreg [dreg:$0x1b];
	[sflag:s4] =	ssyncadd.s32 $0xFFFFFFC0  }
0x233: {  	[tilespmem:s16], [sflag:$0x5] =	stream.linear.gather [spmem:s15], $0x40, $0x38;
	[tilespmem:$0x11A80] =	vst v63  }
0x234: {  	_ =	swait.ge [sflag:s4], $0x40  }
0x235: {  	[sflag:s4] =	ssyncset.done $0x0  }
0x236: {  	s18 =	simm.s32 $0x105C0;
	s17 =	rddreg [dreg:$0x1c];
	[sflag:s4] =	ssyncadd.s32 $0xFFFFFFC0  }
0x237: {  	[tilespmem:s18], [sflag:$0x5] =	stream.linear.gather [spmem:s17], $0x40, $0x38;
	[tilespmem:$0x11A80] =	vst v63  }
0x238: {  	_ =	swait.ge [sflag:s4], $0x40  }
0x239: {  	[sflag:s4] =	ssyncset.done $0x0  }
0x23a: {  	s10 =	simm.s32 $0x10200;
	s9 =	rddreg [dreg:$0x1d];
	[sflag:s4] =	ssyncadd.s32 $0xFFFFFFC0  }
0x23b: {  	[tilespmem:s10], [sflag:$0x5] =	stream.linear.gather [spmem:s9], $0x40, $0x38;
	[tilespmem:$0x11A80] =	vst v63  }
0x23c: {  	_ =	swait.ge [sflag:s4], $0x40  }
0x23d: {  	[sflag:s4] =	ssyncset.done $0x0  }
0x23e: {  	s14 =	simm.s32 $0x10600;
	s13 =	rddreg [dreg:$0x1e];
	[sflag:s4] =	ssyncadd.s32 $0xFFFFFFC0  }
0x23f: {  	[tilespmem:s14], [sflag:$0x5] =	stream.linear.gather [spmem:s13], $0x40, $0x38;
	[tilespmem:$0x11A80] =	vst v63  }
0x240: {  	_ =	swait.ge [sflag:s4], $0x40  }
0x241: {  	[sflag:s4] =	ssyncset.done $0x0  }
0x242: {  	s16 =	simm.s32 $0x10240;
	s15 =	rddreg [dreg:$0x1f];
	[sflag:s4] =	ssyncadd.s32 $0xFFFFFFC0  }
0x243: {  	[tilespmem:s16], [sflag:$0x5] =	stream.linear.gather [spmem:s15], $0x40, $0x38;
	[tilespmem:$0x11A80] =	vst v63  }
0x244: {  	_ =	swait.ge [sflag:s4], $0x40  }
0x245: {  	s17 =	sld [smem:$0x7EF]  }
0x246: {  	[sflag:s4] =	ssyncset.done $0x0  }
0x247: {  	s18 =	simm.s32 $0x10640;
	[sflag:s4] =	ssyncadd.s32 $0xFFFFFFC0  }
0x248: {  	[tilespmem:s18], [sflag:$0x5] =	stream.linear.gather [spmem:s17], $0x40, $0x38;
	[tilespmem:$0x11A80] =	vst v63  }
0x249: {  	_ =	swait.ge [sflag:s4], $0x40  }
0x24a: {  	s9 =	sld [smem:$0x7F0]  }
0x24b: {  	[sflag:s4] =	ssyncset.done $0x0  }
0x24c: {  	s10 =	simm.s32 $0x10280;
	[sflag:s4] =	ssyncadd.s32 $0xFFFFFFC0  }
0x24d: {  	[tilespmem:s10], [sflag:$0x5] =	stream.linear.gather [spmem:s9], $0x40, $0x38;
	[tilespmem:$0x11A80] =	vst v63  }
0x24e: {  	_ =	swait.ge [sflag:s4], $0x40  }
0x24f: {  	s13 =	sld [smem:$0x7F1]  }
0x250: {  	[sflag:s4] =	ssyncset.done $0x0  }
0x251: {  	s14 =	simm.s32 $0x10680;
	[sflag:s4] =	ssyncadd.s32 $0xFFFFFFC0  }
0x252: {  	[tilespmem:s14], [sflag:$0x5] =	stream.linear.gather [spmem:s13], $0x40, $0x38;
	[tilespmem:$0x11A80] =	vst v63  }
0x253: {  	_ =	swait.ge [sflag:s4], $0x40  }
0x254: {  	s15 =	sld [smem:$0x7F2]  }
0x255: {  	[sflag:s4] =	ssyncset.done $0x0  }
0x256: {  	s16 =	simm.s32 $0x102C0;
	[sflag:s4] =	ssyncadd.s32 $0xFFFFFFC0  }
0x257: {  	[tilespmem:s16], [sflag:$0x5] =	stream.linear.gather [spmem:s15], $0x40, $0x38;
	[tilespmem:$0x11A80] =	vst v63  }
0x258: {  	_ =	swait.ge [sflag:s4], $0x40  }
0x259: {  	s17 =	sld [smem:$0x7F3]  }
0x25a: {  	[sflag:s4] =	ssyncset.done $0x0  }
0x25b: {  	s18 =	simm.s32 $0x106C0;
	[sflag:s4] =	ssyncadd.s32 $0xFFFFFFC0  }
0x25c: {  	[tilespmem:s18], [sflag:$0x5] =	stream.linear.gather [spmem:s17], $0x40, $0x38;
	[tilespmem:$0x11A80] =	vst v63  }
0x25d: {  	_ =	swait.ge [sflag:s4], $0x40  }
0x25e: {  	s9 =	sld [smem:$0x7F4]  }
0x25f: {  	[sflag:s4] =	ssyncset.done $0x0  }
0x260: {  	s10 =	simm.s32 $0x10300;
	[sflag:s4] =	ssyncadd.s32 $0xFFFFFFC0  }
0x261: {  	[tilespmem:s10], [sflag:$0x5] =	stream.linear.gather [spmem:s9], $0x40, $0x38;
	[tilespmem:$0x11A80] =	vst v63  }
0x262: {  	_ =	swait.ge [sflag:s4], $0x40  }
0x263: {  	s13 =	sld [smem:$0x7F5]  }
0x264: {  	[sflag:s4] =	ssyncset.done $0x0  }
0x265: {  	s14 =	simm.s32 $0x10700;
	[sflag:s4] =	ssyncadd.s32 $0xFFFFFFC0  }
0x266: {  	[tilespmem:s14], [sflag:$0x5] =	stream.linear.gather [spmem:s13], $0x40, $0x38;
	[tilespmem:$0x11A80] =	vst v63  }
0x267: {  	_ =	swait.ge [sflag:s4], $0x40  }
0x268: {  	s15 =	sld [smem:$0x7F6]  }
0x269: {  	[sflag:s4] =	ssyncset.done $0x0  }
0x26a: {  	s16 =	simm.s32 $0x10340;
	[sflag:s4] =	ssyncadd.s32 $0xFFFFFFC0  }
0x26b: {  	[tilespmem:s16], [sflag:$0x5] =	stream.linear.gather [spmem:s15], $0x40, $0x38;
	[tilespmem:$0x11A80] =	vst v63  }
0x26c: {  	_ =	swait.ge [sflag:s4], $0x40  }
0x26d: {  	s17 =	sld [smem:$0x7F7]  }
0x26e: {  	[sflag:s4] =	ssyncset.done $0x0  }
0x26f: {  	s18 =	simm.s32 $0x10740;
	[sflag:s4] =	ssyncadd.s32 $0xFFFFFFC0  }
0x270: {  	[tilespmem:s18], [sflag:$0x5] =	stream.linear.gather [spmem:s17], $0x40, $0x38;
	[tilespmem:$0x11A80] =	vst v63  }
0x271: {  	_ =	swait.ge [sflag:s4], $0x40  }
0x272: {  	s9 =	sld [smem:$0x7F8]  }
0x273: {  	[sflag:s4] =	ssyncset.done $0x0  }
0x274: {  	s10 =	simm.s32 $0x10380;
	[sflag:s4] =	ssyncadd.s32 $0xFFFFFFC0  }
0x275: {  	[tilespmem:s10], [sflag:$0x5] =	stream.linear.gather [spmem:s9], $0x40, $0x38;
	[tilespmem:$0x11A80] =	vst v63  }
0x276: {  	_ =	swait.ge [sflag:s4], $0x40  }
0x277: {  	s13 =	sld [smem:$0x7F9]  }
0x278: {  	[sflag:s4] =	ssyncset.done $0x0  }
0x279: {  	s14 =	simm.s32 $0x10780;
	[sflag:s4] =	ssyncadd.s32 $0xFFFFFFC0  }
0x27a: {  	[tilespmem:s14], [sflag:$0x5] =	stream.linear.gather [spmem:s13], $0x40, $0x38;
	[tilespmem:$0x11A80] =	vst v63  }
0x27b: {  	_ =	swait.ge [sflag:s4], $0x40  }
0x27c: {  	[sflag:s4] =	ssyncset.done $0x0  }
0x27d: {  	s15 =	simm.s32 $0x103C0;
	[sflag:s4] =	ssyncadd.s32 $0xFFFFFFC0  }
0x27e: {  	[tilespmem:s15], [sflag:$0x5] =	stream.linear.gather [spmem:s19], $0x40, $0x38;
	[tilespmem:$0x11A80] =	vst v63  }
0x27f: {  	_ =	swait.ge [sflag:s4], $0x40  }
0x280: {  	[sflag:s4] =	ssyncset.done $0x0  }
0x281: {  	s16 =	simm.s32 $0x107C0;
	[sflag:s4] =	ssyncadd.s32 $0xFFFFFFC0  }
0x282: {  	[tilespmem:s16], [sflag:$0x5] =	stream.linear.gather [spmem:s20], $0x40, $0x38;
	[tilespmem:$0x11A80] =	vst v63  }
0x283: {  	_ =	swait.ge [sflag:s4], $0x40  }
0x284: {  	[sflag:s4] =	ssyncset.done $0x0  }
0x285: {  	[sflag:s4] =	ssyncadd.s32 $0xFFFFFFC0  }
0x286: {  	v2 =	vld [tilespmem:$0x10000]  }
0x287: {  	v3 =	vld [tilespmem:$0x10400]  }
0x288: {  	v4 =	vld [tilespmem:$0x10040]  }
0x289: {  	v5 =	vld [tilespmem:$0x10440]  }
0x28a: {  	v6 =	vld [tilespmem:$0x10080]  }
0x28b: {  	v7 =	vld [tilespmem:$0x10480]  }
0x28c: {  	v8 =	vld [tilespmem:$0x100C0]  }
0x28d: {  	v9 =	vld [tilespmem:$0x104C0]  }
0x28e: {  	v10 =	vld [tilespmem:$0x10100]  }
0x28f: {  	v11 =	vld [tilespmem:$0x10500]  }
0x290: {  	v12 =	vld [tilespmem:$0x10140]  }
0x291: {  	v13 =	vld [tilespmem:$0x10540]  }
0x292: {  	v14 =	vld [tilespmem:$0x10180]  }
0x293: {  	v15 =	vld [tilespmem:$0x10580]  }
0x294: {  	v16 =	vld [tilespmem:$0x101C0]  }
0x295: {  	v17 =	vld [tilespmem:$0x105C0]  }
0x296: {  	v18 =	vld [tilespmem:$0x10200]  }
0x297: {  	v21 =	vld [tilespmem:$0x10600]  }
0x298: {  	v23 =	vld [tilespmem:$0x10240]  }
0x299: {  	v27 =	vld [tilespmem:$0x10640]  }
0x29a: {  	v29 =	vld [tilespmem:$0x10280]  }
0x29b: {  	v30 =	vld [tilespmem:$0x10680]  }
0x29c: {  	v31 =	vld [tilespmem:$0x102C0]  }
0x29d: {  	v32 =	vld [tilespmem:$0x106C0]  }
0x29e: {  	v33 =	vld [tilespmem:$0x10300]  }
0x29f: {  	v19 =	vld [tilespmem:$0x10700]  }
0x2a0: {  	v36 =	vld [tilespmem:$0x10340]  }
0x2a1: {  	v37 =	vld [tilespmem:$0x10740]  }
0x2a2: {  	v38 =	vld [tilespmem:$0x10380]  }
0x2a3: {  	v39 =	vld [tilespmem:$0x10780]  }
0x2a4: {  	v40 =	vld [tilespmem:$0x103C0]  }
0x2a5: {  	v41 =	vld [tilespmem:$0x107C0]  }
0x2a6: {  	v34 =	vld [tilespmem:$0x10010]  }
0x2a7: {  	v35 =	vld [tilespmem:$0x10410]  }
0x2a8: {  	v42 =	vld [tilespmem:$0x10110]  }
0x2a9: {  	v43 =	vld [tilespmem:$0x10510]  }
0x2aa: {  	v44 =	vld [tilespmem:$0x10150]  }
0x2ab: {  	v45 =	vld [tilespmem:$0x10550]  }
0x2ac: {  	v46 =	vld [tilespmem:$0x10190]  }
0x2ad: {  	v47 =	vld [tilespmem:$0x10590]  }
0x2ae: {  	v48 =	vld [tilespmem:$0x101D0]  }
0x2af: {  	v49 =	vld [tilespmem:$0x105D0]  }
0x2b0: {  	v50 =	vld [tilespmem:$0x10210]  }
0x2b1: {  	v51 =	vld [tilespmem:$0x10610]  }
0x2b2: {  	v52 =	vld [tilespmem:$0x10250]  }
0x2b3: {  	v53 =	vld [tilespmem:$0x10650]  }
0x2b4: {  	v54 =	vld [tilespmem:$0x10290]  }
0x2b5: {  	v55 =	vld [tilespmem:$0x10690]  }
0x2b6: {  	v56 =	vld [tilespmem:$0x102D0]  }
0x2b7: {  	v57 =	vld [tilespmem:$0x106D0]  }
0x2b8: {  	v58 =	vld [tilespmem:$0x10310]  }
0x2b9: {  	v59 =	vld [tilespmem:$0x10710]  }
0x2ba: {  	v60 =	vld [tilespmem:$0x10350]  }
0x2bb: {  	v61 =	vld [tilespmem:$0x10750]  }
0x2bc: {  	v62 =	vld [tilespmem:$0x10390]  }
0x2bd: {  	v63 =	vld [tilespmem:$0x10790]  }
0x2be: {  	v20 =	vld [tilespmem:$0x103D0]  }
0x2bf: {  	v24 =	vld [tilespmem:$0x107D0]  }
0x2c0: {  	v22 =	vld [tilespmem:$0x10420]  }
0x2c1: {  	v25 =	vld [tilespmem:$0x10060]  }
0x2c2: {  	v26 =	vld [tilespmem:$0x10460]  }
0x2c3: {  	v28 =	vld [tilespmem:$0x100A0]  }
0x2c4: {  	[tilespmem:$0x1FFA0] =	vst v36;
	v36 =	vld [tilespmem:$0x10050]  }
0x2c5: {  	[tilespmem:$0x1FFB0] =	vst v37;
	v37 =	vld [tilespmem:$0x10450]  }
0x2c6: {  	[tilespmem:$0x1FFC0] =	vst v38;
	v38 =	vld [tilespmem:$0x10090]  }
0x2c7: {  	[tilespmem:$0x1FFD0] =	vst v39;
	v39 =	vld [tilespmem:$0x10490]  }
0x2c8: {  	[tilespmem:$0x1FFE0] =	vst v40;
	v40 =	vld [tilespmem:$0x100D0]  }
0x2c9: {  	[tilespmem:$0x1FFF0] =	vst v41;
	v41 =	vld [tilespmem:$0x104D0];
	v2 =	vadd.f32 $0.0e+00, v2  }
0x2ca: {  	[tilespmem:$0x1FF90] =	vst v19;
	v19 =	vld [tilespmem:$0x10020];
	v3 =	vadd.f32 $0.0e+00, v3  }
0x2cb: {  	v2 =	vadd.f32 v4, v2;
	v4 =	vadd.f32 $0.0e+00, v34;
	v34 =	vld [tilespmem:$0x104A0]  }
0x2cc: {  	v3 =	vadd.f32 v5, v3;
	v5 =	vadd.f32 $0.0e+00, v35;
	v35 =	vld [tilespmem:$0x100E0]  }
0x2cd: {  	v2 =	vadd.f32 v6, v2;
	v6 =	vld [tilespmem:$0x104E0]  }
0x2ce: {  	v3 =	vadd.f32 v7, v3;
	v7 =	vld [tilespmem:$0x10120]  }
0x2cf: {  	v4 =	vadd.f32 v36, v4;
	v36 =	vld [tilespmem:$0x103A0]  }
0x2d0: {  	v5 =	vadd.f32 v37, v5;
	v37 =	vld [tilespmem:$0x107A0]  }
0x2d1: {  	v2 =	vadd.f32 v8, v2;
	v8 =	vld [tilespmem:$0x10520]  }
0x2d2: {  	v3 =	vadd.f32 v9, v3;
	v9 =	vld [tilespmem:$0x10160]  }
0x2d3: {  	v4 =	vadd.f32 v38, v4;
	v38 =	vld [tilespmem:$0x103E0]  }
0x2d4: {  	v5 =	vadd.f32 v39, v5;
	v39 =	vld [tilespmem:$0x107E0]  }
0x2d5: {  	v19 =	vadd.f32 $0.0e+00, v19;
	v2 =	vadd.f32 v10, v2;
	v10 =	vld [tilespmem:$0x10560]  }
0x2d6: {  	v3 =	vadd.f32 v11, v3;
	v11 =	vld [tilespmem:$0x101A0]  }
0x2d7: {  	v19 =	vadd.f32 v25, v19;
	v5 =	vadd.f32 v41, v5;
	v41 =	vld [tilespmem:$0x105B0]  }
0x2d8: {  	v4 =	vadd.f32 v40, v4;
	v2 =	vadd.f32 v12, v2;
	v12 =	vld [tilespmem:$0x105A0]  }
0x2d9: {  	v3 =	vadd.f32 v13, v3;
	v13 =	vld [tilespmem:$0x101E0]  }
0x2da: {  	v19 =	vadd.f32 v28, v19;
	v4 =	vadd.f32 v42, v4;
	v42 =	vld [tilespmem:$0x1FF90]  }
0x2db: {  	v22 =	vadd.f32 $0.0e+00, v22;
	v5 =	vadd.f32 v43, v5;
	v43 =	vld [tilespmem:$0x1FFA0]  }
0x2dc: {  	v19 =	vadd.f32 v35, v19;
	v35 =	vld [tilespmem:$0x101B0]  }
0x2dd: {  	v22 =	vadd.f32 v26, v22;
	v2 =	vadd.f32 v14, v2;
	v14 =	vld [tilespmem:$0x105E0]  }
0x2de: {  	v3 =	vadd.f32 v15, v3;
	v15 =	vld [tilespmem:$0x10220]  }
0x2df: {  	v22 =	vadd.f32 v34, v22;
	v4 =	vadd.f32 v44, v4;
	v44 =	vld [tilespmem:$0x1FFB0]  }
0x2e0: {  	v5 =	vadd.f32 v45, v5;
	v45 =	vld [tilespmem:$0x1FFC0]  }
0x2e1: {  	v6 =	vadd.f32 v6, v22;
	v2 =	vadd.f32 v16, v2;
	v16 =	vld [tilespmem:$0x10620]  }
0x2e2: {  	v3 =	vadd.f32 v17, v3;
	v17 =	vld [tilespmem:$0x10260]  }
0x2e3: {  	v6 =	vadd.f32 v8, v6;
	v4 =	vadd.f32 v46, v4;
	v46 =	vld [tilespmem:$0x1FFD0]  }
0x2e4: {  	v7 =	vadd.f32 v7, v19;
	v5 =	vadd.f32 v47, v5;
	v47 =	vld [tilespmem:$0x10030]  }
0x2e5: {  	v2 =	vadd.f32 v18, v2;
	v18 =	vld [tilespmem:$0x10660];
	v4 =	vadd.f32 v48, v4  }
0x2e6: {  	v3 =	vadd.f32 v21, v3;
	v21 =	vld [tilespmem:$0x102A0];
	v5 =	vadd.f32 v49, v5  }
0x2e7: {  	v6 =	vadd.f32 v10, v6;
	v48 =	vld [tilespmem:$0x1FFE0];
	v4 =	vadd.f32 v50, v4  }
0x2e8: {  	v7 =	vadd.f32 v9, v7;
	v49 =	vld [tilespmem:$0x10430];
	v5 =	vadd.f32 v51, v5  }
0x2e9: {  	v2 =	vadd.f32 v23, v2;
	v23 =	vld [tilespmem:$0x106A0];
	v4 =	vadd.f32 v52, v4  }
0x2ea: {  	v3 =	vadd.f32 v27, v3;
	v27 =	vld [tilespmem:$0x102E0];
	v5 =	vadd.f32 v53, v5  }
0x2eb: {  	v6 =	vadd.f32 v12, v6;
	v50 =	vld [tilespmem:$0x1FFF0];
	v4 =	vadd.f32 v54, v4  }
0x2ec: {  	v7 =	vadd.f32 v11, v7;
	v51 =	vld [tilespmem:$0x10070];
	v5 =	vadd.f32 v55, v5  }
0x2ed: {  	v2 =	vadd.f32 v29, v2;
	v29 =	vld [tilespmem:$0x106E0];
	v4 =	vadd.f32 v56, v4  }
0x2ee: {  	v3 =	vadd.f32 v30, v3;
	v30 =	vld [tilespmem:$0x10320];
	v5 =	vadd.f32 v57, v5  }
0x2ef: {  	v6 =	vadd.f32 v14, v6;
	v52 =	vld [tilespmem:$0x10470];
	v4 =	vadd.f32 v58, v4  }
0x2f0: {  	v7 =	vadd.f32 v13, v7;
	v53 =	vld [tilespmem:$0x100B0];
	v5 =	vadd.f32 v59, v5  }
0x2f1: {  	v2 =	vadd.f32 v31, v2;
	v31 =	vld [tilespmem:$0x10720];
	v4 =	vadd.f32 v60, v4  }
0x2f2: {  	v54 =	vadd.f32 $0.0e+00, v47;
	v55 =	vld [tilespmem:$0x104B0];
	v5 =	vadd.f32 v61, v5  }
0x2f3: {  	v56 =	vadd.f32 $0.0e+00, v49;
	v57 =	vld [tilespmem:$0x100F0];
	v4 =	vadd.f32 v62, v4  }
0x2f4: {  	v25 =	vadd.f32 v51, v54;
	v58 =	vld [tilespmem:$0x104F0];
	v5 =	vadd.f32 v63, v5  }
0x2f5: {  	v59 =	vld [tilespmem:$0x10130];
	v4 =	vadd.f32 v20, v4;
	v20 =	vadd.f32 v52, v56  }
0x2f6: {  	v60 =	vld [tilespmem:$0x10530];
	v5 =	vadd.f32 v24, v5;
	v24 =	vadd.f32 v53, v25  }
0x2f7: {  	v6 =	vadd.f32 v16, v6;
	v61 =	vld [tilespmem:$0x10170];
	v20 =	vadd.f32 v55, v20  }
0x2f8: {  	v7 =	vadd.f32 v15, v7;
	v63 =	vld [tilespmem:$0x10570];
	v62 =	vadd.f32 v57, v24  }
0x2f9: {  	v3 =	vadd.f32 v32, v3;
	v32 =	vld [tilespmem:$0x10360];
	v34 =	vadd.f32 v58, v20  }
0x2fa: {  	v47 =	vld [tilespmem:$0x10670];
	v2 =	vadd.f32 v33, v2;
	v40 =	vadd.f32 v59, v62  }
0x2fb: {  	v3 =	vadd.f32 v42, v3;
	v42 =	vld [tilespmem:$0x101F0];
	v8 =	vadd.f32 v60, v34  }
0x2fc: {  	v2 =	vadd.f32 v43, v2;
	v43 =	vld [tilespmem:$0x105F0];
	v9 =	vadd.f32 v61, v40  }
0x2fd: {  	v3 =	vadd.f32 v44, v3;
	v44 =	vld [tilespmem:$0x10230];
	v8 =	vadd.f32 v63, v8  }
0x2fe: {  	v2 =	vadd.f32 v45, v2;
	v45 =	vld [tilespmem:$0x10630];
	v9 =	vadd.f32 v35, v9  }
0x2ff: {  	v3 =	vadd.f32 v46, v3;
	v46 =	vld [tilespmem:$0x10270];
	v8 =	vadd.f32 v41, v8  }
0x300: {  	v6 =	vadd.f32 v18, v6;
	v33 =	vld [tilespmem:$0x10760];
	v9 =	vadd.f32 v42, v9  }
0x301: {  	v2 =	vadd.f32 v48, v2;
	v48 =	vld [tilespmem:$0x102B0];
	v8 =	vadd.f32 v43, v8  }
0x302: {  	v7 =	vadd.f32 v17, v7;
	v49 =	vld [tilespmem:$0x106B0];
	v9 =	vadd.f32 v44, v9  }
0x303: {  	v3 =	vadd.f32 v50, v3;
	v50 =	vld [tilespmem:$0x102F0];
	v8 =	vadd.f32 v45, v8  }
0x304: {  	v7 =	vadd.f32 v21, v7;
	v51 =	vld [tilespmem:$0x106F0];
	v9 =	vadd.f32 v46, v9  }
0x305: {  	v6 =	vadd.f32 v23, v6;
	v52 =	vld [tilespmem:$0x10330];
	v8 =	vadd.f32 v47, v8  }
0x306: {  	v7 =	vadd.f32 v27, v7;
	v53 =	vld [tilespmem:$0x10730];
	v9 =	vadd.f32 v48, v9  }
0x307: {  	v6 =	vadd.f32 v29, v6;
	v54 =	vld [tilespmem:$0x10370];
	v8 =	vadd.f32 v49, v8  }
0x308: {  	v7 =	vadd.f32 v30, v7;
	v55 =	vld [tilespmem:$0x10770];
	v9 =	vadd.f32 v50, v9  }
0x309: {  	v6 =	vadd.f32 v31, v6;
	v56 =	vld [tilespmem:$0x103B0];
	v8 =	vadd.f32 v51, v8  }
0x30a: {  	v7 =	vadd.f32 v32, v7;
	v57 =	vld [tilespmem:$0x107B0];
	v9 =	vadd.f32 v52, v9  }
0x30b: {  	v6 =	vadd.f32 v33, v6;
	v58 =	vld [tilespmem:$0x103F0];
	v8 =	vadd.f32 v53, v8  }
0x30c: {  	[tilespmem:$0x10800] =	vst v2;
	v2 =	vadd.f32 v36, v7;
	v60 =	vld [tilespmem:$0x107F0];
	v59 =	vadd.f32 v54, v9  }
0x30d: {  	[tilespmem:$0x10880] =	vst v3;
	v3 =	vadd.f32 v37, v6;
	v61 =	vadd.f32 v55, v8  }
0x30e: {  	[tilespmem:$0x10810] =	vst v4;
	v2 =	vadd.f32 v38, v2;
	v62 =	vadd.f32 v56, v59  }
0x30f: {  	v3 =	vadd.f32 v39, v3;
	[tilespmem:$0x10890] =	vst v5;
	v63 =	vadd.f32 v57, v61  }
0x310: {  	[tilespmem:$0x10820] =	vst v2;
	v2 =	vadd.f32 v58, v62  }
0x311: {  	[tilespmem:$0x108A0] =	vst v3;
	v3 =	vadd.f32 v60, v63  }
0x312: {  	[tilespmem:$0x10830] =	vst v2  }
0x313: {  	s17 =	simm.s32 $0x10800;
	[tilespmem:$0x108B0] =	vst v3  }
0x314: {  	[spmem:s22] =	stream.linear.scatter [tilespmem:s17], [sflag:$0x5], $0x40, $0x38;
	[tilespmem:$0x11A80] =	vst v63  }
0x315: {  	_ =	swait.ge [sflag:s4], $0x40  }
0x316: {  	[sflag:s4] =	ssyncset.done $0x0  }
0x317: {  	s18 =	simm.s32 $0x10880;
	[sflag:s4] =	ssyncadd.s32 $0xFFFFFFC0  }
0x318: {  	[spmem:s23] =	stream.linear.scatter [tilespmem:s18], [sflag:$0x5], $0x40, $0x38;
	[tilespmem:$0x11A80] =	vst v63  }
.Ltmp6:
0x319: {  	_ =	swait.ge [sflag:s4], $0x40;
	(pc) =	sbr.rel @p0 .LBB2_11-.Ltmp6, $3  }
0x31a: {  	[sflag:s4] =	ssyncset.done $0x0  }
0x31b: {  	[sflag:s4] =	ssyncadd.s32 $0xFFFFFFC0  }
0x31c: {  	[bflag:$0x0] =	sbarrier.arrive $0xFFFF;
	_ =	sdelay $0x1  }
0x31d: {  	s9 =	sld [smem:$0x7FB]  }
0x31e: {  	s8 =	rddreg [dreg:$0x5]  }
0x31f: {  	s10 =	simm.s32 $0x1C05;
	s8 =	sshrl.u32 s8, $0x3  }
0x320: {  	[hbm:s9], [sflag:s10] =	dma.local [spmem:s8], $0x80  }
0x321: {  	_ =	swait.ge [sflag:s4], $0x80  }
0x322: {  	[sflag:s4] =	ssyncset.done $0x0  }
0x323: {  	s14 =	sld [smem:$0x7FC];
	[sflag:s4] =	ssyncadd.s32 $0xFFFFFF80  }
0x324: {  	s13 =	rddreg [dreg:$0x6]  }
0x325: {  	s8 =	sshrl.u32 s13, $0x3  }
0x326: {  	[hbm:s14], [sflag:s10] =	dma.local [spmem:s8], $0x80  }
0x327: {  	_ =	swait.ge [sflag:s4], $0x80  }
0x328: {  	[sflag:s4] =	ssyncset.done $0x0  }
0x329: {  	[sflag:s4] =	ssyncadd.s32 $0xFFFFFF80  }
0x32a: {  	s16 =	simm.s32 $0x10900;
	s15 =	rddreg [dreg:$0x2]  }
0x32b: {  	[tilespmem:s16], [sflag:$0x5] =	stream.linear.gather [spmem:s15], $0x800, $0x38;
	[tilespmem:$0x11A80] =	vst v63  }
0x32c: {  	_ =	swait.ge [sflag:s4], $0x800  }
0x32d: {  	[sflag:s4] =	ssyncset.done $0x0  }
0x32e: {  	[sflag:s4] =	ssyncadd.s32 $0xFFFFF800  }
0x32f: {  	v2 =	vld [tilespmem:$0x10900]  }
0x330: {  	v3 =	vld [tilespmem:$0x10980]  }
0x331: {  	v4 =	vld [tilespmem:$0x10A00]  }
0x332: {  	v5 =	vld [tilespmem:$0x10A80]  }
0x333: {  	v6 =	vld [tilespmem:$0x10B00]  }
0x334: {  	v7 =	vld [tilespmem:$0x10B80]  }
0x335: {  	v8 =	vld [tilespmem:$0x10C00]  }
0x336: {  	v9 =	vld [tilespmem:$0x10C80]  }
0x337: {  	v10 =	vld [tilespmem:$0x10D00]  }
0x338: {  	v11 =	vld [tilespmem:$0x10D80]  }
0x339: {  	v12 =	vld [tilespmem:$0x10E00]  }
0x33a: {  	v13 =	vld [tilespmem:$0x10E80]  }
0x33b: {  	v14 =	vld [tilespmem:$0x10F00]  }
0x33c: {  	v15 =	vld [tilespmem:$0x10F80]  }
0x33d: {  	v16 =	vld [tilespmem:$0x11000]  }
0x33e: {  	v17 =	vld [tilespmem:$0x11080]  }
0x33f: {  	v18 =	vld [tilespmem:$0x10910]  }
0x340: {  	v19 =	vld [tilespmem:$0x10920]  }
0x341: {  	v20 =	vld [tilespmem:$0x10990]  }
0x342: {  	v21 =	vld [tilespmem:$0x109A0]  }
0x343: {  	v22 =	vld [tilespmem:$0x10A10];
	v2 =	vadd.f32 $0.0e+00, v2  }
0x344: {  	v23 =	vld [tilespmem:$0x10A20];
	v18 =	vadd.f32 $0.0e+00, v18  }
0x345: {  	v19 =	vadd.f32 $0.0e+00, v19;
	v2 =	vadd.f32 v3, v2;
	v3 =	vld [tilespmem:$0x10A90]  }
0x346: {  	v38 =	vld [tilespmem:$0x10AA0];
	v18 =	vadd.f32 v20, v18  }
0x347: {  	v40 =	vld [tilespmem:$0x10B10];
	v39 =	vadd.f32 v21, v19;
	v2 =	vadd.f32 v4, v2  }
0x348: {  	v41 =	vld [tilespmem:$0x10B20];
	v18 =	vadd.f32 v22, v18  }
0x349: {  	v42 =	vld [tilespmem:$0x10B90];
	v4 =	vadd.f32 v23, v39;
	v2 =	vadd.f32 v5, v2  }
0x34a: {  	v43 =	vld [tilespmem:$0x10BA0];
	v3 =	vadd.f32 v3, v18  }
0x34b: {  	v44 =	vld [tilespmem:$0x10C10];
	v4 =	vadd.f32 v38, v4;
	v2 =	vadd.f32 v6, v2  }
0x34c: {  	v45 =	vld [tilespmem:$0x10C20];
	v3 =	vadd.f32 v40, v3  }
0x34d: {  	v46 =	vld [tilespmem:$0x10C90];
	v4 =	vadd.f32 v41, v4;
	v2 =	vadd.f32 v7, v2  }
0x34e: {  	v47 =	vld [tilespmem:$0x10CA0];
	v3 =	vadd.f32 v42, v3  }
0x34f: {  	v48 =	vld [tilespmem:$0x10D10];
	v4 =	vadd.f32 v43, v4;
	v2 =	vadd.f32 v8, v2  }
0x350: {  	v49 =	vld [tilespmem:$0x10D20];
	v3 =	vadd.f32 v44, v3  }
0x351: {  	v50 =	vld [tilespmem:$0x10D90];
	v4 =	vadd.f32 v45, v4;
	v2 =	vadd.f32 v9, v2  }
0x352: {  	v51 =	vld [tilespmem:$0x10DA0];
	v3 =	vadd.f32 v46, v3  }
0x353: {  	v52 =	vld [tilespmem:$0x10E10];
	v4 =	vadd.f32 v47, v4;
	v2 =	vadd.f32 v10, v2  }
0x354: {  	v53 =	vld [tilespmem:$0x10E20];
	v3 =	vadd.f32 v48, v3  }
0x355: {  	v54 =	vld [tilespmem:$0x10E90];
	v4 =	vadd.f32 v49, v4;
	v2 =	vadd.f32 v11, v2  }
0x356: {  	v55 =	vld [tilespmem:$0x10EA0];
	v3 =	vadd.f32 v50, v3  }
0x357: {  	v56 =	vld [tilespmem:$0x10F10];
	v4 =	vadd.f32 v51, v4;
	v2 =	vadd.f32 v12, v2  }
0x358: {  	v57 =	vld [tilespmem:$0x10F20];
	v3 =	vadd.f32 v52, v3  }
0x359: {  	v58 =	vld [tilespmem:$0x10F90];
	v4 =	vadd.f32 v53, v4;
	v2 =	vadd.f32 v13, v2  }
0x35a: {  	v59 =	vld [tilespmem:$0x10FA0];
	v3 =	vadd.f32 v54, v3  }
0x35b: {  	v60 =	vld [tilespmem:$0x11010];
	v4 =	vadd.f32 v55, v4;
	v2 =	vadd.f32 v14, v2  }
0x35c: {  	v61 =	vld [tilespmem:$0x11020];
	v3 =	vadd.f32 v56, v3  }
0x35d: {  	v62 =	vld [tilespmem:$0x11090];
	v4 =	vadd.f32 v57, v4;
	v2 =	vadd.f32 v15, v2  }
0x35e: {  	v63 =	vld [tilespmem:$0x110A0];
	v3 =	vadd.f32 v58, v3  }
0x35f: {  	v4 =	vadd.f32 v59, v4;
	v2 =	vadd.f32 v16, v2  }
0x360: {  	v3 =	vadd.f32 v60, v3  }
0x361: {  	v4 =	vadd.f32 v61, v4;
	v2 =	vadd.f32 v17, v2  }
0x362: {  	v3 =	vadd.f32 v62, v3  }
0x363: {  	s17 =	sld [smem:$0x7FD];
	[tilespmem:$0x11100] =	vst v2;
	v2 =	vadd.f32 v63, v4  }
0x364: {  	[tilespmem:$0x11110] =	vst v3  }
.Ltmp7:
0x365: {  	s18 =	simm.s32 $0x11100;
	[tilespmem:$0x11120] =	vst v2;
	(pc) =	sbr.rel .LBB2_11-.Ltmp7, $4  }
0x366: {  	[hbm4b:s17+s5] =	stream.linear.scatter [tilespmem:s18], [sflag:$0x5], $0x80, $0x38;
	[tilespmem:$0x11A80] =	vst v63  }
0x367: {  	_ =	swait.ge [sflag:s4], $0x80  }
0x368: {  	[sflag:s4] =	ssyncset.done $0x0  }
0x369: {  	[sflag:s4] =	ssyncadd.s32 $0xFFFFFF80  }
.LBB2_12:
0x36a: {  	_ =	sfence.sel $0x180000  }
0x36b: {  	[bflag:$0x0] =	sbarrier.arrive $0xFFFF  }
0x36c: {  	_ =	strace $0x90000047  }
0x36d: {  	[bflag:$0x2] =	sbarrier.arrive $0xFFFF  }
0x36e: {  	s0 =	rddreg [dreg:$0x7]  }
0x36f: {  	s0 =	sadd.s32 @!p0 $0x100000, s0  }
0x370: {  	[sflag:s0] =	ssyncadd.tile.s32 @!p0 $0x1;
	_ =	shalt  }
.Lfunc_end2:
_tile_overlayer_lowered:
.L_overlay_start_2:
0x371: {  	(tag) =	ssettag $0x2  }
0x372: {  	s0 =	rddreg [dreg:$0x0];
	s2 =	stileid.u32  }
0x373: {  	s1 =	rddreg [dreg:$0x1];
	p0 =	sne.s32 s2, $0x0  }
0x374: {  	s3 =	rddreg [dreg:$0x2];
	[bflag:$0x3] =	sbarrier.arrive $0xFFFF;
	s2 =	simm.s32 @!p0 $0x1C05  }
0x375: {  	[timem:s3], [sflag:s2] =	dma.local @!p0 [hbm:s0], s1  }
0x376: {  	s0 =	simm.s32 @!p0 $0x5  }
0x377: {  	_ =	swait.ge @!p0 [sflag:s0], s1  }
0x378: {  	s1 =	ssub.s32 @!p0 $0x0, s1;
	[sflag:s0] =	ssyncset.done @!p0 $0x0  }
0x379: {  	[sflag:s0] =	ssyncadd.s32 @!p0 s1  }
0x37a: {  	[bflag:$0x3] =	sbarrier.arrive $0xFFFF  }
0x37b: {  	_ =	shalt  }

// kernel: branch_1_fun.7.cloned.1.call-start
scs
__scs_entry_jumppad:
0x0: {  	(pc) =	sbr.rel $0x88, $3  }
0x1: {  	(tag) =	ssettag $0x0;
	lr =	simm.s32 $0x1  }
0x2: {  	[smem:$0x3F9F] =	sst lr;
	_ =	strace $0xD0000000  }
0x3: {  	_ = 	snop  }
0x4: {  	_ = 	snop  }
0x5: {  	_ = 	snop  }
0x6: {  	_ = 	snop  }
0x7: {  	_ = 	snop  }
__scs_overlays_trampoline_lowered:
0x8: {  	[smem:$0x3FAE] =	sst s0  }
0x9: {  	[smem:$0x3FAF] =	sst s1  }
0xa: {  	[smem:$0x3FB0] =	sst s2  }
0xb: {  	[smem:$0x3FB1] =	sst s3  }
0xc: {  	[smem:$0x3FB2] =	sst s4  }
0xd: {  	[smem:$0x3FB3] =	sst s5  }
0xe: {  	[smem:$0x3FB4] =	sst s6  }
0xf: {  	[smem:$0x3FB5] =	sst s7  }
0x10: {  	[smem:$0x3FB6] =	sst s8  }
0x11: {  	[smem:$0x3FB7] =	sst s9;
	s0 =	simm.s32 @!p0 $0x0  }
0x12: {  	s1 =	sld [smem:$0x3F9D];
	s0 =	simm.s32 @p0 $0x1  }
0x13: {  	[smem:$0x3FB8] =	sst s0;
	s0 =	simm.s32 @!p1 $0x0  }
0x14: {  	s2 =	sld [smem:$0x3F9C];
	s0 =	simm.s32 @p1 $0x1  }
0x15: {  	[smem:$0x3FB9] =	sst s0;
	s0 =	simm.s32 @!p2 $0x0  }
0x16: {  	s3 =	sld [smem:$0x3FDB];
	s0 =	simm.s32 @p2 $0x1  }
0x17: {  	s4 =	simm.s32 $0x1BF5;
	[smem:$0x3FBB] =	sst s0  }
0x18: {  	s0 =	sld [smem:$0x3F9E];
	_ =	swait.ge [sflag:s4], $0x0  }
0x19: {  	s7 =	sld [smem:$0x3F9F]  }
0x1a: {  	s8 =	sadd.s32 $0xFFFFE003, lr  }
0x1b: {  	s9 =	sadd.s32 $0xFFFFFEF7, lr;
	s5 =	simm.s32 $0xFFFFFFFF;
	p2 =	slt.u32 s8, $0xFFFFF086  }
0x1c: {  	p1 =	slt.u32 s9, $0xF7A;
	s5 =	simm.s32 @!p2 $0x0  }
0x1d: {  	s5 =	simm.s32 @p1 $0x1;
	p0 =	seq.s32 s7, s2  }
0x1e: {  	s7 =	smul.u32 @!p0 $0xF7A, s2;
	p2 =	seq.s32 @!p0 s5, $0x0  }
0x1f: {  	s9 =	smul.u32 $0xF7A, s1;
	s8 =	simm.s32 @!p0 $0x1BF5;
	p2 =	por !p2, p0  }
0x20: {  	[sflag:s8] =	ssyncset.s32 @!p0 $0xFFFFF086;
	s6 =	sadd.s32 @!p0 s3, s7;
	s7 =	simm.s32 @!p0 $0x108  }
0x21: {  	s3 =	sadd.s32 s3, s9;
	s6 =	sadd.s32 @!p0 $0x88, s6;
	s7 =	simm.s32 @p2 $0x1082  }
0x22: {  	[simem:s7], [sflag:s8] =	dma.local @!p0 [hbm:s6], $0xF7A  }
0x23: {  	s9 =	sor.u32 $0xD0000000, s2;
	s6 =	simm.s32 $0x108;
	_ =	swait.ge @!p0 [sflag:s8], $0x0  }
0x24: {  	s3 =	sadd.s32 $0x88, s3;
	s6 =	simm.s32 @!p1 $0x1082;
	[sflag:s4] =	ssyncset.s32 $0xFFFFF086  }
0x25: {  	[simem:s6], [sflag:s4] =	dma.local [hbm:s3], $0xF7A  }
0x26: {  	[smem:$0x3F9F] =	sst s1;
	(tag) =	ssettag s2;
	_ =	strace s9  }
0x27: {  	s1 =	sld [smem:$0x3FAF]  }
0x28: {  	s2 =	sld [smem:$0x3FB0]  }
0x29: {  	s4 =	sld [smem:$0x3FB2]  }
0x2a: {  	p0 =	seq.s32 s5, $0x0;
	s5 =	sld [smem:$0x3FB3]  }
0x2b: {  	s6 =	sld [smem:$0x3FB4]  }
0x2c: {  	s7 =	sld [smem:$0x3FB5]  }
0x2d: {  	s3 =	simm.s32 $0x108;
	s8 =	sld [smem:$0x3FB6]  }
0x2e: {  	s3 =	simm.s32 @!p0 $0x1082;
	s9 =	sld [smem:$0x3FB7]  }
0x2f: {  	lr =	sadd.s32 s0, s3;
	s0 =	sld [smem:$0x3FAE]  }
0x30: {  	s3 =	sld [smem:$0x3FB1]  }
0x31: {  	[smem:$0x3FBA] =	sst s10  }
0x32: {  	s10 =	sld [smem:$0x3FB8];
	_ =	sdelay $0x3  }
0x33: {  	p0 =	seq.s32 s10, $0x1;
	s10 =	sld [smem:$0x3FBA];
	_ =	sdelay $0x3  }
0x34: {  	[smem:$0x3FBA] =	sst s10  }
0x35: {  	s10 =	sld [smem:$0x3FB9];
	_ =	sdelay $0x3  }
0x36: {  	p1 =	seq.s32 s10, $0x1;
	s10 =	sld [smem:$0x3FBA];
	_ =	sdelay $0x3  }
0x37: {  	[smem:$0x3FBA] =	sst s10  }
0x38: {  	s10 =	sld [smem:$0x3FBB]  }
0x39: {  	_ = 	snop;
	(pc) =	sbr.ind lr, $3  }
0x3a: {  	_ = 	snop  }
0x3b: {  	_ = 	snop  }
0x3c: {  	p2 =	seq.s32 s10, $0x1;
	s10 =	sld [smem:$0x3FBA]  }
0x3d: {  	_ =	shalt  }
0x3e: {  	_ =	shalt  }
0x3f: {  	_ =	shalt  }
0x40: {  	_ =	shalt  }
0x41: {  	_ =	shalt  }
0x42: {  	_ =	shalt  }
0x43: {  	_ =	shalt  }
0x44: {  	_ =	shalt  }
0x45: {  	_ =	shalt  }
0x46: {  	_ =	shalt  }
0x47: {  	_ =	shalt  }
0x48: {  	_ =	shalt  }
0x49: {  	_ =	shalt  }
0x4a: {  	_ =	shalt  }
0x4b: {  	_ =	shalt  }
0x4c: {  	_ =	shalt  }
0x4d: {  	_ =	shalt  }
0x4e: {  	_ =	shalt  }
0x4f: {  	_ =	shalt  }
0x50: {  	_ =	shalt  }
0x51: {  	_ =	shalt  }
0x52: {  	_ =	shalt  }
0x53: {  	_ =	shalt  }
0x54: {  	_ =	shalt  }
0x55: {  	_ =	shalt  }
0x56: {  	_ =	shalt  }
0x57: {  	_ =	shalt  }
0x58: {  	_ =	shalt  }
0x59: {  	_ =	shalt  }
0x5a: {  	_ =	shalt  }
0x5b: {  	_ =	shalt  }
0x5c: {  	_ =	shalt  }
0x5d: {  	_ =	shalt  }
0x5e: {  	_ =	shalt  }
0x5f: {  	_ =	shalt  }
0x60: {  	_ =	shalt  }
0x61: {  	_ =	shalt  }
0x62: {  	_ =	shalt  }
0x63: {  	_ =	shalt  }
0x64: {  	_ =	shalt  }
0x65: {  	_ =	shalt  }
0x66: {  	_ =	shalt  }
0x67: {  	_ =	shalt  }
0x68: {  	_ =	shalt  }
0x69: {  	_ =	shalt  }
0x6a: {  	_ =	shalt  }
0x6b: {  	_ =	shalt  }
0x6c: {  	_ =	shalt  }
0x6d: {  	_ =	shalt  }
0x6e: {  	_ =	shalt  }
0x6f: {  	_ =	shalt  }
0x70: {  	_ =	shalt  }
0x71: {  	_ =	shalt  }
0x72: {  	_ =	shalt  }
0x73: {  	_ =	shalt  }
0x74: {  	_ =	shalt  }
0x75: {  	_ =	shalt  }
0x76: {  	_ =	shalt  }
0x77: {  	_ =	shalt  }
0x78: {  	_ =	shalt  }
0x79: {  	_ =	shalt  }
0x7a: {  	_ =	shalt  }
0x7b: {  	_ =	shalt  }
0x7c: {  	_ =	shalt  }
0x7d: {  	_ =	shalt  }
0x7e: {  	_ =	shalt  }
0x7f: {  	_ =	shalt  }
0x80: {  	_ =	shalt  }
0x81: {  	_ =	shalt  }
0x82: {  	_ =	shalt  }
0x83: {  	_ =	shalt  }
0x84: {  	_ =	shalt  }
0x85: {  	_ =	shalt  }
0x86: {  	_ =	shalt  }
0x87: {  	_ =	shalt  }
.Lfunc_end0:
.L_simem_size_0:
called_computation.1_lowered:
.L_overlay_start_0:
0x88: {  	s2 =	sld [smem:$0x3FD9]  }
0x89: {  	s3 =	sld [smem:$0x3FFE];
	_ =	sdelay $0x1  }
0x8a: {  	s1 =	srdreg.scid  }
0x8b: {  	s0 =	sand.u32 $0x1, s1  }
0x8c: {  	s17 =	sshll.u32 s0, $0xA;
	s2 =	sadd.s32 s3, s2  }
0x8d: {  	s2 =	sadd.s32 s2, s17  }
0x8e: {  	[smem:$0x3FC6] =	sst s2  }
0x8f: {  	_ = 	snop  }
0x90: {  	s2 =	sld [smem:$0x3FD0];
	(tm) =	ssettm $0x1  }
0x91: {  	s18 =	sld [smem:$0x3FFB];
	_ =	sdelay $0x3  }
0x92: {  	_ =	strace s18  }
0x93: {  	s3 =	sld [smem:$0x3FFC];
	_ =	sdelay $0x3  }
0x94: {  	_ =	strace s3  }
0x95: {  	s3 =	sld [smem:$0x3FFD];
	_ =	sdelay $0x3  }
0x96: {  	_ =	strace s3  }
0x97: {  	_ =	strace $0x8FFFFFFF  }
0x98: {  	s19 =	sld [smem:$0x3FDB];
	_ =	sdelay $0x1  }
0x99: {  	s4 =	simm.s32 $_scs_section_size  }
0x9a: {  	s5 =	simm.s32 $_size__tile_overlayer_lowered;
	s6 =	simm.s32 $_tile_overlayer_lowered  }
0x9b: {  	s22 =	simm.s32 $0x1BFF;
	s21 =	sshll.u32 s6, $0x1;
	s3 =	sadd.s32 s4, s19  }
0x9c: {  	s7 =	simm.s32 $0x0;
	s20 =	sshll.u32 s5, $0x1;
	s5 =	sadd.s32 s21, s3  }
0x9d: {  	[timem:s7], [sflag:s22] =	dma.local [hbm:s5], s20  }
0x9e: {  	_ =	swait.ge [sflag:s22], s20  }
0x9f: {  	s4 =	ssub.s32 $0x0, s20;
	[sflag:s22] =	ssyncset.done $0x0  }
0xa0: {  	[sflag:s22] =	ssyncadd.s32 s4;
	_ =	sdelay $0x1  }
0xa1: {  	s23 =	simm.s32 $0x1B8B  }
0xa2: {  	_ =	swait.ge [sflag:s23], $0x1  }
0xa3: {  	[sflag:s23] =	ssyncset.done $0x0  }
0xa4: {  	s25 =	simm.s32 $0x1B8E;
	s24 =	sld [smem:$0x3FFE];
	[sflag:s23] =	ssyncadd.s32 $0xFFFFFFFF  }
0xa5: {  	s26 =	simm.s32 $execute0_lowered;
	[smem:$0x3FD2] =	sst s25  }
0xa6: {  	s5 =	sshll.u32 s26, $0x1;
	_ =	strace $0x80000049;
	[dreg:$0x1] =	wrdreg $0xFFFFFFFF  }
0xa7: {  	s28 =	simm.s32 $_size_execute0_lowered;
	s3 =	sadd.s32 s3, s5;
	[dreg:$0x0] =	wrdreg $0x0  }
0xa8: {  	s5 =	sshll.u32 s28, $0x1;
	[dreg:$0x2] =	wrdreg s3  }
0xa9: {  	[dreg:$0x3] =	wrdreg s5  }
0xaa: {  	[dreg:$0x4] =	wrdreg $0xC0  }
0xab: {  	_ =	task [dreg:s7], $0x5FFFF  }
0xac: {  	[dreg:$0x1] =	wrdreg $0xFFFFFFFF  }
0xad: {  	[dreg:$0x0] =	wrdreg $0x60  }
0xae: {  	[dreg:$0x2] =	wrdreg s24  }
0xaf: {  	[dreg:$0x3] =	wrdreg s2  }
0xb0: {  	[dreg:$0x4] =	wrdreg $0x9  }
0xb1: {  	_ =	task.clear_ibuf [dreg:s7], $0x5FFFF;
	_ =	strace $0x90000049  }
0xb2: {  	s29 =	simm.s32 $0x9;
	_ =	strace $0x8000004B  }
0xb3: {  	_ =	swait.ge [sflag:s29], $0x1  }
0xb4: {  	[sflag:s29] =	ssyncadd.s32 $0xFFFFFFFF  }
0xb5: {  	_ =	strace $0x9000004B  }
0xb6: {  	_ =	sfence  }
0xb7: {  	s30 =	sld [smem:$0x0];
	_ =	sdelay $0x2  }
0xb8: {  	s31 =	sshll.u32 s1, $0xD;
	s1 =	sshrl.u32 s1, $0x2  }
0xb9: {  	s3 =	sand.u32 $0x4000, s31;
	s1 =	sadd.s32 s1, s30  }
0xba: {  	s0 =	sor.u32 s3, s0;
	s1 =	sshll.u32 s1, $0x11  }
0xbb: {  	s0 =	sor.u32 s1, s0  }
0xbc: {  	s0 =	sadd.s32 $0x8F2B, s0  }
0xbd: {  	[sflag:s0] =	ssyncadd.remote.s32 $0x1  }
0xbe: {  	_ =	sfence.sel $0xFFFF  }
0xbf: {  	[dreg:$0x0] =	wrdreg $0xFFFFFFFF;
	(pc) =	sbr.abs _section_cstart, $3  }
0xc0: {  	[dreg:$0x1] =	wrdreg $0xFFFFFFFF  }
0xc1: {  	_ =	task.clear_ibuf [dreg:s7], $0x2FFFF;
	_ =	strace $0x9FFFFFFF  }
0xc2: {  	(tm) =	ssettm $0x7FFFFFFF  }
0xc3: {  	_ =	shalt  }
tec
execute0_lowered:
.L_overlay_start_1:
0x0: {  	(tag) =	ssettag $0x1  }
0x1: {  	s0 =	srdreg.scid  }
0x2: {  	s1 =	stileid.u32;
	s4 =	sand.u32 $0x1, s0  }
0x3: {  	s5 =	sor.u32 s1, s4  }
0x4: {  	p0 =	sne.s32 s5, $0x0  }
.Ltmp0:
0x5: {  	_ = 	snop;
	(pc) =	sbr.rel @p0 .LBB2_5-.Ltmp0, $4  }
0x6: {  	s9 =	rddreg [dreg:$0x0]  }
0x7: {  	s2 =	rddreg [dreg:$0x1];
	s3 =	simm.s32 $0x0  }
0x8: {  	[smem:$0x7FF] =	sst s3  }
0x9: {  	s0 =	rddreg [dreg:$0x2];
	_ =	strace $0x8000004A  }
0xa: {  	s7 =	ssub.s32 $0x2, s4;
	s4 =	sadd.s32 $0x81600, s9;
	s5 =	sadd.s32 $0x81800, s9  }
0xb: {  	s6 =	sadd.s32 $0x81A00, s9;
	s10 =	simm.s32 $0x1;
	s11 =	simm.s32 $0x400  }
0xc: {  	s12 =	simm.s32 $0x800;
	s13 =	simm.s32 $0xC00;
	s14 =	simm.s32 $0x1000  }
0xd: {  	s15 =	simm.s32 $0x1100;
	s16 =	simm.s32 $0x0;
	s8 =	sshrl.u32 s7, $0x1  }
0xe: {  	v0 =	vimm.s32 $0x0;
	s7 =	ssub.s32 s7, s8;
	s8 =	sadd.s32 $0x81680, s9;
	s9 =	sadd.s32 $0x81880, s9  }
.LBB2_2:
0xf: {  	[tilespmem:s3], [sflag:$0x1] =	stream.linear.gather [hbm4b:s4+s3], $0x400, $0x38;
	[tilespmem:$0x1180] =	vst v63  }
0x10: {  	_ =	swait.ge [sflag:s10], $0x400  }
0x11: {  	[sflag:s10] =	ssyncset.done $0x0  }
0x12: {  	[sflag:s10] =	ssyncadd.s32 $0xFFFFFC00  }
0x13: {  	[tilespmem:s11], [sflag:$0x1] =	stream.linear.gather [hbm4b:s8+s3], $0x400, $0x38;
	[tilespmem:$0x1180] =	vst v63  }
0x14: {  	_ =	swait.ge [sflag:s10], $0x400  }
0x15: {  	[sflag:s10] =	ssyncset.done $0x0  }
0x16: {  	[sflag:s10] =	ssyncadd.s32 $0xFFFFFC00  }
0x17: {  	[tilespmem:s12], [sflag:$0x1] =	stream.linear.gather [hbm4b:s5+s3], $0x400, $0x38;
	[tilespmem:$0x1180] =	vst v63  }
0x18: {  	_ =	swait.ge [sflag:s10], $0x400  }
0x19: {  	[sflag:s10] =	ssyncset.done $0x0  }
0x1a: {  	[sflag:s10] =	ssyncadd.s32 $0xFFFFFC00  }
0x1b: {  	[tilespmem:s13], [sflag:$0x1] =	stream.linear.gather [hbm4b:s9+s3], $0x400, $0x38;
	[tilespmem:$0x1180] =	vst v63  }
0x1c: {  	_ =	swait.ge [sflag:s10], $0x400  }
0x1d: {  	[sflag:s10] =	ssyncset.done $0x0  }
0x1e: {  	[sflag:s10] =	ssyncadd.s32 $0xFFFFFC00  }
0x1f: {  	[tilespmem:s14], [sflag:$0x1] =	stream.linear.gather [hbm4b:s6+s3], $0x100, $0x38;
	[tilespmem:$0x1180] =	vst v63  }
0x20: {  	_ =	swait.ge [sflag:s10], $0x100  }
0x21: {  	[sflag:s10] =	ssyncset.done $0x0  }
0x22: {  	[sflag:s10] =	ssyncadd.s32 $0xFFFFFF00  }
0x23: {  	v1 =	vld [tilespmem:$0x1000]  }
0x24: {  	v2 =	vld [tilespmem:$0x1080];
	_ =	sdelay $0x2  }
0x25: {  	s17 =	simm.s32 $0x3F0  }
0x26: {  	v3 =	vld [tilespmem:s17+$0x0]  }
0x27: {  	v1 =	vadd.f32 v2, v1;
	v2 =	vld [tilespmem:s17+$0x400];
	_ =	sdelay $0x1  }
0x28: {  	(xrf2) =	vadd.scan.msk.f32 $0xffff, v1;
	_ =	sdelay $0x2  }
0x29: {  	v3 =	vadd.f32 v2, v3  }
0x2a: {  	s21 =	simm.s32 $0x3E0  }
0x2b: {  	v1 =	vld [tilespmem:s21+$0x0];
	(xrf2) =	vadd.scan.msk.f32 $0xffff, v3  }
0x2c: {  	v2 =	vld [tilespmem:s21+$0x400]  }
0x2d: {  	s22 =	simm.s32 $0x3D0  }
0x2e: {  	v4 =	vld [tilespmem:s22+$0x0]  }
0x2f: {  	v6 =	vld [tilespmem:s22+$0x400]  }
0x30: {  	v5, _, _ =	vpop (xrf2)  }
0x31: {  	(v2sf) =	vpush v5, $0xF;
	v5 =	vadd.f32 v2, v1;
	_ =	sdelay $0x1  }
0x32: {  	(xrf2) =	vadd.scan.msk.f32 $0xffff, v5  }
0x33: {  	v9 =	vadd.f32 v6, v4  }
0x34: {  	s23 =	simm.s32 $0x3C0;
	v2, _, _ =	vpop (xrf2)  }
0x35: {  	v4 =	vld [tilespmem:s23+$0x400];
	(xrf2) =	vadd.scan.msk.f32 $0xffff, v9;
	(v2sf) =	vpush v2, $0xF  }
0x36: {  	v1 =	vld [tilespmem:s23+$0x0];
	_ =	sdelay $0x4  }
0x37: {  	v11 =	vadd.f32 v4, v1;
	v1 =	vmax.f32 v3, $1.000000000e+00  }
0x38: {  	s24 =	simm.s32 $0x3B0;
	v7 =	vld [tilespmem:s17+$0x800];
	(erf) = vrcp.f32 v1;
	v6, _, _ =	vpop (xrf2)  }
0x39: {  	v4 =	vld [tilespmem:s24+$0x0];
	(v2sf) =	vpush v6, $0xF  }
0x3a: {  	v8 =	vbroadcast v2, $0xF;
	v1 =	vld [tilespmem:s24+$0x400]  }
0x3b: {  	v10 =	vld [tilespmem:s17+$0xC00];
	v13, _, _ =	vpop (xrf2);
	s19 =	spop (v2sf)  }
0x3c: {  	v12 =	vmax.f32 v5, $1.000000000e+00;
	v2 =	vsub.f32 v8, v2;
	(v2sf) =	vpush v13, $0xF;
	s17 =	ssub.f32 $4.194304000e+06, s19;
	s18 =	smul.f32 $3.000000000e+00, s19  }
0x3d: {  	s20 =	simm.f32 $0.0e+00;
	(xrf2) =	vadd.scan.msk.f32 $0xffff, v11;
	(erf) = vrcp.f32 v12  }
0x3e: {  	s26 =	simm.s32 $0x3A0;
	v14 =	vld [tilespmem:s21+$0xC00];
	v2 =	vadd.f32 s20, v2;
	s18 =	smin.f32 s17, s18  }
0x3f: {  	v16 =	vld [tilespmem:s26+$0x400];
	v8 =	vadd.f32 v1, v4;
	v12 =	vbroadcast v6, $0xF;
	v1 =	vmov s18  }
0x40: {  	v7 =	vadd.f32 v10, v7;
	v4 =	vld [tilespmem:s21+$0x800];
	v2 =	vsub.f32 v1, v2;
	s25 =	spop (v2sf)  }
0x41: {  	v10 =	vld [tilespmem:s26+$0x0];
	v15 =	vpop (erf);
	v6 =	vsub.f32 v12, v6;
	s25 =	sadd.f32 s25, s20  }
0x42: {  	(xrf2) =	vadd.scan.msk.f32 $0xffff, v8;
	v7 =	vmul.f32 v15, v7;
	v17 =	vmax.f32 v2, $0.0e+00  }
0x43: {  	s21 =	simm.s32 $0x390;
	v3 =	vmin.f32 v17, v3;
	v6 =	vadd.f32 s25, v6;
	v17 =	vmax.f32 v9, $1.000000000e+00  }
0x44: {  	v18 =	vld [tilespmem:s21+$0x400];
	v7 =	vmul.f32 v3, v7  }
0x45: {  	v15 =	vld [tilespmem:s21+$0x0];
	v14 =	vadd.f32 v14, v4;
	v6 =	vsub.f32 v1, v6  }
0x46: {  	(erf) = vrcp.f32 v17;
	v17 =	vpop (erf);
	(xrf2) =	vadd.scan.msk.f32 $0xffff, v7;
	v7 =	vadd.f32 v16, v10  }
0x47: {  	v19 =	vld [tilespmem:s22+$0xC00];
	v12, _, _ =	vpop (xrf2);
	v16 =	vbroadcast v13, $0xF;
	v6 =	vmax.f32 v6, $0.0e+00;
	v10 =	vmul.f32 v17, v14  }
0x48: {  	(v2sf) =	vpush v12, $0xF;
	v14 =	vld [tilespmem:s22+$0x800];
	v5 =	vmin.f32 v6, v5;
	s29 =	spop (v2sf)  }
0x49: {  	v6 =	vmax.f32 v11, $1.000000000e+00;
	v13 =	vsub.f32 v16, v13;
	v10 =	vmul.f32 v5, v10;
	s25 =	sadd.f32 s29, s25  }
0x4a: {  	s22 =	simm.s32 $0x380;
	(xrf2) =	vadd.scan.msk.f32 $0xffff, v7;
	v16 =	vld [tilespmem:s23+$0x800];
	(erf) = vrcp.f32 v6;
	v6 =	vadd.f32 v18, v15;
	v15 =	vbroadcast v12, $0xF  }
0x4b: {  	v18 =	vld [tilespmem:s22+$0x0];
	s30 =	spop (v2sf);
	(xrf2) =	vadd.scan.msk.f32 $0xffff, v10;
	v10 =	vadd.f32 s25, v13  }
0x4c: {  	v17, _, _ =	vpop (xrf2);
	v13 =	vld [tilespmem:s23+$0xC00];
	v12 =	vsub.f32 v15, v12;
	s25 =	sadd.f32 s30, s25;
	(xrf2) =	vadd.scan.msk.f32 $0xffff, v6  }
0x4d: {  	v14 =	vadd.f32 v19, v14;
	v19 =	vld [tilespmem:s22+$0x400];
	v10 =	vsub.f32 v1, v10  }
0x4e: {  	v12 =	vadd.f32 s25, v12  }
0x4f: {  	(v2sf) =	vpush v17, $0xF;
	v22 =	vbroadcast v17, $0xF;
	v15 =	vpop (erf);
	v10 =	vmax.f32 v10, $0.0e+00  }
0x50: {  	v14 =	vmul.f32 v15, v14;
	v9 =	vmin.f32 v10, v9;
	v10 =	vsub.f32 v1, v12  }
0x51: {  	v23 =	vld [tilespmem:s24+$0xC00];
	v20 =	vmax.f32 v8, $1.000000000e+00;
	v13 =	vadd.f32 v13, v16  }
0x52: {  	v4 =	vld [tilespmem:$0x1020];
	v21, _, _ =	vpop (xrf2);
	v24 =	vmul.f32 v9, v14;
	v9 =	vadd.f32 v19, v18;
	v18 =	vmax.f32 v10, $0.0e+00  }
0x53: {  	v2 =	vld [tilespmem:$0x1010];
	v17 =	vsub.f32 v22, v17;
	(v2sf) =	vpush v21, $0xF;
	v22 =	vpop (erf);
	v18 =	vmin.f32 v18, v11  }
0x54: {  	(erf) = vrcp.f32 v20;
	v20 =	vld [tilespmem:s24+$0x800];
	v15, _, _ =	vpop (xrf2);
	v13 =	vmul.f32 v22, v13  }
0x55: {  	v3 =	vld [tilespmem:$0x1090];
	(v2sf) =	vpush v15, $0xF;
	v22, _, _ =	vpop (xrf2);
	(xrf2) =	vadd.scan.msk.f32 $0xffff, v24  }
0x56: {  	v5 =	vld [tilespmem:$0x10A0];
	s23 =	simm.s32 $0x370;
	v63 =	vmul.f32 v18, v13;
	v18, _, _ =	vpop (xrf2);
	(v2sf) =	vpush v22, $0xF  }
0x57: {  	v25 =	vld [tilespmem:s23+$0x400];
	s31 =	spop (v2sf);
	(v2sf) =	vpush v18, $0xF  }
0x58: {  	s24 =	simm.s32 $0x360;
	s25 =	sadd.f32 s31, s25;
	v21 =	vld [tilespmem:s23+$0x0]  }
0x59: {  	v23 =	vadd.f32 v23, v20;
	v20 =	vld [tilespmem:s24+$0x0];
	v19 =	vmax.f32 v7, $1.000000000e+00  }
0x5a: {  	v12 =	vld [tilespmem:s21+$0x800];
	v17 =	vadd.f32 s25, v17;
	(erf) = vrcp.f32 v19;
	(xrf2) =	vadd.scan.msk.f32 $0xffff, v9  }
0x5b: {  	v14 =	vld [tilespmem:s26+$0x800]  }
0x5c: {  	v10 =	vld [tilespmem:s22+$0x800];
	v26 =	vsub.f32 v1, v17;
	(xrf2) =	vadd.scan.msk.f32 $0xffff, v63  }
0x5d: {  	v17 =	vld [tilespmem:s26+$0xC00];
	v16 =	vbroadcast v15, $0xF;
	v27 =	vpop (erf);
	v13 =	vadd.f32 v25, v21  }
0x5e: {  	s26 =	simm.s32 $0xD40;
	v11 =	vld [tilespmem:s23+$0x800];
	v22 =	vmax.f32 v26, $0.0e+00;
	v21 =	vmul.f32 v27, v23;
	v19 =	vbroadcast v18, $0xF;
	s28 =	spop (v2sf)  }
.LBB2_3:
0x5f: {  	p0 =	sne.s32 s26, $0x0;
	v24 =	vmax.f32 v6, $1.000000000e+00;
	v25 =	vsub.f32 v16, v15;
	v27 =	vmin.f32 v22, v8;
	v22, _, _ =	vpop (xrf2)  }
0x60: {  	v23 =	vld [tilespmem:s24+$0x400];
	s25 =	sadd.f32 s28, s25;
	v15 =	vmovc v18;
	v8 =	vmovc v7;
	v7 =	vmov v6;
	v6 =	vmov v9;
	v9 =	vmov v13;
	s28 =	smov.u32 s26;
	s26 =	sadd.s32 $0xFFFFFFC0, s26  }
0x61: {  	v16 =	vmovc v19;
	v26 =	vld [tilespmem:s24+$0x800];
	(xrf2) =	vadd.scan.msk.f32 $0xffff, v9;
	(erf) = vrcp.f32 v24;
	v13 =	vmul.f32 v27, v21;
	(v2sf) =	vpush v22, $0xF  }
.Ltmp1:
0x62: {  	v19 =	vadd.f32 s25, v25;
	s29 =	spop (v2sf);
	(pc) =	sbr.rel @p0 .LBB2_3-.Ltmp1, $4  }
0x63: {  	v21 =	vpop (erf);
	s20 =	sadd.f32 s29, s20  }
0x64: {  	v24 =	vadd.f32 v17, v14;
	v14 =	vmov v12;
	v18, _, _ =	vpop (xrf2);
	v22 =	vsub.f32 v1, v19;
	(xrf2) =	vadd.scan.msk.f32 $0xffff, v13  }
0x65: {  	s29 =	sshra.s32 s28, $0x2;
	v12 =	vmovc v10;
	v10 =	vmovc v11;
	v13 =	vadd.f32 v23, v20;
	v19 =	vbroadcast v18, $0xF;
	(v2sf) =	vpush v18, $0xF;
	v17 =	vld [tilespmem:s21+$0xC00];
	s21 =	smov.u32 s22;
	s22 =	smov.u32 s23  }
0x66: {  	v21 =	vmul.f32 v21, v24;
	s23 =	smov.u32 s24;
	s24 =	smov.u32 s29;
	v20 =	vld [tilespmem:s29+$0x0];
	v22 =	vmax.f32 v22, $0.0e+00;
	s28 =	spop (v2sf);
	v11 =	vmov v26  }
0x67: {  	(xrf2) =	vadd.scan.msk.f32 $0xffff, v13;
	_ =	sdelay $0x6  }
0x68: {  	v23 =	vld [tilespmem:s24+$0x400];
	v24, _, _ =	vpop (xrf2)  }
0x69: {  	(v2sf) =	vpush v24, $0xF;
	v29, _, _ =	vpop (xrf2)  }
0x6a: {  	(v2sf) =	vpush v29, $0xF;
	v25, _, _ =	vpop (xrf2)  }
0x6b: {  	v8 =	vmin.f32 v22, v8;
	(v2sf) =	vpush v25, $0xF;
	v30, _, _ =	vpop (xrf2)  }
0x6c: {  	v8 =	vmul.f32 v8, v21;
	(v2sf) =	vpush v30, $0xF  }
0x6d: {  	v20 =	vadd.f32 v23, v20  }
0x6e: {  	(xrf2) =	vadd.scan.msk.f32 $0xffff, v8  }
0x6f: {  	(xrf2) =	vadd.scan.msk.f32 $0xffff, v20;
	_ =	sdelay $0x2  }
0x70: {  	v31 =	vsub.f32 v16, v15;
	s26 =	sadd.f32 s28, s25;
	v32 =	vmax.f32 v6, $1.000000000e+00  }
0x71: {  	s25 =	spop (v2sf);
	v33 =	vmax.f32 v9, $1.000000000e+00;
	v34 =	vld [tilespmem:s21+$0xC00];
	(erf) = vrcp.f32 v32  }
0x72: {  	v40 =	vld [tilespmem:s22+$0xC00];
	s31 =	spop (v2sf);
	(erf) = vrcp.f32 v33;
	v8 =	vadd.f32 s26, v31  }
0x73: {  	v35 =	vsub.f32 v19, v18;
	v37 =	vmax.f32 v13, $1.000000000e+00;
	v14 =	vadd.f32 v17, v14;
	s26 =	sadd.f32 s31, s26  }
0x74: {  	v45 =	vld [tilespmem:s23+$0xC00];
	v38 =	vpop (erf);
	(erf) = vrcp.f32 v37;
	v8 =	vsub.f32 v1, v8;
	v36 =	vbroadcast v29, $0xF;
	s21 =	spop (v2sf)  }
0x75: {  	v17 =	vadd.f32 s26, v35;
	v14 =	vmul.f32 v38, v14;
	v39 =	vmax.f32 v20, $1.000000000e+00;
	s29 =	spop (v2sf)  }
0x76: {  	v12 =	vadd.f32 v34, v12;
	v15 =	vsub.f32 v36, v29;
	(erf) = vrcp.f32 v39;
	v41, _, _ =	vpop (xrf2);
	s26 =	sadd.f32 s29, s26;
	s30 =	spop (v2sf)  }
0x77: {  	v52 =	vadd.f32 v40, v10;
	v8 =	vmax.f32 v8, $0.0e+00;
	v43 =	vbroadcast v30, $0xF;
	v44, _, _ =	vpop (xrf2);
	s31 =	spop (v2sf)  }
0x78: {  	v46 =	vld [tilespmem:s24+$0x800];
	v42 =	vsub.f32 v1, v17;
	v15 =	vadd.f32 s26, v15;
	v47 =	vbroadcast v44, $0xF;
	s26 =	sadd.f32 s31, s26;
	s28 =	spop (v2sf)  }
0x79: {  	v50 =	vld [tilespmem:s24+$0xC00];
	v11 =	vadd.f32 v45, v11;
	v7 =	vmin.f32 v8, v7;
	v49 =	vsub.f32 v43, v30;
	s29 =	spop (v2sf)  }
0x7a: {  	v7 =	vmul.f32 v7, v14;
	v8 =	vmax.f32 v42, $0.0e+00;
	v48 =	vpop (erf);
	v16 =	vsub.f32 v47, v44;
	s24 =	sadd.f32 s29, s26  }
0x7b: {  	v12 =	vmul.f32 v48, v12;
	v54 =	vpop (erf);
	v15 =	vsub.f32 v1, v15;
	v53 =	vadd.f32 s26, v49  }
0x7c: {  	v51 =	vmin.f32 v8, v6;
	(xrf2) =	vadd.scan.msk.f32 $0xffff, v7;
	v8 =	vmul.f32 v54, v52;
	v56 =	vadd.f32 s24, v16  }
0x7d: {  	v6 =	vmul.f32 v51, v12;
	v55 =	vmax.f32 v15, $0.0e+00;
	v10 =	vsub.f32 v1, v53  }
0x7e: {  	v58 =	vadd.f32 v50, v46;
	v57 =	vpop (erf);
	v7 =	vmin.f32 v55, v9;
	v1 =	vsub.f32 v1, v56  }
0x7f: {  	v61 =	vmul.f32 v57, v11;
	(xrf2) =	vadd.scan.msk.f32 $0xffff, v6;
	v62 =	vpop (erf);
	v59 =	vmul.f32 v7, v8;
	v60 =	vmax.f32 v10, $0.0e+00  }
0x80: {  	v9 =	vmul.f32 v62, v58;
	v7 =	vmin.f32 v60, v13;
	v1 =	vmax.f32 v1, $0.0e+00  }
0x81: {  	(xrf2) =	vadd.scan.msk.f32 $0xffff, v59;
	v63 =	vmul.f32 v7, v61;
	v1 =	vmin.f32 v1, v20  }
0x82: {  	v2 =	vadd.f32 v3, v2;
	v1 =	vmul.f32 v1, v9  }
0x83: {  	(xrf2) =	vadd.scan.msk.f32 $0xffff, v63  }
0x84: {  	(xrf2) =	vadd.scan.msk.f32 $0xffff, v1;
	v1 =	vadd.f32 v5, v4  }
0x85: {  	(xrf2) =	vadd.scan.msk.f32 $0xffff, v2  }
0x86: {  	(v2sf) =	vpush v41, $0xF;
	v2, _, _ =	vpop (xrf2);
	(xrf2) =	vadd.scan.msk.f32 $0xffff, v1  }
0x87: {  	(v2sf) =	vpush v44, $0xF  }
0x88: {  	(v2sf) =	vpush v2, $0xF  }
0x89: {  	v1, _, _ =	vpop (xrf2)  }
0x8a: {  	(v2sf) =	vpush v1, $0xF  }
0x8b: {  	v1, _, _ =	vpop (xrf2)  }
0x8c: {  	(v2sf) =	vpush v1, $0xF  }
0x8d: {  	v1, _, _ =	vpop (xrf2)  }
0x8e: {  	s20 =	sadd.f32 s25, s20;
	(v2sf) =	vpush v1, $0xF;
	v1, _, _ =	vpop (xrf2)  }
0x8f: {  	(v2sf) =	vpush v1, $0xF;
	v1, _, _ =	vpop (xrf2)  }
0x90: {  	s20 =	sadd.f32 s21, s20;
	(v2sf) =	vpush v1, $0xF;
	v1, _, _ =	vpop (xrf2)  }
0x91: {  	(v2sf) =	vpush v1, $0xF  }
0x92: {  	s20 =	sadd.f32 s30, s20;
	_ =	sdelay $0x1  }
0x93: {  	s20 =	sadd.f32 s28, s20  }
0x94: {  	s30 =	spop (v2sf)  }
0x95: {  	s20 =	sadd.f32 s30, s20;
	s31 =	spop (v2sf)  }
0x96: {  	s19 =	sadd.f32 s18, s19;
	s23 =	spop (v2sf)  }
0x97: {  	s20 =	sadd.f32 s23, s20  }
0x98: {  	s24 =	spop (v2sf)  }
0x99: {  	s25 =	smax.f32 s19, $1.000000000e+00;
	s20 =	sadd.f32 s24, s20  }
0x9a: {  	v1 =	vmov s25;
	s22 =	spop (v2sf)  }
0x9b: {  	(erf) = vrcp.f32 v1;
	s20 =	sadd.f32 s22, s20  }
0x9c: {  	s26 =	spop (v2sf)  }
0x9d: {  	s20 =	sadd.f32 s26, s20;
	s28 =	spop (v2sf)  }
0x9e: {  	s29 =	spop (v2sf)  }
0x9f: {  	s20 =	sadd.f32 s28, s20;
	s30 =	spop (v2sf)  }
0xa0: {  	p0 =	sge.f32 s18, s17;
	v1 =	vmov s19;
	s21 =	ssub.f32 s30, s29  }
0xa1: {  	vm0 =	vgt.f32 v1, $0.0e+00  }
0xa2: {  	v1 =	vsel vm0, $0x1, v0;
	s20 =	smov.u32 @p0 s21  }
0xa3: {  	v1 =	vbroadcast v1, $0x0;
	s31 =	sadd.f32 s20, s29  }
0xa4: {  	v2 =	vpop (erf)  }
0xa5: {  	v1 =	vand.u32 $0x1, v1;
	v2 =	vmul.f32 s31, v2  }
0xa6: {  	s16 =	sadd.s32 $0x1, s16;
	vm15 =	veq.s32 v1, $0x1  }
0xa7: {  	p0 =	sne.s32 s16, s7;
	v1 =	vnsel vm15, $0x0, v2  }
.Ltmp2:
0xa8: {  	[tilespmem:$0x1100] =	vst v1;
	(pc) =	sbr.rel @p0 .LBB2_2-.Ltmp2, $4  }
0xa9: {  	[hbm4b:s2+s3] =	stream.linear.scatter [tilespmem:s15], [sflag:$0x1], $0x80, $0x38;
	[tilespmem:$0x1180] =	vst v63  }
0xaa: {  	_ =	swait.ge [sflag:s10], $0x80  }
0xab: {  	[sflag:s10] =	ssyncset.done $0x0  }
0xac: {  	[sflag:s10] =	ssyncadd.s32 $0xFFFFFF80  }
.LBB2_5:
0xad: {  	_ =	sfence.sel $0x180000  }
0xae: {  	[bflag:$0x0] =	sbarrier.arrive $0xFFFF  }
0xaf: {  	p0 =	sne.s32 s1, $0x0;
	_ =	strace $0x9000004A  }
0xb0: {  	s0 =	sadd.s32 @!p0 $0x100000, s0;
	[bflag:$0x2] =	sbarrier.arrive $0xFFFF  }
0xb1: {  	[sflag:s0] =	ssyncadd.tile.s32 @!p0 $0x1;
	_ =	shalt  }
.Lfunc_end2:
_tile_overlayer_lowered:
.L_overlay_start_2:
0xb2: {  	(tag) =	ssettag $0x2  }
0xb3: {  	s0 =	rddreg [dreg:$0x0];
	s2 =	stileid.u32  }
0xb4: {  	s1 =	rddreg [dreg:$0x1];
	p0 =	sne.s32 s2, $0x0  }
0xb5: {  	s3 =	rddreg [dreg:$0x2];
	[bflag:$0x3] =	sbarrier.arrive $0xFFFF;
	s2 =	simm.s32 @!p0 $0x1C01  }
0xb6: {  	[timem:s3], [sflag:s2] =	dma.local @!p0 [hbm:s0], s1  }
0xb7: {  	s0 =	simm.s32 @!p0 $0x1  }
0xb8: {  	_ =	swait.ge @!p0 [sflag:s0], s1  }
0xb9: {  	s1 =	ssub.s32 @!p0 $0x0, s1;
	[sflag:s0] =	ssyncset.done @!p0 $0x0  }
0xba: {  	[sflag:s0] =	ssyncadd.s32 @!p0 s1  }
0xbb: {  	[bflag:$0x3] =	sbarrier.arrive $0xFFFF  }
0xbc: {  	_ =	shalt  }

// kernel: kernel.4.cloned.1.call-start
scs
__scs_entry_jumppad:
0x0: {  	(pc) =	sbr.rel $0x88, $3  }
0x1: {  	(tag) =	ssettag $0x0;
	lr =	simm.s32 $0x1  }
0x2: {  	[smem:$0x3F9F] =	sst lr;
	_ =	strace $0xD0000000  }
0x3: {  	_ = 	snop  }
0x4: {  	_ = 	snop  }
0x5: {  	_ = 	snop  }
0x6: {  	_ = 	snop  }
0x7: {  	_ = 	snop  }
__scs_overlays_trampoline_lowered:
0x8: {  	[smem:$0x3FAE] =	sst s0  }
0x9: {  	[smem:$0x3FAF] =	sst s1  }
0xa: {  	[smem:$0x3FB0] =	sst s2  }
0xb: {  	[smem:$0x3FB1] =	sst s3  }
0xc: {  	[smem:$0x3FB2] =	sst s4  }
0xd: {  	[smem:$0x3FB3] =	sst s5  }
0xe: {  	[smem:$0x3FB4] =	sst s6  }
0xf: {  	[smem:$0x3FB5] =	sst s7  }
0x10: {  	[smem:$0x3FB6] =	sst s8  }
0x11: {  	[smem:$0x3FB7] =	sst s9;
	s0 =	simm.s32 @!p0 $0x0  }
0x12: {  	s1 =	sld [smem:$0x3F9D];
	s0 =	simm.s32 @p0 $0x1  }
0x13: {  	[smem:$0x3FB8] =	sst s0;
	s0 =	simm.s32 @!p1 $0x0  }
0x14: {  	s2 =	sld [smem:$0x3F9C];
	s0 =	simm.s32 @p1 $0x1  }
0x15: {  	[smem:$0x3FB9] =	sst s0;
	s0 =	simm.s32 @!p2 $0x0  }
0x16: {  	s3 =	sld [smem:$0x3FDB];
	s0 =	simm.s32 @p2 $0x1  }
0x17: {  	s4 =	simm.s32 $0x1BF5;
	[smem:$0x3FBB] =	sst s0  }
0x18: {  	s0 =	sld [smem:$0x3F9E];
	_ =	swait.ge [sflag:s4], $0x0  }
0x19: {  	s7 =	sld [smem:$0x3F9F]  }
0x1a: {  	s8 =	sadd.s32 $0xFFFFE003, lr  }
0x1b: {  	s9 =	sadd.s32 $0xFFFFFEF7, lr;
	s5 =	simm.s32 $0xFFFFFFFF;
	p2 =	slt.u32 s8, $0xFFFFF086  }
0x1c: {  	p1 =	slt.u32 s9, $0xF7A;
	s5 =	simm.s32 @!p2 $0x0  }
0x1d: {  	s5 =	simm.s32 @p1 $0x1;
	p0 =	seq.s32 s7, s2  }
0x1e: {  	s7 =	smul.u32 @!p0 $0xF7A, s2;
	p2 =	seq.s32 @!p0 s5, $0x0  }
0x1f: {  	s9 =	smul.u32 $0xF7A, s1;
	s8 =	simm.s32 @!p0 $0x1BF5;
	p2 =	por !p2, p0  }
0x20: {  	[sflag:s8] =	ssyncset.s32 @!p0 $0xFFFFF086;
	s6 =	sadd.s32 @!p0 s3, s7;
	s7 =	simm.s32 @!p0 $0x108  }
0x21: {  	s3 =	sadd.s32 s3, s9;
	s6 =	sadd.s32 @!p0 $0x88, s6;
	s7 =	simm.s32 @p2 $0x1082  }
0x22: {  	[simem:s7], [sflag:s8] =	dma.local @!p0 [hbm:s6], $0xF7A  }
0x23: {  	s9 =	sor.u32 $0xD0000000, s2;
	s6 =	simm.s32 $0x108;
	_ =	swait.ge @!p0 [sflag:s8], $0x0  }
0x24: {  	s3 =	sadd.s32 $0x88, s3;
	s6 =	simm.s32 @!p1 $0x1082;
	[sflag:s4] =	ssyncset.s32 $0xFFFFF086  }
0x25: {  	[simem:s6], [sflag:s4] =	dma.local [hbm:s3], $0xF7A  }
0x26: {  	[smem:$0x3F9F] =	sst s1;
	(tag) =	ssettag s2;
	_ =	strace s9  }
0x27: {  	s1 =	sld [smem:$0x3FAF]  }
0x28: {  	s2 =	sld [smem:$0x3FB0]  }
0x29: {  	s4 =	sld [smem:$0x3FB2]  }
0x2a: {  	p0 =	seq.s32 s5, $0x0;
	s5 =	sld [smem:$0x3FB3]  }
0x2b: {  	s6 =	sld [smem:$0x3FB4]  }
0x2c: {  	s7 =	sld [smem:$0x3FB5]  }
0x2d: {  	s3 =	simm.s32 $0x108;
	s8 =	sld [smem:$0x3FB6]  }
0x2e: {  	s3 =	simm.s32 @!p0 $0x1082;
	s9 =	sld [smem:$0x3FB7]  }
0x2f: {  	lr =	sadd.s32 s0, s3;
	s0 =	sld [smem:$0x3FAE]  }
0x30: {  	s3 =	sld [smem:$0x3FB1]  }
0x31: {  	[smem:$0x3FBA] =	sst s10  }
0x32: {  	s10 =	sld [smem:$0x3FB8];
	_ =	sdelay $0x3  }
0x33: {  	p0 =	seq.s32 s10, $0x1;
	s10 =	sld [smem:$0x3FBA];
	_ =	sdelay $0x3  }
0x34: {  	[smem:$0x3FBA] =	sst s10  }
0x35: {  	s10 =	sld [smem:$0x3FB9];
	_ =	sdelay $0x3  }
0x36: {  	p1 =	seq.s32 s10, $0x1;
	s10 =	sld [smem:$0x3FBA];
	_ =	sdelay $0x3  }
0x37: {  	[smem:$0x3FBA] =	sst s10  }
0x38: {  	s10 =	sld [smem:$0x3FBB]  }
0x39: {  	_ = 	snop;
	(pc) =	sbr.ind lr, $3  }
0x3a: {  	_ = 	snop  }
0x3b: {  	_ = 	snop  }
0x3c: {  	p2 =	seq.s32 s10, $0x1;
	s10 =	sld [smem:$0x3FBA]  }
0x3d: {  	_ =	shalt  }
0x3e: {  	_ =	shalt  }
0x3f: {  	_ =	shalt  }
0x40: {  	_ =	shalt  }
0x41: {  	_ =	shalt  }
0x42: {  	_ =	shalt  }
0x43: {  	_ =	shalt  }
0x44: {  	_ =	shalt  }
0x45: {  	_ =	shalt  }
0x46: {  	_ =	shalt  }
0x47: {  	_ =	shalt  }
0x48: {  	_ =	shalt  }
0x49: {  	_ =	shalt  }
0x4a: {  	_ =	shalt  }
0x4b: {  	_ =	shalt  }
0x4c: {  	_ =	shalt  }
0x4d: {  	_ =	shalt  }
0x4e: {  	_ =	shalt  }
0x4f: {  	_ =	shalt  }
0x50: {  	_ =	shalt  }
0x51: {  	_ =	shalt  }
0x52: {  	_ =	shalt  }
0x53: {  	_ =	shalt  }
0x54: {  	_ =	shalt  }
0x55: {  	_ =	shalt  }
0x56: {  	_ =	shalt  }
0x57: {  	_ =	shalt  }
0x58: {  	_ =	shalt  }
0x59: {  	_ =	shalt  }
0x5a: {  	_ =	shalt  }
0x5b: {  	_ =	shalt  }
0x5c: {  	_ =	shalt  }
0x5d: {  	_ =	shalt  }
0x5e: {  	_ =	shalt  }
0x5f: {  	_ =	shalt  }
0x60: {  	_ =	shalt  }
0x61: {  	_ =	shalt  }
0x62: {  	_ =	shalt  }
0x63: {  	_ =	shalt  }
0x64: {  	_ =	shalt  }
0x65: {  	_ =	shalt  }
0x66: {  	_ =	shalt  }
0x67: {  	_ =	shalt  }
0x68: {  	_ =	shalt  }
0x69: {  	_ =	shalt  }
0x6a: {  	_ =	shalt  }
0x6b: {  	_ =	shalt  }
0x6c: {  	_ =	shalt  }
0x6d: {  	_ =	shalt  }
0x6e: {  	_ =	shalt  }
0x6f: {  	_ =	shalt  }
0x70: {  	_ =	shalt  }
0x71: {  	_ =	shalt  }
0x72: {  	_ =	shalt  }
0x73: {  	_ =	shalt  }
0x74: {  	_ =	shalt  }
0x75: {  	_ =	shalt  }
0x76: {  	_ =	shalt  }
0x77: {  	_ =	shalt  }
0x78: {  	_ =	shalt  }
0x79: {  	_ =	shalt  }
0x7a: {  	_ =	shalt  }
0x7b: {  	_ =	shalt  }
0x7c: {  	_ =	shalt  }
0x7d: {  	_ =	shalt  }
0x7e: {  	_ =	shalt  }
0x7f: {  	_ =	shalt  }
0x80: {  	_ =	shalt  }
0x81: {  	_ =	shalt  }
0x82: {  	_ =	shalt  }
0x83: {  	_ =	shalt  }
0x84: {  	_ =	shalt  }
0x85: {  	_ =	shalt  }
0x86: {  	_ =	shalt  }
0x87: {  	_ =	shalt  }
.Lfunc_end0:
.L_simem_size_0:
called_computation.2_lowered:
.L_overlay_start_0:
0x88: {  	s2 =	sld [smem:$0x3FD9]  }
0x89: {  	s3 =	sld [smem:$0x3FFE];
	_ =	sdelay $0x1  }
0x8a: {  	s1 =	srdreg.scid  }
0x8b: {  	s0 =	sand.u32 $0x1, s1  }
0x8c: {  	s17 =	sshll.u32 s0, $0xA;
	s2 =	sadd.s32 s3, s2  }
0x8d: {  	s2 =	sadd.s32 s2, s17  }
0x8e: {  	[smem:$0x3FC6] =	sst s2  }
0x8f: {  	_ = 	snop  }
0x90: {  	s2 =	sld [smem:$0x3FC9]  }
0x91: {  	s18 =	sld [smem:$0x3FC8];
	(tm) =	ssettm $0x1  }
0x92: {  	s4 =	sld [smem:$0x3FFB];
	_ =	sdelay $0x3  }
0x93: {  	_ =	strace s4  }
0x94: {  	s4 =	sld [smem:$0x3FFC];
	_ =	sdelay $0x3  }
0x95: {  	_ =	strace s4  }
0x96: {  	s4 =	sld [smem:$0x3FFD];
	_ =	sdelay $0x3  }
0x97: {  	_ =	strace s4  }
0x98: {  	_ =	strace $0x8FFFFFFF  }
0x99: {  	s19 =	sld [smem:$0x3FDB];
	_ =	sdelay $0x1  }
0x9a: {  	s5 =	simm.s32 $_scs_section_size  }
0x9b: {  	s6 =	simm.s32 $_size__tile_overlayer_lowered;
	s7 =	simm.s32 $_tile_overlayer_lowered  }
0x9c: {  	s22 =	simm.s32 $0x1BFF;
	s21 =	sshll.u32 s7, $0x1;
	s4 =	sadd.s32 s5, s19  }
0x9d: {  	s8 =	simm.s32 $0x0;
	s20 =	sshll.u32 s6, $0x1;
	s6 =	sadd.s32 s21, s4  }
0x9e: {  	[timem:s8], [sflag:s22] =	dma.local [hbm:s6], s20  }
0x9f: {  	_ =	swait.ge [sflag:s22], s20  }
0xa0: {  	s5 =	ssub.s32 $0x0, s20;
	[sflag:s22] =	ssyncset.done $0x0  }
0xa1: {  	[sflag:s22] =	ssyncadd.s32 s5;
	_ =	sdelay $0x1  }
0xa2: {  	s23 =	simm.s32 $0x1B8B  }
0xa3: {  	_ =	swait.ge [sflag:s23], $0x1  }
0xa4: {  	[sflag:s23] =	ssyncset.done $0x0  }
0xa5: {  	s25 =	simm.s32 $0x1B8E;
	s24 =	sld [smem:$0x3FFE];
	[sflag:s23] =	ssyncadd.s32 $0xFFFFFFFF  }
0xa6: {  	s26 =	simm.s32 $execute0_lowered;
	[smem:$0x3FD2] =	sst s25  }
0xa7: {  	s6 =	sshll.u32 s26, $0x1;
	_ =	strace $0x8000004C;
	[dreg:$0x1] =	wrdreg $0xFFFFFFFF  }
0xa8: {  	s28 =	simm.s32 $_size_execute0_lowered;
	s4 =	sadd.s32 s4, s6;
	[dreg:$0x0] =	wrdreg $0x0  }
0xa9: {  	s6 =	sshll.u32 s28, $0x1;
	[dreg:$0x2] =	wrdreg s4  }
0xaa: {  	[dreg:$0x3] =	wrdreg s6  }
0xab: {  	[dreg:$0x4] =	wrdreg $0xC0  }
0xac: {  	_ =	task [dreg:s8], $0x5FFFF  }
0xad: {  	[dreg:$0x1] =	wrdreg $0xFFFFFFFF  }
0xae: {  	[dreg:$0x0] =	wrdreg $0x60  }
0xaf: {  	[dreg:$0x2] =	wrdreg s2  }
0xb0: {  	[dreg:$0x3] =	wrdreg s18  }
0xb1: {  	[dreg:$0x4] =	wrdreg s24  }
0xb2: {  	[dreg:$0x5] =	wrdreg $0x108800  }
0xb3: {  	[dreg:$0x6] =	wrdreg $0x9  }
0xb4: {  	_ =	task.clear_ibuf [dreg:s8], $0x7FFFF;
	_ =	strace $0x9000004C  }
0xb5: {  	s29 =	simm.s32 $0x9;
	_ =	strace $0x8000004E  }
0xb6: {  	_ =	swait.ge [sflag:s29], $0x1  }
0xb7: {  	[sflag:s29] =	ssyncadd.s32 $0xFFFFFFFF  }
0xb8: {  	_ =	strace $0x9000004E  }
0xb9: {  	_ =	sfence  }
0xba: {  	s30 =	sld [smem:$0x0];
	_ =	sdelay $0x2  }
0xbb: {  	s31 =	sshll.u32 s1, $0xD;
	s1 =	sshrl.u32 s1, $0x2  }
0xbc: {  	s3 =	sand.u32 $0x4000, s31;
	s1 =	sadd.s32 s1, s30  }
0xbd: {  	s0 =	sor.u32 s3, s0;
	s1 =	sshll.u32 s1, $0x11  }
0xbe: {  	s0 =	sor.u32 s1, s0  }
0xbf: {  	s0 =	sadd.s32 $0x8F2B, s0  }
0xc0: {  	[sflag:s0] =	ssyncadd.remote.s32 $0x1  }
0xc1: {  	_ =	sfence.sel $0xFFFF  }
0xc2: {  	[dreg:$0x0] =	wrdreg $0xFFFFFFFF;
	(pc) =	sbr.abs _section_cstart, $3  }
0xc3: {  	[dreg:$0x1] =	wrdreg $0xFFFFFFFF  }
0xc4: {  	_ =	task.clear_ibuf [dreg:s8], $0x2FFFF;
	_ =	strace $0x9FFFFFFF  }
0xc5: {  	(tm) =	ssettm $0x7FFFFFFF  }
tec
execute0_lowered:
.L_overlay_start_1:
0x0: {  	(tag) =	ssettag $0x1  }
0x1: {  	s5 =	rddreg [dreg:$0x0]  }
0x2: {  	s6 =	rddreg [dreg:$0x1]  }
0x3: {  	s3 =	rddreg [dreg:$0x2]  }
0x4: {  	s1 =	rddreg [dreg:$0x3]  }
0x5: {  	s0 =	rddreg [dreg:$0x4];
	s2 =	simm.s32 $0x0;
	s4 =	srdreg.scid  }
0x6: {  	s10 =	stileid.u32;
	s12 =	simm.s32 $0xC000;
	s13 =	simm.s32 $0x1  }
0x7: {  	s14 =	simm.s32 $0x2;
	s15 =	simm.s32 $0x3;
	s16 =	simm.s32 $0x4  }
0x8: {  	s17 =	simm.s32 $0x10800;
	s18 =	simm.s32 $0x5;
	s19 =	simm.s32 $0x10000  }
0x9: {  	[smem:$0x7FF] =	sst s2;
	s4 =	sand.u32 $0x1, s4;
	s9 =	sshll.u32 s10, $0xB  }
0xa: {  	s31 =	sshll.u32 s10, $0x7;
	p0 =	sne.s32 s10, $0x0;
	s10 =	simm.s32 $0x4000  }
0xb: {  	_ =	strace $0x8000004D;
	s7 =	sshll.u32 s4, $0x4;
	s8 =	ssub.s32 $0x2, s4  }
.Ltmp0:
0xc: {  	s4 =	sshll.u32 s4, $0xF;
	s11 =	sadd.s32 s7, s3;
	(pc) =	sbr.rel .LBB2_1-.Ltmp0, $4  }
0xd: {  	s28 =	sshrl.u32 s8, $0x1;
	s4 =	sor.u32 s9, s4;
	s7 =	sadd.s32 s31, s1  }
0xe: {  	s29 =	ssub.s32 s8, s28;
	s3 =	sadd.s32 s5, s4;
	s30 =	sadd.s32 $0x800, s4  }
0xf: {  	s4 =	sadd.s32 s6, s4;
	s8 =	sadd.s32 $0xE00, s11;
	s11 =	simm.s32 $0x8000  }
0x10: {  	v0 =	vimm.f32 $0.0e+00;
	v1 =	vimm.f32 $2.253560160e+04;
	v2 =	vimm.f32 $4.507120310e+04;
	s5 =	sadd.s32 s5, s30;
	s6 =	sadd.s32 s6, s30;
	s9 =	smax.u32 s29, $0x1  }
.LBB2_3:
0x11: {  	s9 =	sadd.s32 $0xFFFFFFFF, s9  }
0x12: {  	p1 =	sne.s32 s9, $0x0  }
.Ltmp1:
0x13: {  	_ = 	snop;
	(pc) =	sbr.rel @!p1 .LBB2_4-.Ltmp1, $1  }
0x14: {  	_ =	sdelay $0x3  }
.LBB2_1:
0x15: {  	[tilespmem:s2], [sflag:$0x1] =	stream.linear.gather [hbm4b:s3+s2], $0x4000, $0x38;
	[tilespmem:$0x10900] =	vst v63  }
0x16: {  	_ = 	snop  }
0x17: {  	[tilespmem:s10], [sflag:$0x2] =	stream.linear.gather [hbm4b:s4+s2], $0x4000, $0x38;
	[tilespmem:$0x10900] =	vst v63  }
0x18: {  	_ = 	snop  }
0x19: {  	[tilespmem:s11], [sflag:$0x3] =	stream.linear.gather [hbm4b:s5+s2], $0x4000, $0x38;
	[tilespmem:$0x10900] =	vst v63  }
0x1a: {  	_ = 	snop  }
0x1b: {  	[tilespmem:s12], [sflag:$0x4] =	stream.linear.gather [hbm4b:s6+s2], $0x4000, $0x38;
	[tilespmem:$0x10900] =	vst v63  }
0x1c: {  	_ =	swait.ge [sflag:s13], $0x4000  }
0x1d: {  	[sflag:s13] =	ssyncset.done $0x0  }
0x1e: {  	[sflag:s13] =	ssyncadd.s32 $0xFFFFC000  }
0x1f: {  	_ =	swait.ge [sflag:s14], $0x4000  }
0x20: {  	[sflag:s14] =	ssyncset.done $0x0  }
0x21: {  	[sflag:s14] =	ssyncadd.s32 $0xFFFFC000  }
0x22: {  	_ =	swait.ge [sflag:s15], $0x4000  }
0x23: {  	[sflag:s15] =	ssyncset.done $0x0  }
0x24: {  	[sflag:s15] =	ssyncadd.s32 $0xFFFFC000  }
0x25: {  	_ =	swait.ge [sflag:s16], $0x4000  }
0x26: {  	[sflag:s16] =	ssyncset.done $0x0  }
0x27: {  	[sflag:s16] =	ssyncadd.s32 $0xFFFFC000  }
0x28: {  	[tilespmem:$0x10800] =	vst v0  }
0x29: {  	[tilespmem:$0x10810] =	vst v1  }
0x2a: {  	[tilespmem:$0x10820] =	vst v2  }
0x2b: {  	[tilespmem:$0x10830] =	vst v0  }
0x2c: {  	[tilespmem:$0x10840] =	vst v0  }
0x2d: {  	[tilespmem:$0x10850] =	vst v0  }
0x2e: {  	[tilespmem:$0x10860] =	vst v0  }
0x2f: {  	[tilespmem:$0x10870] =	vst v0  }
0x30: {  	[spmem:s7] =	stream.linear.scatter [tilespmem:s17], [sflag:$0x5], $0x80, $0x38;
	[tilespmem:$0x10900] =	vst v63  }
.Ltmp2:
0x31: {  	_ =	swait.ge [sflag:s18], $0x80;
	(pc) =	sbr.rel @p0 .LBB2_3-.Ltmp2, $3  }
0x32: {  	[sflag:s18] =	ssyncset.done $0x0  }
0x33: {  	[sflag:s18] =	ssyncadd.s32 $0xFFFFFF80  }
0x34: {  	[bflag:$0x0] =	sbarrier.arrive $0xFFFF;
	_ =	sdelay $0x1  }
0x35: {  	[tilespmem:s19], [sflag:$0x5] =	stream.linear.gather [spmem:s1], $0x800, $0x38;
	[tilespmem:$0x10900] =	vst v63  }
0x36: {  	_ =	swait.ge [sflag:s18], $0x800  }
0x37: {  	[sflag:s18] =	ssyncset.done $0x0  }
0x38: {  	[sflag:s18] =	ssyncadd.s32 $0xFFFFF800  }
0x39: {  	v3 =	vld [tilespmem:$0x10000]  }
0x3a: {  	v4 =	vld [tilespmem:$0x10080]  }
0x3b: {  	v5 =	vld [tilespmem:$0x10100]  }
0x3c: {  	v6 =	vld [tilespmem:$0x10180]  }
0x3d: {  	v7 =	vld [tilespmem:$0x10200]  }
0x3e: {  	v8 =	vld [tilespmem:$0x10280]  }
0x3f: {  	v9 =	vld [tilespmem:$0x10300]  }
0x40: {  	v10 =	vld [tilespmem:$0x10380]  }
0x41: {  	v11 =	vld [tilespmem:$0x10400]  }
0x42: {  	v12 =	vld [tilespmem:$0x10480]  }
0x43: {  	v13 =	vld [tilespmem:$0x10500]  }
0x44: {  	v14 =	vld [tilespmem:$0x10580]  }
0x45: {  	v15 =	vld [tilespmem:$0x10600]  }
0x46: {  	v16 =	vld [tilespmem:$0x10680]  }
0x47: {  	v17 =	vld [tilespmem:$0x10700]  }
0x48: {  	v18 =	vld [tilespmem:$0x10780]  }
0x49: {  	v19 =	vld [tilespmem:$0x10010]  }
0x4a: {  	v20 =	vld [tilespmem:$0x10020]  }
0x4b: {  	v21 =	vld [tilespmem:$0x10090]  }
0x4c: {  	v22 =	vld [tilespmem:$0x100A0]  }
0x4d: {  	v23 =	vld [tilespmem:$0x10110];
	v3 =	vadd.f32 $0.0e+00, v3  }
0x4e: {  	v24 =	vld [tilespmem:$0x10120];
	v19 =	vadd.f32 $0.0e+00, v19  }
0x4f: {  	v37 =	vld [tilespmem:$0x10190];
	v20 =	vadd.f32 $0.0e+00, v20;
	v3 =	vadd.f32 v4, v3  }
0x50: {  	v38 =	vld [tilespmem:$0x101A0];
	v19 =	vadd.f32 v21, v19  }
0x51: {  	v40 =	vld [tilespmem:$0x10210];
	v39 =	vadd.f32 v22, v20;
	v3 =	vadd.f32 v5, v3  }
0x52: {  	v41 =	vld [tilespmem:$0x10220];
	v19 =	vadd.f32 v23, v19  }
0x53: {  	v42 =	vld [tilespmem:$0x10290];
	v5 =	vadd.f32 v24, v39;
	v3 =	vadd.f32 v6, v3  }
0x54: {  	v43 =	vld [tilespmem:$0x102A0];
	v4 =	vadd.f32 v37, v19  }
0x55: {  	v44 =	vld [tilespmem:$0x10310];
	v5 =	vadd.f32 v38, v5;
	v3 =	vadd.f32 v7, v3  }
0x56: {  	v45 =	vld [tilespmem:$0x10320];
	v4 =	vadd.f32 v40, v4  }
0x57: {  	v46 =	vld [tilespmem:$0x10390];
	v5 =	vadd.f32 v41, v5;
	v3 =	vadd.f32 v8, v3  }
0x58: {  	v47 =	vld [tilespmem:$0x103A0];
	v4 =	vadd.f32 v42, v4  }
0x59: {  	v48 =	vld [tilespmem:$0x10410];
	v5 =	vadd.f32 v43, v5;
	v3 =	vadd.f32 v9, v3  }
0x5a: {  	v49 =	vld [tilespmem:$0x10420];
	v4 =	vadd.f32 v44, v4  }
0x5b: {  	v50 =	vld [tilespmem:$0x10490];
	v5 =	vadd.f32 v45, v5;
	v3 =	vadd.f32 v10, v3  }
0x5c: {  	v51 =	vld [tilespmem:$0x104A0];
	v4 =	vadd.f32 v46, v4  }
0x5d: {  	v52 =	vld [tilespmem:$0x10510];
	v5 =	vadd.f32 v47, v5;
	v3 =	vadd.f32 v11, v3  }
0x5e: {  	v53 =	vld [tilespmem:$0x10520];
	v4 =	vadd.f32 v48, v4  }
0x5f: {  	v54 =	vld [tilespmem:$0x10590];
	v5 =	vadd.f32 v49, v5;
	v3 =	vadd.f32 v12, v3  }
0x60: {  	v55 =	vld [tilespmem:$0x105A0];
	v4 =	vadd.f32 v50, v4  }
0x61: {  	v56 =	vld [tilespmem:$0x10610];
	v5 =	vadd.f32 v51, v5;
	v3 =	vadd.f32 v13, v3  }
0x62: {  	v57 =	vld [tilespmem:$0x10620];
	v4 =	vadd.f32 v52, v4  }
0x63: {  	v58 =	vld [tilespmem:$0x10690];
	v5 =	vadd.f32 v53, v5;
	v3 =	vadd.f32 v14, v3  }
0x64: {  	v59 =	vld [tilespmem:$0x106A0];
	v4 =	vadd.f32 v54, v4  }
0x65: {  	v60 =	vld [tilespmem:$0x10710];
	v5 =	vadd.f32 v55, v5;
	v3 =	vadd.f32 v15, v3  }
0x66: {  	v61 =	vld [tilespmem:$0x10720];
	v4 =	vadd.f32 v56, v4  }
0x67: {  	v62 =	vld [tilespmem:$0x10790];
	v5 =	vadd.f32 v57, v5;
	v3 =	vadd.f32 v16, v3  }
0x68: {  	v63 =	vld [tilespmem:$0x107A0];
	v4 =	vadd.f32 v58, v4  }
0x69: {  	v5 =	vadd.f32 v59, v5;
	v3 =	vadd.f32 v17, v3  }
0x6a: {  	v4 =	vadd.f32 v60, v4  }
0x6b: {  	v5 =	vadd.f32 v61, v5;
	v3 =	vadd.f32 v18, v3  }
0x6c: {  	v4 =	vadd.f32 v62, v4  }
0x6d: {  	[tilespmem:$0x10800] =	vst v3;
	v3 =	vadd.f32 v63, v5  }
0x6e: {  	[tilespmem:$0x10810] =	vst v4  }
.Ltmp3:
0x6f: {  	[tilespmem:$0x10820] =	vst v3;
	(pc) =	sbr.rel .LBB2_3-.Ltmp3, $4  }
0x70: {  	[hbm4b:s8+s2] =	stream.linear.scatter [tilespmem:s17], [sflag:$0x5], $0x80, $0x38;
	[tilespmem:$0x10900] =	vst v63  }
0x71: {  	_ =	swait.ge [sflag:s18], $0x80  }
0x72: {  	[sflag:s18] =	ssyncset.done $0x0  }
0x73: {  	[sflag:s18] =	ssyncadd.s32 $0xFFFFFF80  }
.LBB2_4:
0x74: {  	_ =	sfence.sel $0x180000  }
0x75: {  	[bflag:$0x0] =	sbarrier.arrive $0xFFFF  }
0x76: {  	_ =	strace $0x9000004D  }
0x77: {  	s0 =	sadd.s32 @!p0 $0x100000, s0;
	[bflag:$0x2] =	sbarrier.arrive $0xFFFF  }
0x78: {  	[sflag:s0] =	ssyncadd.tile.s32 @!p0 $0x1;
	_ =	shalt  }
.Lfunc_end2:
_tile_overlayer_lowered:
.L_overlay_start_2:
0x79: {  	(tag) =	ssettag $0x2  }
0x7a: {  	s0 =	rddreg [dreg:$0x0];
	s2 =	stileid.u32  }
0x7b: {  	s1 =	rddreg [dreg:$0x1];
	p0 =	sne.s32 s2, $0x0  }
0x7c: {  	s3 =	rddreg [dreg:$0x2];
	[bflag:$0x3] =	sbarrier.arrive $0xFFFF;
	s2 =	simm.s32 @!p0 $0x1C05  }
0x7d: {  	[timem:s3], [sflag:s2] =	dma.local @!p0 [hbm:s0], s1  }
0x7e: {  	s0 =	simm.s32 @!p0 $0x5  }
0x7f: {  	_ =	swait.ge @!p0 [sflag:s0], s1  }
0x80: {  	s1 =	ssub.s32 @!p0 $0x0, s1;
	[sflag:s0] =	ssyncset.done @!p0 $0x0  }
0x81: {  	[sflag:s0] =	ssyncadd.s32 @!p0 s1  }
0x82: {  	[bflag:$0x3] =	sbarrier.arrive $0xFFFF  }
0x83: {  	_ =	shalt  }

</sc_bundles>
